<compile_context>
chip_gen: v7x
topology: tpu7x:2x2x1
jax: 0.10.2.dev20260603
libtpu: 0.0.44.dev20260713+nightly
codegen_flags: <defaults>
</compile_context>

<pallas_src>
import functools

import jax
import jax.numpy as jnp
from jax import lax
from jax.experimental import pallas as pl
from jax.experimental.pallas import tpu as pltpu
from jax.experimental.pallas import tpu_sc as plsc

N = 10000
E = 320000
D_IN = 128
D_MODEL = 256
H = D_MODEL // 2

NC = 2
NS = 16
NW = NC * NS

NP = 10240
ECW = E // NW
B = 80
NBLK = E // B // NS
R = NP // NS
RCH = 128
BN = 1000

_mesh = plsc.VectorSubcoreMesh(core_axis_name="c", subcore_axis_name="s")



HR = NP // 128


def _hist_body(ei_flat_hbm, out_hbm, dst_v, hist_v, idx_v, deg_sh):
    c = lax.axis_index("c")
    s = lax.axis_index("s")
    wid = s * NC + c

    def zero(i, _):
        r = i >> 3
        j = i & 7
        hist_v[r, pl.ds(j * 16, 16)] = jnp.zeros((16,), jnp.float32)
        return 0

    lax.fori_loop(0, HR * 8, zero, 0)

    for j in range(HR // 16):
        idx_v[pl.ds(j * 16, 16)] = lax.iota(jnp.int32, 16) + (j * 16)

    @pl.when(s == 0)
    def _():
        pltpu.sync_copy(hist_v, deg_sh)

    pltpu.sync_copy(ei_flat_hbm.at[pl.ds(E + wid * ECW, ECW)], dst_v)
    plsc.subcore_barrier()

    ones = jnp.full((16,), 1.0, jnp.float32)

    def add(i, _):
        d = dst_v[pl.ds(pl.multiple_of(i * 16, 16), 16)]
        plsc.addupdate_scatter(hist_v, [d >> 7, d & 127], ones)
        return 0

    lax.fori_loop(0, ECW // 16, add, 0)
    pltpu.sync_copy(hist_v, deg_sh.at[idx_v], add=True)
    plsc.subcore_barrier()

    @pl.when(s < 5)
    def _():
        sl = pl.ds(s * 16, 16)
        pltpu.sync_copy(deg_sh.at[sl], out_hbm.at[c, sl])


_k1 = functools.partial(
    pl.kernel,
    out_type=jax.ShapeDtypeStruct((NC, HR, 128), jnp.float32),
    mesh=_mesh,
    scratch_types=[
        pltpu.VMEM((ECW,), jnp.int32),
        pltpu.VMEM((HR, 128), jnp.float32),
        pltpu.VMEM((HR,), jnp.int32),
        pltpu.VMEM_SHARED((HR, 128), jnp.float32),
    ],
    compiler_params=pltpu.CompilerParams(needs_layout_passes=False),
)(_hist_body)



def _mma_body(x_ref, w_ref, h_ref):
    h_ref[...] = jnp.dot(x_ref[...], w_ref[...],
                         preferred_element_type=jnp.float32)


def _k2a(x, W):
    return pl.pallas_call(
        _mma_body,
        grid=(N // BN,),
        in_specs=[
            pl.BlockSpec((BN, D_IN), lambda i: (i, 0)),
            pl.BlockSpec((D_IN, D_MODEL), lambda i: (0, 0)),
        ],
        out_specs=pl.BlockSpec((BN, D_MODEL), lambda i: (i, 0)),
        out_shape=jax.ShapeDtypeStruct((N, D_MODEL), jnp.float32),
    )(x, W)



def _mmb_body(h_ref, part_ref, g0_ref, g1_ref, dinv_ref):
    deg = jnp.sum(part_ref[...], axis=1) + 1.0
    dinv = lax.rsqrt(deg)
    g = h_ref[...] * dinv[:, None]
    g0_ref[...] = g[:, :H]
    g1_ref[...] = g[:, H:]
    dinv_ref[...] = dinv[:, None]


def _k2b(h, part):
    return pl.pallas_call(
        _mmb_body,
        grid=(N // BN,),
        in_specs=[
            pl.BlockSpec((BN, D_MODEL), lambda i: (i, 0)),
            pl.BlockSpec((BN, NC), lambda i: (i, 0)),
        ],
        out_specs=[
            pl.BlockSpec((BN, H), lambda i: (i, 0)),
            pl.BlockSpec((BN, H), lambda i: (i, 0)),
            pl.BlockSpec((BN, 1), lambda i: (i, 0)),
        ],
        out_shape=[
            jax.ShapeDtypeStruct((NP, H), jnp.float32),
            jax.ShapeDtypeStruct((NP, H), jnp.float32),
            jax.ShapeDtypeStruct((N, 1), jnp.float32),
        ],
    )(h, part)



def _scatter_body(ei_flat_hbm, g0_hbm, g1_hbm, out0_hbm, out1_hbm,
                  e0, e1, e2, e3, e4, e5, e6, e7,
                  r0, r1, r2, r3,
                  s_sh,
                  is0, is1, is2, is3, is4, is5, is6, is7,
                  gs0, gs1, gs2, gs3,
                  ss0, ss1, ss2, ss3):
    c = lax.axis_index("c")
    s = lax.axis_index("s")
    base = s * NBLK
    e = [e0, e1, e2, e3, e4, e5, e6, e7]
    rows = [r0, r1, r2, r3]
    isem = [is0, is1, is2, is3, is4, is5, is6, is7]
    gsem = [gs0, gs1, gs2, gs3]
    ssem = [ss0, ss1, ss2, ss3]

    def fetch_idx(k, j):
        off = (base + k) * B
        pltpu.async_copy(ei_flat_hbm.at[pl.ds(off, B)], e[j % 8].at[0],
                         isem[j % 8])
        pltpu.async_copy(ei_flat_hbm.at[pl.ds(E + off, B)], e[j % 8].at[1],
                         isem[j % 8])

    def wait_idx(j):
        pltpu.make_async_copy(
            ei_flat_hbm.at[pl.ds(0, B)], e[j % 8].at[0], isem[j % 8]).wait()
        pltpu.make_async_copy(
            ei_flat_hbm.at[pl.ds(0, B)], e[j % 8].at[1], isem[j % 8]).wait()

    def start_gather(j):
        @pl.when(c == 0)
        def _():
            pltpu.async_copy(g0_hbm.at[e[j % 8].at[0]], rows[j % 4], gsem[j % 4])

        @pl.when(c == 1)
        def _():
            pltpu.async_copy(g1_hbm.at[e[j % 8].at[0]], rows[j % 4], gsem[j % 4])

    def wait_gather(j):
        pltpu.make_async_copy(g0_hbm.at[e[0].at[0]], rows[j % 4], gsem[j % 4]).wait()

    def start_scat(j):
        pltpu.async_copy(rows[j % 4], s_sh.at[e[j % 8].at[1]], ssem[j % 4], add=True)

    def wait_scat(j):
        pltpu.make_async_copy(
            rows[j % 4], s_sh.at[e[j % 8].at[1]], ssem[j % 4]).wait()

    def step(k, j, do_wait_s=True, do_next=True, do_fetch=True):
        wait_gather(j)
        start_scat(j)
        if do_wait_s:
            wait_scat(j + 2)
        if do_next:
            wait_idx(j + 2)
            start_gather(j + 2)
        if do_fetch:
            fetch_idx(k + 6, j + 6)

    for j in range(6):
        fetch_idx(j, j)

    def init(i, _):
        q = s * R + i * RCH
        sl = pl.ds(q, RCH)

        @pl.when(c == 0)
        def _():
            pltpu.sync_copy(g0_hbm.at[sl], s_sh.at[sl])

        @pl.when(c == 1)
        def _():
            pltpu.sync_copy(g1_hbm.at[sl], s_sh.at[sl])

        return 0

    lax.fori_loop(0, R // RCH, init, 0)
    plsc.subcore_barrier()

    wait_idx(0)
    start_gather(0)
    wait_idx(1)
    start_gather(1)
    for j in range(8):
        step(j, j, do_wait_s=(j >= 2))

    def body(q, _):
        k = q * 8
        for j in range(8):
            step(k + j, j)
        return 0

    lax.fori_loop(1, (NBLK - 10) // 8, body, 0)

    kl = NBLK - 10
    for j in range(10):
        step(kl + j, j, do_next=(kl + j + 2 < NBLK), do_fetch=(kl + j + 6 < NBLK))
    wait_scat(NBLK - 2)
    wait_scat(NBLK - 1)
    plsc.subcore_barrier()

    def wb(i, _):
        q = s * R + i * RCH
        sl = pl.ds(q, RCH)

        @pl.when(c == 0)
        def _():
            pltpu.sync_copy(s_sh.at[sl], out0_hbm.at[sl])

        @pl.when(c == 1)
        def _():
            pltpu.sync_copy(s_sh.at[sl], out1_hbm.at[sl])

        return 0

    lax.fori_loop(0, R // RCH, wb, 0)


_k3 = functools.partial(
    pl.kernel,
    out_type=[
        jax.ShapeDtypeStruct((NP, H), jnp.float32),
        jax.ShapeDtypeStruct((NP, H), jnp.float32),
    ],
    mesh=_mesh,
    scratch_types=(
        [pltpu.VMEM((2, B), jnp.int32) for _ in range(8)]
        + [pltpu.VMEM((B, H), jnp.float32) for _ in range(4)]
        + [pltpu.VMEM_SHARED((NP, H), jnp.float32)]
        + [pltpu.SemaphoreType.DMA for _ in range(16)]
    ),
    compiler_params=pltpu.CompilerParams(needs_layout_passes=False),
)(_scatter_body)



def _ep_body(s0_ref, s1_ref, dinv_ref, b_ref, out_ref, out2_ref):
    m = jnp.concatenate([s0_ref[...], s1_ref[...]], axis=1)
    o = (m * dinv_ref[...] + b_ref[...])[None]
    out_ref[...] = o
    out2_ref[...] = o


def _k4(s0, s1, dinv, b2):
    return pl.pallas_call(
        _ep_body,
        grid=(N // BN,),
        in_specs=[
            pl.BlockSpec((BN, H), lambda i: (i, 0)),
            pl.BlockSpec((BN, H), lambda i: (i, 0)),
            pl.BlockSpec((BN, 1), lambda i: (i, 0)),
            pl.BlockSpec((1, D_MODEL), lambda i: (0, 0)),
        ],
        out_specs=[
            pl.BlockSpec((1, BN, D_MODEL), lambda i: (0, i, 0)),
            pl.BlockSpec((1, BN, D_MODEL), lambda i: (0, i, 0)),
        ],
        out_shape=[
            jax.ShapeDtypeStruct((1, N, D_MODEL), jnp.float32),
            jax.ShapeDtypeStruct((1, N, D_MODEL), jnp.float32),
        ],
    )(s0, s1, dinv, b2)


def kernel(x, edge_index, W, b):
    ei_flat = edge_index.reshape(2 * E)
    h = _k2a(x, W)
    part = _k1(ei_flat)
    part_t = part.reshape(NC, NP)[:, :N].T
    g0, g1, dinv = _k2b(h, part_t)
    s0, s1 = _k3(ei_flat, g0, g1)
    out, out2 = _k4(s0, s1, dinv, b.reshape(1, D_MODEL))
    return (out, None, out2)

# --- scband reference (transcript-rebuilt; emitter-appended) ---
"""Pipeline reference for scband-perceiver-preprocessor-65377992180271 (READ-ONLY COPY).

The authoritative reference and input builder live on the scoring server;
editing this copy changes nothing except your own understanding.
"""

import jax, jax.numpy as jnp
import numpy as np

N = 10000
E = 320000
D_IN = 128
D_MODEL = 256


def setup_inputs(seed: int = 0) -> dict:
    key = jax.random.key(seed)
    k1, k2, k3 = jax.random.split(key, 3)
    x = jax.random.normal(k1, (N, D_IN), dtype=jnp.float32)
    edge_index = jax.random.randint(k2, (2, E), 0, N, dtype=jnp.int32)
    W = (jax.random.normal(k3, (D_IN, D_MODEL), dtype=jnp.float32) / np.sqrt(D_IN)).astype(jnp.float32)
    b = jnp.zeros((D_MODEL,), dtype=jnp.float32)
    return {"x": x, "edge_index": edge_index, "W": W, "b": b}


def _gcn(x, edge_index, W, b):
    # GCN layer (PyG GCNConv semantics): out = D^-1/2 (A+I) D^-1/2 (X W) + b
    src = edge_index[0]
    dst = edge_index[1]
    loop = jnp.arange(N, dtype=src.dtype)
    src = jnp.concatenate([src, loop])
    dst = jnp.concatenate([dst, loop])
    deg = jnp.zeros((N,), dtype=jnp.float32).at[dst].add(1.0)
    dinv = jax.lax.rsqrt(jnp.maximum(deg, 1.0))
    norm = dinv[src] * dinv[dst]
    h = x @ W
    msg = jnp.take(h, src, axis=0) * norm[:, None]
    agg = jnp.zeros((N, D_MODEL), dtype=jnp.float32).at[dst].add(msg)
    return agg + b


def reference(x, edge_index, W, b):
    out = _gcn(x, edge_index, W, b)[None]  # unsqueeze(0)
    return (out, None, out)

if __name__ == "__main__":
    import jax
    _d = setup_inputs()
    print(jax.jit(kernel)(*tuple(_d.values())))

</pallas_src>

<mosaic_0001>
#map = affine_map<(d0, d1) -> (0)>
#map1 = affine_map<(d0, d1) -> (0, 0, 0)>
module attributes {stable_mosaic.version = 14 : i64} {
  func.func @_hist_body(%arg0: i32, %arg1: i32, %arg2: memref<640000xi32, #tpu.memory_space<hbm>>, %arg3: memref<2x80x128xf32, #tpu.memory_space<hbm>>, %arg4: memref<10000xi32, #tpu.memory_space<vmem>>, %arg5: memref<80x128xf32, #tpu.memory_space<vmem>>, %arg6: memref<80xi32, #tpu.memory_space<vmem>>, %arg7: memref<80x128xf32, #tpu.memory_space<vmem_shared>>) attributes {dimension_semantics = [#tpu.dimension_semantics<core_parallel>, #tpu.dimension_semantics<subcore_parallel>], iteration_bounds = array<i64: 2, 16>, scalar_prefetch = 0 : i64, scratch_operands = 4 : i64, tpu.core_type = #tpu.core_type<sc_vector_subcore>, window_params = [{transform_indices = #map}, {transform_indices = #map1}]} {
    %mul3A = arith.constant 2 : i32
    %mul3A_0 = arith.muli %arg1, %mul3A : i32
    %add3A = arith.addi %mul3A_0, %arg0 : i32
    %scan3A = arith.constant 0 : i32
    %scan3A_1 = arith.constant 0 : i32
    %scan3A_2 = arith.constant 640 : i32
    %scan3A_3 = arith.addi %scan3A_1, %scan3A_2 : i32
    %scan3A_4 = arith.constant 1 : i32
    %scan3A_5 = scf.for %scan3A_54 = %scan3A_1 to %scan3A_3 step %scan3A_4 iter_args(%scan3A_55 = %scan3A) -> (i32)  : i32 {
      %shift_right_arithmetic3A = arith.constant 3 : i32
      %shift_right_arithmetic3A_56 = arith.shrsi %scan3A_54, %shift_right_arithmetic3A : i32
      %and3A = arith.constant 7 : i32
      %and3A_57 = arith.andi %scan3A_54, %and3A : i32
      %broadcast_in_dim3A_58 = arith.constant 0.000000e+00 : f32
      %broadcast_in_dim3A_59 = vector.broadcast %broadcast_in_dim3A_58 : f32 to vector<16xf32>
      %mul3A_60 = arith.constant 16 : i32
      %mul3A_61 = arith.muli %and3A_57, %mul3A_60 : i32
      %swap3A_62 = arith.index_cast %shift_right_arithmetic3A_56 : i32 to index
      %swap3A_63 = arith.index_cast %mul3A_61 : i32 to index
      %swap3A_64 = tpu.vector_load %arg5[%swap3A_62, %swap3A_63] {strides = array<i32>} : memref<80x128xf32, #tpu.memory_space<vmem>>, vector<16xf32>,
      tpu.vector_store %arg5[%swap3A_62, %swap3A_63], %broadcast_in_dim3A_59 {strides = array<i32>} : memref<80x128xf32, #tpu.memory_space<vmem>>, vector<16xf32>,
      %scan3A_65 = arith.constant 0 : i32
      scf.yield %scan3A_65 : i32
    }
    %scan3A_6 = arith.constant 640 : i32
    %iota3A = tpu.iota {dimensions = array<i32: 0>} : vector<16xi32>
    %add3A_7 = arith.constant 0 : i32
    %add3A_8 = vector.broadcast %add3A_7 : i32 to vector<16xi32>
    %add3A_9 = arith.addi %iota3A, %add3A_8 : vector<16xi32>
    %swap3A = arith.constant 0 : index
    %swap3A_10 = tpu.vector_load %arg6[%swap3A] {strides = array<i32>} : memref<80xi32, #tpu.memory_space<vmem>>, vector<16xi32>,
    tpu.vector_store %arg6[%swap3A], %add3A_9 {strides = array<i32>} : memref<80xi32, #tpu.memory_space<vmem>>, vector<16xi32>,
    %iota3A_11 = tpu.iota {dimensions = array<i32: 0>} : vector<16xi32>
    %add3A_12 = arith.constant 16 : i32
    %add3A_13 = vector.broadcast %add3A_12 : i32 to vector<16xi32>
    %add3A_14 = arith.addi %iota3A_11, %add3A_13 : vector<16xi32>
    %swap3A_15 = arith.constant 16 : index
    %swap3A_16 = tpu.vector_load %arg6[%swap3A_15] {strides = array<i32>} : memref<80xi32, #tpu.memory_space<vmem>>, vector<16xi32>,
    tpu.vector_store %arg6[%swap3A_15], %add3A_14 {strides = array<i32>} : memref<80xi32, #tpu.memory_space<vmem>>, vector<16xi32>,
    %iota3A_17 = tpu.iota {dimensions = array<i32: 0>} : vector<16xi32>
    %add3A_18 = arith.constant 32 : i32
    %add3A_19 = vector.broadcast %add3A_18 : i32 to vector<16xi32>
    %add3A_20 = arith.addi %iota3A_17, %add3A_19 : vector<16xi32>
    %swap3A_21 = arith.constant 32 : index
    %swap3A_22 = tpu.vector_load %arg6[%swap3A_21] {strides = array<i32>} : memref<80xi32, #tpu.memory_space<vmem>>, vector<16xi32>,
    tpu.vector_store %arg6[%swap3A_21], %add3A_20 {strides = array<i32>} : memref<80xi32, #tpu.memory_space<vmem>>, vector<16xi32>,
    %iota3A_23 = tpu.iota {dimensions = array<i32: 0>} : vector<16xi32>
    %add3A_24 = arith.constant 48 : i32
    %add3A_25 = vector.broadcast %add3A_24 : i32 to vector<16xi32>
    %add3A_26 = arith.addi %iota3A_23, %add3A_25 : vector<16xi32>
    %swap3A_27 = arith.constant 48 : index
    %swap3A_28 = tpu.vector_load %arg6[%swap3A_27] {strides = array<i32>} : memref<80xi32, #tpu.memory_space<vmem>>, vector<16xi32>,
    tpu.vector_store %arg6[%swap3A_27], %add3A_26 {strides = array<i32>} : memref<80xi32, #tpu.memory_space<vmem>>, vector<16xi32>,
    %iota3A_29 = tpu.iota {dimensions = array<i32: 0>} : vector<16xi32>
    %add3A_30 = arith.constant 64 : i32
    %add3A_31 = vector.broadcast %add3A_30 : i32 to vector<16xi32>
    %add3A_32 = arith.addi %iota3A_29, %add3A_31 : vector<16xi32>
    %swap3A_33 = arith.constant 64 : index
    %swap3A_34 = tpu.vector_load %arg6[%swap3A_33] {strides = array<i32>} : memref<80xi32, #tpu.memory_space<vmem>>, vector<16xi32>,
    tpu.vector_store %arg6[%swap3A_33], %add3A_32 {strides = array<i32>} : memref<80xi32, #tpu.memory_space<vmem>>, vector<16xi32>,
    %eq3A = arith.constant 0 : i32
    %eq3A_35 = arith.cmpi eq, %arg1, %eq3A : i32
    %convert_element_type3A = arith.extui %eq3A_35 : i1 to i32
    %cond3A = arith.constant 0 : i32
    %cond3A_36 = arith.cmpi ne, %convert_element_type3A, %cond3A : i32
    scf.if %cond3A_36 {
      "tpu.region"() ({
        %run_scoped3A = tpu.sem_alloc : memref<!tpu.dma_semaphore, #tpu.memory_space<semaphore_mem>>
        tpu.enqueue_dma source(%arg5 : memref<80x128xf32, #tpu.memory_space<vmem>>) target(%arg7 : memref<80x128xf32, #tpu.memory_space<vmem_shared>>) target_semaphore(%run_scoped3A : memref<!tpu.dma_semaphore, #tpu.memory_space<semaphore_mem>>)
        tpu.wait_dma2 semaphore(%run_scoped3A : memref<!tpu.dma_semaphore, #tpu.memory_space<semaphore_mem>>) src(%arg5 : memref<80x128xf32, #tpu.memory_space<vmem>>) dst(%arg7 : memref<80x128xf32, #tpu.memory_space<vmem_shared>>)
        tpu.yield
      }) : () -> ()
    } else {
    }
    %mul3A_37 = arith.constant 10000 : i32
    %mul3A_38 = arith.muli %add3A, %mul3A_37 : i32
    %add3A_39 = arith.constant 320000 : i32
    %add3A_40 = arith.addi %add3A_39, %mul3A_38 : i32
    "tpu.region"() ({
      %run_scoped3A = tpu.sem_alloc : memref<!tpu.dma_semaphore, #tpu.memory_space<semaphore_mem>>
      %dma_start3A = tpu.memref_slice %arg2[%add3A_40] : memref<640000xi32, #tpu.memory_space<hbm>> -> memref<10000xi32, #tpu.memory_space<hbm>>
      %dma_start3A_54 = tpu.memref_slice %arg2[%add3A_40] : memref<640000xi32, #tpu.memory_space<hbm>> -> memref<10000xi32, #tpu.memory_space<hbm>>
      tpu.enqueue_dma source(%dma_start3A_54 : memref<10000xi32, #tpu.memory_space<hbm>>) target(%arg4 : memref<10000xi32, #tpu.memory_space<vmem>>) target_semaphore(%run_scoped3A : memref<!tpu.dma_semaphore, #tpu.memory_space<semaphore_mem>>)
      %dma_wait3A = tpu.memref_slice %arg2[%add3A_40] : memref<640000xi32, #tpu.memory_space<hbm>> -> memref<10000xi32, #tpu.memory_space<hbm>>
      %dma_wait3A_55 = tpu.memref_slice %arg2[%add3A_40] : memref<640000xi32, #tpu.memory_space<hbm>> -> memref<10000xi32, #tpu.memory_space<hbm>>
      tpu.wait_dma2 semaphore(%run_scoped3A : memref<!tpu.dma_semaphore, #tpu.memory_space<semaphore_mem>>) src(%dma_wait3A_55 : memref<10000xi32, #tpu.memory_space<hbm>>) dst(%arg4 : memref<10000xi32, #tpu.memory_space<vmem>>)
      tpu.yield
    }) : () -> ()
    %barrier3A = arith.constant 0 : index
    tpu.barrier barrier_id(%barrier3A)
    %broadcast_in_dim3A = arith.constant 1.000000e+00 : f32
    %broadcast_in_dim3A_41 = vector.broadcast %broadcast_in_dim3A : f32 to vector<16xf32>
    %scan3A_42 = arith.constant 0 : i32
    %scan3A_43 = arith.constant 0 : i32
    %scan3A_44 = arith.constant 625 : i32
    %scan3A_45 = arith.addi %scan3A_43, %scan3A_44 : i32
    %scan3A_46 = arith.constant 1 : i32
    %scan3A_47 = scf.for %scan3A_54 = %scan3A_43 to %scan3A_45 step %scan3A_46 iter_args(%scan3A_55 = %scan3A_42) -> (i32)  : i32 {
      %mul3A_56 = arith.constant 16 : i32
      %mul3A_57 = arith.muli %scan3A_54, %mul3A_56 : i32
      %multiple_of3A = tpu.assume_multiple %mul3A_57, 16 : i32
      %get3A = arith.index_cast %multiple_of3A : i32 to index
      %get3A_58 = tpu.vector_load %arg4[%get3A] {strides = array<i32>} : memref<10000xi32, #tpu.memory_space<vmem>>, vector<16xi32>,
      %shift_right_arithmetic3A = arith.constant 7 : i32
      %shift_right_arithmetic3A_59 = vector.broadcast %shift_right_arithmetic3A : i32 to vector<16xi32>
      %shift_right_arithmetic3A_60 = arith.shrsi %get3A_58, %shift_right_arithmetic3A_59 : vector<16xi32>
      %and3A = arith.constant 127 : i32
      %and3A_61 = vector.broadcast %and3A : i32 to vector<16xi32>
      %and3A_62 = arith.andi %get3A_58, %and3A_61 : vector<16xi32>
      tpu.vector_store_idx %arg5[%shift_right_arithmetic3A_60, %and3A_62], %broadcast_in_dim3A_41 {add = true} : memref<80x128xf32, #tpu.memory_space<vmem>>[vector<16xi32>, vector<16xi32>], vector<16xf32>,
      %scan3A_63 = arith.constant 0 : i32
      scf.yield %scan3A_63 : i32
    }
    %scan3A_48 = arith.constant 625 : i32
    "tpu.region"() ({
      %run_scoped3A = tpu.sem_alloc : memref<!tpu.dma_semaphore, #tpu.memory_space<semaphore_mem>>
      %dma_start3A = arith.constant 0 : i32
      %dma_start3A_54 = arith.constant 0 : i32
      %dma_start3A_55 = tpu.memref_slice %arg7[%dma_start3A, %dma_start3A_54] : memref<80x128xf32, #tpu.memory_space<vmem_shared>> -> memref<80x128xf32, #tpu.memory_space<vmem_shared>>
      tpu.enqueue_indirect_dma source(%arg5 : memref<80x128xf32, #tpu.memory_space<vmem>>) target(%dma_start3A_55 : memref<80x128xf32, #tpu.memory_space<vmem_shared>>) offsets(%arg6 : memref<80xi32, #tpu.memory_space<vmem>>) semaphore(%run_scoped3A : memref<!tpu.dma_semaphore, #tpu.memory_space<semaphore_mem>>) {add = true}
      %dma_wait3A = arith.constant 0 : i32
      %dma_wait3A_56 = arith.constant 0 : i32
      %dma_wait3A_57 = tpu.memref_slice %arg7[%dma_wait3A, %dma_wait3A_56] : memref<80x128xf32, #tpu.memory_space<vmem_shared>> -> memref<80x128xf32, #tpu.memory_space<vmem_shared>>
      tpu.wait_indirect_dma semaphore(%run_scoped3A : memref<!tpu.dma_semaphore, #tpu.memory_space<semaphore_mem>>) src(%arg5 : memref<80x128xf32, #tpu.memory_space<vmem>>) dst(%dma_wait3A_57 : memref<80x128xf32, #tpu.memory_space<vmem_shared>>)
      tpu.yield
    }) : () -> ()
    %barrier3A_49 = arith.constant 0 : index
    tpu.barrier barrier_id(%barrier3A_49)
    %lt3A = arith.constant 5 : i32
    %lt3A_50 = arith.cmpi slt, %arg1, %lt3A : i32
    %convert_element_type3A_51 = arith.extui %lt3A_50 : i1 to i32
    %cond3A_52 = arith.constant 0 : i32
    %cond3A_53 = arith.cmpi ne, %convert_element_type3A_51, %cond3A_52 : i32
    scf.if %cond3A_53 {
      %mul3A_54 = arith.constant 16 : i32
      %mul3A_55 = arith.muli %arg1, %mul3A_54 : i32
      "tpu.region"() ({
        %run_scoped3A = tpu.sem_alloc : memref<!tpu.dma_semaphore, #tpu.memory_space<semaphore_mem>>
        %dma_start3A = arith.constant 0 : i32
        %dma_start3A_56 = tpu.memref_slice %arg3[%arg0, %mul3A_55, %dma_start3A] : memref<2x80x128xf32, #tpu.memory_space<hbm>> -> memref<1x16x128xf32, #tpu.memory_space<hbm>>
        %dma_start3A_57 = tpu.memref_squeeze %dma_start3A_56 : memref<1x16x128xf32, #tpu.memory_space<hbm>> -> memref<16x128xf32, #tpu.memory_space<hbm>>
        %dma_start3A_58 = arith.constant 0 : i32
        %dma_start3A_59 = tpu.memref_slice %arg7[%mul3A_55, %dma_start3A_58] : memref<80x128xf32, #tpu.memory_space<vmem_shared>> -> memref<16x128xf32, #tpu.memory_space<vmem_shared>>
        tpu.enqueue_dma source(%dma_start3A_59 : memref<16x128xf32, #tpu.memory_space<vmem_shared>>) target(%dma_start3A_57 : memref<16x128xf32, #tpu.memory_space<hbm>>) target_semaphore(%run_scoped3A : memref<!tpu.dma_semaphore, #tpu.memory_space<semaphore_mem>>)
        %dma_wait3A = arith.constant 0 : i32
        %dma_wait3A_60 = tpu.memref_slice %arg3[%arg0, %mul3A_55, %dma_wait3A] : memref<2x80x128xf32, #tpu.memory_space<hbm>> -> memref<1x16x128xf32, #tpu.memory_space<hbm>>
        %dma_wait3A_61 = tpu.memref_squeeze %dma_wait3A_60 : memref<1x16x128xf32, #tpu.memory_space<hbm>> -> memref<16x128xf32, #tpu.memory_space<hbm>>
        %dma_wait3A_62 = arith.constant 0 : i32
        %dma_wait3A_63 = tpu.memref_slice %arg7[%mul3A_55, %dma_wait3A_62] : memref<80x128xf32, #tpu.memory_space<vmem_shared>> -> memref<16x128xf32, #tpu.memory_space<vmem_shared>>
        tpu.wait_dma2 semaphore(%run_scoped3A : memref<!tpu.dma_semaphore, #tpu.memory_space<semaphore_mem>>) src(%dma_wait3A_63 : memref<16x128xf32, #tpu.memory_space<vmem_shared>>) dst(%dma_wait3A_61 : memref<16x128xf32, #tpu.memory_space<hbm>>)
        tpu.yield
      }) : () -> ()
    } else {
    }
    return
  }
}

#map = affine_map<(d0, d1) -> (0)>
#map1 = affine_map<(d0, d1) -> (0, 0)>
module attributes {stable_mosaic.version = 14 : i64} {
  func.func @_scatter_body(%arg0: i32, %arg1: i32, %arg2: memref<640000xi32, #tpu.memory_space<hbm>>, %arg3: memref<10240x128xf32, #tpu.memory_space<hbm>>, %arg4: memref<10240x128xf32, #tpu.memory_space<hbm>>, %arg5: memref<10240x128xf32, #tpu.memory_space<hbm>>, %arg6: memref<10240x128xf32, #tpu.memory_space<hbm>>, %arg7: memref<2x80xi32, #tpu.memory_space<vmem>>, %arg8: memref<2x80xi32, #tpu.memory_space<vmem>>, %arg9: memref<2x80xi32, #tpu.memory_space<vmem>>, %arg10: memref<2x80xi32, #tpu.memory_space<vmem>>, %arg11: memref<2x80xi32, #tpu.memory_space<vmem>>, %arg12: memref<2x80xi32, #tpu.memory_space<vmem>>, %arg13: memref<2x80xi32, #tpu.memory_space<vmem>>, %arg14: memref<2x80xi32, #tpu.memory_space<vmem>>, %arg15: memref<80x128xf32, #tpu.memory_space<vmem>>, %arg16: memref<80x128xf32, #tpu.memory_space<vmem>>, %arg17: memref<80x128xf32, #tpu.memory_space<vmem>>, %arg18: memref<80x128xf32, #tpu.memory_space<vmem>>, %arg19: memref<10240x128xf32, #tpu.memory_space<vmem_shared>>, %arg20: memref<!tpu.dma_semaphore, #tpu.memory_space<semaphore_mem>>, %arg21: memref<!tpu.dma_semaphore, #tpu.memory_space<semaphore_mem>>, %arg22: memref<!tpu.dma_semaphore, #tpu.memory_space<semaphore_mem>>, %arg23: memref<!tpu.dma_semaphore, #tpu.memory_space<semaphore_mem>>, %arg24: memref<!tpu.dma_semaphore, #tpu.memory_space<semaphore_mem>>, %arg25: memref<!tpu.dma_semaphore, #tpu.memory_space<semaphore_mem>>, %arg26: memref<!tpu.dma_semaphore, #tpu.memory_space<semaphore_mem>>, %arg27: memref<!tpu.dma_semaphore, #tpu.memory_space<semaphore_mem>>, %arg28: memref<!tpu.dma_semaphore, #tpu.memory_space<semaphore_mem>>, %arg29: memref<!tpu.dma_semaphore, #tpu.memory_space<semaphore_mem>>, %arg30: memref<!tpu.dma_semaphore, #tpu.memory_space<semaphore_mem>>, %arg31: memref<!tpu.dma_semaphore, #tpu.memory_space<semaphore_mem>>, %arg32: memref<!tpu.dma_semaphore, #tpu.memory_space<semaphore_mem>>, %arg33: memref<!tpu.dma_semaphore, #tpu.memory_space<semaphore_mem>>, %arg34: memref<!tpu.dma_semaphore, #tpu.memory_space<semaphore_mem>>, %arg35: memref<!tpu.dma_semaphore, #tpu.memory_space<semaphore_mem>>) attributes {dimension_semantics = [#tpu.dimension_semantics<core_parallel>, #tpu.dimension_semantics<subcore_parallel>], iteration_bounds = array<i64: 2, 16>, scalar_prefetch = 0 : i64, scratch_operands = 29 : i64, tpu.core_type = #tpu.core_type<sc_vector_subcore>, window_params = [{transform_indices = #map}, {transform_indices = #map1}, {transform_indices = #map1}, {transform_indices = #map1}, {transform_indices = #map1}]} {
    %mul3A = arith.constant 250 : i32
    %mul3A_0 = arith.muli %arg1, %mul3A : i32
    %add3A = arith.constant 0 : i32
    %add3A_1 = arith.addi %mul3A_0, %add3A : i32
    %mul3A_2 = arith.constant 80 : i32
    %mul3A_3 = arith.muli %add3A_1, %mul3A_2 : i32
    %dma_start3A = arith.constant 0 : i32
    %dma_start3A_4 = arith.constant 0 : i32
    %dma_start3A_5 = tpu.memref_slice %arg7[%dma_start3A, %dma_start3A_4] : memref<2x80xi32, #tpu.memory_space<vmem>> -> memref<1x80xi32, #tpu.memory_space<vmem>>
    %dma_start3A_6 = tpu.memref_squeeze %dma_start3A_5 : memref<1x80xi32, #tpu.memory_space<vmem>> -> memref<80xi32, #tpu.memory_space<vmem>>
    %dma_start3A_7 = tpu.memref_slice %arg2[%mul3A_3] : memref<640000xi32, #tpu.memory_space<hbm>> -> memref<80xi32, #tpu.memory_space<hbm>>
    %dma_start3A_8 = arith.constant 0 : i32
    %dma_start3A_9 = tpu.memref_slice %arg7[%dma_start3A, %dma_start3A_8] : memref<2x80xi32, #tpu.memory_space<vmem>> -> memref<1x80xi32, #tpu.memory_space<vmem>>
    %dma_start3A_10 = tpu.memref_squeeze %dma_start3A_9 : memref<1x80xi32, #tpu.memory_space<vmem>> -> memref<80xi32, #tpu.memory_space<vmem>>
    %dma_start3A_11 = tpu.memref_slice %arg2[%mul3A_3] : memref<640000xi32, #tpu.memory_space<hbm>> -> memref<80xi32, #tpu.memory_space<hbm>>
    tpu.enqueue_dma source(%dma_start3A_11 : memref<80xi32, #tpu.memory_space<hbm>>) target(%dma_start3A_10 : memref<80xi32, #tpu.memory_space<vmem>>) target_semaphore(%arg20 : memref<!tpu.dma_semaphore, #tpu.memory_space<semaphore_mem>>)
    %add3A_12 = arith.constant 320000 : i32
    %add3A_13 = arith.addi %add3A_12, %mul3A_3 : i32
    %dma_start3A_14 = arith.constant 1 : i32
    %dma_start3A_15 = arith.constant 0 : i32
    %dma_start3A_16 = tpu.memref_slice %arg7[%dma_start3A_14, %dma_start3A_15] : memref<2x80xi32, #tpu.memory_space<vmem>> -> memref<1x80xi32, #tpu.memory_space<vmem>>
    %dma_start3A_17 = tpu.memref_squeeze %dma_start3A_16 : memref<1x80xi32, #tpu.memory_space<vmem>> -> memref<80xi32, #tpu.memory_space<vmem>>
    %dma_start3A_18 = tpu.memref_slice %arg2[%add3A_13] : memref<640000xi32, #tpu.memory_space<hbm>> -> memref<80xi32, #tpu.memory_space<hbm>>
    %dma_start3A_19 = arith.constant 0 : i32
    %dma_start3A_20 = tpu.memref_slice %arg7[%dma_start3A_14, %dma_start3A_19] : memref<2x80xi32, #tpu.memory_space<vmem>> -> memref<1x80xi32, #tpu.memory_space<vmem>>
    %dma_start3A_21 = tpu.memref_squeeze %dma_start3A_20 : memref<1x80xi32, #tpu.memory_space<vmem>> -> memref<80xi32, #tpu.memory_space<vmem>>
    %dma_start3A_22 = tpu.memref_slice %arg2[%add3A_13] : memref<640000xi32, #tpu.memory_space<hbm>> -> memref<80xi32, #tpu.memory_space<hbm>>
    tpu.enqueue_dma source(%dma_start3A_22 : memref<80xi32, #tpu.memory_space<hbm>>) target(%dma_start3A_21 : memref<80xi32, #tpu.memory_space<vmem>>) target_semaphore(%arg20 : memref<!tpu.dma_semaphore, #tpu.memory_space<semaphore_mem>>)
    %add3A_23 = arith.constant 1 : i32
    %add3A_24 = arith.addi %mul3A_0, %add3A_23 : i32
    %mul3A_25 = arith.constant 80 : i32
    %mul3A_26 = arith.muli %add3A_24, %mul3A_25 : i32
    %dma_start3A_27 = arith.constant 0 : i32
    %dma_start3A_28 = arith.constant 0 : i32
    %dma_start3A_29 = tpu.memref_slice %arg8[%dma_start3A_27, %dma_start3A_28] : memref<2x80xi32, #tpu.memory_space<vmem>> -> memref<1x80xi32, #tpu.memory_space<vmem>>
    %dma_start3A_30 = tpu.memref_squeeze %dma_start3A_29 : memref<1x80xi32, #tpu.memory_space<vmem>> -> memref<80xi32, #tpu.memory_space<vmem>>
    %dma_start3A_31 = tpu.memref_slice %arg2[%mul3A_26] : memref<640000xi32, #tpu.memory_space<hbm>> -> memref<80xi32, #tpu.memory_space<hbm>>
    %dma_start3A_32 = arith.constant 0 : i32
    %dma_start3A_33 = tpu.memref_slice %arg8[%dma_start3A_27, %dma_start3A_32] : memref<2x80xi32, #tpu.memory_space<vmem>> -> memref<1x80xi32, #tpu.memory_space<vmem>>
    %dma_start3A_34 = tpu.memref_squeeze %dma_start3A_33 : memref<1x80xi32, #tpu.memory_space<vmem>> -> memref<80xi32, #tpu.memory_space<vmem>>
    %dma_start3A_35 = tpu.memref_slice %arg2[%mul3A_26] : memref<640000xi32, #tpu.memory_space<hbm>> -> memref<80xi32, #tpu.memory_space<hbm>>
    tpu.enqueue_dma source(%dma_start3A_35 : memref<80xi32, #tpu.memory_space<hbm>>) target(%dma_start3A_34 : memref<80xi32, #tpu.memory_space<vmem>>) target_semaphore(%arg21 : memref<!tpu.dma_semaphore, #tpu.memory_space<semaphore_mem>>)
    %add3A_36 = arith.constant 320000 : i32
    %add3A_37 = arith.addi %add3A_36, %mul3A_26 : i32
    %dma_start3A_38 = arith.constant 1 : i32
    %dma_start3A_39 = arith.constant 0 : i32
    %dma_start3A_40 = tpu.memref_slice %arg8[%dma_start3A_38, %dma_start3A_39] : memref<2x80xi32, #tpu.memory_space<vmem>> -> memref<1x80xi32, #tpu.memory_space<vmem>>
    %dma_start3A_41 = tpu.memref_squeeze %dma_start3A_40 : memref<1x80xi32, #tpu.memory_space<vmem>> -> memref<80xi32, #tpu.memory_space<vmem>>
    %dma_start3A_42 = tpu.memref_slice %arg2[%add3A_37] : memref<640000xi32, #tpu.memory_space<hbm>> -> memref<80xi32, #tpu.memory_space<hbm>>
    %dma_start3A_43 = arith.constant 0 : i32
    %dma_start3A_44 = tpu.memref_slice %arg8[%dma_start3A_38, %dma_start3A_43] : memref<2x80xi32, #tpu.memory_space<vmem>> -> memref<1x80xi32, #tpu.memory_space<vmem>>
    %dma_start3A_45 = tpu.memref_squeeze %dma_start3A_44 : memref<1x80xi32, #tpu.memory_space<vmem>> -> memref<80xi32, #tpu.memory_space<vmem>>
    %dma_start3A_46 = tpu.memref_slice %arg2[%add3A_37] : memref<640000xi32, #tpu.memory_space<hbm>> -> memref<80xi32, #tpu.memory_space<hbm>>
    tpu.enqueue_dma source(%dma_start3A_46 : memref<80xi32, #tpu.memory_space<hbm>>) target(%dma_start3A_45 : memref<80xi32, #tpu.memory_space<vmem>>) target_semaphore(%arg21 : memref<!tpu.dma_semaphore, #tpu.memory_space<semaphore_mem>>)
    %add3A_47 = arith.constant 2 : i32
    %add3A_48 = arith.addi %mul3A_0, %add3A_47 : i32
    %mul3A_49 = arith.constant 80 : i32
    %mul3A_50 = arith.muli %add3A_48, %mul3A_49 : i32
    %dma_start3A_51 = arith.constant 0 : i32
    %dma_start3A_52 = arith.constant 0 : i32
    %dma_start3A_53 = tpu.memref_slice %arg9[%dma_start3A_51, %dma_start3A_52] : memref<2x80xi32, #tpu.memory_space<vmem>> -> memref<1x80xi32, #tpu.memory_space<vmem>>
    %dma_start3A_54 = tpu.memref_squeeze %dma_start3A_53 : memref<1x80xi32, #tpu.memory_space<vmem>> -> memref<80xi32, #tpu.memory_space<vmem>>
    %dma_start3A_55 = tpu.memref_slice %arg2[%mul3A_50] : memref<640000xi32, #tpu.memory_space<hbm>> -> memref<80xi32, #tpu.memory_space<hbm>>
    %dma_start3A_56 = arith.constant 0 : i32
    %dma_start3A_57 = tpu.memref_slice %arg9[%dma_start3A_51, %dma_start3A_56] : memref<2x80xi32, #tpu.memory_space<vmem>> -> memref<1x80xi32, #tpu.memory_space<vmem>>
    %dma_start3A_58 = tpu.memref_squeeze %dma_start3A_57 : memref<1x80xi32, #tpu.memory_space<vmem>> -> memref<80xi32, #tpu.memory_space<vmem>>
    %dma_start3A_59 = tpu.memref_slice %arg2[%mul3A_50] : memref<640000xi32, #tpu.memory_space<hbm>> -> memref<80xi32, #tpu.memory_space<hbm>>
    tpu.enqueue_dma source(%dma_start3A_59 : memref<80xi32, #tpu.memory_space<hbm>>) target(%dma_start3A_58 : memref<80xi32, #tpu.memory_space<vmem>>) target_semaphore(%arg22 : memref<!tpu.dma_semaphore, #tpu.memory_space<semaphore_mem>>)
    %add3A_60 = arith.constant 320000 : i32
    %add3A_61 = arith.addi %add3A_60, %mul3A_50 : i32
    %dma_start3A_62 = arith.constant 1 : i32
    %dma_start3A_63 = arith.constant 0 : i32
    %dma_start3A_64 = tpu.memref_slice %arg9[%dma_start3A_62, %dma_start3A_63] : memref<2x80xi32, #tpu.memory_space<vmem>> -> memref<1x80xi32, #tpu.memory_space<vmem>>
    %dma_start3A_65 = tpu.memref_squeeze %dma_start3A_64 : memref<1x80xi32, #tpu.memory_space<vmem>> -> memref<80xi32, #tpu.memory_space<vmem>>
    %dma_start3A_66 = tpu.memref_slice %arg2[%add3A_61] : memref<640000xi32, #tpu.memory_space<hbm>> -> memref<80xi32, #tpu.memory_space<hbm>>
    %dma_start3A_67 = arith.constant 0 : i32
    %dma_start3A_68 = tpu.memref_slice %arg9[%dma_start3A_62, %dma_start3A_67] : memref<2x80xi32, #tpu.memory_space<vmem>> -> memref<1x80xi32, #tpu.memory_space<vmem>>
    %dma_start3A_69 = tpu.memref_squeeze %dma_start3A_68 : memref<1x80xi32, #tpu.memory_space<vmem>> -> memref<80xi32, #tpu.memory_space<vmem>>
    %dma_start3A_70 = tpu.memref_slice %arg2[%add3A_61] : memref<640000xi32, #tpu.memory_space<hbm>> -> memref<80xi32, #tpu.memory_space<hbm>>
    tpu.enqueue_dma source(%dma_start3A_70 : memref<80xi32, #tpu.memory_space<hbm>>) target(%dma_start3A_69 : memref<80xi32, #tpu.memory_space<vmem>>) target_semaphore(%arg22 : memref<!tpu.dma_semaphore, #tpu.memory_space<semaphore_mem>>)
    %add3A_71 = arith.constant 3 : i32
    %add3A_72 = arith.addi %mul3A_0, %add3A_71 : i32
    %mul3A_73 = arith.constant 80 : i32
    %mul3A_74 = arith.muli %add3A_72, %mul3A_73 : i32
    %dma_start3A_75 = arith.constant 0 : i32
    %dma_start3A_76 = arith.constant 0 : i32
    %dma_start3A_77 = tpu.memref_slice %arg10[%dma_start3A_75, %dma_start3A_76] : memref<2x80xi32, #tpu.memory_space<vmem>> -> memref<1x80xi32, #tpu.memory_space<vmem>>
    %dma_start3A_78 = tpu.memref_squeeze %dma_start3A_77 : memref<1x80xi32, #tpu.memory_space<vmem>> -> memref<80xi32, #tpu.memory_space<vmem>>
    %dma_start3A_79 = tpu.memref_slice %arg2[%mul3A_74] : memref<640000xi32, #tpu.memory_space<hbm>> -> memref<80xi32, #tpu.memory_space<hbm>>
    %dma_start3A_80 = arith.constant 0 : i32
    %dma_start3A_81 = tpu.memref_slice %arg10[%dma_start3A_75, %dma_start3A_80] : memref<2x80xi32, #tpu.memory_space<vmem>> -> memref<1x80xi32, #tpu.memory_space<vmem>>
    %dma_start3A_82 = tpu.memref_squeeze %dma_start3A_81 : memref<1x80xi32, #tpu.memory_space<vmem>> -> memref<80xi32, #tpu.memory_space<vmem>>
    %dma_start3A_83 = tpu.memref_slice %arg2[%mul3A_74] : memref<640000xi32, #tpu.memory_space<hbm>> -> memref<80xi32, #tpu.memory_space<hbm>>
    tpu.enqueue_dma source(%dma_start3A_83 : memref<80xi32, #tpu.memory_space<hbm>>) target(%dma_start3A_82 : memref<80xi32, #tpu.memory_space<vmem>>) target_semaphore(%arg23 : memref<!tpu.dma_semaphore, #tpu.memory_space<semaphore_mem>>)
    %add3A_84 = arith.constant 320000 : i32
    %add3A_85 = arith.addi %add3A_84, %mul3A_74 : i32
    %dma_start3A_86 = arith.constant 1 : i32
    %dma_start3A_87 = arith.constant 0 : i32
    %dma_start3A_88 = tpu.memref_slice %arg10[%dma_start3A_86, %dma_start3A_87] : memref<2x80xi32, #tpu.memory_space<vmem>> -> memref<1x80xi32, #tpu.memory_space<vmem>>
    %dma_start3A_89 = tpu.memref_squeeze %dma_start3A_88 : memref<1x80xi32, #tpu.memory_space<vmem>> -> memref<80xi32, #tpu.memory_space<vmem>>
    %dma_start3A_90 = tpu.memref_slice %arg2[%add3A_85] : memref<640000xi32, #tpu.memory_space<hbm>> -> memref<80xi32, #tpu.memory_space<hbm>>
    %dma_start3A_91 = arith.constant 0 : i32
    %dma_start3A_92 = tpu.memref_slice %arg10[%dma_start3A_86, %dma_start3A_91] : memref<2x80xi32, #tpu.memory_space<vmem>> -> memref<1x80xi32, #tpu.memory_space<vmem>>
    %dma_start3A_93 = tpu.memref_squeeze %dma_start3A_92 : memref<1x80xi32, #tpu.memory_space<vmem>> -> memref<80xi32, #tpu.memory_space<vmem>>
    %dma_start3A_94 = tpu.memref_slice %arg2[%add3A_85] : memref<640000xi32, #tpu.memory_space<hbm>> -> memref<80xi32, #tpu.memory_space<hbm>>
    tpu.enqueue_dma source(%dma_start3A_94 : memref<80xi32, #tpu.memory_space<hbm>>) target(%dma_start3A_93 : memref<80xi32, #tpu.memory_space<vmem>>) target_semaphore(%arg23 : memref<!tpu.dma_semaphore, #tpu.memory_space<semaphore_mem>>)
    %add3A_95 = arith.constant 4 : i32
    %add3A_96 = arith.addi %mul3A_0, %add3A_95 : i32
    %mul3A_97 = arith.constant 80 : i32
    %mul3A_98 = arith.muli %add3A_96, %mul3A_97 : i32
    %dma_start3A_99 = arith.constant 0 : i32
    %dma_start3A_100 = arith.constant 0 : i32
    %dma_start3A_101 = tpu.memref_slice %arg11[%dma_start3A_99, %dma_start3A_100] : memref<2x80xi32, #tpu.memory_space<vmem>> -> memref<1x80xi32, #tpu.memory_space<vmem>>
    %dma_start3A_102 = tpu.memref_squeeze %dma_start3A_101 : memref<1x80xi32, #tpu.memory_space<vmem>> -> memref<80xi32, #tpu.memory_space<vmem>>
    %dma_start3A_103 = tpu.memref_slice %arg2[%mul3A_98] : memref<640000xi32, #tpu.memory_space<hbm>> -> memref<80xi32, #tpu.memory_space<hbm>>
    %dma_start3A_104 = arith.constant 0 : i32
    %dma_start3A_105 = tpu.memref_slice %arg11[%dma_start3A_99, %dma_start3A_104] : memref<2x80xi32, #tpu.memory_space<vmem>> -> memref<1x80xi32, #tpu.memory_space<vmem>>
    %dma_start3A_106 = tpu.memref_squeeze %dma_start3A_105 : memref<1x80xi32, #tpu.memory_space<vmem>> -> memref<80xi32, #tpu.memory_space<vmem>>
    %dma_start3A_107 = tpu.memref_slice %arg2[%mul3A_98] : memref<640000xi32, #tpu.memory_space<hbm>> -> memref<80xi32, #tpu.memory_space<hbm>>
    tpu.enqueue_dma source(%dma_start3A_107 : memref<80xi32, #tpu.memory_space<hbm>>) target(%dma_start3A_106 : memref<80xi32, #tpu.memory_space<vmem>>) target_semaphore(%arg24 : memref<!tpu.dma_semaphore, #tpu.memory_space<semaphore_mem>>)
    %add3A_108 = arith.constant 320000 : i32
    %add3A_109 = arith.addi %add3A_108, %mul3A_98 : i32
    %dma_start3A_110 = arith.constant 1 : i32
    %dma_start3A_111 = arith.constant 0 : i32
    %dma_start3A_112 = tpu.memref_slice %arg11[%dma_start3A_110, %dma_start3A_111] : memref<2x80xi32, #tpu.memory_space<vmem>> -> memref<1x80xi32, #tpu.memory_space<vmem>>
    %dma_start3A_113 = tpu.memref_squeeze %dma_start3A_112 : memref<1x80xi32, #tpu.memory_space<vmem>> -> memref<80xi32, #tpu.memory_space<vmem>>
    %dma_start3A_114 = tpu.memref_slice %arg2[%add3A_109] : memref<640000xi32, #tpu.memory_space<hbm>> -> memref<80xi32, #tpu.memory_space<hbm>>
    %dma_start3A_115 = arith.constant 0 : i32
    %dma_start3A_116 = tpu.memref_slice %arg11[%dma_start3A_110, %dma_start3A_115] : memref<2x80xi32, #tpu.memory_space<vmem>> -> memref<1x80xi32, #tpu.memory_space<vmem>>
    %dma_start3A_117 = tpu.memref_squeeze %dma_start3A_116 : memref<1x80xi32, #tpu.memory_space<vmem>> -> memref<80xi32, #tpu.memory_space<vmem>>
    %dma_start3A_118 = tpu.memref_slice %arg2[%add3A_109] : memref<640000xi32, #tpu.memory_space<hbm>> -> memref<80xi32, #tpu.memory_space<hbm>>
    tpu.enqueue_dma source(%dma_start3A_118 : memref<80xi32, #tpu.memory_space<hbm>>) target(%dma_start3A_117 : memref<80xi32, #tpu.memory_space<vmem>>) target_semaphore(%arg24 : memref<!tpu.dma_semaphore, #tpu.memory_space<semaphore_mem>>)
    %add3A_119 = arith.constant 5 : i32
    %add3A_120 = arith.addi %mul3A_0, %add3A_119 : i32
    %mul3A_121 = arith.constant 80 : i32
    %mul3A_122 = arith.muli %add3A_120, %mul3A_121 : i32
    %dma_start3A_123 = arith.constant 0 : i32
    %dma_start3A_124 = arith.constant 0 : i32
    %dma_start3A_125 = tpu.memref_slice %arg12[%dma_start3A_123, %dma_start3A_124] : memref<2x80xi32, #tpu.memory_space<vmem>> -> memref<1x80xi32, #tpu.memory_space<vmem>>
    %dma_start3A_126 = tpu.memref_squeeze %dma_start3A_125 : memref<1x80xi32, #tpu.memory_space<vmem>> -> memref<80xi32, #tpu.memory_space<vmem>>
    %dma_start3A_127 = tpu.memref_slice %arg2[%mul3A_122] : memref<640000xi32, #tpu.memory_space<hbm>> -> memref<80xi32, #tpu.memory_space<hbm>>
    %dma_start3A_128 = arith.constant 0 : i32
    %dma_start3A_129 = tpu.memref_slice %arg12[%dma_start3A_123, %dma_start3A_128] : memref<2x80xi32, #tpu.memory_space<vmem>> -> memref<1x80xi32, #tpu.memory_space<vmem>>
    %dma_start3A_130 = tpu.memref_squeeze %dma_start3A_129 : memref<1x80xi32, #tpu.memory_space<vmem>> -> memref<80xi32, #tpu.memory_space<vmem>>
    %dma_start3A_131 = tpu.memref_slice %arg2[%mul3A_122] : memref<640000xi32, #tpu.memory_space<hbm>> -> memref<80xi32, #tpu.memory_space<hbm>>
    tpu.enqueue_dma source(%dma_start3A_131 : memref<80xi32, #tpu.memory_space<hbm>>) target(%dma_start3A_130 : memref<80xi32, #tpu.memory_space<vmem>>) target_semaphore(%arg25 : memref<!tpu.dma_semaphore, #tpu.memory_space<semaphore_mem>>)
    %add3A_132 = arith.constant 320000 : i32
    %add3A_133 = arith.addi %add3A_132, %mul3A_122 : i32
    %dma_start3A_134 = arith.constant 1 : i32
    %dma_start3A_135 = arith.constant 0 : i32
    %dma_start3A_136 = tpu.memref_slice %arg12[%dma_start3A_134, %dma_start3A_135] : memref<2x80xi32, #tpu.memory_space<vmem>> -> memref<1x80xi32, #tpu.memory_space<vmem>>
    %dma_start3A_137 = tpu.memref_squeeze %dma_start3A_136 : memref<1x80xi32, #tpu.memory_space<vmem>> -> memref<80xi32, #tpu.memory_space<vmem>>
    %dma_start3A_138 = tpu.memref_slice %arg2[%add3A_133] : memref<640000xi32, #tpu.memory_space<hbm>> -> memref<80xi32, #tpu.memory_space<hbm>>
    %dma_start3A_139 = arith.constant 0 : i32
    %dma_start3A_140 = tpu.memref_slice %arg12[%dma_start3A_134, %dma_start3A_139] : memref<2x80xi32, #tpu.memory_space<vmem>> -> memref<1x80xi32, #tpu.memory_space<vmem>>
    %dma_start3A_141 = tpu.memref_squeeze %dma_start3A_140 : memref<1x80xi32, #tpu.memory_space<vmem>> -> memref<80xi32, #tpu.memory_space<vmem>>
    %dma_start3A_142 = tpu.memref_slice %arg2[%add3A_133] : memref<640000xi32, #tpu.memory_space<hbm>> -> memref<80xi32, #tpu.memory_space<hbm>>
    tpu.enqueue_dma source(%dma_start3A_142 : memref<80xi32, #tpu.memory_space<hbm>>) target(%dma_start3A_141 : memref<80xi32, #tpu.memory_space<vmem>>) target_semaphore(%arg25 : memref<!tpu.dma_semaphore, #tpu.memory_space<semaphore_mem>>)
    %scan3A = arith.constant 0 : i32
    %scan3A_143 = arith.constant 0 : i32
    %scan3A_144 = arith.constant 5 : i32
    %scan3A_145 = arith.addi %scan3A_143, %scan3A_144 : i32
    %scan3A_146 = arith.constant 1 : i32
    %scan3A_147 = scf.for %scan3A_1402 = %scan3A_143 to %scan3A_145 step %scan3A_146 iter_args(%scan3A_1403 = %scan3A) -> (i32)  : i32 {
      %mul3A_1404 = arith.constant 640 : i32
      %mul3A_1405 = arith.muli %arg1, %mul3A_1404 : i32
      %mul3A_1406 = arith.constant 128 : i32
      %mul3A_1407 = arith.muli %scan3A_1402, %mul3A_1406 : i32
      %add3A_1408 = arith.addi %mul3A_1405, %mul3A_1407 : i32
      %eq3A_1409 = arith.constant 0 : i32
      %eq3A_1410 = arith.cmpi eq, %arg0, %eq3A_1409 : i32
      %convert_element_type3A_1411 = arith.extui %eq3A_1410 : i1 to i32
      %cond3A_1412 = arith.constant 0 : i32
      %cond3A_1413 = arith.cmpi ne, %convert_element_type3A_1411, %cond3A_1412 : i32
      scf.if %cond3A_1413 {
        "tpu.region"() ({
          %run_scoped3A = tpu.sem_alloc : memref<!tpu.dma_semaphore, #tpu.memory_space<semaphore_mem>>
          %dma_start3A_1420 = arith.constant 0 : i32
          %dma_start3A_1421 = tpu.memref_slice %arg19[%add3A_1408, %dma_start3A_1420] : memref<10240x128xf32, #tpu.memory_space<vmem_shared>> -> memref<128x128xf32, #tpu.memory_space<vmem_shared>>
          %dma_start3A_1422 = arith.constant 0 : i32
          %dma_start3A_1423 = tpu.memref_slice %arg3[%add3A_1408, %dma_start3A_1422] : memref<10240x128xf32, #tpu.memory_space<hbm>> -> memref<128x128xf32, #tpu.memory_space<hbm>>
          tpu.enqueue_dma source(%dma_start3A_1423 : memref<128x128xf32, #tpu.memory_space<hbm>>) target(%dma_start3A_1421 : memref<128x128xf32, #tpu.memory_space<vmem_shared>>) target_semaphore(%run_scoped3A : memref<!tpu.dma_semaphore, #tpu.memory_space<semaphore_mem>>)
          %dma_wait3A_1424 = arith.constant 0 : i32
          %dma_wait3A_1425 = tpu.memref_slice %arg19[%add3A_1408, %dma_wait3A_1424] : memref<10240x128xf32, #tpu.memory_space<vmem_shared>> -> memref<128x128xf32, #tpu.memory_space<vmem_shared>>
          %dma_wait3A_1426 = arith.constant 0 : i32
          %dma_wait3A_1427 = tpu.memref_slice %arg3[%add3A_1408, %dma_wait3A_1426] : memref<10240x128xf32, #tpu.memory_space<hbm>> -> memref<128x128xf32, #tpu.memory_space<hbm>>
          tpu.wait_dma2 semaphore(%run_scoped3A : memref<!tpu.dma_semaphore, #tpu.memory_space<semaphore_mem>>) src(%dma_wait3A_1427 : memref<128x128xf32, #tpu.memory_space<hbm>>) dst(%dma_wait3A_1425 : memref<128x128xf32, #tpu.memory_space<vmem_shared>>)
          tpu.yield
        }) : () -> ()
      } else {
      }
      %eq3A_1414 = arith.constant 1 : i32
      %eq3A_1415 = arith.cmpi eq, %arg0, %eq3A_1414 : i32
      %convert_element_type3A_1416 = arith.extui %eq3A_1415 : i1 to i32
      %cond3A_1417 = arith.constant 0 : i32
      %cond3A_1418 = arith.cmpi ne, %convert_element_type3A_1416, %cond3A_1417 : i32
      scf.if %cond3A_1418 {
        "tpu.region"() ({
          %run_scoped3A = tpu.sem_alloc : memref<!tpu.dma_semaphore, #tpu.memory_space<semaphore_mem>>
          %dma_start3A_1420 = arith.constant 0 : i32
          %dma_start3A_1421 = tpu.memref_slice %arg19[%add3A_1408, %dma_start3A_1420] : memref<10240x128xf32, #tpu.memory_space<vmem_shared>> -> memref<128x128xf32, #tpu.memory_space<vmem_shared>>
          %dma_start3A_1422 = arith.constant 0 : i32
          %dma_start3A_1423 = tpu.memref_slice %arg4[%add3A_1408, %dma_start3A_1422] : memref<10240x128xf32, #tpu.memory_space<hbm>> -> memref<128x128xf32, #tpu.memory_space<hbm>>
          tpu.enqueue_dma source(%dma_start3A_1423 : memref<128x128xf32, #tpu.memory_space<hbm>>) target(%dma_start3A_1421 : memref<128x128xf32, #tpu.memory_space<vmem_shared>>) target_semaphore(%run_scoped3A : memref<!tpu.dma_semaphore, #tpu.memory_space<semaphore_mem>>)
          %dma_wait3A_1424 = arith.constant 0 : i32
          %dma_wait3A_1425 = tpu.memref_slice %arg19[%add3A_1408, %dma_wait3A_1424] : memref<10240x128xf32, #tpu.memory_space<vmem_shared>> -> memref<128x128xf32, #tpu.memory_space<vmem_shared>>
          %dma_wait3A_1426 = arith.constant 0 : i32
          %dma_wait3A_1427 = tpu.memref_slice %arg4[%add3A_1408, %dma_wait3A_1426] : memref<10240x128xf32, #tpu.memory_space<hbm>> -> memref<128x128xf32, #tpu.memory_space<hbm>>
          tpu.wait_dma2 semaphore(%run_scoped3A : memref<!tpu.dma_semaphore, #tpu.memory_space<semaphore_mem>>) src(%dma_wait3A_1427 : memref<128x128xf32, #tpu.memory_space<hbm>>) dst(%dma_wait3A_1425 : memref<128x128xf32, #tpu.memory_space<vmem_shared>>)
          tpu.yield
        }) : () -> ()
      } else {
      }
      %scan3A_1419 = arith.constant 0 : i32
      scf.yield %scan3A_1419 : i32
    }
    %scan3A_148 = arith.constant 5 : i32
    %barrier3A = arith.constant 0 : index
    tpu.barrier barrier_id(%barrier3A)
    %dma_wait3A = arith.constant 0 : i32
    %dma_wait3A_149 = arith.constant 0 : i32
    %dma_wait3A_150 = tpu.memref_slice %arg7[%dma_wait3A, %dma_wait3A_149] : memref<2x80xi32, #tpu.memory_space<vmem>> -> memref<1x80xi32, #tpu.memory_space<vmem>>
    %dma_wait3A_151 = tpu.memref_squeeze %dma_wait3A_150 : memref<1x80xi32, #tpu.memory_space<vmem>> -> memref<80xi32, #tpu.memory_space<vmem>>
    %dma_wait3A_152 = arith.constant 0 : i32
    %dma_wait3A_153 = tpu.memref_slice %arg2[%dma_wait3A_152] : memref<640000xi32, #tpu.memory_space<hbm>> -> memref<80xi32, #tpu.memory_space<hbm>>
    %dma_wait3A_154 = arith.constant 0 : i32
    %dma_wait3A_155 = tpu.memref_slice %arg7[%dma_wait3A, %dma_wait3A_154] : memref<2x80xi32, #tpu.memory_space<vmem>> -> memref<1x80xi32, #tpu.memory_space<vmem>>
    %dma_wait3A_156 = tpu.memref_squeeze %dma_wait3A_155 : memref<1x80xi32, #tpu.memory_space<vmem>> -> memref<80xi32, #tpu.memory_space<vmem>>
    %dma_wait3A_157 = arith.constant 0 : i32
    %dma_wait3A_158 = tpu.memref_slice %arg2[%dma_wait3A_157] : memref<640000xi32, #tpu.memory_space<hbm>> -> memref<80xi32, #tpu.memory_space<hbm>>
    tpu.wait_dma2 semaphore(%arg20 : memref<!tpu.dma_semaphore, #tpu.memory_space<semaphore_mem>>) src(%dma_wait3A_158 : memref<80xi32, #tpu.memory_space<hbm>>) dst(%dma_wait3A_156 : memref<80xi32, #tpu.memory_space<vmem>>)
    %dma_wait3A_159 = arith.constant 1 : i32
    %dma_wait3A_160 = arith.constant 0 : i32
    %dma_wait3A_161 = tpu.memref_slice %arg7[%dma_wait3A_159, %dma_wait3A_160] : memref<2x80xi32, #tpu.memory_space<vmem>> -> memref<1x80xi32, #tpu.memory_space<vmem>>
    %dma_wait3A_162 = tpu.memref_squeeze %dma_wait3A_161 : memref<1x80xi32, #tpu.memory_space<vmem>> -> memref<80xi32, #tpu.memory_space<vmem>>
    %dma_wait3A_163 = arith.constant 0 : i32
    %dma_wait3A_164 = tpu.memref_slice %arg2[%dma_wait3A_163] : memref<640000xi32, #tpu.memory_space<hbm>> -> memref<80xi32, #tpu.memory_space<hbm>>
    %dma_wait3A_165 = arith.constant 0 : i32
    %dma_wait3A_166 = tpu.memref_slice %arg7[%dma_wait3A_159, %dma_wait3A_165] : memref<2x80xi32, #tpu.memory_space<vmem>> -> memref<1x80xi32, #tpu.memory_space<vmem>>
    %dma_wait3A_167 = tpu.memref_squeeze %dma_wait3A_166 : memref<1x80xi32, #tpu.memory_space<vmem>> -> memref<80xi32, #tpu.memory_space<vmem>>
    %dma_wait3A_168 = arith.constant 0 : i32
    %dma_wait3A_169 = tpu.memref_slice %arg2[%dma_wait3A_168] : memref<640000xi32, #tpu.memory_space<hbm>> -> memref<80xi32, #tpu.memory_space<hbm>>
    tpu.wait_dma2 semaphore(%arg20 : memref<!tpu.dma_semaphore, #tpu.memory_space<semaphore_mem>>) src(%dma_wait3A_169 : memref<80xi32, #tpu.memory_space<hbm>>) dst(%dma_wait3A_167 : memref<80xi32, #tpu.memory_space<vmem>>)
    %eq3A = arith.constant 0 : i32
    %eq3A_170 = arith.cmpi eq, %arg0, %eq3A : i32
    %convert_element_type3A = arith.extui %eq3A_170 : i1 to i32
    %cond3A = arith.constant 0 : i32
    %cond3A_171 = arith.cmpi ne, %convert_element_type3A, %cond3A : i32
    scf.if %cond3A_171 {
      %dma_start3A_1402 = arith.constant 0 : i32
      %dma_start3A_1403 = arith.constant 0 : i32
      %dma_start3A_1404 = tpu.memref_slice %arg7[%dma_start3A_1402, %dma_start3A_1403] : memref<2x80xi32, #tpu.memory_space<vmem>> -> memref<1x80xi32, #tpu.memory_space<vmem>>
      %dma_start3A_1405 = tpu.memref_squeeze %dma_start3A_1404 : memref<1x80xi32, #tpu.memory_space<vmem>> -> memref<80xi32, #tpu.memory_space<vmem>>
      %dma_start3A_1406 = arith.constant 0 : i32
      %dma_start3A_1407 = arith.constant 0 : i32
      %dma_start3A_1408 = tpu.memref_slice %arg3[%dma_start3A_1406, %dma_start3A_1407] : memref<10240x128xf32, #tpu.memory_space<hbm>> -> memref<10240x128xf32, #tpu.memory_space<hbm>>
      tpu.enqueue_indirect_dma source(%dma_start3A_1408 : memref<10240x128xf32, #tpu.memory_space<hbm>>) target(%arg15 : memref<80x128xf32, #tpu.memory_space<vmem>>) offsets(%dma_start3A_1405 : memref<80xi32, #tpu.memory_space<vmem>>) semaphore(%arg28 : memref<!tpu.dma_semaphore, #tpu.memory_space<semaphore_mem>>)
    } else {
    }
    %eq3A_172 = arith.constant 1 : i32
    %eq3A_173 = arith.cmpi eq, %arg0, %eq3A_172 : i32
    %convert_element_type3A_174 = arith.extui %eq3A_173 : i1 to i32
    %cond3A_175 = arith.constant 0 : i32
    %cond3A_176 = arith.cmpi ne, %convert_element_type3A_174, %cond3A_175 : i32
    scf.if %cond3A_176 {
      %dma_start3A_1402 = arith.constant 0 : i32
      %dma_start3A_1403 = arith.constant 0 : i32
      %dma_start3A_1404 = tpu.memref_slice %arg7[%dma_start3A_1402, %dma_start3A_1403] : memref<2x80xi32, #tpu.memory_space<vmem>> -> memref<1x80xi32, #tpu.memory_space<vmem>>
      %dma_start3A_1405 = tpu.memref_squeeze %dma_start3A_1404 : memref<1x80xi32, #tpu.memory_space<vmem>> -> memref<80xi32, #tpu.memory_space<vmem>>
      %dma_start3A_1406 = arith.constant 0 : i32
      %dma_start3A_1407 = arith.constant 0 : i32
      %dma_start3A_1408 = tpu.memref_slice %arg4[%dma_start3A_1406, %dma_start3A_1407] : memref<10240x128xf32, #tpu.memory_space<hbm>> -> memref<10240x128xf32, #tpu.memory_space<hbm>>
      tpu.enqueue_indirect_dma source(%dma_start3A_1408 : memref<10240x128xf32, #tpu.memory_space<hbm>>) target(%arg15 : memref<80x128xf32, #tpu.memory_space<vmem>>) offsets(%dma_start3A_1405 : memref<80xi32, #tpu.memory_space<vmem>>) semaphore(%arg28 : memref<!tpu.dma_semaphore, #tpu.memory_space<semaphore_mem>>)
    } else {
    }
    %dma_wait3A_177 = arith.constant 0 : i32
    %dma_wait3A_178 = arith.constant 0 : i32
    %dma_wait3A_179 = tpu.memref_slice %arg8[%dma_wait3A_177, %dma_wait3A_178] : memref<2x80xi32, #tpu.memory_space<vmem>> -> memref<1x80xi32, #tpu.memory_space<vmem>>
    %dma_wait3A_180 = tpu.memref_squeeze %dma_wait3A_179 : memref<1x80xi32, #tpu.memory_space<vmem>> -> memref<80xi32, #tpu.memory_space<vmem>>
    %dma_wait3A_181 = arith.constant 0 : i32
    %dma_wait3A_182 = tpu.memref_slice %arg2[%dma_wait3A_181] : memref<640000xi32, #tpu.memory_space<hbm>> -> memref<80xi32, #tpu.memory_space<hbm>>
    %dma_wait3A_183 = arith.constant 0 : i32
    %dma_wait3A_184 = tpu.memref_slice %arg8[%dma_wait3A_177, %dma_wait3A_183] : memref<2x80xi32, #tpu.memory_space<vmem>> -> memref<1x80xi32, #tpu.memory_space<vmem>>
    %dma_wait3A_185 = tpu.memref_squeeze %dma_wait3A_184 : memref<1x80xi32, #tpu.memory_space<vmem>> -> memref<80xi32, #tpu.memory_space<vmem>>
    %dma_wait3A_186 = arith.constant 0 : i32
    %dma_wait3A_187 = tpu.memref_slice %arg2[%dma_wait3A_186] : memref<640000xi32, #tpu.memory_space<hbm>> -> memref<80xi32, #tpu.memory_space<hbm>>
    tpu.wait_dma2 semaphore(%arg21 : memref<!tpu.dma_semaphore, #tpu.memory_space<semaphore_mem>>) src(%dma_wait3A_187 : memref<80xi32, #tpu.memory_space<hbm>>) dst(%dma_wait3A_185 : memref<80xi32, #tpu.memory_space<vmem>>)
    %dma_wait3A_188 = arith.constant 1 : i32
    %dma_wait3A_189 = arith.constant 0 : i32
    %dma_wait3A_190 = tpu.memref_slice %arg8[%dma_wait3A_188, %dma_wait3A_189] : memref<2x80xi32, #tpu.memory_space<vmem>> -> memref<1x80xi32, #tpu.memory_space<vmem>>
    %dma_wait3A_191 = tpu.memref_squeeze %dma_wait3A_190 : memref<1x80xi32, #tpu.memory_space<vmem>> -> memref<80xi32, #tpu.memory_space<vmem>>
    %dma_wait3A_192 = arith.constant 0 : i32
    %dma_wait3A_193 = tpu.memref_slice %arg2[%dma_wait3A_192] : memref<640000xi32, #tpu.memory_space<hbm>> -> memref<80xi32, #tpu.memory_space<hbm>>
    %dma_wait3A_194 = arith.constant 0 : i32
    %dma_wait3A_195 = tpu.memref_slice %arg8[%dma_wait3A_188, %dma_wait3A_194] : memref<2x80xi32, #tpu.memory_space<vmem>> -> memref<1x80xi32, #tpu.memory_space<vmem>>
    %dma_wait3A_196 = tpu.memref_squeeze %dma_wait3A_195 : memref<1x80xi32, #tpu.memory_space<vmem>> -> memref<80xi32, #tpu.memory_space<vmem>>
    %dma_wait3A_197 = arith.constant 0 : i32
    %dma_wait3A_198 = tpu.memref_slice %arg2[%dma_wait3A_197] : memref<640000xi32, #tpu.memory_space<hbm>> -> memref<80xi32, #tpu.memory_space<hbm>>
    tpu.wait_dma2 semaphore(%arg21 : memref<!tpu.dma_semaphore, #tpu.memory_space<semaphore_mem>>) src(%dma_wait3A_198 : memref<80xi32, #tpu.memory_space<hbm>>) dst(%dma_wait3A_196 : memref<80xi32, #tpu.memory_space<vmem>>)
    %eq3A_199 = arith.constant 0 : i32
    %eq3A_200 = arith.cmpi eq, %arg0, %eq3A_199 : i32
    %convert_element_type3A_201 = arith.extui %eq3A_200 : i1 to i32
    %cond3A_202 = arith.constant 0 : i32
    %cond3A_203 = arith.cmpi ne, %convert_element_type3A_201, %cond3A_202 : i32
    scf.if %cond3A_203 {
      %dma_start3A_1402 = arith.constant 0 : i32
      %dma_start3A_1403 = arith.constant 0 : i32
      %dma_start3A_1404 = tpu.memref_slice %arg8[%dma_start3A_1402, %dma_start3A_1403] : memref<2x80xi32, #tpu.memory_space<vmem>> -> memref<1x80xi32, #tpu.memory_space<vmem>>
      %dma_start3A_1405 = tpu.memref_squeeze %dma_start3A_1404 : memref<1x80xi32, #tpu.memory_space<vmem>> -> memref<80xi32, #tpu.memory_space<vmem>>
      %dma_start3A_1406 = arith.constant 0 : i32
      %dma_start3A_1407 = arith.constant 0 : i32
      %dma_start3A_1408 = tpu.memref_slice %arg3[%dma_start3A_1406, %dma_start3A_1407] : memref<10240x128xf32, #tpu.memory_space<hbm>> -> memref<10240x128xf32, #tpu.memory_space<hbm>>
      tpu.enqueue_indirect_dma source(%dma_start3A_1408 : memref<10240x128xf32, #tpu.memory_space<hbm>>) target(%arg16 : memref<80x128xf32, #tpu.memory_space<vmem>>) offsets(%dma_start3A_1405 : memref<80xi32, #tpu.memory_space<vmem>>) semaphore(%arg29 : memref<!tpu.dma_semaphore, #tpu.memory_space<semaphore_mem>>)
    } else {
    }
    %eq3A_204 = arith.constant 1 : i32
    %eq3A_205 = arith.cmpi eq, %arg0, %eq3A_204 : i32
    %convert_element_type3A_206 = arith.extui %eq3A_205 : i1 to i32
    %cond3A_207 = arith.constant 0 : i32
    %cond3A_208 = arith.cmpi ne, %convert_element_type3A_206, %cond3A_207 : i32
    scf.if %cond3A_208 {
      %dma_start3A_1402 = arith.constant 0 : i32
      %dma_start3A_1403 = arith.constant 0 : i32
      %dma_start3A_1404 = tpu.memref_slice %arg8[%dma_start3A_1402, %dma_start3A_1403] : memref<2x80xi32, #tpu.memory_space<vmem>> -> memref<1x80xi32, #tpu.memory_space<vmem>>
      %dma_start3A_1405 = tpu.memref_squeeze %dma_start3A_1404 : memref<1x80xi32, #tpu.memory_space<vmem>> -> memref<80xi32, #tpu.memory_space<vmem>>
      %dma_start3A_1406 = arith.constant 0 : i32
      %dma_start3A_1407 = arith.constant 0 : i32
      %dma_start3A_1408 = tpu.memref_slice %arg4[%dma_start3A_1406, %dma_start3A_1407] : memref<10240x128xf32, #tpu.memory_space<hbm>> -> memref<10240x128xf32, #tpu.memory_space<hbm>>
      tpu.enqueue_indirect_dma source(%dma_start3A_1408 : memref<10240x128xf32, #tpu.memory_space<hbm>>) target(%arg16 : memref<80x128xf32, #tpu.memory_space<vmem>>) offsets(%dma_start3A_1405 : memref<80xi32, #tpu.memory_space<vmem>>) semaphore(%arg29 : memref<!tpu.dma_semaphore, #tpu.memory_space<semaphore_mem>>)
    } else {
    }
    %dma_wait3A_209 = arith.constant 0 : i32
    %dma_wait3A_210 = arith.constant 0 : i32
    %dma_wait3A_211 = tpu.memref_slice %arg7[%dma_wait3A_209, %dma_wait3A_210] : memref<2x80xi32, #tpu.memory_space<vmem>> -> memref<1x80xi32, #tpu.memory_space<vmem>>
    %dma_wait3A_212 = tpu.memref_squeeze %dma_wait3A_211 : memref<1x80xi32, #tpu.memory_space<vmem>> -> memref<80xi32, #tpu.memory_space<vmem>>
    %dma_wait3A_213 = arith.constant 0 : i32
    %dma_wait3A_214 = arith.constant 0 : i32
    %dma_wait3A_215 = tpu.memref_slice %arg3[%dma_wait3A_213, %dma_wait3A_214] : memref<10240x128xf32, #tpu.memory_space<hbm>> -> memref<10240x128xf32, #tpu.memory_space<hbm>>
    tpu.wait_indirect_dma semaphore(%arg28 : memref<!tpu.dma_semaphore, #tpu.memory_space<semaphore_mem>>) src(%dma_wait3A_215 : memref<10240x128xf32, #tpu.memory_space<hbm>>) dst(%arg15 : memref<80x128xf32, #tpu.memory_space<vmem>>)
    %dma_start3A_216 = arith.constant 1 : i32
    %dma_start3A_217 = arith.constant 0 : i32
    %dma_start3A_218 = tpu.memref_slice %arg7[%dma_start3A_216, %dma_start3A_217] : memref<2x80xi32, #tpu.memory_space<vmem>> -> memref<1x80xi32, #tpu.memory_space<vmem>>
    %dma_start3A_219 = tpu.memref_squeeze %dma_start3A_218 : memref<1x80xi32, #tpu.memory_space<vmem>> -> memref<80xi32, #tpu.memory_space<vmem>>
    %dma_start3A_220 = arith.constant 0 : i32
    %dma_start3A_221 = arith.constant 0 : i32
    %dma_start3A_222 = tpu.memref_slice %arg19[%dma_start3A_220, %dma_start3A_221] : memref<10240x128xf32, #tpu.memory_space<vmem_shared>> -> memref<10240x128xf32, #tpu.memory_space<vmem_shared>>
    tpu.enqueue_indirect_dma source(%arg15 : memref<80x128xf32, #tpu.memory_space<vmem>>) target(%dma_start3A_222 : memref<10240x128xf32, #tpu.memory_space<vmem_shared>>) offsets(%dma_start3A_219 : memref<80xi32, #tpu.memory_space<vmem>>) semaphore(%arg32 : memref<!tpu.dma_semaphore, #tpu.memory_space<semaphore_mem>>) {add = true}
    %dma_wait3A_223 = arith.constant 0 : i32
    %dma_wait3A_224 = arith.constant 0 : i32
    %dma_wait3A_225 = tpu.memref_slice %arg9[%dma_wait3A_223, %dma_wait3A_224] : memref<2x80xi32, #tpu.memory_space<vmem>> -> memref<1x80xi32, #tpu.memory_space<vmem>>
    %dma_wait3A_226 = tpu.memref_squeeze %dma_wait3A_225 : memref<1x80xi32, #tpu.memory_space<vmem>> -> memref<80xi32, #tpu.memory_space<vmem>>
    %dma_wait3A_227 = arith.constant 0 : i32
    %dma_wait3A_228 = tpu.memref_slice %arg2[%dma_wait3A_227] : memref<640000xi32, #tpu.memory_space<hbm>> -> memref<80xi32, #tpu.memory_space<hbm>>
    %dma_wait3A_229 = arith.constant 0 : i32
    %dma_wait3A_230 = tpu.memref_slice %arg9[%dma_wait3A_223, %dma_wait3A_229] : memref<2x80xi32, #tpu.memory_space<vmem>> -> memref<1x80xi32, #tpu.memory_space<vmem>>
    %dma_wait3A_231 = tpu.memref_squeeze %dma_wait3A_230 : memref<1x80xi32, #tpu.memory_space<vmem>> -> memref<80xi32, #tpu.memory_space<vmem>>
    %dma_wait3A_232 = arith.constant 0 : i32
    %dma_wait3A_233 = tpu.memref_slice %arg2[%dma_wait3A_232] : memref<640000xi32, #tpu.memory_space<hbm>> -> memref<80xi32, #tpu.memory_space<hbm>>
    tpu.wait_dma2 semaphore(%arg22 : memref<!tpu.dma_semaphore, #tpu.memory_space<semaphore_mem>>) src(%dma_wait3A_233 : memref<80xi32, #tpu.memory_space<hbm>>) dst(%dma_wait3A_231 : memref<80xi32, #tpu.memory_space<vmem>>)
    %dma_wait3A_234 = arith.constant 1 : i32
    %dma_wait3A_235 = arith.constant 0 : i32
    %dma_wait3A_236 = tpu.memref_slice %arg9[%dma_wait3A_234, %dma_wait3A_235] : memref<2x80xi32, #tpu.memory_space<vmem>> -> memref<1x80xi32, #tpu.memory_space<vmem>>
    %dma_wait3A_237 = tpu.memref_squeeze %dma_wait3A_236 : memref<1x80xi32, #tpu.memory_space<vmem>> -> memref<80xi32, #tpu.memory_space<vmem>>
    %dma_wait3A_238 = arith.constant 0 : i32
    %dma_wait3A_239 = tpu.memref_slice %arg2[%dma_wait3A_238] : memref<640000xi32, #tpu.memory_space<hbm>> -> memref<80xi32, #tpu.memory_space<hbm>>
    %dma_wait3A_240 = arith.constant 0 : i32
    %dma_wait3A_241 = tpu.memref_slice %arg9[%dma_wait3A_234, %dma_wait3A_240] : memref<2x80xi32, #tpu.memory_space<vmem>> -> memref<1x80xi32, #tpu.memory_space<vmem>>
    %dma_wait3A_242 = tpu.memref_squeeze %dma_wait3A_241 : memref<1x80xi32, #tpu.memory_space<vmem>> -> memref<80xi32, #tpu.memory_space<vmem>>
    %dma_wait3A_243 = arith.constant 0 : i32
    %dma_wait3A_244 = tpu.memref_slice %arg2[%dma_wait3A_243] : memref<640000xi32, #tpu.memory_space<hbm>> -> memref<80xi32, #tpu.memory_space<hbm>>
    tpu.wait_dma2 semaphore(%arg22 : memref<!tpu.dma_semaphore, #tpu.memory_space<semaphore_mem>>) src(%dma_wait3A_244 : memref<80xi32, #tpu.memory_space<hbm>>) dst(%dma_wait3A_242 : memref<80xi32, #tpu.memory_space<vmem>>)
    %eq3A_245 = arith.constant 0 : i32
    %eq3A_246 = arith.cmpi eq, %arg0, %eq3A_245 : i32
    %convert_element_type3A_247 = arith.extui %eq3A_246 : i1 to i32
    %cond3A_248 = arith.constant 0 : i32
    %cond3A_249 = arith.cmpi ne, %convert_element_type3A_247, %cond3A_248 : i32
    scf.if %cond3A_249 {
      %dma_start3A_1402 = arith.constant 0 : i32
      %dma_start3A_1403 = arith.constant 0 : i32
      %dma_start3A_1404 = tpu.memref_slice %arg9[%dma_start3A_1402, %dma_start3A_1403] : memref<2x80xi32, #tpu.memory_space<vmem>> -> memref<1x80xi32, #tpu.memory_space<vmem>>
      %dma_start3A_1405 = tpu.memref_squeeze %dma_start3A_1404 : memref<1x80xi32, #tpu.memory_space<vmem>> -> memref<80xi32, #tpu.memory_space<vmem>>
      %dma_start3A_1406 = arith.constant 0 : i32
      %dma_start3A_1407 = arith.constant 0 : i32
      %dma_start3A_1408 = tpu.memref_slice %arg3[%dma_start3A_1406, %dma_start3A_1407] : memref<10240x128xf32, #tpu.memory_space<hbm>> -> memref<10240x128xf32, #tpu.memory_space<hbm>>
      tpu.enqueue_indirect_dma source(%dma_start3A_1408 : memref<10240x128xf32, #tpu.memory_space<hbm>>) target(%arg17 : memref<80x128xf32, #tpu.memory_space<vmem>>) offsets(%dma_start3A_1405 : memref<80xi32, #tpu.memory_space<vmem>>) semaphore(%arg30 : memref<!tpu.dma_semaphore, #tpu.memory_space<semaphore_mem>>)
    } else {
    }
    %eq3A_250 = arith.constant 1 : i32
    %eq3A_251 = arith.cmpi eq, %arg0, %eq3A_250 : i32
    %convert_element_type3A_252 = arith.extui %eq3A_251 : i1 to i32
    %cond3A_253 = arith.constant 0 : i32
    %cond3A_254 = arith.cmpi ne, %convert_element_type3A_252, %cond3A_253 : i32
    scf.if %cond3A_254 {
      %dma_start3A_1402 = arith.constant 0 : i32
      %dma_start3A_1403 = arith.constant 0 : i32
      %dma_start3A_1404 = tpu.memref_slice %arg9[%dma_start3A_1402, %dma_start3A_1403] : memref<2x80xi32, #tpu.memory_space<vmem>> -> memref<1x80xi32, #tpu.memory_space<vmem>>
      %dma_start3A_1405 = tpu.memref_squeeze %dma_start3A_1404 : memref<1x80xi32, #tpu.memory_space<vmem>> -> memref<80xi32, #tpu.memory_space<vmem>>
      %dma_start3A_1406 = arith.constant 0 : i32
      %dma_start3A_1407 = arith.constant 0 : i32
      %dma_start3A_1408 = tpu.memref_slice %arg4[%dma_start3A_1406, %dma_start3A_1407] : memref<10240x128xf32, #tpu.memory_space<hbm>> -> memref<10240x128xf32, #tpu.memory_space<hbm>>
      tpu.enqueue_indirect_dma source(%dma_start3A_1408 : memref<10240x128xf32, #tpu.memory_space<hbm>>) target(%arg17 : memref<80x128xf32, #tpu.memory_space<vmem>>) offsets(%dma_start3A_1405 : memref<80xi32, #tpu.memory_space<vmem>>) semaphore(%arg30 : memref<!tpu.dma_semaphore, #tpu.memory_space<semaphore_mem>>)
    } else {
    }
    %add3A_255 = arith.constant 6 : i32
    %add3A_256 = arith.addi %mul3A_0, %add3A_255 : i32
    %mul3A_257 = arith.constant 80 : i32
    %mul3A_258 = arith.muli %add3A_256, %mul3A_257 : i32
    %dma_start3A_259 = arith.constant 0 : i32
    %dma_start3A_260 = arith.constant 0 : i32
    %dma_start3A_261 = tpu.memref_slice %arg13[%dma_start3A_259, %dma_start3A_260] : memref<2x80xi32, #tpu.memory_space<vmem>> -> memref<1x80xi32, #tpu.memory_space<vmem>>
    %dma_start3A_262 = tpu.memref_squeeze %dma_start3A_261 : memref<1x80xi32, #tpu.memory_space<vmem>> -> memref<80xi32, #tpu.memory_space<vmem>>
    %dma_start3A_263 = tpu.memref_slice %arg2[%mul3A_258] : memref<640000xi32, #tpu.memory_space<hbm>> -> memref<80xi32, #tpu.memory_space<hbm>>
    %dma_start3A_264 = arith.constant 0 : i32
    %dma_start3A_265 = tpu.memref_slice %arg13[%dma_start3A_259, %dma_start3A_264] : memref<2x80xi32, #tpu.memory_space<vmem>> -> memref<1x80xi32, #tpu.memory_space<vmem>>
    %dma_start3A_266 = tpu.memref_squeeze %dma_start3A_265 : memref<1x80xi32, #tpu.memory_space<vmem>> -> memref<80xi32, #tpu.memory_space<vmem>>
    %dma_start3A_267 = tpu.memref_slice %arg2[%mul3A_258] : memref<640000xi32, #tpu.memory_space<hbm>> -> memref<80xi32, #tpu.memory_space<hbm>>
    tpu.enqueue_dma source(%dma_start3A_267 : memref<80xi32, #tpu.memory_space<hbm>>) target(%dma_start3A_266 : memref<80xi32, #tpu.memory_space<vmem>>) target_semaphore(%arg26 : memref<!tpu.dma_semaphore, #tpu.memory_space<semaphore_mem>>)
    %add3A_268 = arith.constant 320000 : i32
    %add3A_269 = arith.addi %add3A_268, %mul3A_258 : i32
    %dma_start3A_270 = arith.constant 1 : i32
    %dma_start3A_271 = arith.constant 0 : i32
    %dma_start3A_272 = tpu.memref_slice %arg13[%dma_start3A_270, %dma_start3A_271] : memref<2x80xi32, #tpu.memory_space<vmem>> -> memref<1x80xi32, #tpu.memory_space<vmem>>
    %dma_start3A_273 = tpu.memref_squeeze %dma_start3A_272 : memref<1x80xi32, #tpu.memory_space<vmem>> -> memref<80xi32, #tpu.memory_space<vmem>>
    %dma_start3A_274 = tpu.memref_slice %arg2[%add3A_269] : memref<640000xi32, #tpu.memory_space<hbm>> -> memref<80xi32, #tpu.memory_space<hbm>>
    %dma_start3A_275 = arith.constant 0 : i32
    %dma_start3A_276 = tpu.memref_slice %arg13[%dma_start3A_270, %dma_start3A_275] : memref<2x80xi32, #tpu.memory_space<vmem>> -> memref<1x80xi32, #tpu.memory_space<vmem>>
    %dma_start3A_277 = tpu.memref_squeeze %dma_start3A_276 : memref<1x80xi32, #tpu.memory_space<vmem>> -> memref<80xi32, #tpu.memory_space<vmem>>
    %dma_start3A_278 = tpu.memref_slice %arg2[%add3A_269] : memref<640000xi32, #tpu.memory_space<hbm>> -> memref<80xi32, #tpu.memory_space<hbm>>
    tpu.enqueue_dma source(%dma_start3A_278 : memref<80xi32, #tpu.memory_space<hbm>>) target(%dma_start3A_277 : memref<80xi32, #tpu.memory_space<vmem>>) target_semaphore(%arg26 : memref<!tpu.dma_semaphore, #tpu.memory_space<semaphore_mem>>)
    %dma_wait3A_279 = arith.constant 0 : i32
    %dma_wait3A_280 = arith.constant 0 : i32
    %dma_wait3A_281 = tpu.memref_slice %arg7[%dma_wait3A_279, %dma_wait3A_280] : memref<2x80xi32, #tpu.memory_space<vmem>> -> memref<1x80xi32, #tpu.memory_space<vmem>>
    %dma_wait3A_282 = tpu.memref_squeeze %dma_wait3A_281 : memref<1x80xi32, #tpu.memory_space<vmem>> -> memref<80xi32, #tpu.memory_space<vmem>>
    %dma_wait3A_283 = arith.constant 0 : i32
    %dma_wait3A_284 = arith.constant 0 : i32
    %dma_wait3A_285 = tpu.memref_slice %arg3[%dma_wait3A_283, %dma_wait3A_284] : memref<10240x128xf32, #tpu.memory_space<hbm>> -> memref<10240x128xf32, #tpu.memory_space<hbm>>
    tpu.wait_indirect_dma semaphore(%arg29 : memref<!tpu.dma_semaphore, #tpu.memory_space<semaphore_mem>>) src(%dma_wait3A_285 : memref<10240x128xf32, #tpu.memory_space<hbm>>) dst(%arg16 : memref<80x128xf32, #tpu.memory_space<vmem>>)
    %dma_start3A_286 = arith.constant 1 : i32
    %dma_start3A_287 = arith.constant 0 : i32
    %dma_start3A_288 = tpu.memref_slice %arg8[%dma_start3A_286, %dma_start3A_287] : memref<2x80xi32, #tpu.memory_space<vmem>> -> memref<1x80xi32, #tpu.memory_space<vmem>>
    %dma_start3A_289 = tpu.memref_squeeze %dma_start3A_288 : memref<1x80xi32, #tpu.memory_space<vmem>> -> memref<80xi32, #tpu.memory_space<vmem>>
    %dma_start3A_290 = arith.constant 0 : i32
    %dma_start3A_291 = arith.constant 0 : i32
    %dma_start3A_292 = tpu.memref_slice %arg19[%dma_start3A_290, %dma_start3A_291] : memref<10240x128xf32, #tpu.memory_space<vmem_shared>> -> memref<10240x128xf32, #tpu.memory_space<vmem_shared>>
    tpu.enqueue_indirect_dma source(%arg16 : memref<80x128xf32, #tpu.memory_space<vmem>>) target(%dma_start3A_292 : memref<10240x128xf32, #tpu.memory_space<vmem_shared>>) offsets(%dma_start3A_289 : memref<80xi32, #tpu.memory_space<vmem>>) semaphore(%arg33 : memref<!tpu.dma_semaphore, #tpu.memory_space<semaphore_mem>>) {add = true}
    %dma_wait3A_293 = arith.constant 0 : i32
    %dma_wait3A_294 = arith.constant 0 : i32
    %dma_wait3A_295 = tpu.memref_slice %arg10[%dma_wait3A_293, %dma_wait3A_294] : memref<2x80xi32, #tpu.memory_space<vmem>> -> memref<1x80xi32, #tpu.memory_space<vmem>>
    %dma_wait3A_296 = tpu.memref_squeeze %dma_wait3A_295 : memref<1x80xi32, #tpu.memory_space<vmem>> -> memref<80xi32, #tpu.memory_space<vmem>>
    %dma_wait3A_297 = arith.constant 0 : i32
    %dma_wait3A_298 = tpu.memref_slice %arg2[%dma_wait3A_297] : memref<640000xi32, #tpu.memory_space<hbm>> -> memref<80xi32, #tpu.memory_space<hbm>>
    %dma_wait3A_299 = arith.constant 0 : i32
    %dma_wait3A_300 = tpu.memref_slice %arg10[%dma_wait3A_293, %dma_wait3A_299] : memref<2x80xi32, #tpu.memory_space<vmem>> -> memref<1x80xi32, #tpu.memory_space<vmem>>
    %dma_wait3A_301 = tpu.memref_squeeze %dma_wait3A_300 : memref<1x80xi32, #tpu.memory_space<vmem>> -> memref<80xi32, #tpu.memory_space<vmem>>
    %dma_wait3A_302 = arith.constant 0 : i32
    %dma_wait3A_303 = tpu.memref_slice %arg2[%dma_wait3A_302] : memref<640000xi32, #tpu.memory_space<hbm>> -> memref<80xi32, #tpu.memory_space<hbm>>
    tpu.wait_dma2 semaphore(%arg23 : memref<!tpu.dma_semaphore, #tpu.memory_space<semaphore_mem>>) src(%dma_wait3A_303 : memref<80xi32, #tpu.memory_space<hbm>>) dst(%dma_wait3A_301 : memref<80xi32, #tpu.memory_space<vmem>>)
    %dma_wait3A_304 = arith.constant 1 : i32
    %dma_wait3A_305 = arith.constant 0 : i32
    %dma_wait3A_306 = tpu.memref_slice %arg10[%dma_wait3A_304, %dma_wait3A_305] : memref<2x80xi32, #tpu.memory_space<vmem>> -> memref<1x80xi32, #tpu.memory_space<vmem>>
    %dma_wait3A_307 = tpu.memref_squeeze %dma_wait3A_306 : memref<1x80xi32, #tpu.memory_space<vmem>> -> memref<80xi32, #tpu.memory_space<vmem>>
    %dma_wait3A_308 = arith.constant 0 : i32
    %dma_wait3A_309 = tpu.memref_slice %arg2[%dma_wait3A_308] : memref<640000xi32, #tpu.memory_space<hbm>> -> memref<80xi32, #tpu.memory_space<hbm>>
    %dma_wait3A_310 = arith.constant 0 : i32
    %dma_wait3A_311 = tpu.memref_slice %arg10[%dma_wait3A_304, %dma_wait3A_310] : memref<2x80xi32, #tpu.memory_space<vmem>> -> memref<1x80xi32, #tpu.memory_space<vmem>>
    %dma_wait3A_312 = tpu.memref_squeeze %dma_wait3A_311 : memref<1x80xi32, #tpu.memory_space<vmem>> -> memref<80xi32, #tpu.memory_space<vmem>>
    %dma_wait3A_313 = arith.constant 0 : i32
    %dma_wait3A_314 = tpu.memref_slice %arg2[%dma_wait3A_313] : memref<640000xi32, #tpu.memory_space<hbm>> -> memref<80xi32, #tpu.memory_space<hbm>>
    tpu.wait_dma2 semaphore(%arg23 : memref<!tpu.dma_semaphore, #tpu.memory_space<semaphore_mem>>) src(%dma_wait3A_314 : memref<80xi32, #tpu.memory_space<hbm>>) dst(%dma_wait3A_312 : memref<80xi32, #tpu.memory_space<vmem>>)
    %eq3A_315 = arith.constant 0 : i32
    %eq3A_316 = arith.cmpi eq, %arg0, %eq3A_315 : i32
    %convert_element_type3A_317 = arith.extui %eq3A_316 : i1 to i32
    %cond3A_318 = arith.constant 0 : i32
    %cond3A_319 = arith.cmpi ne, %convert_element_type3A_317, %cond3A_318 : i32
    scf.if %cond3A_319 {
      %dma_start3A_1402 = arith.constant 0 : i32
      %dma_start3A_1403 = arith.constant 0 : i32
      %dma_start3A_1404 = tpu.memref_slice %arg10[%dma_start3A_1402, %dma_start3A_1403] : memref<2x80xi32, #tpu.memory_space<vmem>> -> memref<1x80xi32, #tpu.memory_space<vmem>>
      %dma_start3A_1405 = tpu.memref_squeeze %dma_start3A_1404 : memref<1x80xi32, #tpu.memory_space<vmem>> -> memref<80xi32, #tpu.memory_space<vmem>>
      %dma_start3A_1406 = arith.constant 0 : i32
      %dma_start3A_1407 = arith.constant 0 : i32
      %dma_start3A_1408 = tpu.memref_slice %arg3[%dma_start3A_1406, %dma_start3A_1407] : memref<10240x128xf32, #tpu.memory_space<hbm>> -> memref<10240x128xf32, #tpu.memory_space<hbm>>
      tpu.enqueue_indirect_dma source(%dma_start3A_1408 : memref<10240x128xf32, #tpu.memory_space<hbm>>) target(%arg18 : memref<80x128xf32, #tpu.memory_space<vmem>>) offsets(%dma_start3A_1405 : memref<80xi32, #tpu.memory_space<vmem>>) semaphore(%arg31 : memref<!tpu.dma_semaphore, #tpu.memory_space<semaphore_mem>>)
    } else {
    }
    %eq3A_320 = arith.constant 1 : i32
    %eq3A_321 = arith.cmpi eq, %arg0, %eq3A_320 : i32
    %convert_element_type3A_322 = arith.extui %eq3A_321 : i1 to i32
    %cond3A_323 = arith.constant 0 : i32
    %cond3A_324 = arith.cmpi ne, %convert_element_type3A_322, %cond3A_323 : i32
    scf.if %cond3A_324 {
      %dma_start3A_1402 = arith.constant 0 : i32
      %dma_start3A_1403 = arith.constant 0 : i32
      %dma_start3A_1404 = tpu.memref_slice %arg10[%dma_start3A_1402, %dma_start3A_1403] : memref<2x80xi32, #tpu.memory_space<vmem>> -> memref<1x80xi32, #tpu.memory_space<vmem>>
      %dma_start3A_1405 = tpu.memref_squeeze %dma_start3A_1404 : memref<1x80xi32, #tpu.memory_space<vmem>> -> memref<80xi32, #tpu.memory_space<vmem>>
      %dma_start3A_1406 = arith.constant 0 : i32
      %dma_start3A_1407 = arith.constant 0 : i32
      %dma_start3A_1408 = tpu.memref_slice %arg4[%dma_start3A_1406, %dma_start3A_1407] : memref<10240x128xf32, #tpu.memory_space<hbm>> -> memref<10240x128xf32, #tpu.memory_space<hbm>>
      tpu.enqueue_indirect_dma source(%dma_start3A_1408 : memref<10240x128xf32, #tpu.memory_space<hbm>>) target(%arg18 : memref<80x128xf32, #tpu.memory_space<vmem>>) offsets(%dma_start3A_1405 : memref<80xi32, #tpu.memory_space<vmem>>) semaphore(%arg31 : memref<!tpu.dma_semaphore, #tpu.memory_space<semaphore_mem>>)
    } else {
    }
    %add3A_325 = arith.constant 7 : i32
    %add3A_326 = arith.addi %mul3A_0, %add3A_325 : i32
    %mul3A_327 = arith.constant 80 : i32
    %mul3A_328 = arith.muli %add3A_326, %mul3A_327 : i32
    %dma_start3A_329 = arith.constant 0 : i32
    %dma_start3A_330 = arith.constant 0 : i32
    %dma_start3A_331 = tpu.memref_slice %arg14[%dma_start3A_329, %dma_start3A_330] : memref<2x80xi32, #tpu.memory_space<vmem>> -> memref<1x80xi32, #tpu.memory_space<vmem>>
    %dma_start3A_332 = tpu.memref_squeeze %dma_start3A_331 : memref<1x80xi32, #tpu.memory_space<vmem>> -> memref<80xi32, #tpu.memory_space<vmem>>
    %dma_start3A_333 = tpu.memref_slice %arg2[%mul3A_328] : memref<640000xi32, #tpu.memory_space<hbm>> -> memref<80xi32, #tpu.memory_space<hbm>>
    %dma_start3A_334 = arith.constant 0 : i32
    %dma_start3A_335 = tpu.memref_slice %arg14[%dma_start3A_329, %dma_start3A_334] : memref<2x80xi32, #tpu.memory_space<vmem>> -> memref<1x80xi32, #tpu.memory_space<vmem>>
    %dma_start3A_336 = tpu.memref_squeeze %dma_start3A_335 : memref<1x80xi32, #tpu.memory_space<vmem>> -> memref<80xi32, #tpu.memory_space<vmem>>
    %dma_start3A_337 = tpu.memref_slice %arg2[%mul3A_328] : memref<640000xi32, #tpu.memory_space<hbm>> -> memref<80xi32, #tpu.memory_space<hbm>>
    tpu.enqueue_dma source(%dma_start3A_337 : memref<80xi32, #tpu.memory_space<hbm>>) target(%dma_start3A_336 : memref<80xi32, #tpu.memory_space<vmem>>) target_semaphore(%arg27 : memref<!tpu.dma_semaphore, #tpu.memory_space<semaphore_mem>>)
    %add3A_338 = arith.constant 320000 : i32
    %add3A_339 = arith.addi %add3A_338, %mul3A_328 : i32
    %dma_start3A_340 = arith.constant 1 : i32
    %dma_start3A_341 = arith.constant 0 : i32
    %dma_start3A_342 = tpu.memref_slice %arg14[%dma_start3A_340, %dma_start3A_341] : memref<2x80xi32, #tpu.memory_space<vmem>> -> memref<1x80xi32, #tpu.memory_space<vmem>>
    %dma_start3A_343 = tpu.memref_squeeze %dma_start3A_342 : memref<1x80xi32, #tpu.memory_space<vmem>> -> memref<80xi32, #tpu.memory_space<vmem>>
    %dma_start3A_344 = tpu.memref_slice %arg2[%add3A_339] : memref<640000xi32, #tpu.memory_space<hbm>> -> memref<80xi32, #tpu.memory_space<hbm>>
    %dma_start3A_345 = arith.constant 0 : i32
    %dma_start3A_346 = tpu.memref_slice %arg14[%dma_start3A_340, %dma_start3A_345] : memref<2x80xi32, #tpu.memory_space<vmem>> -> memref<1x80xi32, #tpu.memory_space<vmem>>
    %dma_start3A_347 = tpu.memref_squeeze %dma_start3A_346 : memref<1x80xi32, #tpu.memory_space<vmem>> -> memref<80xi32, #tpu.memory_space<vmem>>
    %dma_start3A_348 = tpu.memref_slice %arg2[%add3A_339] : memref<640000xi32, #tpu.memory_space<hbm>> -> memref<80xi32, #tpu.memory_space<hbm>>
    tpu.enqueue_dma source(%dma_start3A_348 : memref<80xi32, #tpu.memory_space<hbm>>) target(%dma_start3A_347 : memref<80xi32, #tpu.memory_space<vmem>>) target_semaphore(%arg27 : memref<!tpu.dma_semaphore, #tpu.memory_space<semaphore_mem>>)
    %dma_wait3A_349 = arith.constant 0 : i32
    %dma_wait3A_350 = arith.constant 0 : i32
    %dma_wait3A_351 = tpu.memref_slice %arg7[%dma_wait3A_349, %dma_wait3A_350] : memref<2x80xi32, #tpu.memory_space<vmem>> -> memref<1x80xi32, #tpu.memory_space<vmem>>
    %dma_wait3A_352 = tpu.memref_squeeze %dma_wait3A_351 : memref<1x80xi32, #tpu.memory_space<vmem>> -> memref<80xi32, #tpu.memory_space<vmem>>
    %dma_wait3A_353 = arith.constant 0 : i32
    %dma_wait3A_354 = arith.constant 0 : i32
    %dma_wait3A_355 = tpu.memref_slice %arg3[%dma_wait3A_353, %dma_wait3A_354] : memref<10240x128xf32, #tpu.memory_space<hbm>> -> memref<10240x128xf32, #tpu.memory_space<hbm>>
    tpu.wait_indirect_dma semaphore(%arg30 : memref<!tpu.dma_semaphore, #tpu.memory_space<semaphore_mem>>) src(%dma_wait3A_355 : memref<10240x128xf32, #tpu.memory_space<hbm>>) dst(%arg17 : memref<80x128xf32, #tpu.memory_space<vmem>>)
    %dma_start3A_356 = arith.constant 1 : i32
    %dma_start3A_357 = arith.constant 0 : i32
    %dma_start3A_358 = tpu.memref_slice %arg9[%dma_start3A_356, %dma_start3A_357] : memref<2x80xi32, #tpu.memory_space<vmem>> -> memref<1x80xi32, #tpu.memory_space<vmem>>
    %dma_start3A_359 = tpu.memref_squeeze %dma_start3A_358 : memref<1x80xi32, #tpu.memory_space<vmem>> -> memref<80xi32, #tpu.memory_space<vmem>>
    %dma_start3A_360 = arith.constant 0 : i32
    %dma_start3A_361 = arith.constant 0 : i32
    %dma_start3A_362 = tpu.memref_slice %arg19[%dma_start3A_360, %dma_start3A_361] : memref<10240x128xf32, #tpu.memory_space<vmem_shared>> -> memref<10240x128xf32, #tpu.memory_space<vmem_shared>>
    tpu.enqueue_indirect_dma source(%arg17 : memref<80x128xf32, #tpu.memory_space<vmem>>) target(%dma_start3A_362 : memref<10240x128xf32, #tpu.memory_space<vmem_shared>>) offsets(%dma_start3A_359 : memref<80xi32, #tpu.memory_space<vmem>>) semaphore(%arg34 : memref<!tpu.dma_semaphore, #tpu.memory_space<semaphore_mem>>) {add = true}
    %dma_wait3A_363 = arith.constant 1 : i32
    %dma_wait3A_364 = arith.constant 0 : i32
    %dma_wait3A_365 = tpu.memref_slice %arg11[%dma_wait3A_363, %dma_wait3A_364] : memref<2x80xi32, #tpu.memory_space<vmem>> -> memref<1x80xi32, #tpu.memory_space<vmem>>
    %dma_wait3A_366 = tpu.memref_squeeze %dma_wait3A_365 : memref<1x80xi32, #tpu.memory_space<vmem>> -> memref<80xi32, #tpu.memory_space<vmem>>
    %dma_wait3A_367 = arith.constant 0 : i32
    %dma_wait3A_368 = arith.constant 0 : i32
    %dma_wait3A_369 = tpu.memref_slice %arg19[%dma_wait3A_367, %dma_wait3A_368] : memref<10240x128xf32, #tpu.memory_space<vmem_shared>> -> memref<10240x128xf32, #tpu.memory_space<vmem_shared>>
    tpu.wait_indirect_dma semaphore(%arg32 : memref<!tpu.dma_semaphore, #tpu.memory_space<semaphore_mem>>) src(%arg15 : memref<80x128xf32, #tpu.memory_space<vmem>>) dst(%dma_wait3A_369 : memref<10240x128xf32, #tpu.memory_space<vmem_shared>>)
    %dma_wait3A_370 = arith.constant 0 : i32
    %dma_wait3A_371 = arith.constant 0 : i32
    %dma_wait3A_372 = tpu.memref_slice %arg11[%dma_wait3A_370, %dma_wait3A_371] : memref<2x80xi32, #tpu.memory_space<vmem>> -> memref<1x80xi32, #tpu.memory_space<vmem>>
    %dma_wait3A_373 = tpu.memref_squeeze %dma_wait3A_372 : memref<1x80xi32, #tpu.memory_space<vmem>> -> memref<80xi32, #tpu.memory_space<vmem>>
    %dma_wait3A_374 = arith.constant 0 : i32
    %dma_wait3A_375 = tpu.memref_slice %arg2[%dma_wait3A_374] : memref<640000xi32, #tpu.memory_space<hbm>> -> memref<80xi32, #tpu.memory_space<hbm>>
    %dma_wait3A_376 = arith.constant 0 : i32
    %dma_wait3A_377 = tpu.memref_slice %arg11[%dma_wait3A_370, %dma_wait3A_376] : memref<2x80xi32, #tpu.memory_space<vmem>> -> memref<1x80xi32, #tpu.memory_space<vmem>>
    %dma_wait3A_378 = tpu.memref_squeeze %dma_wait3A_377 : memref<1x80xi32, #tpu.memory_space<vmem>> -> memref<80xi32, #tpu.memory_space<vmem>>
    %dma_wait3A_379 = arith.constant 0 : i32
    %dma_wait3A_380 = tpu.memref_slice %arg2[%dma_wait3A_379] : memref<640000xi32, #tpu.memory_space<hbm>> -> memref<80xi32, #tpu.memory_space<hbm>>
    tpu.wait_dma2 semaphore(%arg24 : memref<!tpu.dma_semaphore, #tpu.memory_space<semaphore_mem>>) src(%dma_wait3A_380 : memref<80xi32, #tpu.memory_space<hbm>>) dst(%dma_wait3A_378 : memref<80xi32, #tpu.memory_space<vmem>>)
    %dma_wait3A_381 = arith.constant 1 : i32
    %dma_wait3A_382 = arith.constant 0 : i32
    %dma_wait3A_383 = tpu.memref_slice %arg11[%dma_wait3A_381, %dma_wait3A_382] : memref<2x80xi32, #tpu.memory_space<vmem>> -> memref<1x80xi32, #tpu.memory_space<vmem>>
    %dma_wait3A_384 = tpu.memref_squeeze %dma_wait3A_383 : memref<1x80xi32, #tpu.memory_space<vmem>> -> memref<80xi32, #tpu.memory_space<vmem>>
    %dma_wait3A_385 = arith.constant 0 : i32
    %dma_wait3A_386 = tpu.memref_slice %arg2[%dma_wait3A_385] : memref<640000xi32, #tpu.memory_space<hbm>> -> memref<80xi32, #tpu.memory_space<hbm>>
    %dma_wait3A_387 = arith.constant 0 : i32
    %dma_wait3A_388 = tpu.memref_slice %arg11[%dma_wait3A_381, %dma_wait3A_387] : memref<2x80xi32, #tpu.memory_space<vmem>> -> memref<1x80xi32, #tpu.memory_space<vmem>>
    %dma_wait3A_389 = tpu.memref_squeeze %dma_wait3A_388 : memref<1x80xi32, #tpu.memory_space<vmem>> -> memref<80xi32, #tpu.memory_space<vmem>>
    %dma_wait3A_390 = arith.constant 0 : i32
    %dma_wait3A_391 = tpu.memref_slice %arg2[%dma_wait3A_390] : memref<640000xi32, #tpu.memory_space<hbm>> -> memref<80xi32, #tpu.memory_space<hbm>>
    tpu.wait_dma2 semaphore(%arg24 : memref<!tpu.dma_semaphore, #tpu.memory_space<semaphore_mem>>) src(%dma_wait3A_391 : memref<80xi32, #tpu.memory_space<hbm>>) dst(%dma_wait3A_389 : memref<80xi32, #tpu.memory_space<vmem>>)
    %eq3A_392 = arith.constant 0 : i32
    %eq3A_393 = arith.cmpi eq, %arg0, %eq3A_392 : i32
    %convert_element_type3A_394 = arith.extui %eq3A_393 : i1 to i32
    %cond3A_395 = arith.constant 0 : i32
    %cond3A_396 = arith.cmpi ne, %convert_element_type3A_394, %cond3A_395 : i32
    scf.if %cond3A_396 {
      %dma_start3A_1402 = arith.constant 0 : i32
      %dma_start3A_1403 = arith.constant 0 : i32
      %dma_start3A_1404 = tpu.memref_slice %arg11[%dma_start3A_1402, %dma_start3A_1403] : memref<2x80xi32, #tpu.memory_space<vmem>> -> memref<1x80xi32, #tpu.memory_space<vmem>>
      %dma_start3A_1405 = tpu.memref_squeeze %dma_start3A_1404 : memref<1x80xi32, #tpu.memory_space<vmem>> -> memref<80xi32, #tpu.memory_space<vmem>>
      %dma_start3A_1406 = arith.constant 0 : i32
      %dma_start3A_1407 = arith.constant 0 : i32
      %dma_start3A_1408 = tpu.memref_slice %arg3[%dma_start3A_1406, %dma_start3A_1407] : memref<10240x128xf32, #tpu.memory_space<hbm>> -> memref<10240x128xf32, #tpu.memory_space<hbm>>
      tpu.enqueue_indirect_dma source(%dma_start3A_1408 : memref<10240x128xf32, #tpu.memory_space<hbm>>) target(%arg15 : memref<80x128xf32, #tpu.memory_space<vmem>>) offsets(%dma_start3A_1405 : memref<80xi32, #tpu.memory_space<vmem>>) semaphore(%arg28 : memref<!tpu.dma_semaphore, #tpu.memory_space<semaphore_mem>>)
    } else {
    }
    %eq3A_397 = arith.constant 1 : i32
    %eq3A_398 = arith.cmpi eq, %arg0, %eq3A_397 : i32
    %convert_element_type3A_399 = arith.extui %eq3A_398 : i1 to i32
    %cond3A_400 = arith.constant 0 : i32
    %cond3A_401 = arith.cmpi ne, %convert_element_type3A_399, %cond3A_400 : i32
    scf.if %cond3A_401 {
      %dma_start3A_1402 = arith.constant 0 : i32
      %dma_start3A_1403 = arith.constant 0 : i32
      %dma_start3A_1404 = tpu.memref_slice %arg11[%dma_start3A_1402, %dma_start3A_1403] : memref<2x80xi32, #tpu.memory_space<vmem>> -> memref<1x80xi32, #tpu.memory_space<vmem>>
      %dma_start3A_1405 = tpu.memref_squeeze %dma_start3A_1404 : memref<1x80xi32, #tpu.memory_space<vmem>> -> memref<80xi32, #tpu.memory_space<vmem>>
      %dma_start3A_1406 = arith.constant 0 : i32
      %dma_start3A_1407 = arith.constant 0 : i32
      %dma_start3A_1408 = tpu.memref_slice %arg4[%dma_start3A_1406, %dma_start3A_1407] : memref<10240x128xf32, #tpu.memory_space<hbm>> -> memref<10240x128xf32, #tpu.memory_space<hbm>>
      tpu.enqueue_indirect_dma source(%dma_start3A_1408 : memref<10240x128xf32, #tpu.memory_space<hbm>>) target(%arg15 : memref<80x128xf32, #tpu.memory_space<vmem>>) offsets(%dma_start3A_1405 : memref<80xi32, #tpu.memory_space<vmem>>) semaphore(%arg28 : memref<!tpu.dma_semaphore, #tpu.memory_space<semaphore_mem>>)
    } else {
    }
    %add3A_402 = arith.constant 8 : i32
    %add3A_403 = arith.addi %mul3A_0, %add3A_402 : i32
    %mul3A_404 = arith.constant 80 : i32
    %mul3A_405 = arith.muli %add3A_403, %mul3A_404 : i32
    %dma_start3A_406 = arith.constant 0 : i32
    %dma_start3A_407 = arith.constant 0 : i32
    %dma_start3A_408 = tpu.memref_slice %arg7[%dma_start3A_406, %dma_start3A_407] : memref<2x80xi32, #tpu.memory_space<vmem>> -> memref<1x80xi32, #tpu.memory_space<vmem>>
    %dma_start3A_409 = tpu.memref_squeeze %dma_start3A_408 : memref<1x80xi32, #tpu.memory_space<vmem>> -> memref<80xi32, #tpu.memory_space<vmem>>
    %dma_start3A_410 = tpu.memref_slice %arg2[%mul3A_405] : memref<640000xi32, #tpu.memory_space<hbm>> -> memref<80xi32, #tpu.memory_space<hbm>>
    %dma_start3A_411 = arith.constant 0 : i32
    %dma_start3A_412 = tpu.memref_slice %arg7[%dma_start3A_406, %dma_start3A_411] : memref<2x80xi32, #tpu.memory_space<vmem>> -> memref<1x80xi32, #tpu.memory_space<vmem>>
    %dma_start3A_413 = tpu.memref_squeeze %dma_start3A_412 : memref<1x80xi32, #tpu.memory_space<vmem>> -> memref<80xi32, #tpu.memory_space<vmem>>
    %dma_start3A_414 = tpu.memref_slice %arg2[%mul3A_405] : memref<640000xi32, #tpu.memory_space<hbm>> -> memref<80xi32, #tpu.memory_space<hbm>>
    tpu.enqueue_dma source(%dma_start3A_414 : memref<80xi32, #tpu.memory_space<hbm>>) target(%dma_start3A_413 : memref<80xi32, #tpu.memory_space<vmem>>) target_semaphore(%arg20 : memref<!tpu.dma_semaphore, #tpu.memory_space<semaphore_mem>>)
    %add3A_415 = arith.constant 320000 : i32
    %add3A_416 = arith.addi %add3A_415, %mul3A_405 : i32
    %dma_start3A_417 = arith.constant 1 : i32
    %dma_start3A_418 = arith.constant 0 : i32
    %dma_start3A_419 = tpu.memref_slice %arg7[%dma_start3A_417, %dma_start3A_418] : memref<2x80xi32, #tpu.memory_space<vmem>> -> memref<1x80xi32, #tpu.memory_space<vmem>>
    %dma_start3A_420 = tpu.memref_squeeze %dma_start3A_419 : memref<1x80xi32, #tpu.memory_space<vmem>> -> memref<80xi32, #tpu.memory_space<vmem>>
    %dma_start3A_421 = tpu.memref_slice %arg2[%add3A_416] : memref<640000xi32, #tpu.memory_space<hbm>> -> memref<80xi32, #tpu.memory_space<hbm>>
    %dma_start3A_422 = arith.constant 0 : i32
    %dma_start3A_423 = tpu.memref_slice %arg7[%dma_start3A_417, %dma_start3A_422] : memref<2x80xi32, #tpu.memory_space<vmem>> -> memref<1x80xi32, #tpu.memory_space<vmem>>
    %dma_start3A_424 = tpu.memref_squeeze %dma_start3A_423 : memref<1x80xi32, #tpu.memory_space<vmem>> -> memref<80xi32, #tpu.memory_space<vmem>>
    %dma_start3A_425 = tpu.memref_slice %arg2[%add3A_416] : memref<640000xi32, #tpu.memory_space<hbm>> -> memref<80xi32, #tpu.memory_space<hbm>>
    tpu.enqueue_dma source(%dma_start3A_425 : memref<80xi32, #tpu.memory_space<hbm>>) target(%dma_start3A_424 : memref<80xi32, #tpu.memory_space<vmem>>) target_semaphore(%arg20 : memref<!tpu.dma_semaphore, #tpu.memory_space<semaphore_mem>>)
    %dma_wait3A_426 = arith.constant 0 : i32
    %dma_wait3A_427 = arith.constant 0 : i32
    %dma_wait3A_428 = tpu.memref_slice %arg7[%dma_wait3A_426, %dma_wait3A_427] : memref<2x80xi32, #tpu.memory_space<vmem>> -> memref<1x80xi32, #tpu.memory_space<vmem>>
    %dma_wait3A_429 = tpu.memref_squeeze %dma_wait3A_428 : memref<1x80xi32, #tpu.memory_space<vmem>> -> memref<80xi32, #tpu.memory_space<vmem>>
    %dma_wait3A_430 = arith.constant 0 : i32
    %dma_wait3A_431 = arith.constant 0 : i32
    %dma_wait3A_432 = tpu.memref_slice %arg3[%dma_wait3A_430, %dma_wait3A_431] : memref<10240x128xf32, #tpu.memory_space<hbm>> -> memref<10240x128xf32, #tpu.memory_space<hbm>>
    tpu.wait_indirect_dma semaphore(%arg31 : memref<!tpu.dma_semaphore, #tpu.memory_space<semaphore_mem>>) src(%dma_wait3A_432 : memref<10240x128xf32, #tpu.memory_space<hbm>>) dst(%arg18 : memref<80x128xf32, #tpu.memory_space<vmem>>)
    %dma_start3A_433 = arith.constant 1 : i32
    %dma_start3A_434 = arith.constant 0 : i32
    %dma_start3A_435 = tpu.memref_slice %arg10[%dma_start3A_433, %dma_start3A_434] : memref<2x80xi32, #tpu.memory_space<vmem>> -> memref<1x80xi32, #tpu.memory_space<vmem>>
    %dma_start3A_436 = tpu.memref_squeeze %dma_start3A_435 : memref<1x80xi32, #tpu.memory_space<vmem>> -> memref<80xi32, #tpu.memory_space<vmem>>
    %dma_start3A_437 = arith.constant 0 : i32
    %dma_start3A_438 = arith.constant 0 : i32
    %dma_start3A_439 = tpu.memref_slice %arg19[%dma_start3A_437, %dma_start3A_438] : memref<10240x128xf32, #tpu.memory_space<vmem_shared>> -> memref<10240x128xf32, #tpu.memory_space<vmem_shared>>
    tpu.enqueue_indirect_dma source(%arg18 : memref<80x128xf32, #tpu.memory_space<vmem>>) target(%dma_start3A_439 : memref<10240x128xf32, #tpu.memory_space<vmem_shared>>) offsets(%dma_start3A_436 : memref<80xi32, #tpu.memory_space<vmem>>) semaphore(%arg35 : memref<!tpu.dma_semaphore, #tpu.memory_space<semaphore_mem>>) {add = true}
    %dma_wait3A_440 = arith.constant 1 : i32
    %dma_wait3A_441 = arith.constant 0 : i32
    %dma_wait3A_442 = tpu.memref_slice %arg12[%dma_wait3A_440, %dma_wait3A_441] : memref<2x80xi32, #tpu.memory_space<vmem>> -> memref<1x80xi32, #tpu.memory_space<vmem>>
    %dma_wait3A_443 = tpu.memref_squeeze %dma_wait3A_442 : memref<1x80xi32, #tpu.memory_space<vmem>> -> memref<80xi32, #tpu.memory_space<vmem>>
    %dma_wait3A_444 = arith.constant 0 : i32
    %dma_wait3A_445 = arith.constant 0 : i32
    %dma_wait3A_446 = tpu.memref_slice %arg19[%dma_wait3A_444, %dma_wait3A_445] : memref<10240x128xf32, #tpu.memory_space<vmem_shared>> -> memref<10240x128xf32, #tpu.memory_space<vmem_shared>>
    tpu.wait_indirect_dma semaphore(%arg33 : memref<!tpu.dma_semaphore, #tpu.memory_space<semaphore_mem>>) src(%arg16 : memref<80x128xf32, #tpu.memory_space<vmem>>) dst(%dma_wait3A_446 : memref<10240x128xf32, #tpu.memory_space<vmem_shared>>)
    %dma_wait3A_447 = arith.constant 0 : i32
    %dma_wait3A_448 = arith.constant 0 : i32
    %dma_wait3A_449 = tpu.memref_slice %arg12[%dma_wait3A_447, %dma_wait3A_448] : memref<2x80xi32, #tpu.memory_space<vmem>> -> memref<1x80xi32, #tpu.memory_space<vmem>>
    %dma_wait3A_450 = tpu.memref_squeeze %dma_wait3A_449 : memref<1x80xi32, #tpu.memory_space<vmem>> -> memref<80xi32, #tpu.memory_space<vmem>>
    %dma_wait3A_451 = arith.constant 0 : i32
    %dma_wait3A_452 = tpu.memref_slice %arg2[%dma_wait3A_451] : memref<640000xi32, #tpu.memory_space<hbm>> -> memref<80xi32, #tpu.memory_space<hbm>>
    %dma_wait3A_453 = arith.constant 0 : i32
    %dma_wait3A_454 = tpu.memref_slice %arg12[%dma_wait3A_447, %dma_wait3A_453] : memref<2x80xi32, #tpu.memory_space<vmem>> -> memref<1x80xi32, #tpu.memory_space<vmem>>
    %dma_wait3A_455 = tpu.memref_squeeze %dma_wait3A_454 : memref<1x80xi32, #tpu.memory_space<vmem>> -> memref<80xi32, #tpu.memory_space<vmem>>
    %dma_wait3A_456 = arith.constant 0 : i32
    %dma_wait3A_457 = tpu.memref_slice %arg2[%dma_wait3A_456] : memref<640000xi32, #tpu.memory_space<hbm>> -> memref<80xi32, #tpu.memory_space<hbm>>
    tpu.wait_dma2 semaphore(%arg25 : memref<!tpu.dma_semaphore, #tpu.memory_space<semaphore_mem>>) src(%dma_wait3A_457 : memref<80xi32, #tpu.memory_space<hbm>>) dst(%dma_wait3A_455 : memref<80xi32, #tpu.memory_space<vmem>>)
    %dma_wait3A_458 = arith.constant 1 : i32
    %dma_wait3A_459 = arith.constant 0 : i32
    %dma_wait3A_460 = tpu.memref_slice %arg12[%dma_wait3A_458, %dma_wait3A_459] : memref<2x80xi32, #tpu.memory_space<vmem>> -> memref<1x80xi32, #tpu.memory_space<vmem>>
    %dma_wait3A_461 = tpu.memref_squeeze %dma_wait3A_460 : memref<1x80xi32, #tpu.memory_space<vmem>> -> memref<80xi32, #tpu.memory_space<vmem>>
    %dma_wait3A_462 = arith.constant 0 : i32
    %dma_wait3A_463 = tpu.memref_slice %arg2[%dma_wait3A_462] : memref<640000xi32, #tpu.memory_space<hbm>> -> memref<80xi32, #tpu.memory_space<hbm>>
    %dma_wait3A_464 = arith.constant 0 : i32
    %dma_wait3A_465 = tpu.memref_slice %arg12[%dma_wait3A_458, %dma_wait3A_464] : memref<2x80xi32, #tpu.memory_space<vmem>> -> memref<1x80xi32, #tpu.memory_space<vmem>>
    %dma_wait3A_466 = tpu.memref_squeeze %dma_wait3A_465 : memref<1x80xi32, #tpu.memory_space<vmem>> -> memref<80xi32, #tpu.memory_space<vmem>>
    %dma_wait3A_467 = arith.constant 0 : i32
    %dma_wait3A_468 = tpu.memref_slice %arg2[%dma_wait3A_467] : memref<640000xi32, #tpu.memory_space<hbm>> -> memref<80xi32, #tpu.memory_space<hbm>>
    tpu.wait_dma2 semaphore(%arg25 : memref<!tpu.dma_semaphore, #tpu.memory_space<semaphore_mem>>) src(%dma_wait3A_468 : memref<80xi32, #tpu.memory_space<hbm>>) dst(%dma_wait3A_466 : memref<80xi32, #tpu.memory_space<vmem>>)
    %eq3A_469 = arith.constant 0 : i32
    %eq3A_470 = arith.cmpi eq, %arg0, %eq3A_469 : i32
    %convert_element_type3A_471 = arith.extui %eq3A_470 : i1 to i32
    %cond3A_472 = arith.constant 0 : i32
    %cond3A_473 = arith.cmpi ne, %convert_element_type3A_471, %cond3A_472 : i32
    scf.if %cond3A_473 {
      %dma_start3A_1402 = arith.constant 0 : i32
      %dma_start3A_1403 = arith.constant 0 : i32
      %dma_start3A_1404 = tpu.memref_slice %arg12[%dma_start3A_1402, %dma_start3A_1403] : memref<2x80xi32, #tpu.memory_space<vmem>> -> memref<1x80xi32, #tpu.memory_space<vmem>>
      %dma_start3A_1405 = tpu.memref_squeeze %dma_start3A_1404 : memref<1x80xi32, #tpu.memory_space<vmem>> -> memref<80xi32, #tpu.memory_space<vmem>>
      %dma_start3A_1406 = arith.constant 0 : i32
      %dma_start3A_1407 = arith.constant 0 : i32
      %dma_start3A_1408 = tpu.memref_slice %arg3[%dma_start3A_1406, %dma_start3A_1407] : memref<10240x128xf32, #tpu.memory_space<hbm>> -> memref<10240x128xf32, #tpu.memory_space<hbm>>
      tpu.enqueue_indirect_dma source(%dma_start3A_1408 : memref<10240x128xf32, #tpu.memory_space<hbm>>) target(%arg16 : memref<80x128xf32, #tpu.memory_space<vmem>>) offsets(%dma_start3A_1405 : memref<80xi32, #tpu.memory_space<vmem>>) semaphore(%arg29 : memref<!tpu.dma_semaphore, #tpu.memory_space<semaphore_mem>>)
    } else {
    }
    %eq3A_474 = arith.constant 1 : i32
    %eq3A_475 = arith.cmpi eq, %arg0, %eq3A_474 : i32
    %convert_element_type3A_476 = arith.extui %eq3A_475 : i1 to i32
    %cond3A_477 = arith.constant 0 : i32
    %cond3A_478 = arith.cmpi ne, %convert_element_type3A_476, %cond3A_477 : i32
    scf.if %cond3A_478 {
      %dma_start3A_1402 = arith.constant 0 : i32
      %dma_start3A_1403 = arith.constant 0 : i32
      %dma_start3A_1404 = tpu.memref_slice %arg12[%dma_start3A_1402, %dma_start3A_1403] : memref<2x80xi32, #tpu.memory_space<vmem>> -> memref<1x80xi32, #tpu.memory_space<vmem>>
      %dma_start3A_1405 = tpu.memref_squeeze %dma_start3A_1404 : memref<1x80xi32, #tpu.memory_space<vmem>> -> memref<80xi32, #tpu.memory_space<vmem>>
      %dma_start3A_1406 = arith.constant 0 : i32
      %dma_start3A_1407 = arith.constant 0 : i32
      %dma_start3A_1408 = tpu.memref_slice %arg4[%dma_start3A_1406, %dma_start3A_1407] : memref<10240x128xf32, #tpu.memory_space<hbm>> -> memref<10240x128xf32, #tpu.memory_space<hbm>>
      tpu.enqueue_indirect_dma source(%dma_start3A_1408 : memref<10240x128xf32, #tpu.memory_space<hbm>>) target(%arg16 : memref<80x128xf32, #tpu.memory_space<vmem>>) offsets(%dma_start3A_1405 : memref<80xi32, #tpu.memory_space<vmem>>) semaphore(%arg29 : memref<!tpu.dma_semaphore, #tpu.memory_space<semaphore_mem>>)
    } else {
    }
    %add3A_479 = arith.constant 9 : i32
    %add3A_480 = arith.addi %mul3A_0, %add3A_479 : i32
    %mul3A_481 = arith.constant 80 : i32
    %mul3A_482 = arith.muli %add3A_480, %mul3A_481 : i32
    %dma_start3A_483 = arith.constant 0 : i32
    %dma_start3A_484 = arith.constant 0 : i32
    %dma_start3A_485 = tpu.memref_slice %arg8[%dma_start3A_483, %dma_start3A_484] : memref<2x80xi32, #tpu.memory_space<vmem>> -> memref<1x80xi32, #tpu.memory_space<vmem>>
    %dma_start3A_486 = tpu.memref_squeeze %dma_start3A_485 : memref<1x80xi32, #tpu.memory_space<vmem>> -> memref<80xi32, #tpu.memory_space<vmem>>
    %dma_start3A_487 = tpu.memref_slice %arg2[%mul3A_482] : memref<640000xi32, #tpu.memory_space<hbm>> -> memref<80xi32, #tpu.memory_space<hbm>>
    %dma_start3A_488 = arith.constant 0 : i32
    %dma_start3A_489 = tpu.memref_slice %arg8[%dma_start3A_483, %dma_start3A_488] : memref<2x80xi32, #tpu.memory_space<vmem>> -> memref<1x80xi32, #tpu.memory_space<vmem>>
    %dma_start3A_490 = tpu.memref_squeeze %dma_start3A_489 : memref<1x80xi32, #tpu.memory_space<vmem>> -> memref<80xi32, #tpu.memory_space<vmem>>
    %dma_start3A_491 = tpu.memref_slice %arg2[%mul3A_482] : memref<640000xi32, #tpu.memory_space<hbm>> -> memref<80xi32, #tpu.memory_space<hbm>>
    tpu.enqueue_dma source(%dma_start3A_491 : memref<80xi32, #tpu.memory_space<hbm>>) target(%dma_start3A_490 : memref<80xi32, #tpu.memory_space<vmem>>) target_semaphore(%arg21 : memref<!tpu.dma_semaphore, #tpu.memory_space<semaphore_mem>>)
    %add3A_492 = arith.constant 320000 : i32
    %add3A_493 = arith.addi %add3A_492, %mul3A_482 : i32
    %dma_start3A_494 = arith.constant 1 : i32
    %dma_start3A_495 = arith.constant 0 : i32
    %dma_start3A_496 = tpu.memref_slice %arg8[%dma_start3A_494, %dma_start3A_495] : memref<2x80xi32, #tpu.memory_space<vmem>> -> memref<1x80xi32, #tpu.memory_space<vmem>>
    %dma_start3A_497 = tpu.memref_squeeze %dma_start3A_496 : memref<1x80xi32, #tpu.memory_space<vmem>> -> memref<80xi32, #tpu.memory_space<vmem>>
    %dma_start3A_498 = tpu.memref_slice %arg2[%add3A_493] : memref<640000xi32, #tpu.memory_space<hbm>> -> memref<80xi32, #tpu.memory_space<hbm>>
    %dma_start3A_499 = arith.constant 0 : i32
    %dma_start3A_500 = tpu.memref_slice %arg8[%dma_start3A_494, %dma_start3A_499] : memref<2x80xi32, #tpu.memory_space<vmem>> -> memref<1x80xi32, #tpu.memory_space<vmem>>
    %dma_start3A_501 = tpu.memref_squeeze %dma_start3A_500 : memref<1x80xi32, #tpu.memory_space<vmem>> -> memref<80xi32, #tpu.memory_space<vmem>>
    %dma_start3A_502 = tpu.memref_slice %arg2[%add3A_493] : memref<640000xi32, #tpu.memory_space<hbm>> -> memref<80xi32, #tpu.memory_space<hbm>>
    tpu.enqueue_dma source(%dma_start3A_502 : memref<80xi32, #tpu.memory_space<hbm>>) target(%dma_start3A_501 : memref<80xi32, #tpu.memory_space<vmem>>) target_semaphore(%arg21 : memref<!tpu.dma_semaphore, #tpu.memory_space<semaphore_mem>>)
    %dma_wait3A_503 = arith.constant 0 : i32
    %dma_wait3A_504 = arith.constant 0 : i32
    %dma_wait3A_505 = tpu.memref_slice %arg7[%dma_wait3A_503, %dma_wait3A_504] : memref<2x80xi32, #tpu.memory_space<vmem>> -> memref<1x80xi32, #tpu.memory_space<vmem>>
    %dma_wait3A_506 = tpu.memref_squeeze %dma_wait3A_505 : memref<1x80xi32, #tpu.memory_space<vmem>> -> memref<80xi32, #tpu.memory_space<vmem>>
    %dma_wait3A_507 = arith.constant 0 : i32
    %dma_wait3A_508 = arith.constant 0 : i32
    %dma_wait3A_509 = tpu.memref_slice %arg3[%dma_wait3A_507, %dma_wait3A_508] : memref<10240x128xf32, #tpu.memory_space<hbm>> -> memref<10240x128xf32, #tpu.memory_space<hbm>>
    tpu.wait_indirect_dma semaphore(%arg28 : memref<!tpu.dma_semaphore, #tpu.memory_space<semaphore_mem>>) src(%dma_wait3A_509 : memref<10240x128xf32, #tpu.memory_space<hbm>>) dst(%arg15 : memref<80x128xf32, #tpu.memory_space<vmem>>)
    %dma_start3A_510 = arith.constant 1 : i32
    %dma_start3A_511 = arith.constant 0 : i32
    %dma_start3A_512 = tpu.memref_slice %arg11[%dma_start3A_510, %dma_start3A_511] : memref<2x80xi32, #tpu.memory_space<vmem>> -> memref<1x80xi32, #tpu.memory_space<vmem>>
    %dma_start3A_513 = tpu.memref_squeeze %dma_start3A_512 : memref<1x80xi32, #tpu.memory_space<vmem>> -> memref<80xi32, #tpu.memory_space<vmem>>
    %dma_start3A_514 = arith.constant 0 : i32
    %dma_start3A_515 = arith.constant 0 : i32
    %dma_start3A_516 = tpu.memref_slice %arg19[%dma_start3A_514, %dma_start3A_515] : memref<10240x128xf32, #tpu.memory_space<vmem_shared>> -> memref<10240x128xf32, #tpu.memory_space<vmem_shared>>
    tpu.enqueue_indirect_dma source(%arg15 : memref<80x128xf32, #tpu.memory_space<vmem>>) target(%dma_start3A_516 : memref<10240x128xf32, #tpu.memory_space<vmem_shared>>) offsets(%dma_start3A_513 : memref<80xi32, #tpu.memory_space<vmem>>) semaphore(%arg32 : memref<!tpu.dma_semaphore, #tpu.memory_space<semaphore_mem>>) {add = true}
    %dma_wait3A_517 = arith.constant 1 : i32
    %dma_wait3A_518 = arith.constant 0 : i32
    %dma_wait3A_519 = tpu.memref_slice %arg13[%dma_wait3A_517, %dma_wait3A_518] : memref<2x80xi32, #tpu.memory_space<vmem>> -> memref<1x80xi32, #tpu.memory_space<vmem>>
    %dma_wait3A_520 = tpu.memref_squeeze %dma_wait3A_519 : memref<1x80xi32, #tpu.memory_space<vmem>> -> memref<80xi32, #tpu.memory_space<vmem>>
    %dma_wait3A_521 = arith.constant 0 : i32
    %dma_wait3A_522 = arith.constant 0 : i32
    %dma_wait3A_523 = tpu.memref_slice %arg19[%dma_wait3A_521, %dma_wait3A_522] : memref<10240x128xf32, #tpu.memory_space<vmem_shared>> -> memref<10240x128xf32, #tpu.memory_space<vmem_shared>>
    tpu.wait_indirect_dma semaphore(%arg34 : memref<!tpu.dma_semaphore, #tpu.memory_space<semaphore_mem>>) src(%arg17 : memref<80x128xf32, #tpu.memory_space<vmem>>) dst(%dma_wait3A_523 : memref<10240x128xf32, #tpu.memory_space<vmem_shared>>)
    %dma_wait3A_524 = arith.constant 0 : i32
    %dma_wait3A_525 = arith.constant 0 : i32
    %dma_wait3A_526 = tpu.memref_slice %arg13[%dma_wait3A_524, %dma_wait3A_525] : memref<2x80xi32, #tpu.memory_space<vmem>> -> memref<1x80xi32, #tpu.memory_space<vmem>>
    %dma_wait3A_527 = tpu.memref_squeeze %dma_wait3A_526 : memref<1x80xi32, #tpu.memory_space<vmem>> -> memref<80xi32, #tpu.memory_space<vmem>>
    %dma_wait3A_528 = arith.constant 0 : i32
    %dma_wait3A_529 = tpu.memref_slice %arg2[%dma_wait3A_528] : memref<640000xi32, #tpu.memory_space<hbm>> -> memref<80xi32, #tpu.memory_space<hbm>>
    %dma_wait3A_530 = arith.constant 0 : i32
    %dma_wait3A_531 = tpu.memref_slice %arg13[%dma_wait3A_524, %dma_wait3A_530] : memref<2x80xi32, #tpu.memory_space<vmem>> -> memref<1x80xi32, #tpu.memory_space<vmem>>
    %dma_wait3A_532 = tpu.memref_squeeze %dma_wait3A_531 : memref<1x80xi32, #tpu.memory_space<vmem>> -> memref<80xi32, #tpu.memory_space<vmem>>
    %dma_wait3A_533 = arith.constant 0 : i32
    %dma_wait3A_534 = tpu.memref_slice %arg2[%dma_wait3A_533] : memref<640000xi32, #tpu.memory_space<hbm>> -> memref<80xi32, #tpu.memory_space<hbm>>
    tpu.wait_dma2 semaphore(%arg26 : memref<!tpu.dma_semaphore, #tpu.memory_space<semaphore_mem>>) src(%dma_wait3A_534 : memref<80xi32, #tpu.memory_space<hbm>>) dst(%dma_wait3A_532 : memref<80xi32, #tpu.memory_space<vmem>>)
    %dma_wait3A_535 = arith.constant 1 : i32
    %dma_wait3A_536 = arith.constant 0 : i32
    %dma_wait3A_537 = tpu.memref_slice %arg13[%dma_wait3A_535, %dma_wait3A_536] : memref<2x80xi32, #tpu.memory_space<vmem>> -> memref<1x80xi32, #tpu.memory_space<vmem>>
    %dma_wait3A_538 = tpu.memref_squeeze %dma_wait3A_537 : memref<1x80xi32, #tpu.memory_space<vmem>> -> memref<80xi32, #tpu.memory_space<vmem>>
    %dma_wait3A_539 = arith.constant 0 : i32
    %dma_wait3A_540 = tpu.memref_slice %arg2[%dma_wait3A_539] : memref<640000xi32, #tpu.memory_space<hbm>> -> memref<80xi32, #tpu.memory_space<hbm>>
    %dma_wait3A_541 = arith.constant 0 : i32
    %dma_wait3A_542 = tpu.memref_slice %arg13[%dma_wait3A_535, %dma_wait3A_541] : memref<2x80xi32, #tpu.memory_space<vmem>> -> memref<1x80xi32, #tpu.memory_space<vmem>>
    %dma_wait3A_543 = tpu.memref_squeeze %dma_wait3A_542 : memref<1x80xi32, #tpu.memory_space<vmem>> -> memref<80xi32, #tpu.memory_space<vmem>>
    %dma_wait3A_544 = arith.constant 0 : i32
    %dma_wait3A_545 = tpu.memref_slice %arg2[%dma_wait3A_544] : memref<640000xi32, #tpu.memory_space<hbm>> -> memref<80xi32, #tpu.memory_space<hbm>>
    tpu.wait_dma2 semaphore(%arg26 : memref<!tpu.dma_semaphore, #tpu.memory_space<semaphore_mem>>) src(%dma_wait3A_545 : memref<80xi32, #tpu.memory_space<hbm>>) dst(%dma_wait3A_543 : memref<80xi32, #tpu.memory_space<vmem>>)
    %eq3A_546 = arith.constant 0 : i32
    %eq3A_547 = arith.cmpi eq, %arg0, %eq3A_546 : i32
    %convert_element_type3A_548 = arith.extui %eq3A_547 : i1 to i32
    %cond3A_549 = arith.constant 0 : i32
    %cond3A_550 = arith.cmpi ne, %convert_element_type3A_548, %cond3A_549 : i32
    scf.if %cond3A_550 {
      %dma_start3A_1402 = arith.constant 0 : i32
      %dma_start3A_1403 = arith.constant 0 : i32
      %dma_start3A_1404 = tpu.memref_slice %arg13[%dma_start3A_1402, %dma_start3A_1403] : memref<2x80xi32, #tpu.memory_space<vmem>> -> memref<1x80xi32, #tpu.memory_space<vmem>>
      %dma_start3A_1405 = tpu.memref_squeeze %dma_start3A_1404 : memref<1x80xi32, #tpu.memory_space<vmem>> -> memref<80xi32, #tpu.memory_space<vmem>>
      %dma_start3A_1406 = arith.constant 0 : i32
      %dma_start3A_1407 = arith.constant 0 : i32
      %dma_start3A_1408 = tpu.memref_slice %arg3[%dma_start3A_1406, %dma_start3A_1407] : memref<10240x128xf32, #tpu.memory_space<hbm>> -> memref<10240x128xf32, #tpu.memory_space<hbm>>
      tpu.enqueue_indirect_dma source(%dma_start3A_1408 : memref<10240x128xf32, #tpu.memory_space<hbm>>) target(%arg17 : memref<80x128xf32, #tpu.memory_space<vmem>>) offsets(%dma_start3A_1405 : memref<80xi32, #tpu.memory_space<vmem>>) semaphore(%arg30 : memref<!tpu.dma_semaphore, #tpu.memory_space<semaphore_mem>>)
    } else {
    }
    %eq3A_551 = arith.constant 1 : i32
    %eq3A_552 = arith.cmpi eq, %arg0, %eq3A_551 : i32
    %convert_element_type3A_553 = arith.extui %eq3A_552 : i1 to i32
    %cond3A_554 = arith.constant 0 : i32
    %cond3A_555 = arith.cmpi ne, %convert_element_type3A_553, %cond3A_554 : i32
    scf.if %cond3A_555 {
      %dma_start3A_1402 = arith.constant 0 : i32
      %dma_start3A_1403 = arith.constant 0 : i32
      %dma_start3A_1404 = tpu.memref_slice %arg13[%dma_start3A_1402, %dma_start3A_1403] : memref<2x80xi32, #tpu.memory_space<vmem>> -> memref<1x80xi32, #tpu.memory_space<vmem>>
      %dma_start3A_1405 = tpu.memref_squeeze %dma_start3A_1404 : memref<1x80xi32, #tpu.memory_space<vmem>> -> memref<80xi32, #tpu.memory_space<vmem>>
      %dma_start3A_1406 = arith.constant 0 : i32
      %dma_start3A_1407 = arith.constant 0 : i32
      %dma_start3A_1408 = tpu.memref_slice %arg4[%dma_start3A_1406, %dma_start3A_1407] : memref<10240x128xf32, #tpu.memory_space<hbm>> -> memref<10240x128xf32, #tpu.memory_space<hbm>>
      tpu.enqueue_indirect_dma source(%dma_start3A_1408 : memref<10240x128xf32, #tpu.memory_space<hbm>>) target(%arg17 : memref<80x128xf32, #tpu.memory_space<vmem>>) offsets(%dma_start3A_1405 : memref<80xi32, #tpu.memory_space<vmem>>) semaphore(%arg30 : memref<!tpu.dma_semaphore, #tpu.memory_space<semaphore_mem>>)
    } else {
    }
    %add3A_556 = arith.constant 10 : i32
    %add3A_557 = arith.addi %mul3A_0, %add3A_556 : i32
    %mul3A_558 = arith.constant 80 : i32
    %mul3A_559 = arith.muli %add3A_557, %mul3A_558 : i32
    %dma_start3A_560 = arith.constant 0 : i32
    %dma_start3A_561 = arith.constant 0 : i32
    %dma_start3A_562 = tpu.memref_slice %arg9[%dma_start3A_560, %dma_start3A_561] : memref<2x80xi32, #tpu.memory_space<vmem>> -> memref<1x80xi32, #tpu.memory_space<vmem>>
    %dma_start3A_563 = tpu.memref_squeeze %dma_start3A_562 : memref<1x80xi32, #tpu.memory_space<vmem>> -> memref<80xi32, #tpu.memory_space<vmem>>
    %dma_start3A_564 = tpu.memref_slice %arg2[%mul3A_559] : memref<640000xi32, #tpu.memory_space<hbm>> -> memref<80xi32, #tpu.memory_space<hbm>>
    %dma_start3A_565 = arith.constant 0 : i32
    %dma_start3A_566 = tpu.memref_slice %arg9[%dma_start3A_560, %dma_start3A_565] : memref<2x80xi32, #tpu.memory_space<vmem>> -> memref<1x80xi32, #tpu.memory_space<vmem>>
    %dma_start3A_567 = tpu.memref_squeeze %dma_start3A_566 : memref<1x80xi32, #tpu.memory_space<vmem>> -> memref<80xi32, #tpu.memory_space<vmem>>
    %dma_start3A_568 = tpu.memref_slice %arg2[%mul3A_559] : memref<640000xi32, #tpu.memory_space<hbm>> -> memref<80xi32, #tpu.memory_space<hbm>>
    tpu.enqueue_dma source(%dma_start3A_568 : memref<80xi32, #tpu.memory_space<hbm>>) target(%dma_start3A_567 : memref<80xi32, #tpu.memory_space<vmem>>) target_semaphore(%arg22 : memref<!tpu.dma_semaphore, #tpu.memory_space<semaphore_mem>>)
    %add3A_569 = arith.constant 320000 : i32
    %add3A_570 = arith.addi %add3A_569, %mul3A_559 : i32
    %dma_start3A_571 = arith.constant 1 : i32
    %dma_start3A_572 = arith.constant 0 : i32
    %dma_start3A_573 = tpu.memref_slice %arg9[%dma_start3A_571, %dma_start3A_572] : memref<2x80xi32, #tpu.memory_space<vmem>> -> memref<1x80xi32, #tpu.memory_space<vmem>>
    %dma_start3A_574 = tpu.memref_squeeze %dma_start3A_573 : memref<1x80xi32, #tpu.memory_space<vmem>> -> memref<80xi32, #tpu.memory_space<vmem>>
    %dma_start3A_575 = tpu.memref_slice %arg2[%add3A_570] : memref<640000xi32, #tpu.memory_space<hbm>> -> memref<80xi32, #tpu.memory_space<hbm>>
    %dma_start3A_576 = arith.constant 0 : i32
    %dma_start3A_577 = tpu.memref_slice %arg9[%dma_start3A_571, %dma_start3A_576] : memref<2x80xi32, #tpu.memory_space<vmem>> -> memref<1x80xi32, #tpu.memory_space<vmem>>
    %dma_start3A_578 = tpu.memref_squeeze %dma_start3A_577 : memref<1x80xi32, #tpu.memory_space<vmem>> -> memref<80xi32, #tpu.memory_space<vmem>>
    %dma_start3A_579 = tpu.memref_slice %arg2[%add3A_570] : memref<640000xi32, #tpu.memory_space<hbm>> -> memref<80xi32, #tpu.memory_space<hbm>>
    tpu.enqueue_dma source(%dma_start3A_579 : memref<80xi32, #tpu.memory_space<hbm>>) target(%dma_start3A_578 : memref<80xi32, #tpu.memory_space<vmem>>) target_semaphore(%arg22 : memref<!tpu.dma_semaphore, #tpu.memory_space<semaphore_mem>>)
    %dma_wait3A_580 = arith.constant 0 : i32
    %dma_wait3A_581 = arith.constant 0 : i32
    %dma_wait3A_582 = tpu.memref_slice %arg7[%dma_wait3A_580, %dma_wait3A_581] : memref<2x80xi32, #tpu.memory_space<vmem>> -> memref<1x80xi32, #tpu.memory_space<vmem>>
    %dma_wait3A_583 = tpu.memref_squeeze %dma_wait3A_582 : memref<1x80xi32, #tpu.memory_space<vmem>> -> memref<80xi32, #tpu.memory_space<vmem>>
    %dma_wait3A_584 = arith.constant 0 : i32
    %dma_wait3A_585 = arith.constant 0 : i32
    %dma_wait3A_586 = tpu.memref_slice %arg3[%dma_wait3A_584, %dma_wait3A_585] : memref<10240x128xf32, #tpu.memory_space<hbm>> -> memref<10240x128xf32, #tpu.memory_space<hbm>>
    tpu.wait_indirect_dma semaphore(%arg29 : memref<!tpu.dma_semaphore, #tpu.memory_space<semaphore_mem>>) src(%dma_wait3A_586 : memref<10240x128xf32, #tpu.memory_space<hbm>>) dst(%arg16 : memref<80x128xf32, #tpu.memory_space<vmem>>)
    %dma_start3A_587 = arith.constant 1 : i32
    %dma_start3A_588 = arith.constant 0 : i32
    %dma_start3A_589 = tpu.memref_slice %arg12[%dma_start3A_587, %dma_start3A_588] : memref<2x80xi32, #tpu.memory_space<vmem>> -> memref<1x80xi32, #tpu.memory_space<vmem>>
    %dma_start3A_590 = tpu.memref_squeeze %dma_start3A_589 : memref<1x80xi32, #tpu.memory_space<vmem>> -> memref<80xi32, #tpu.memory_space<vmem>>
    %dma_start3A_591 = arith.constant 0 : i32
    %dma_start3A_592 = arith.constant 0 : i32
    %dma_start3A_593 = tpu.memref_slice %arg19[%dma_start3A_591, %dma_start3A_592] : memref<10240x128xf32, #tpu.memory_space<vmem_shared>> -> memref<10240x128xf32, #tpu.memory_space<vmem_shared>>
    tpu.enqueue_indirect_dma source(%arg16 : memref<80x128xf32, #tpu.memory_space<vmem>>) target(%dma_start3A_593 : memref<10240x128xf32, #tpu.memory_space<vmem_shared>>) offsets(%dma_start3A_590 : memref<80xi32, #tpu.memory_space<vmem>>) semaphore(%arg33 : memref<!tpu.dma_semaphore, #tpu.memory_space<semaphore_mem>>) {add = true}
    %dma_wait3A_594 = arith.constant 1 : i32
    %dma_wait3A_595 = arith.constant 0 : i32
    %dma_wait3A_596 = tpu.memref_slice %arg14[%dma_wait3A_594, %dma_wait3A_595] : memref<2x80xi32, #tpu.memory_space<vmem>> -> memref<1x80xi32, #tpu.memory_space<vmem>>
    %dma_wait3A_597 = tpu.memref_squeeze %dma_wait3A_596 : memref<1x80xi32, #tpu.memory_space<vmem>> -> memref<80xi32, #tpu.memory_space<vmem>>
    %dma_wait3A_598 = arith.constant 0 : i32
    %dma_wait3A_599 = arith.constant 0 : i32
    %dma_wait3A_600 = tpu.memref_slice %arg19[%dma_wait3A_598, %dma_wait3A_599] : memref<10240x128xf32, #tpu.memory_space<vmem_shared>> -> memref<10240x128xf32, #tpu.memory_space<vmem_shared>>
    tpu.wait_indirect_dma semaphore(%arg35 : memref<!tpu.dma_semaphore, #tpu.memory_space<semaphore_mem>>) src(%arg18 : memref<80x128xf32, #tpu.memory_space<vmem>>) dst(%dma_wait3A_600 : memref<10240x128xf32, #tpu.memory_space<vmem_shared>>)
    %dma_wait3A_601 = arith.constant 0 : i32
    %dma_wait3A_602 = arith.constant 0 : i32
    %dma_wait3A_603 = tpu.memref_slice %arg14[%dma_wait3A_601, %dma_wait3A_602] : memref<2x80xi32, #tpu.memory_space<vmem>> -> memref<1x80xi32, #tpu.memory_space<vmem>>
    %dma_wait3A_604 = tpu.memref_squeeze %dma_wait3A_603 : memref<1x80xi32, #tpu.memory_space<vmem>> -> memref<80xi32, #tpu.memory_space<vmem>>
    %dma_wait3A_605 = arith.constant 0 : i32
    %dma_wait3A_606 = tpu.memref_slice %arg2[%dma_wait3A_605] : memref<640000xi32, #tpu.memory_space<hbm>> -> memref<80xi32, #tpu.memory_space<hbm>>
    %dma_wait3A_607 = arith.constant 0 : i32
    %dma_wait3A_608 = tpu.memref_slice %arg14[%dma_wait3A_601, %dma_wait3A_607] : memref<2x80xi32, #tpu.memory_space<vmem>> -> memref<1x80xi32, #tpu.memory_space<vmem>>
    %dma_wait3A_609 = tpu.memref_squeeze %dma_wait3A_608 : memref<1x80xi32, #tpu.memory_space<vmem>> -> memref<80xi32, #tpu.memory_space<vmem>>
    %dma_wait3A_610 = arith.constant 0 : i32
    %dma_wait3A_611 = tpu.memref_slice %arg2[%dma_wait3A_610] : memref<640000xi32, #tpu.memory_space<hbm>> -> memref<80xi32, #tpu.memory_space<hbm>>
    tpu.wait_dma2 semaphore(%arg27 : memref<!tpu.dma_semaphore, #tpu.memory_space<semaphore_mem>>) src(%dma_wait3A_611 : memref<80xi32, #tpu.memory_space<hbm>>) dst(%dma_wait3A_609 : memref<80xi32, #tpu.memory_space<vmem>>)
    %dma_wait3A_612 = arith.constant 1 : i32
    %dma_wait3A_613 = arith.constant 0 : i32
    %dma_wait3A_614 = tpu.memref_slice %arg14[%dma_wait3A_612, %dma_wait3A_613] : memref<2x80xi32, #tpu.memory_space<vmem>> -> memref<1x80xi32, #tpu.memory_space<vmem>>
    %dma_wait3A_615 = tpu.memref_squeeze %dma_wait3A_614 : memref<1x80xi32, #tpu.memory_space<vmem>> -> memref<80xi32, #tpu.memory_space<vmem>>
    %dma_wait3A_616 = arith.constant 0 : i32
    %dma_wait3A_617 = tpu.memref_slice %arg2[%dma_wait3A_616] : memref<640000xi32, #tpu.memory_space<hbm>> -> memref<80xi32, #tpu.memory_space<hbm>>
    %dma_wait3A_618 = arith.constant 0 : i32
    %dma_wait3A_619 = tpu.memref_slice %arg14[%dma_wait3A_612, %dma_wait3A_618] : memref<2x80xi32, #tpu.memory_space<vmem>> -> memref<1x80xi32, #tpu.memory_space<vmem>>
    %dma_wait3A_620 = tpu.memref_squeeze %dma_wait3A_619 : memref<1x80xi32, #tpu.memory_space<vmem>> -> memref<80xi32, #tpu.memory_space<vmem>>
    %dma_wait3A_621 = arith.constant 0 : i32
    %dma_wait3A_622 = tpu.memref_slice %arg2[%dma_wait3A_621] : memref<640000xi32, #tpu.memory_space<hbm>> -> memref<80xi32, #tpu.memory_space<hbm>>
    tpu.wait_dma2 semaphore(%arg27 : memref<!tpu.dma_semaphore, #tpu.memory_space<semaphore_mem>>) src(%dma_wait3A_622 : memref<80xi32, #tpu.memory_space<hbm>>) dst(%dma_wait3A_620 : memref<80xi32, #tpu.memory_space<vmem>>)
    %eq3A_623 = arith.constant 0 : i32
    %eq3A_624 = arith.cmpi eq, %arg0, %eq3A_623 : i32
    %convert_element_type3A_625 = arith.extui %eq3A_624 : i1 to i32
    %cond3A_626 = arith.constant 0 : i32
    %cond3A_627 = arith.cmpi ne, %convert_element_type3A_625, %cond3A_626 : i32
    scf.if %cond3A_627 {
      %dma_start3A_1402 = arith.constant 0 : i32
      %dma_start3A_1403 = arith.constant 0 : i32
      %dma_start3A_1404 = tpu.memref_slice %arg14[%dma_start3A_1402, %dma_start3A_1403] : memref<2x80xi32, #tpu.memory_space<vmem>> -> memref<1x80xi32, #tpu.memory_space<vmem>>
      %dma_start3A_1405 = tpu.memref_squeeze %dma_start3A_1404 : memref<1x80xi32, #tpu.memory_space<vmem>> -> memref<80xi32, #tpu.memory_space<vmem>>
      %dma_start3A_1406 = arith.constant 0 : i32
      %dma_start3A_1407 = arith.constant 0 : i32
      %dma_start3A_1408 = tpu.memref_slice %arg3[%dma_start3A_1406, %dma_start3A_1407] : memref<10240x128xf32, #tpu.memory_space<hbm>> -> memref<10240x128xf32, #tpu.memory_space<hbm>>
      tpu.enqueue_indirect_dma source(%dma_start3A_1408 : memref<10240x128xf32, #tpu.memory_space<hbm>>) target(%arg18 : memref<80x128xf32, #tpu.memory_space<vmem>>) offsets(%dma_start3A_1405 : memref<80xi32, #tpu.memory_space<vmem>>) semaphore(%arg31 : memref<!tpu.dma_semaphore, #tpu.memory_space<semaphore_mem>>)
    } else {
    }
    %eq3A_628 = arith.constant 1 : i32
    %eq3A_629 = arith.cmpi eq, %arg0, %eq3A_628 : i32
    %convert_element_type3A_630 = arith.extui %eq3A_629 : i1 to i32
    %cond3A_631 = arith.constant 0 : i32
    %cond3A_632 = arith.cmpi ne, %convert_element_type3A_630, %cond3A_631 : i32
    scf.if %cond3A_632 {
      %dma_start3A_1402 = arith.constant 0 : i32
      %dma_start3A_1403 = arith.constant 0 : i32
      %dma_start3A_1404 = tpu.memref_slice %arg14[%dma_start3A_1402, %dma_start3A_1403] : memref<2x80xi32, #tpu.memory_space<vmem>> -> memref<1x80xi32, #tpu.memory_space<vmem>>
      %dma_start3A_1405 = tpu.memref_squeeze %dma_start3A_1404 : memref<1x80xi32, #tpu.memory_space<vmem>> -> memref<80xi32, #tpu.memory_space<vmem>>
      %dma_start3A_1406 = arith.constant 0 : i32
      %dma_start3A_1407 = arith.constant 0 : i32
      %dma_start3A_1408 = tpu.memref_slice %arg4[%dma_start3A_1406, %dma_start3A_1407] : memref<10240x128xf32, #tpu.memory_space<hbm>> -> memref<10240x128xf32, #tpu.memory_space<hbm>>
      tpu.enqueue_indirect_dma source(%dma_start3A_1408 : memref<10240x128xf32, #tpu.memory_space<hbm>>) target(%arg18 : memref<80x128xf32, #tpu.memory_space<vmem>>) offsets(%dma_start3A_1405 : memref<80xi32, #tpu.memory_space<vmem>>) semaphore(%arg31 : memref<!tpu.dma_semaphore, #tpu.memory_space<semaphore_mem>>)
    } else {
    }
    %add3A_633 = arith.constant 11 : i32
    %add3A_634 = arith.addi %mul3A_0, %add3A_633 : i32
    %mul3A_635 = arith.constant 80 : i32
    %mul3A_636 = arith.muli %add3A_634, %mul3A_635 : i32
    %dma_start3A_637 = arith.constant 0 : i32
    %dma_start3A_638 = arith.constant 0 : i32
    %dma_start3A_639 = tpu.memref_slice %arg10[%dma_start3A_637, %dma_start3A_638] : memref<2x80xi32, #tpu.memory_space<vmem>> -> memref<1x80xi32, #tpu.memory_space<vmem>>
    %dma_start3A_640 = tpu.memref_squeeze %dma_start3A_639 : memref<1x80xi32, #tpu.memory_space<vmem>> -> memref<80xi32, #tpu.memory_space<vmem>>
    %dma_start3A_641 = tpu.memref_slice %arg2[%mul3A_636] : memref<640000xi32, #tpu.memory_space<hbm>> -> memref<80xi32, #tpu.memory_space<hbm>>
    %dma_start3A_642 = arith.constant 0 : i32
    %dma_start3A_643 = tpu.memref_slice %arg10[%dma_start3A_637, %dma_start3A_642] : memref<2x80xi32, #tpu.memory_space<vmem>> -> memref<1x80xi32, #tpu.memory_space<vmem>>
    %dma_start3A_644 = tpu.memref_squeeze %dma_start3A_643 : memref<1x80xi32, #tpu.memory_space<vmem>> -> memref<80xi32, #tpu.memory_space<vmem>>
    %dma_start3A_645 = tpu.memref_slice %arg2[%mul3A_636] : memref<640000xi32, #tpu.memory_space<hbm>> -> memref<80xi32, #tpu.memory_space<hbm>>
    tpu.enqueue_dma source(%dma_start3A_645 : memref<80xi32, #tpu.memory_space<hbm>>) target(%dma_start3A_644 : memref<80xi32, #tpu.memory_space<vmem>>) target_semaphore(%arg23 : memref<!tpu.dma_semaphore, #tpu.memory_space<semaphore_mem>>)
    %add3A_646 = arith.constant 320000 : i32
    %add3A_647 = arith.addi %add3A_646, %mul3A_636 : i32
    %dma_start3A_648 = arith.constant 1 : i32
    %dma_start3A_649 = arith.constant 0 : i32
    %dma_start3A_650 = tpu.memref_slice %arg10[%dma_start3A_648, %dma_start3A_649] : memref<2x80xi32, #tpu.memory_space<vmem>> -> memref<1x80xi32, #tpu.memory_space<vmem>>
    %dma_start3A_651 = tpu.memref_squeeze %dma_start3A_650 : memref<1x80xi32, #tpu.memory_space<vmem>> -> memref<80xi32, #tpu.memory_space<vmem>>
    %dma_start3A_652 = tpu.memref_slice %arg2[%add3A_647] : memref<640000xi32, #tpu.memory_space<hbm>> -> memref<80xi32, #tpu.memory_space<hbm>>
    %dma_start3A_653 = arith.constant 0 : i32
    %dma_start3A_654 = tpu.memref_slice %arg10[%dma_start3A_648, %dma_start3A_653] : memref<2x80xi32, #tpu.memory_space<vmem>> -> memref<1x80xi32, #tpu.memory_space<vmem>>
    %dma_start3A_655 = tpu.memref_squeeze %dma_start3A_654 : memref<1x80xi32, #tpu.memory_space<vmem>> -> memref<80xi32, #tpu.memory_space<vmem>>
    %dma_start3A_656 = tpu.memref_slice %arg2[%add3A_647] : memref<640000xi32, #tpu.memory_space<hbm>> -> memref<80xi32, #tpu.memory_space<hbm>>
    tpu.enqueue_dma source(%dma_start3A_656 : memref<80xi32, #tpu.memory_space<hbm>>) target(%dma_start3A_655 : memref<80xi32, #tpu.memory_space<vmem>>) target_semaphore(%arg23 : memref<!tpu.dma_semaphore, #tpu.memory_space<semaphore_mem>>)
    %dma_wait3A_657 = arith.constant 0 : i32
    %dma_wait3A_658 = arith.constant 0 : i32
    %dma_wait3A_659 = tpu.memref_slice %arg7[%dma_wait3A_657, %dma_wait3A_658] : memref<2x80xi32, #tpu.memory_space<vmem>> -> memref<1x80xi32, #tpu.memory_space<vmem>>
    %dma_wait3A_660 = tpu.memref_squeeze %dma_wait3A_659 : memref<1x80xi32, #tpu.memory_space<vmem>> -> memref<80xi32, #tpu.memory_space<vmem>>
    %dma_wait3A_661 = arith.constant 0 : i32
    %dma_wait3A_662 = arith.constant 0 : i32
    %dma_wait3A_663 = tpu.memref_slice %arg3[%dma_wait3A_661, %dma_wait3A_662] : memref<10240x128xf32, #tpu.memory_space<hbm>> -> memref<10240x128xf32, #tpu.memory_space<hbm>>
    tpu.wait_indirect_dma semaphore(%arg30 : memref<!tpu.dma_semaphore, #tpu.memory_space<semaphore_mem>>) src(%dma_wait3A_663 : memref<10240x128xf32, #tpu.memory_space<hbm>>) dst(%arg17 : memref<80x128xf32, #tpu.memory_space<vmem>>)
    %dma_start3A_664 = arith.constant 1 : i32
    %dma_start3A_665 = arith.constant 0 : i32
    %dma_start3A_666 = tpu.memref_slice %arg13[%dma_start3A_664, %dma_start3A_665] : memref<2x80xi32, #tpu.memory_space<vmem>> -> memref<1x80xi32, #tpu.memory_space<vmem>>
    %dma_start3A_667 = tpu.memref_squeeze %dma_start3A_666 : memref<1x80xi32, #tpu.memory_space<vmem>> -> memref<80xi32, #tpu.memory_space<vmem>>
    %dma_start3A_668 = arith.constant 0 : i32
    %dma_start3A_669 = arith.constant 0 : i32
    %dma_start3A_670 = tpu.memref_slice %arg19[%dma_start3A_668, %dma_start3A_669] : memref<10240x128xf32, #tpu.memory_space<vmem_shared>> -> memref<10240x128xf32, #tpu.memory_space<vmem_shared>>
    tpu.enqueue_indirect_dma source(%arg17 : memref<80x128xf32, #tpu.memory_space<vmem>>) target(%dma_start3A_670 : memref<10240x128xf32, #tpu.memory_space<vmem_shared>>) offsets(%dma_start3A_667 : memref<80xi32, #tpu.memory_space<vmem>>) semaphore(%arg34 : memref<!tpu.dma_semaphore, #tpu.memory_space<semaphore_mem>>) {add = true}
    %dma_wait3A_671 = arith.constant 1 : i32
    %dma_wait3A_672 = arith.constant 0 : i32
    %dma_wait3A_673 = tpu.memref_slice %arg7[%dma_wait3A_671, %dma_wait3A_672] : memref<2x80xi32, #tpu.memory_space<vmem>> -> memref<1x80xi32, #tpu.memory_space<vmem>>
    %dma_wait3A_674 = tpu.memref_squeeze %dma_wait3A_673 : memref<1x80xi32, #tpu.memory_space<vmem>> -> memref<80xi32, #tpu.memory_space<vmem>>
    %dma_wait3A_675 = arith.constant 0 : i32
    %dma_wait3A_676 = arith.constant 0 : i32
    %dma_wait3A_677 = tpu.memref_slice %arg19[%dma_wait3A_675, %dma_wait3A_676] : memref<10240x128xf32, #tpu.memory_space<vmem_shared>> -> memref<10240x128xf32, #tpu.memory_space<vmem_shared>>
    tpu.wait_indirect_dma semaphore(%arg32 : memref<!tpu.dma_semaphore, #tpu.memory_space<semaphore_mem>>) src(%arg15 : memref<80x128xf32, #tpu.memory_space<vmem>>) dst(%dma_wait3A_677 : memref<10240x128xf32, #tpu.memory_space<vmem_shared>>)
    %dma_wait3A_678 = arith.constant 0 : i32
    %dma_wait3A_679 = arith.constant 0 : i32
    %dma_wait3A_680 = tpu.memref_slice %arg7[%dma_wait3A_678, %dma_wait3A_679] : memref<2x80xi32, #tpu.memory_space<vmem>> -> memref<1x80xi32, #tpu.memory_space<vmem>>
    %dma_wait3A_681 = tpu.memref_squeeze %dma_wait3A_680 : memref<1x80xi32, #tpu.memory_space<vmem>> -> memref<80xi32, #tpu.memory_space<vmem>>
    %dma_wait3A_682 = arith.constant 0 : i32
    %dma_wait3A_683 = tpu.memref_slice %arg2[%dma_wait3A_682] : memref<640000xi32, #tpu.memory_space<hbm>> -> memref<80xi32, #tpu.memory_space<hbm>>
    %dma_wait3A_684 = arith.constant 0 : i32
    %dma_wait3A_685 = tpu.memref_slice %arg7[%dma_wait3A_678, %dma_wait3A_684] : memref<2x80xi32, #tpu.memory_space<vmem>> -> memref<1x80xi32, #tpu.memory_space<vmem>>
    %dma_wait3A_686 = tpu.memref_squeeze %dma_wait3A_685 : memref<1x80xi32, #tpu.memory_space<vmem>> -> memref<80xi32, #tpu.memory_space<vmem>>
    %dma_wait3A_687 = arith.constant 0 : i32
    %dma_wait3A_688 = tpu.memref_slice %arg2[%dma_wait3A_687] : memref<640000xi32, #tpu.memory_space<hbm>> -> memref<80xi32, #tpu.memory_space<hbm>>
    tpu.wait_dma2 semaphore(%arg20 : memref<!tpu.dma_semaphore, #tpu.memory_space<semaphore_mem>>) src(%dma_wait3A_688 : memref<80xi32, #tpu.memory_space<hbm>>) dst(%dma_wait3A_686 : memref<80xi32, #tpu.memory_space<vmem>>)
    %dma_wait3A_689 = arith.constant 1 : i32
    %dma_wait3A_690 = arith.constant 0 : i32
    %dma_wait3A_691 = tpu.memref_slice %arg7[%dma_wait3A_689, %dma_wait3A_690] : memref<2x80xi32, #tpu.memory_space<vmem>> -> memref<1x80xi32, #tpu.memory_space<vmem>>
    %dma_wait3A_692 = tpu.memref_squeeze %dma_wait3A_691 : memref<1x80xi32, #tpu.memory_space<vmem>> -> memref<80xi32, #tpu.memory_space<vmem>>
    %dma_wait3A_693 = arith.constant 0 : i32
    %dma_wait3A_694 = tpu.memref_slice %arg2[%dma_wait3A_693] : memref<640000xi32, #tpu.memory_space<hbm>> -> memref<80xi32, #tpu.memory_space<hbm>>
    %dma_wait3A_695 = arith.constant 0 : i32
    %dma_wait3A_696 = tpu.memref_slice %arg7[%dma_wait3A_689, %dma_wait3A_695] : memref<2x80xi32, #tpu.memory_space<vmem>> -> memref<1x80xi32, #tpu.memory_space<vmem>>
    %dma_wait3A_697 = tpu.memref_squeeze %dma_wait3A_696 : memref<1x80xi32, #tpu.memory_space<vmem>> -> memref<80xi32, #tpu.memory_space<vmem>>
    %dma_wait3A_698 = arith.constant 0 : i32
    %dma_wait3A_699 = tpu.memref_slice %arg2[%dma_wait3A_698] : memref<640000xi32, #tpu.memory_space<hbm>> -> memref<80xi32, #tpu.memory_space<hbm>>
    tpu.wait_dma2 semaphore(%arg20 : memref<!tpu.dma_semaphore, #tpu.memory_space<semaphore_mem>>) src(%dma_wait3A_699 : memref<80xi32, #tpu.memory_space<hbm>>) dst(%dma_wait3A_697 : memref<80xi32, #tpu.memory_space<vmem>>)
    %eq3A_700 = arith.constant 0 : i32
    %eq3A_701 = arith.cmpi eq, %arg0, %eq3A_700 : i32
    %convert_element_type3A_702 = arith.extui %eq3A_701 : i1 to i32
    %cond3A_703 = arith.constant 0 : i32
    %cond3A_704 = arith.cmpi ne, %convert_element_type3A_702, %cond3A_703 : i32
    scf.if %cond3A_704 {
      %dma_start3A_1402 = arith.constant 0 : i32
      %dma_start3A_1403 = arith.constant 0 : i32
      %dma_start3A_1404 = tpu.memref_slice %arg7[%dma_start3A_1402, %dma_start3A_1403] : memref<2x80xi32, #tpu.memory_space<vmem>> -> memref<1x80xi32, #tpu.memory_space<vmem>>
      %dma_start3A_1405 = tpu.memref_squeeze %dma_start3A_1404 : memref<1x80xi32, #tpu.memory_space<vmem>> -> memref<80xi32, #tpu.memory_space<vmem>>
      %dma_start3A_1406 = arith.constant 0 : i32
      %dma_start3A_1407 = arith.constant 0 : i32
      %dma_start3A_1408 = tpu.memref_slice %arg3[%dma_start3A_1406, %dma_start3A_1407] : memref<10240x128xf32, #tpu.memory_space<hbm>> -> memref<10240x128xf32, #tpu.memory_space<hbm>>
      tpu.enqueue_indirect_dma source(%dma_start3A_1408 : memref<10240x128xf32, #tpu.memory_space<hbm>>) target(%arg15 : memref<80x128xf32, #tpu.memory_space<vmem>>) offsets(%dma_start3A_1405 : memref<80xi32, #tpu.memory_space<vmem>>) semaphore(%arg28 : memref<!tpu.dma_semaphore, #tpu.memory_space<semaphore_mem>>)
    } else {
    }
    %eq3A_705 = arith.constant 1 : i32
    %eq3A_706 = arith.cmpi eq, %arg0, %eq3A_705 : i32
    %convert_element_type3A_707 = arith.extui %eq3A_706 : i1 to i32
    %cond3A_708 = arith.constant 0 : i32
    %cond3A_709 = arith.cmpi ne, %convert_element_type3A_707, %cond3A_708 : i32
    scf.if %cond3A_709 {
      %dma_start3A_1402 = arith.constant 0 : i32
      %dma_start3A_1403 = arith.constant 0 : i32
      %dma_start3A_1404 = tpu.memref_slice %arg7[%dma_start3A_1402, %dma_start3A_1403] : memref<2x80xi32, #tpu.memory_space<vmem>> -> memref<1x80xi32, #tpu.memory_space<vmem>>
      %dma_start3A_1405 = tpu.memref_squeeze %dma_start3A_1404 : memref<1x80xi32, #tpu.memory_space<vmem>> -> memref<80xi32, #tpu.memory_space<vmem>>
      %dma_start3A_1406 = arith.constant 0 : i32
      %dma_start3A_1407 = arith.constant 0 : i32
      %dma_start3A_1408 = tpu.memref_slice %arg4[%dma_start3A_1406, %dma_start3A_1407] : memref<10240x128xf32, #tpu.memory_space<hbm>> -> memref<10240x128xf32, #tpu.memory_space<hbm>>
      tpu.enqueue_indirect_dma source(%dma_start3A_1408 : memref<10240x128xf32, #tpu.memory_space<hbm>>) target(%arg15 : memref<80x128xf32, #tpu.memory_space<vmem>>) offsets(%dma_start3A_1405 : memref<80xi32, #tpu.memory_space<vmem>>) semaphore(%arg28 : memref<!tpu.dma_semaphore, #tpu.memory_space<semaphore_mem>>)
    } else {
    }
    %add3A_710 = arith.constant 12 : i32
    %add3A_711 = arith.addi %mul3A_0, %add3A_710 : i32
    %mul3A_712 = arith.constant 80 : i32
    %mul3A_713 = arith.muli %add3A_711, %mul3A_712 : i32
    %dma_start3A_714 = arith.constant 0 : i32
    %dma_start3A_715 = arith.constant 0 : i32
    %dma_start3A_716 = tpu.memref_slice %arg11[%dma_start3A_714, %dma_start3A_715] : memref<2x80xi32, #tpu.memory_space<vmem>> -> memref<1x80xi32, #tpu.memory_space<vmem>>
    %dma_start3A_717 = tpu.memref_squeeze %dma_start3A_716 : memref<1x80xi32, #tpu.memory_space<vmem>> -> memref<80xi32, #tpu.memory_space<vmem>>
    %dma_start3A_718 = tpu.memref_slice %arg2[%mul3A_713] : memref<640000xi32, #tpu.memory_space<hbm>> -> memref<80xi32, #tpu.memory_space<hbm>>
    %dma_start3A_719 = arith.constant 0 : i32
    %dma_start3A_720 = tpu.memref_slice %arg11[%dma_start3A_714, %dma_start3A_719] : memref<2x80xi32, #tpu.memory_space<vmem>> -> memref<1x80xi32, #tpu.memory_space<vmem>>
    %dma_start3A_721 = tpu.memref_squeeze %dma_start3A_720 : memref<1x80xi32, #tpu.memory_space<vmem>> -> memref<80xi32, #tpu.memory_space<vmem>>
    %dma_start3A_722 = tpu.memref_slice %arg2[%mul3A_713] : memref<640000xi32, #tpu.memory_space<hbm>> -> memref<80xi32, #tpu.memory_space<hbm>>
    tpu.enqueue_dma source(%dma_start3A_722 : memref<80xi32, #tpu.memory_space<hbm>>) target(%dma_start3A_721 : memref<80xi32, #tpu.memory_space<vmem>>) target_semaphore(%arg24 : memref<!tpu.dma_semaphore, #tpu.memory_space<semaphore_mem>>)
    %add3A_723 = arith.constant 320000 : i32
    %add3A_724 = arith.addi %add3A_723, %mul3A_713 : i32
    %dma_start3A_725 = arith.constant 1 : i32
    %dma_start3A_726 = arith.constant 0 : i32
    %dma_start3A_727 = tpu.memref_slice %arg11[%dma_start3A_725, %dma_start3A_726] : memref<2x80xi32, #tpu.memory_space<vmem>> -> memref<1x80xi32, #tpu.memory_space<vmem>>
    %dma_start3A_728 = tpu.memref_squeeze %dma_start3A_727 : memref<1x80xi32, #tpu.memory_space<vmem>> -> memref<80xi32, #tpu.memory_space<vmem>>
    %dma_start3A_729 = tpu.memref_slice %arg2[%add3A_724] : memref<640000xi32, #tpu.memory_space<hbm>> -> memref<80xi32, #tpu.memory_space<hbm>>
    %dma_start3A_730 = arith.constant 0 : i32
    %dma_start3A_731 = tpu.memref_slice %arg11[%dma_start3A_725, %dma_start3A_730] : memref<2x80xi32, #tpu.memory_space<vmem>> -> memref<1x80xi32, #tpu.memory_space<vmem>>
    %dma_start3A_732 = tpu.memref_squeeze %dma_start3A_731 : memref<1x80xi32, #tpu.memory_space<vmem>> -> memref<80xi32, #tpu.memory_space<vmem>>
    %dma_start3A_733 = tpu.memref_slice %arg2[%add3A_724] : memref<640000xi32, #tpu.memory_space<hbm>> -> memref<80xi32, #tpu.memory_space<hbm>>
    tpu.enqueue_dma source(%dma_start3A_733 : memref<80xi32, #tpu.memory_space<hbm>>) target(%dma_start3A_732 : memref<80xi32, #tpu.memory_space<vmem>>) target_semaphore(%arg24 : memref<!tpu.dma_semaphore, #tpu.memory_space<semaphore_mem>>)
    %dma_wait3A_734 = arith.constant 0 : i32
    %dma_wait3A_735 = arith.constant 0 : i32
    %dma_wait3A_736 = tpu.memref_slice %arg7[%dma_wait3A_734, %dma_wait3A_735] : memref<2x80xi32, #tpu.memory_space<vmem>> -> memref<1x80xi32, #tpu.memory_space<vmem>>
    %dma_wait3A_737 = tpu.memref_squeeze %dma_wait3A_736 : memref<1x80xi32, #tpu.memory_space<vmem>> -> memref<80xi32, #tpu.memory_space<vmem>>
    %dma_wait3A_738 = arith.constant 0 : i32
    %dma_wait3A_739 = arith.constant 0 : i32
    %dma_wait3A_740 = tpu.memref_slice %arg3[%dma_wait3A_738, %dma_wait3A_739] : memref<10240x128xf32, #tpu.memory_space<hbm>> -> memref<10240x128xf32, #tpu.memory_space<hbm>>
    tpu.wait_indirect_dma semaphore(%arg31 : memref<!tpu.dma_semaphore, #tpu.memory_space<semaphore_mem>>) src(%dma_wait3A_740 : memref<10240x128xf32, #tpu.memory_space<hbm>>) dst(%arg18 : memref<80x128xf32, #tpu.memory_space<vmem>>)
    %dma_start3A_741 = arith.constant 1 : i32
    %dma_start3A_742 = arith.constant 0 : i32
    %dma_start3A_743 = tpu.memref_slice %arg14[%dma_start3A_741, %dma_start3A_742] : memref<2x80xi32, #tpu.memory_space<vmem>> -> memref<1x80xi32, #tpu.memory_space<vmem>>
    %dma_start3A_744 = tpu.memref_squeeze %dma_start3A_743 : memref<1x80xi32, #tpu.memory_space<vmem>> -> memref<80xi32, #tpu.memory_space<vmem>>
    %dma_start3A_745 = arith.constant 0 : i32
    %dma_start3A_746 = arith.constant 0 : i32
    %dma_start3A_747 = tpu.memref_slice %arg19[%dma_start3A_745, %dma_start3A_746] : memref<10240x128xf32, #tpu.memory_space<vmem_shared>> -> memref<10240x128xf32, #tpu.memory_space<vmem_shared>>
    tpu.enqueue_indirect_dma source(%arg18 : memref<80x128xf32, #tpu.memory_space<vmem>>) target(%dma_start3A_747 : memref<10240x128xf32, #tpu.memory_space<vmem_shared>>) offsets(%dma_start3A_744 : memref<80xi32, #tpu.memory_space<vmem>>) semaphore(%arg35 : memref<!tpu.dma_semaphore, #tpu.memory_space<semaphore_mem>>) {add = true}
    %dma_wait3A_748 = arith.constant 1 : i32
    %dma_wait3A_749 = arith.constant 0 : i32
    %dma_wait3A_750 = tpu.memref_slice %arg8[%dma_wait3A_748, %dma_wait3A_749] : memref<2x80xi32, #tpu.memory_space<vmem>> -> memref<1x80xi32, #tpu.memory_space<vmem>>
    %dma_wait3A_751 = tpu.memref_squeeze %dma_wait3A_750 : memref<1x80xi32, #tpu.memory_space<vmem>> -> memref<80xi32, #tpu.memory_space<vmem>>
    %dma_wait3A_752 = arith.constant 0 : i32
    %dma_wait3A_753 = arith.constant 0 : i32
    %dma_wait3A_754 = tpu.memref_slice %arg19[%dma_wait3A_752, %dma_wait3A_753] : memref<10240x128xf32, #tpu.memory_space<vmem_shared>> -> memref<10240x128xf32, #tpu.memory_space<vmem_shared>>
    tpu.wait_indirect_dma semaphore(%arg33 : memref<!tpu.dma_semaphore, #tpu.memory_space<semaphore_mem>>) src(%arg16 : memref<80x128xf32, #tpu.memory_space<vmem>>) dst(%dma_wait3A_754 : memref<10240x128xf32, #tpu.memory_space<vmem_shared>>)
    %dma_wait3A_755 = arith.constant 0 : i32
    %dma_wait3A_756 = arith.constant 0 : i32
    %dma_wait3A_757 = tpu.memref_slice %arg8[%dma_wait3A_755, %dma_wait3A_756] : memref<2x80xi32, #tpu.memory_space<vmem>> -> memref<1x80xi32, #tpu.memory_space<vmem>>
    %dma_wait3A_758 = tpu.memref_squeeze %dma_wait3A_757 : memref<1x80xi32, #tpu.memory_space<vmem>> -> memref<80xi32, #tpu.memory_space<vmem>>
    %dma_wait3A_759 = arith.constant 0 : i32
    %dma_wait3A_760 = tpu.memref_slice %arg2[%dma_wait3A_759] : memref<640000xi32, #tpu.memory_space<hbm>> -> memref<80xi32, #tpu.memory_space<hbm>>
    %dma_wait3A_761 = arith.constant 0 : i32
    %dma_wait3A_762 = tpu.memref_slice %arg8[%dma_wait3A_755, %dma_wait3A_761] : memref<2x80xi32, #tpu.memory_space<vmem>> -> memref<1x80xi32, #tpu.memory_space<vmem>>
    %dma_wait3A_763 = tpu.memref_squeeze %dma_wait3A_762 : memref<1x80xi32, #tpu.memory_space<vmem>> -> memref<80xi32, #tpu.memory_space<vmem>>
    %dma_wait3A_764 = arith.constant 0 : i32
    %dma_wait3A_765 = tpu.memref_slice %arg2[%dma_wait3A_764] : memref<640000xi32, #tpu.memory_space<hbm>> -> memref<80xi32, #tpu.memory_space<hbm>>
    tpu.wait_dma2 semaphore(%arg21 : memref<!tpu.dma_semaphore, #tpu.memory_space<semaphore_mem>>) src(%dma_wait3A_765 : memref<80xi32, #tpu.memory_space<hbm>>) dst(%dma_wait3A_763 : memref<80xi32, #tpu.memory_space<vmem>>)
    %dma_wait3A_766 = arith.constant 1 : i32
    %dma_wait3A_767 = arith.constant 0 : i32
    %dma_wait3A_768 = tpu.memref_slice %arg8[%dma_wait3A_766, %dma_wait3A_767] : memref<2x80xi32, #tpu.memory_space<vmem>> -> memref<1x80xi32, #tpu.memory_space<vmem>>
    %dma_wait3A_769 = tpu.memref_squeeze %dma_wait3A_768 : memref<1x80xi32, #tpu.memory_space<vmem>> -> memref<80xi32, #tpu.memory_space<vmem>>
    %dma_wait3A_770 = arith.constant 0 : i32
    %dma_wait3A_771 = tpu.memref_slice %arg2[%dma_wait3A_770] : memref<640000xi32, #tpu.memory_space<hbm>> -> memref<80xi32, #tpu.memory_space<hbm>>
    %dma_wait3A_772 = arith.constant 0 : i32
    %dma_wait3A_773 = tpu.memref_slice %arg8[%dma_wait3A_766, %dma_wait3A_772] : memref<2x80xi32, #tpu.memory_space<vmem>> -> memref<1x80xi32, #tpu.memory_space<vmem>>
    %dma_wait3A_774 = tpu.memref_squeeze %dma_wait3A_773 : memref<1x80xi32, #tpu.memory_space<vmem>> -> memref<80xi32, #tpu.memory_space<vmem>>
    %dma_wait3A_775 = arith.constant 0 : i32
    %dma_wait3A_776 = tpu.memref_slice %arg2[%dma_wait3A_775] : memref<640000xi32, #tpu.memory_space<hbm>> -> memref<80xi32, #tpu.memory_space<hbm>>
    tpu.wait_dma2 semaphore(%arg21 : memref<!tpu.dma_semaphore, #tpu.memory_space<semaphore_mem>>) src(%dma_wait3A_776 : memref<80xi32, #tpu.memory_space<hbm>>) dst(%dma_wait3A_774 : memref<80xi32, #tpu.memory_space<vmem>>)
    %eq3A_777 = arith.constant 0 : i32
    %eq3A_778 = arith.cmpi eq, %arg0, %eq3A_777 : i32
    %convert_element_type3A_779 = arith.extui %eq3A_778 : i1 to i32
    %cond3A_780 = arith.constant 0 : i32
    %cond3A_781 = arith.cmpi ne, %convert_element_type3A_779, %cond3A_780 : i32
    scf.if %cond3A_781 {
      %dma_start3A_1402 = arith.constant 0 : i32
      %dma_start3A_1403 = arith.constant 0 : i32
      %dma_start3A_1404 = tpu.memref_slice %arg8[%dma_start3A_1402, %dma_start3A_1403] : memref<2x80xi32, #tpu.memory_space<vmem>> -> memref<1x80xi32, #tpu.memory_space<vmem>>
      %dma_start3A_1405 = tpu.memref_squeeze %dma_start3A_1404 : memref<1x80xi32, #tpu.memory_space<vmem>> -> memref<80xi32, #tpu.memory_space<vmem>>
      %dma_start3A_1406 = arith.constant 0 : i32
      %dma_start3A_1407 = arith.constant 0 : i32
      %dma_start3A_1408 = tpu.memref_slice %arg3[%dma_start3A_1406, %dma_start3A_1407] : memref<10240x128xf32, #tpu.memory_space<hbm>> -> memref<10240x128xf32, #tpu.memory_space<hbm>>
      tpu.enqueue_indirect_dma source(%dma_start3A_1408 : memref<10240x128xf32, #tpu.memory_space<hbm>>) target(%arg16 : memref<80x128xf32, #tpu.memory_space<vmem>>) offsets(%dma_start3A_1405 : memref<80xi32, #tpu.memory_space<vmem>>) semaphore(%arg29 : memref<!tpu.dma_semaphore, #tpu.memory_space<semaphore_mem>>)
    } else {
    }
    %eq3A_782 = arith.constant 1 : i32
    %eq3A_783 = arith.cmpi eq, %arg0, %eq3A_782 : i32
    %convert_element_type3A_784 = arith.extui %eq3A_783 : i1 to i32
    %cond3A_785 = arith.constant 0 : i32
    %cond3A_786 = arith.cmpi ne, %convert_element_type3A_784, %cond3A_785 : i32
    scf.if %cond3A_786 {
      %dma_start3A_1402 = arith.constant 0 : i32
      %dma_start3A_1403 = arith.constant 0 : i32
      %dma_start3A_1404 = tpu.memref_slice %arg8[%dma_start3A_1402, %dma_start3A_1403] : memref<2x80xi32, #tpu.memory_space<vmem>> -> memref<1x80xi32, #tpu.memory_space<vmem>>
      %dma_start3A_1405 = tpu.memref_squeeze %dma_start3A_1404 : memref<1x80xi32, #tpu.memory_space<vmem>> -> memref<80xi32, #tpu.memory_space<vmem>>
      %dma_start3A_1406 = arith.constant 0 : i32
      %dma_start3A_1407 = arith.constant 0 : i32
      %dma_start3A_1408 = tpu.memref_slice %arg4[%dma_start3A_1406, %dma_start3A_1407] : memref<10240x128xf32, #tpu.memory_space<hbm>> -> memref<10240x128xf32, #tpu.memory_space<hbm>>
      tpu.enqueue_indirect_dma source(%dma_start3A_1408 : memref<10240x128xf32, #tpu.memory_space<hbm>>) target(%arg16 : memref<80x128xf32, #tpu.memory_space<vmem>>) offsets(%dma_start3A_1405 : memref<80xi32, #tpu.memory_space<vmem>>) semaphore(%arg29 : memref<!tpu.dma_semaphore, #tpu.memory_space<semaphore_mem>>)
    } else {
    }
    %add3A_787 = arith.constant 13 : i32
    %add3A_788 = arith.addi %mul3A_0, %add3A_787 : i32
    %mul3A_789 = arith.constant 80 : i32
    %mul3A_790 = arith.muli %add3A_788, %mul3A_789 : i32
    %dma_start3A_791 = arith.constant 0 : i32
    %dma_start3A_792 = arith.constant 0 : i32
    %dma_start3A_793 = tpu.memref_slice %arg12[%dma_start3A_791, %dma_start3A_792] : memref<2x80xi32, #tpu.memory_space<vmem>> -> memref<1x80xi32, #tpu.memory_space<vmem>>
    %dma_start3A_794 = tpu.memref_squeeze %dma_start3A_793 : memref<1x80xi32, #tpu.memory_space<vmem>> -> memref<80xi32, #tpu.memory_space<vmem>>
    %dma_start3A_795 = tpu.memref_slice %arg2[%mul3A_790] : memref<640000xi32, #tpu.memory_space<hbm>> -> memref<80xi32, #tpu.memory_space<hbm>>
    %dma_start3A_796 = arith.constant 0 : i32
    %dma_start3A_797 = tpu.memref_slice %arg12[%dma_start3A_791, %dma_start3A_796] : memref<2x80xi32, #tpu.memory_space<vmem>> -> memref<1x80xi32, #tpu.memory_space<vmem>>
    %dma_start3A_798 = tpu.memref_squeeze %dma_start3A_797 : memref<1x80xi32, #tpu.memory_space<vmem>> -> memref<80xi32, #tpu.memory_space<vmem>>
    %dma_start3A_799 = tpu.memref_slice %arg2[%mul3A_790] : memref<640000xi32, #tpu.memory_space<hbm>> -> memref<80xi32, #tpu.memory_space<hbm>>
    tpu.enqueue_dma source(%dma_start3A_799 : memref<80xi32, #tpu.memory_space<hbm>>) target(%dma_start3A_798 : memref<80xi32, #tpu.memory_space<vmem>>) target_semaphore(%arg25 : memref<!tpu.dma_semaphore, #tpu.memory_space<semaphore_mem>>)
    %add3A_800 = arith.constant 320000 : i32
    %add3A_801 = arith.addi %add3A_800, %mul3A_790 : i32
    %dma_start3A_802 = arith.constant 1 : i32
    %dma_start3A_803 = arith.constant 0 : i32
    %dma_start3A_804 = tpu.memref_slice %arg12[%dma_start3A_802, %dma_start3A_803] : memref<2x80xi32, #tpu.memory_space<vmem>> -> memref<1x80xi32, #tpu.memory_space<vmem>>
    %dma_start3A_805 = tpu.memref_squeeze %dma_start3A_804 : memref<1x80xi32, #tpu.memory_space<vmem>> -> memref<80xi32, #tpu.memory_space<vmem>>
    %dma_start3A_806 = tpu.memref_slice %arg2[%add3A_801] : memref<640000xi32, #tpu.memory_space<hbm>> -> memref<80xi32, #tpu.memory_space<hbm>>
    %dma_start3A_807 = arith.constant 0 : i32
    %dma_start3A_808 = tpu.memref_slice %arg12[%dma_start3A_802, %dma_start3A_807] : memref<2x80xi32, #tpu.memory_space<vmem>> -> memref<1x80xi32, #tpu.memory_space<vmem>>
    %dma_start3A_809 = tpu.memref_squeeze %dma_start3A_808 : memref<1x80xi32, #tpu.memory_space<vmem>> -> memref<80xi32, #tpu.memory_space<vmem>>
    %dma_start3A_810 = tpu.memref_slice %arg2[%add3A_801] : memref<640000xi32, #tpu.memory_space<hbm>> -> memref<80xi32, #tpu.memory_space<hbm>>
    tpu.enqueue_dma source(%dma_start3A_810 : memref<80xi32, #tpu.memory_space<hbm>>) target(%dma_start3A_809 : memref<80xi32, #tpu.memory_space<vmem>>) target_semaphore(%arg25 : memref<!tpu.dma_semaphore, #tpu.memory_space<semaphore_mem>>)
    %scan3A_811 = arith.constant 0 : i32
    %scan3A_812 = arith.constant 1 : i32
    %scan3A_813 = arith.constant 29 : i32
    %scan3A_814 = arith.addi %scan3A_812, %scan3A_813 : i32
    %scan3A_815 = arith.constant 1 : i32
    %scan3A_816 = scf.for %scan3A_1402 = %scan3A_812 to %scan3A_814 step %scan3A_815 iter_args(%scan3A_1403 = %scan3A_811) -> (i32)  : i32 {
      %mul3A_1404 = arith.constant 8 : i32
      %mul3A_1405 = arith.muli %scan3A_1402, %mul3A_1404 : i32
      %add3A_1406 = arith.constant 0 : i32
      %add3A_1407 = arith.addi %mul3A_1405, %add3A_1406 : i32
      %dma_wait3A_1408 = arith.constant 0 : i32
      %dma_wait3A_1409 = arith.constant 0 : i32
      %dma_wait3A_1410 = tpu.memref_slice %arg7[%dma_wait3A_1408, %dma_wait3A_1409] : memref<2x80xi32, #tpu.memory_space<vmem>> -> memref<1x80xi32, #tpu.memory_space<vmem>>
      %dma_wait3A_1411 = tpu.memref_squeeze %dma_wait3A_1410 : memref<1x80xi32, #tpu.memory_space<vmem>> -> memref<80xi32, #tpu.memory_space<vmem>>
      %dma_wait3A_1412 = arith.constant 0 : i32
      %dma_wait3A_1413 = arith.constant 0 : i32
      %dma_wait3A_1414 = tpu.memref_slice %arg3[%dma_wait3A_1412, %dma_wait3A_1413] : memref<10240x128xf32, #tpu.memory_space<hbm>> -> memref<10240x128xf32, #tpu.memory_space<hbm>>
      tpu.wait_indirect_dma semaphore(%arg28 : memref<!tpu.dma_semaphore, #tpu.memory_space<semaphore_mem>>) src(%dma_wait3A_1414 : memref<10240x128xf32, #tpu.memory_space<hbm>>) dst(%arg15 : memref<80x128xf32, #tpu.memory_space<vmem>>)
      %dma_start3A_1415 = arith.constant 1 : i32
      %dma_start3A_1416 = arith.constant 0 : i32
      %dma_start3A_1417 = tpu.memref_slice %arg7[%dma_start3A_1415, %dma_start3A_1416] : memref<2x80xi32, #tpu.memory_space<vmem>> -> memref<1x80xi32, #tpu.memory_space<vmem>>
      %dma_start3A_1418 = tpu.memref_squeeze %dma_start3A_1417 : memref<1x80xi32, #tpu.memory_space<vmem>> -> memref<80xi32, #tpu.memory_space<vmem>>
      %dma_start3A_1419 = arith.constant 0 : i32
      %dma_start3A_1420 = arith.constant 0 : i32
      %dma_start3A_1421 = tpu.memref_slice %arg19[%dma_start3A_1419, %dma_start3A_1420] : memref<10240x128xf32, #tpu.memory_space<vmem_shared>> -> memref<10240x128xf32, #tpu.memory_space<vmem_shared>>
      tpu.enqueue_indirect_dma source(%arg15 : memref<80x128xf32, #tpu.memory_space<vmem>>) target(%dma_start3A_1421 : memref<10240x128xf32, #tpu.memory_space<vmem_shared>>) offsets(%dma_start3A_1418 : memref<80xi32, #tpu.memory_space<vmem>>) semaphore(%arg32 : memref<!tpu.dma_semaphore, #tpu.memory_space<semaphore_mem>>) {add = true}
      %dma_wait3A_1422 = arith.constant 1 : i32
      %dma_wait3A_1423 = arith.constant 0 : i32
      %dma_wait3A_1424 = tpu.memref_slice %arg9[%dma_wait3A_1422, %dma_wait3A_1423] : memref<2x80xi32, #tpu.memory_space<vmem>> -> memref<1x80xi32, #tpu.memory_space<vmem>>
      %dma_wait3A_1425 = tpu.memref_squeeze %dma_wait3A_1424 : memref<1x80xi32, #tpu.memory_space<vmem>> -> memref<80xi32, #tpu.memory_space<vmem>>
      %dma_wait3A_1426 = arith.constant 0 : i32
      %dma_wait3A_1427 = arith.constant 0 : i32
      %dma_wait3A_1428 = tpu.memref_slice %arg19[%dma_wait3A_1426, %dma_wait3A_1427] : memref<10240x128xf32, #tpu.memory_space<vmem_shared>> -> memref<10240x128xf32, #tpu.memory_space<vmem_shared>>
      tpu.wait_indirect_dma semaphore(%arg34 : memref<!tpu.dma_semaphore, #tpu.memory_space<semaphore_mem>>) src(%arg17 : memref<80x128xf32, #tpu.memory_space<vmem>>) dst(%dma_wait3A_1428 : memref<10240x128xf32, #tpu.memory_space<vmem_shared>>)
      %dma_wait3A_1429 = arith.constant 0 : i32
      %dma_wait3A_1430 = arith.constant 0 : i32
      %dma_wait3A_1431 = tpu.memref_slice %arg9[%dma_wait3A_1429, %dma_wait3A_1430] : memref<2x80xi32, #tpu.memory_space<vmem>> -> memref<1x80xi32, #tpu.memory_space<vmem>>
      %dma_wait3A_1432 = tpu.memref_squeeze %dma_wait3A_1431 : memref<1x80xi32, #tpu.memory_space<vmem>> -> memref<80xi32, #tpu.memory_space<vmem>>
      %dma_wait3A_1433 = arith.constant 0 : i32
      %dma_wait3A_1434 = tpu.memref_slice %arg2[%dma_wait3A_1433] : memref<640000xi32, #tpu.memory_space<hbm>> -> memref<80xi32, #tpu.memory_space<hbm>>
      %dma_wait3A_1435 = arith.constant 0 : i32
      %dma_wait3A_1436 = tpu.memref_slice %arg9[%dma_wait3A_1429, %dma_wait3A_1435] : memref<2x80xi32, #tpu.memory_space<vmem>> -> memref<1x80xi32, #tpu.memory_space<vmem>>
      %dma_wait3A_1437 = tpu.memref_squeeze %dma_wait3A_1436 : memref<1x80xi32, #tpu.memory_space<vmem>> -> memref<80xi32, #tpu.memory_space<vmem>>
      %dma_wait3A_1438 = arith.constant 0 : i32
      %dma_wait3A_1439 = tpu.memref_slice %arg2[%dma_wait3A_1438] : memref<640000xi32, #tpu.memory_space<hbm>> -> memref<80xi32, #tpu.memory_space<hbm>>
      tpu.wait_dma2 semaphore(%arg22 : memref<!tpu.dma_semaphore, #tpu.memory_space<semaphore_mem>>) src(%dma_wait3A_1439 : memref<80xi32, #tpu.memory_space<hbm>>) dst(%dma_wait3A_1437 : memref<80xi32, #tpu.memory_space<vmem>>)
      %dma_wait3A_1440 = arith.constant 1 : i32
      %dma_wait3A_1441 = arith.constant 0 : i32
      %dma_wait3A_1442 = tpu.memref_slice %arg9[%dma_wait3A_1440, %dma_wait3A_1441] : memref<2x80xi32, #tpu.memory_space<vmem>> -> memref<1x80xi32, #tpu.memory_space<vmem>>
      %dma_wait3A_1443 = tpu.memref_squeeze %dma_wait3A_1442 : memref<1x80xi32, #tpu.memory_space<vmem>> -> memref<80xi32, #tpu.memory_space<vmem>>
      %dma_wait3A_1444 = arith.constant 0 : i32
      %dma_wait3A_1445 = tpu.memref_slice %arg2[%dma_wait3A_1444] : memref<640000xi32, #tpu.memory_space<hbm>> -> memref<80xi32, #tpu.memory_space<hbm>>
      %dma_wait3A_1446 = arith.constant 0 : i32
      %dma_wait3A_1447 = tpu.memref_slice %arg9[%dma_wait3A_1440, %dma_wait3A_1446] : memref<2x80xi32, #tpu.memory_space<vmem>> -> memref<1x80xi32, #tpu.memory_space<vmem>>
      %dma_wait3A_1448 = tpu.memref_squeeze %dma_wait3A_1447 : memref<1x80xi32, #tpu.memory_space<vmem>> -> memref<80xi32, #tpu.memory_space<vmem>>
      %dma_wait3A_1449 = arith.constant 0 : i32
      %dma_wait3A_1450 = tpu.memref_slice %arg2[%dma_wait3A_1449] : memref<640000xi32, #tpu.memory_space<hbm>> -> memref<80xi32, #tpu.memory_space<hbm>>
      tpu.wait_dma2 semaphore(%arg22 : memref<!tpu.dma_semaphore, #tpu.memory_space<semaphore_mem>>) src(%dma_wait3A_1450 : memref<80xi32, #tpu.memory_space<hbm>>) dst(%dma_wait3A_1448 : memref<80xi32, #tpu.memory_space<vmem>>)
      %eq3A_1451 = arith.constant 0 : i32
      %eq3A_1452 = arith.cmpi eq, %arg0, %eq3A_1451 : i32
      %convert_element_type3A_1453 = arith.extui %eq3A_1452 : i1 to i32
      %cond3A_1454 = arith.constant 0 : i32
      %cond3A_1455 = arith.cmpi ne, %convert_element_type3A_1453, %cond3A_1454 : i32
      scf.if %cond3A_1455 {
        %dma_start3A_2047 = arith.constant 0 : i32
        %dma_start3A_2048 = arith.constant 0 : i32
        %dma_start3A_2049 = tpu.memref_slice %arg9[%dma_start3A_2047, %dma_start3A_2048] : memref<2x80xi32, #tpu.memory_space<vmem>> -> memref<1x80xi32, #tpu.memory_space<vmem>>
        %dma_start3A_2050 = tpu.memref_squeeze %dma_start3A_2049 : memref<1x80xi32, #tpu.memory_space<vmem>> -> memref<80xi32, #tpu.memory_space<vmem>>
        %dma_start3A_2051 = arith.constant 0 : i32
        %dma_start3A_2052 = arith.constant 0 : i32
        %dma_start3A_2053 = tpu.memref_slice %arg3[%dma_start3A_2051, %dma_start3A_2052] : memref<10240x128xf32, #tpu.memory_space<hbm>> -> memref<10240x128xf32, #tpu.memory_space<hbm>>
        tpu.enqueue_indirect_dma source(%dma_start3A_2053 : memref<10240x128xf32, #tpu.memory_space<hbm>>) target(%arg17 : memref<80x128xf32, #tpu.memory_space<vmem>>) offsets(%dma_start3A_2050 : memref<80xi32, #tpu.memory_space<vmem>>) semaphore(%arg30 : memref<!tpu.dma_semaphore, #tpu.memory_space<semaphore_mem>>)
      } else {
      }
      %eq3A_1456 = arith.constant 1 : i32
      %eq3A_1457 = arith.cmpi eq, %arg0, %eq3A_1456 : i32
      %convert_element_type3A_1458 = arith.extui %eq3A_1457 : i1 to i32
      %cond3A_1459 = arith.constant 0 : i32
      %cond3A_1460 = arith.cmpi ne, %convert_element_type3A_1458, %cond3A_1459 : i32
      scf.if %cond3A_1460 {
        %dma_start3A_2047 = arith.constant 0 : i32
        %dma_start3A_2048 = arith.constant 0 : i32
        %dma_start3A_2049 = tpu.memref_slice %arg9[%dma_start3A_2047, %dma_start3A_2048] : memref<2x80xi32, #tpu.memory_space<vmem>> -> memref<1x80xi32, #tpu.memory_space<vmem>>
        %dma_start3A_2050 = tpu.memref_squeeze %dma_start3A_2049 : memref<1x80xi32, #tpu.memory_space<vmem>> -> memref<80xi32, #tpu.memory_space<vmem>>
        %dma_start3A_2051 = arith.constant 0 : i32
        %dma_start3A_2052 = arith.constant 0 : i32
        %dma_start3A_2053 = tpu.memref_slice %arg4[%dma_start3A_2051, %dma_start3A_2052] : memref<10240x128xf32, #tpu.memory_space<hbm>> -> memref<10240x128xf32, #tpu.memory_space<hbm>>
        tpu.enqueue_indirect_dma source(%dma_start3A_2053 : memref<10240x128xf32, #tpu.memory_space<hbm>>) target(%arg17 : memref<80x128xf32, #tpu.memory_space<vmem>>) offsets(%dma_start3A_2050 : memref<80xi32, #tpu.memory_space<vmem>>) semaphore(%arg30 : memref<!tpu.dma_semaphore, #tpu.memory_space<semaphore_mem>>)
      } else {
      }
      %add3A_1461 = arith.constant 6 : i32
      %add3A_1462 = arith.addi %add3A_1407, %add3A_1461 : i32
      %add3A_1463 = arith.addi %mul3A_0, %add3A_1462 : i32
      %mul3A_1464 = arith.constant 80 : i32
      %mul3A_1465 = arith.muli %add3A_1463, %mul3A_1464 : i32
      %dma_start3A_1466 = arith.constant 0 : i32
      %dma_start3A_1467 = arith.constant 0 : i32
      %dma_start3A_1468 = tpu.memref_slice %arg13[%dma_start3A_1466, %dma_start3A_1467] : memref<2x80xi32, #tpu.memory_space<vmem>> -> memref<1x80xi32, #tpu.memory_space<vmem>>
      %dma_start3A_1469 = tpu.memref_squeeze %dma_start3A_1468 : memref<1x80xi32, #tpu.memory_space<vmem>> -> memref<80xi32, #tpu.memory_space<vmem>>
      %dma_start3A_1470 = tpu.memref_slice %arg2[%mul3A_1465] : memref<640000xi32, #tpu.memory_space<hbm>> -> memref<80xi32, #tpu.memory_space<hbm>>
      %dma_start3A_1471 = arith.constant 0 : i32
      %dma_start3A_1472 = tpu.memref_slice %arg13[%dma_start3A_1466, %dma_start3A_1471] : memref<2x80xi32, #tpu.memory_space<vmem>> -> memref<1x80xi32, #tpu.memory_space<vmem>>
      %dma_start3A_1473 = tpu.memref_squeeze %dma_start3A_1472 : memref<1x80xi32, #tpu.memory_space<vmem>> -> memref<80xi32, #tpu.memory_space<vmem>>
      %dma_start3A_1474 = tpu.memref_slice %arg2[%mul3A_1465] : memref<640000xi32, #tpu.memory_space<hbm>> -> memref<80xi32, #tpu.memory_space<hbm>>
      tpu.enqueue_dma source(%dma_start3A_1474 : memref<80xi32, #tpu.memory_space<hbm>>) target(%dma_start3A_1473 : memref<80xi32, #tpu.memory_space<vmem>>) target_semaphore(%arg26 : memref<!tpu.dma_semaphore, #tpu.memory_space<semaphore_mem>>)
      %add3A_1475 = arith.constant 320000 : i32
      %add3A_1476 = arith.addi %add3A_1475, %mul3A_1465 : i32
      %dma_start3A_1477 = arith.constant 1 : i32
      %dma_start3A_1478 = arith.constant 0 : i32
      %dma_start3A_1479 = tpu.memref_slice %arg13[%dma_start3A_1477, %dma_start3A_1478] : memref<2x80xi32, #tpu.memory_space<vmem>> -> memref<1x80xi32, #tpu.memory_space<vmem>>
      %dma_start3A_1480 = tpu.memref_squeeze %dma_start3A_1479 : memref<1x80xi32, #tpu.memory_space<vmem>> -> memref<80xi32, #tpu.memory_space<vmem>>
      %dma_start3A_1481 = tpu.memref_slice %arg2[%add3A_1476] : memref<640000xi32, #tpu.memory_space<hbm>> -> memref<80xi32, #tpu.memory_space<hbm>>
      %dma_start3A_1482 = arith.constant 0 : i32
      %dma_start3A_1483 = tpu.memref_slice %arg13[%dma_start3A_1477, %dma_start3A_1482] : memref<2x80xi32, #tpu.memory_space<vmem>> -> memref<1x80xi32, #tpu.memory_space<vmem>>
      %dma_start3A_1484 = tpu.memref_squeeze %dma_start3A_1483 : memref<1x80xi32, #tpu.memory_space<vmem>> -> memref<80xi32, #tpu.memory_space<vmem>>
      %dma_start3A_1485 = tpu.memref_slice %arg2[%add3A_1476] : memref<640000xi32, #tpu.memory_space<hbm>> -> memref<80xi32, #tpu.memory_space<hbm>>
      tpu.enqueue_dma source(%dma_start3A_1485 : memref<80xi32, #tpu.memory_space<hbm>>) target(%dma_start3A_1484 : memref<80xi32, #tpu.memory_space<vmem>>) target_semaphore(%arg26 : memref<!tpu.dma_semaphore, #tpu.memory_space<semaphore_mem>>)
      %add3A_1486 = arith.constant 1 : i32
      %add3A_1487 = arith.addi %mul3A_1405, %add3A_1486 : i32
      %dma_wait3A_1488 = arith.constant 0 : i32
      %dma_wait3A_1489 = arith.constant 0 : i32
      %dma_wait3A_1490 = tpu.memref_slice %arg7[%dma_wait3A_1488, %dma_wait3A_1489] : memref<2x80xi32, #tpu.memory_space<vmem>> -> memref<1x80xi32, #tpu.memory_space<vmem>>
      %dma_wait3A_1491 = tpu.memref_squeeze %dma_wait3A_1490 : memref<1x80xi32, #tpu.memory_space<vmem>> -> memref<80xi32, #tpu.memory_space<vmem>>
      %dma_wait3A_1492 = arith.constant 0 : i32
      %dma_wait3A_1493 = arith.constant 0 : i32
      %dma_wait3A_1494 = tpu.memref_slice %arg3[%dma_wait3A_1492, %dma_wait3A_1493] : memref<10240x128xf32, #tpu.memory_space<hbm>> -> memref<10240x128xf32, #tpu.memory_space<hbm>>
      tpu.wait_indirect_dma semaphore(%arg29 : memref<!tpu.dma_semaphore, #tpu.memory_space<semaphore_mem>>) src(%dma_wait3A_1494 : memref<10240x128xf32, #tpu.memory_space<hbm>>) dst(%arg16 : memref<80x128xf32, #tpu.memory_space<vmem>>)
      %dma_start3A_1495 = arith.constant 1 : i32
      %dma_start3A_1496 = arith.constant 0 : i32
      %dma_start3A_1497 = tpu.memref_slice %arg8[%dma_start3A_1495, %dma_start3A_1496] : memref<2x80xi32, #tpu.memory_space<vmem>> -> memref<1x80xi32, #tpu.memory_space<vmem>>
      %dma_start3A_1498 = tpu.memref_squeeze %dma_start3A_1497 : memref<1x80xi32, #tpu.memory_space<vmem>> -> memref<80xi32, #tpu.memory_space<vmem>>
      %dma_start3A_1499 = arith.constant 0 : i32
      %dma_start3A_1500 = arith.constant 0 : i32
      %dma_start3A_1501 = tpu.memref_slice %arg19[%dma_start3A_1499, %dma_start3A_1500] : memref<10240x128xf32, #tpu.memory_space<vmem_shared>> -> memref<10240x128xf32, #tpu.memory_space<vmem_shared>>
      tpu.enqueue_indirect_dma source(%arg16 : memref<80x128xf32, #tpu.memory_space<vmem>>) target(%dma_start3A_1501 : memref<10240x128xf32, #tpu.memory_space<vmem_shared>>) offsets(%dma_start3A_1498 : memref<80xi32, #tpu.memory_space<vmem>>) semaphore(%arg33 : memref<!tpu.dma_semaphore, #tpu.memory_space<semaphore_mem>>) {add = true}
      %dma_wait3A_1502 = arith.constant 1 : i32
      %dma_wait3A_1503 = arith.constant 0 : i32
      %dma_wait3A_1504 = tpu.memref_slice %arg10[%dma_wait3A_1502, %dma_wait3A_1503] : memref<2x80xi32, #tpu.memory_space<vmem>> -> memref<1x80xi32, #tpu.memory_space<vmem>>
      %dma_wait3A_1505 = tpu.memref_squeeze %dma_wait3A_1504 : memref<1x80xi32, #tpu.memory_space<vmem>> -> memref<80xi32, #tpu.memory_space<vmem>>
      %dma_wait3A_1506 = arith.constant 0 : i32
      %dma_wait3A_1507 = arith.constant 0 : i32
      %dma_wait3A_1508 = tpu.memref_slice %arg19[%dma_wait3A_1506, %dma_wait3A_1507] : memref<10240x128xf32, #tpu.memory_space<vmem_shared>> -> memref<10240x128xf32, #tpu.memory_space<vmem_shared>>
      tpu.wait_indirect_dma semaphore(%arg35 : memref<!tpu.dma_semaphore, #tpu.memory_space<semaphore_mem>>) src(%arg18 : memref<80x128xf32, #tpu.memory_space<vmem>>) dst(%dma_wait3A_1508 : memref<10240x128xf32, #tpu.memory_space<vmem_shared>>)
      %dma_wait3A_1509 = arith.constant 0 : i32
      %dma_wait3A_1510 = arith.constant 0 : i32
      %dma_wait3A_1511 = tpu.memref_slice %arg10[%dma_wait3A_1509, %dma_wait3A_1510] : memref<2x80xi32, #tpu.memory_space<vmem>> -> memref<1x80xi32, #tpu.memory_space<vmem>>
      %dma_wait3A_1512 = tpu.memref_squeeze %dma_wait3A_1511 : memref<1x80xi32, #tpu.memory_space<vmem>> -> memref<80xi32, #tpu.memory_space<vmem>>
      %dma_wait3A_1513 = arith.constant 0 : i32
      %dma_wait3A_1514 = tpu.memref_slice %arg2[%dma_wait3A_1513] : memref<640000xi32, #tpu.memory_space<hbm>> -> memref<80xi32, #tpu.memory_space<hbm>>
      %dma_wait3A_1515 = arith.constant 0 : i32
      %dma_wait3A_1516 = tpu.memref_slice %arg10[%dma_wait3A_1509, %dma_wait3A_1515] : memref<2x80xi32, #tpu.memory_space<vmem>> -> memref<1x80xi32, #tpu.memory_space<vmem>>
      %dma_wait3A_1517 = tpu.memref_squeeze %dma_wait3A_1516 : memref<1x80xi32, #tpu.memory_space<vmem>> -> memref<80xi32, #tpu.memory_space<vmem>>
      %dma_wait3A_1518 = arith.constant 0 : i32
      %dma_wait3A_1519 = tpu.memref_slice %arg2[%dma_wait3A_1518] : memref<640000xi32, #tpu.memory_space<hbm>> -> memref<80xi32, #tpu.memory_space<hbm>>
      tpu.wait_dma2 semaphore(%arg23 : memref<!tpu.dma_semaphore, #tpu.memory_space<semaphore_mem>>) src(%dma_wait3A_1519 : memref<80xi32, #tpu.memory_space<hbm>>) dst(%dma_wait3A_1517 : memref<80xi32, #tpu.memory_space<vmem>>)
      %dma_wait3A_1520 = arith.constant 1 : i32
      %dma_wait3A_1521 = arith.constant 0 : i32
      %dma_wait3A_1522 = tpu.memref_slice %arg10[%dma_wait3A_1520, %dma_wait3A_1521] : memref<2x80xi32, #tpu.memory_space<vmem>> -> memref<1x80xi32, #tpu.memory_space<vmem>>
      %dma_wait3A_1523 = tpu.memref_squeeze %dma_wait3A_1522 : memref<1x80xi32, #tpu.memory_space<vmem>> -> memref<80xi32, #tpu.memory_space<vmem>>
      %dma_wait3A_1524 = arith.constant 0 : i32
      %dma_wait3A_1525 = tpu.memref_slice %arg2[%dma_wait3A_1524] : memref<640000xi32, #tpu.memory_space<hbm>> -> memref<80xi32, #tpu.memory_space<hbm>>
      %dma_wait3A_1526 = arith.constant 0 : i32
      %dma_wait3A_1527 = tpu.memref_slice %arg10[%dma_wait3A_1520, %dma_wait3A_1526] : memref<2x80xi32, #tpu.memory_space<vmem>> -> memref<1x80xi32, #tpu.memory_space<vmem>>
      %dma_wait3A_1528 = tpu.memref_squeeze %dma_wait3A_1527 : memref<1x80xi32, #tpu.memory_space<vmem>> -> memref<80xi32, #tpu.memory_space<vmem>>
      %dma_wait3A_1529 = arith.constant 0 : i32
      %dma_wait3A_1530 = tpu.memref_slice %arg2[%dma_wait3A_1529] : memref<640000xi32, #tpu.memory_space<hbm>> -> memref<80xi32, #tpu.memory_space<hbm>>
      tpu.wait_dma2 semaphore(%arg23 : memref<!tpu.dma_semaphore, #tpu.memory_space<semaphore_mem>>) src(%dma_wait3A_1530 : memref<80xi32, #tpu.memory_space<hbm>>) dst(%dma_wait3A_1528 : memref<80xi32, #tpu.memory_space<vmem>>)
      %eq3A_1531 = arith.constant 0 : i32
      %eq3A_1532 = arith.cmpi eq, %arg0, %eq3A_1531 : i32
      %convert_element_type3A_1533 = arith.extui %eq3A_1532 : i1 to i32
      %cond3A_1534 = arith.constant 0 : i32
      %cond3A_1535 = arith.cmpi ne, %convert_element_type3A_1533, %cond3A_1534 : i32
      scf.if %cond3A_1535 {
        %dma_start3A_2047 = arith.constant 0 : i32
        %dma_start3A_2048 = arith.constant 0 : i32
        %dma_start3A_2049 = tpu.memref_slice %arg10[%dma_start3A_2047, %dma_start3A_2048] : memref<2x80xi32, #tpu.memory_space<vmem>> -> memref<1x80xi32, #tpu.memory_space<vmem>>
        %dma_start3A_2050 = tpu.memref_squeeze %dma_start3A_2049 : memref<1x80xi32, #tpu.memory_space<vmem>> -> memref<80xi32, #tpu.memory_space<vmem>>
        %dma_start3A_2051 = arith.constant 0 : i32
        %dma_start3A_2052 = arith.constant 0 : i32
        %dma_start3A_2053 = tpu.memref_slice %arg3[%dma_start3A_2051, %dma_start3A_2052] : memref<10240x128xf32, #tpu.memory_space<hbm>> -> memref<10240x128xf32, #tpu.memory_space<hbm>>
        tpu.enqueue_indirect_dma source(%dma_start3A_2053 : memref<10240x128xf32, #tpu.memory_space<hbm>>) target(%arg18 : memref<80x128xf32, #tpu.memory_space<vmem>>) offsets(%dma_start3A_2050 : memref<80xi32, #tpu.memory_space<vmem>>) semaphore(%arg31 : memref<!tpu.dma_semaphore, #tpu.memory_space<semaphore_mem>>)
      } else {
      }
      %eq3A_1536 = arith.constant 1 : i32
      %eq3A_1537 = arith.cmpi eq, %arg0, %eq3A_1536 : i32
      %convert_element_type3A_1538 = arith.extui %eq3A_1537 : i1 to i32
      %cond3A_1539 = arith.constant 0 : i32
      %cond3A_1540 = arith.cmpi ne, %convert_element_type3A_1538, %cond3A_1539 : i32
      scf.if %cond3A_1540 {
        %dma_start3A_2047 = arith.constant 0 : i32
        %dma_start3A_2048 = arith.constant 0 : i32
        %dma_start3A_2049 = tpu.memref_slice %arg10[%dma_start3A_2047, %dma_start3A_2048] : memref<2x80xi32, #tpu.memory_space<vmem>> -> memref<1x80xi32, #tpu.memory_space<vmem>>
        %dma_start3A_2050 = tpu.memref_squeeze %dma_start3A_2049 : memref<1x80xi32, #tpu.memory_space<vmem>> -> memref<80xi32, #tpu.memory_space<vmem>>
        %dma_start3A_2051 = arith.constant 0 : i32
        %dma_start3A_2052 = arith.constant 0 : i32
        %dma_start3A_2053 = tpu.memref_slice %arg4[%dma_start3A_2051, %dma_start3A_2052] : memref<10240x128xf32, #tpu.memory_space<hbm>> -> memref<10240x128xf32, #tpu.memory_space<hbm>>
        tpu.enqueue_indirect_dma source(%dma_start3A_2053 : memref<10240x128xf32, #tpu.memory_space<hbm>>) target(%arg18 : memref<80x128xf32, #tpu.memory_space<vmem>>) offsets(%dma_start3A_2050 : memref<80xi32, #tpu.memory_space<vmem>>) semaphore(%arg31 : memref<!tpu.dma_semaphore, #tpu.memory_space<semaphore_mem>>)
      } else {
      }
      %add3A_1541 = arith.constant 6 : i32
      %add3A_1542 = arith.addi %add3A_1487, %add3A_1541 : i32
      %add3A_1543 = arith.addi %mul3A_0, %add3A_1542 : i32
      %mul3A_1544 = arith.constant 80 : i32
      %mul3A_1545 = arith.muli %add3A_1543, %mul3A_1544 : i32
      %dma_start3A_1546 = arith.constant 0 : i32
      %dma_start3A_1547 = arith.constant 0 : i32
      %dma_start3A_1548 = tpu.memref_slice %arg14[%dma_start3A_1546, %dma_start3A_1547] : memref<2x80xi32, #tpu.memory_space<vmem>> -> memref<1x80xi32, #tpu.memory_space<vmem>>
      %dma_start3A_1549 = tpu.memref_squeeze %dma_start3A_1548 : memref<1x80xi32, #tpu.memory_space<vmem>> -> memref<80xi32, #tpu.memory_space<vmem>>
      %dma_start3A_1550 = tpu.memref_slice %arg2[%mul3A_1545] : memref<640000xi32, #tpu.memory_space<hbm>> -> memref<80xi32, #tpu.memory_space<hbm>>
      %dma_start3A_1551 = arith.constant 0 : i32
      %dma_start3A_1552 = tpu.memref_slice %arg14[%dma_start3A_1546, %dma_start3A_1551] : memref<2x80xi32, #tpu.memory_space<vmem>> -> memref<1x80xi32, #tpu.memory_space<vmem>>
      %dma_start3A_1553 = tpu.memref_squeeze %dma_start3A_1552 : memref<1x80xi32, #tpu.memory_space<vmem>> -> memref<80xi32, #tpu.memory_space<vmem>>
      %dma_start3A_1554 = tpu.memref_slice %arg2[%mul3A_1545] : memref<640000xi32, #tpu.memory_space<hbm>> -> memref<80xi32, #tpu.memory_space<hbm>>
      tpu.enqueue_dma source(%dma_start3A_1554 : memref<80xi32, #tpu.memory_space<hbm>>) target(%dma_start3A_1553 : memref<80xi32, #tpu.memory_space<vmem>>) target_semaphore(%arg27 : memref<!tpu.dma_semaphore, #tpu.memory_space<semaphore_mem>>)
      %add3A_1555 = arith.constant 320000 : i32
      %add3A_1556 = arith.addi %add3A_1555, %mul3A_1545 : i32
      %dma_start3A_1557 = arith.constant 1 : i32
      %dma_start3A_1558 = arith.constant 0 : i32
      %dma_start3A_1559 = tpu.memref_slice %arg14[%dma_start3A_1557, %dma_start3A_1558] : memref<2x80xi32, #tpu.memory_space<vmem>> -> memref<1x80xi32, #tpu.memory_space<vmem>>
      %dma_start3A_1560 = tpu.memref_squeeze %dma_start3A_1559 : memref<1x80xi32, #tpu.memory_space<vmem>> -> memref<80xi32, #tpu.memory_space<vmem>>
      %dma_start3A_1561 = tpu.memref_slice %arg2[%add3A_1556] : memref<640000xi32, #tpu.memory_space<hbm>> -> memref<80xi32, #tpu.memory_space<hbm>>
      %dma_start3A_1562 = arith.constant 0 : i32
      %dma_start3A_1563 = tpu.memref_slice %arg14[%dma_start3A_1557, %dma_start3A_1562] : memref<2x80xi32, #tpu.memory_space<vmem>> -> memref<1x80xi32, #tpu.memory_space<vmem>>
      %dma_start3A_1564 = tpu.memref_squeeze %dma_start3A_1563 : memref<1x80xi32, #tpu.memory_space<vmem>> -> memref<80xi32, #tpu.memory_space<vmem>>
      %dma_start3A_1565 = tpu.memref_slice %arg2[%add3A_1556] : memref<640000xi32, #tpu.memory_space<hbm>> -> memref<80xi32, #tpu.memory_space<hbm>>
      tpu.enqueue_dma source(%dma_start3A_1565 : memref<80xi32, #tpu.memory_space<hbm>>) target(%dma_start3A_1564 : memref<80xi32, #tpu.memory_space<vmem>>) target_semaphore(%arg27 : memref<!tpu.dma_semaphore, #tpu.memory_space<semaphore_mem>>)
      %add3A_1566 = arith.constant 2 : i32
      %add3A_1567 = arith.addi %mul3A_1405, %add3A_1566 : i32
      %dma_wait3A_1568 = arith.constant 0 : i32
      %dma_wait3A_1569 = arith.constant 0 : i32
      %dma_wait3A_1570 = tpu.memref_slice %arg7[%dma_wait3A_1568, %dma_wait3A_1569] : memref<2x80xi32, #tpu.memory_space<vmem>> -> memref<1x80xi32, #tpu.memory_space<vmem>>
      %dma_wait3A_1571 = tpu.memref_squeeze %dma_wait3A_1570 : memref<1x80xi32, #tpu.memory_space<vmem>> -> memref<80xi32, #tpu.memory_space<vmem>>
      %dma_wait3A_1572 = arith.constant 0 : i32
      %dma_wait3A_1573 = arith.constant 0 : i32
      %dma_wait3A_1574 = tpu.memref_slice %arg3[%dma_wait3A_1572, %dma_wait3A_1573] : memref<10240x128xf32, #tpu.memory_space<hbm>> -> memref<10240x128xf32, #tpu.memory_space<hbm>>
      tpu.wait_indirect_dma semaphore(%arg30 : memref<!tpu.dma_semaphore, #tpu.memory_space<semaphore_mem>>) src(%dma_wait3A_1574 : memref<10240x128xf32, #tpu.memory_space<hbm>>) dst(%arg17 : memref<80x128xf32, #tpu.memory_space<vmem>>)
      %dma_start3A_1575 = arith.constant 1 : i32
      %dma_start3A_1576 = arith.constant 0 : i32
      %dma_start3A_1577 = tpu.memref_slice %arg9[%dma_start3A_1575, %dma_start3A_1576] : memref<2x80xi32, #tpu.memory_space<vmem>> -> memref<1x80xi32, #tpu.memory_space<vmem>>
      %dma_start3A_1578 = tpu.memref_squeeze %dma_start3A_1577 : memref<1x80xi32, #tpu.memory_space<vmem>> -> memref<80xi32, #tpu.memory_space<vmem>>
      %dma_start3A_1579 = arith.constant 0 : i32
      %dma_start3A_1580 = arith.constant 0 : i32
      %dma_start3A_1581 = tpu.memref_slice %arg19[%dma_start3A_1579, %dma_start3A_1580] : memref<10240x128xf32, #tpu.memory_space<vmem_shared>> -> memref<10240x128xf32, #tpu.memory_space<vmem_shared>>
      tpu.enqueue_indirect_dma source(%arg17 : memref<80x128xf32, #tpu.memory_space<vmem>>) target(%dma_start3A_1581 : memref<10240x128xf32, #tpu.memory_space<vmem_shared>>) offsets(%dma_start3A_1578 : memref<80xi32, #tpu.memory_space<vmem>>) semaphore(%arg34 : memref<!tpu.dma_semaphore, #tpu.memory_space<semaphore_mem>>) {add = true}
      %dma_wait3A_1582 = arith.constant 1 : i32
      %dma_wait3A_1583 = arith.constant 0 : i32
      %dma_wait3A_1584 = tpu.memref_slice %arg11[%dma_wait3A_1582, %dma_wait3A_1583] : memref<2x80xi32, #tpu.memory_space<vmem>> -> memref<1x80xi32, #tpu.memory_space<vmem>>
      %dma_wait3A_1585 = tpu.memref_squeeze %dma_wait3A_1584 : memref<1x80xi32, #tpu.memory_space<vmem>> -> memref<80xi32, #tpu.memory_space<vmem>>
      %dma_wait3A_1586 = arith.constant 0 : i32
      %dma_wait3A_1587 = arith.constant 0 : i32
      %dma_wait3A_1588 = tpu.memref_slice %arg19[%dma_wait3A_1586, %dma_wait3A_1587] : memref<10240x128xf32, #tpu.memory_space<vmem_shared>> -> memref<10240x128xf32, #tpu.memory_space<vmem_shared>>
      tpu.wait_indirect_dma semaphore(%arg32 : memref<!tpu.dma_semaphore, #tpu.memory_space<semaphore_mem>>) src(%arg15 : memref<80x128xf32, #tpu.memory_space<vmem>>) dst(%dma_wait3A_1588 : memref<10240x128xf32, #tpu.memory_space<vmem_shared>>)
      %dma_wait3A_1589 = arith.constant 0 : i32
      %dma_wait3A_1590 = arith.constant 0 : i32
      %dma_wait3A_1591 = tpu.memref_slice %arg11[%dma_wait3A_1589, %dma_wait3A_1590] : memref<2x80xi32, #tpu.memory_space<vmem>> -> memref<1x80xi32, #tpu.memory_space<vmem>>
      %dma_wait3A_1592 = tpu.memref_squeeze %dma_wait3A_1591 : memref<1x80xi32, #tpu.memory_space<vmem>> -> memref<80xi32, #tpu.memory_space<vmem>>
      %dma_wait3A_1593 = arith.constant 0 : i32
      %dma_wait3A_1594 = tpu.memref_slice %arg2[%dma_wait3A_1593] : memref<640000xi32, #tpu.memory_space<hbm>> -> memref<80xi32, #tpu.memory_space<hbm>>
      %dma_wait3A_1595 = arith.constant 0 : i32
      %dma_wait3A_1596 = tpu.memref_slice %arg11[%dma_wait3A_1589, %dma_wait3A_1595] : memref<2x80xi32, #tpu.memory_space<vmem>> -> memref<1x80xi32, #tpu.memory_space<vmem>>
      %dma_wait3A_1597 = tpu.memref_squeeze %dma_wait3A_1596 : memref<1x80xi32, #tpu.memory_space<vmem>> -> memref<80xi32, #tpu.memory_space<vmem>>
      %dma_wait3A_1598 = arith.constant 0 : i32
      %dma_wait3A_1599 = tpu.memref_slice %arg2[%dma_wait3A_1598] : memref<640000xi32, #tpu.memory_space<hbm>> -> memref<80xi32, #tpu.memory_space<hbm>>
      tpu.wait_dma2 semaphore(%arg24 : memref<!tpu.dma_semaphore, #tpu.memory_space<semaphore_mem>>) src(%dma_wait3A_1599 : memref<80xi32, #tpu.memory_space<hbm>>) dst(%dma_wait3A_1597 : memref<80xi32, #tpu.memory_space<vmem>>)
      %dma_wait3A_1600 = arith.constant 1 : i32
      %dma_wait3A_1601 = arith.constant 0 : i32
      %dma_wait3A_1602 = tpu.memref_slice %arg11[%dma_wait3A_1600, %dma_wait3A_1601] : memref<2x80xi32, #tpu.memory_space<vmem>> -> memref<1x80xi32, #tpu.memory_space<vmem>>
      %dma_wait3A_1603 = tpu.memref_squeeze %dma_wait3A_1602 : memref<1x80xi32, #tpu.memory_space<vmem>> -> memref<80xi32, #tpu.memory_space<vmem>>
      %dma_wait3A_1604 = arith.constant 0 : i32
      %dma_wait3A_1605 = tpu.memref_slice %arg2[%dma_wait3A_1604] : memref<640000xi32, #tpu.memory_space<hbm>> -> memref<80xi32, #tpu.memory_space<hbm>>
      %dma_wait3A_1606 = arith.constant 0 : i32
      %dma_wait3A_1607 = tpu.memref_slice %arg11[%dma_wait3A_1600, %dma_wait3A_1606] : memref<2x80xi32, #tpu.memory_space<vmem>> -> memref<1x80xi32, #tpu.memory_space<vmem>>
      %dma_wait3A_1608 = tpu.memref_squeeze %dma_wait3A_1607 : memref<1x80xi32, #tpu.memory_space<vmem>> -> memref<80xi32, #tpu.memory_space<vmem>>
      %dma_wait3A_1609 = arith.constant 0 : i32
      %dma_wait3A_1610 = tpu.memref_slice %arg2[%dma_wait3A_1609] : memref<640000xi32, #tpu.memory_space<hbm>> -> memref<80xi32, #tpu.memory_space<hbm>>
      tpu.wait_dma2 semaphore(%arg24 : memref<!tpu.dma_semaphore, #tpu.memory_space<semaphore_mem>>) src(%dma_wait3A_1610 : memref<80xi32, #tpu.memory_space<hbm>>) dst(%dma_wait3A_1608 : memref<80xi32, #tpu.memory_space<vmem>>)
      %eq3A_1611 = arith.constant 0 : i32
      %eq3A_1612 = arith.cmpi eq, %arg0, %eq3A_1611 : i32
      %convert_element_type3A_1613 = arith.extui %eq3A_1612 : i1 to i32
      %cond3A_1614 = arith.constant 0 : i32
      %cond3A_1615 = arith.cmpi ne, %convert_element_type3A_1613, %cond3A_1614 : i32
      scf.if %cond3A_1615 {
        %dma_start3A_2047 = arith.constant 0 : i32
        %dma_start3A_2048 = arith.constant 0 : i32
        %dma_start3A_2049 = tpu.memref_slice %arg11[%dma_start3A_2047, %dma_start3A_2048] : memref<2x80xi32, #tpu.memory_space<vmem>> -> memref<1x80xi32, #tpu.memory_space<vmem>>
        %dma_start3A_2050 = tpu.memref_squeeze %dma_start3A_2049 : memref<1x80xi32, #tpu.memory_space<vmem>> -> memref<80xi32, #tpu.memory_space<vmem>>
        %dma_start3A_2051 = arith.constant 0 : i32
        %dma_start3A_2052 = arith.constant 0 : i32
        %dma_start3A_2053 = tpu.memref_slice %arg3[%dma_start3A_2051, %dma_start3A_2052] : memref<10240x128xf32, #tpu.memory_space<hbm>> -> memref<10240x128xf32, #tpu.memory_space<hbm>>
        tpu.enqueue_indirect_dma source(%dma_start3A_2053 : memref<10240x128xf32, #tpu.memory_space<hbm>>) target(%arg15 : memref<80x128xf32, #tpu.memory_space<vmem>>) offsets(%dma_start3A_2050 : memref<80xi32, #tpu.memory_space<vmem>>) semaphore(%arg28 : memref<!tpu.dma_semaphore, #tpu.memory_space<semaphore_mem>>)
      } else {
      }
      %eq3A_1616 = arith.constant 1 : i32
      %eq3A_1617 = arith.cmpi eq, %arg0, %eq3A_1616 : i32
      %convert_element_type3A_1618 = arith.extui %eq3A_1617 : i1 to i32
      %cond3A_1619 = arith.constant 0 : i32
      %cond3A_1620 = arith.cmpi ne, %convert_element_type3A_1618, %cond3A_1619 : i32
      scf.if %cond3A_1620 {
        %dma_start3A_2047 = arith.constant 0 : i32
        %dma_start3A_2048 = arith.constant 0 : i32
        %dma_start3A_2049 = tpu.memref_slice %arg11[%dma_start3A_2047, %dma_start3A_2048] : memref<2x80xi32, #tpu.memory_space<vmem>> -> memref<1x80xi32, #tpu.memory_space<vmem>>
        %dma_start3A_2050 = tpu.memref_squeeze %dma_start3A_2049 : memref<1x80xi32, #tpu.memory_space<vmem>> -> memref<80xi32, #tpu.memory_space<vmem>>
        %dma_start3A_2051 = arith.constant 0 : i32
        %dma_start3A_2052 = arith.constant 0 : i32
        %dma_start3A_2053 = tpu.memref_slice %arg4[%dma_start3A_2051, %dma_start3A_2052] : memref<10240x128xf32, #tpu.memory_space<hbm>> -> memref<10240x128xf32, #tpu.memory_space<hbm>>
        tpu.enqueue_indirect_dma source(%dma_start3A_2053 : memref<10240x128xf32, #tpu.memory_space<hbm>>) target(%arg15 : memref<80x128xf32, #tpu.memory_space<vmem>>) offsets(%dma_start3A_2050 : memref<80xi32, #tpu.memory_space<vmem>>) semaphore(%arg28 : memref<!tpu.dma_semaphore, #tpu.memory_space<semaphore_mem>>)
      } else {
      }
      %add3A_1621 = arith.constant 6 : i32
      %add3A_1622 = arith.addi %add3A_1567, %add3A_1621 : i32
      %add3A_1623 = arith.addi %mul3A_0, %add3A_1622 : i32
      %mul3A_1624 = arith.constant 80 : i32
      %mul3A_1625 = arith.muli %add3A_1623, %mul3A_1624 : i32
      %dma_start3A_1626 = arith.constant 0 : i32
      %dma_start3A_1627 = arith.constant 0 : i32
      %dma_start3A_1628 = tpu.memref_slice %arg7[%dma_start3A_1626, %dma_start3A_1627] : memref<2x80xi32, #tpu.memory_space<vmem>> -> memref<1x80xi32, #tpu.memory_space<vmem>>
      %dma_start3A_1629 = tpu.memref_squeeze %dma_start3A_1628 : memref<1x80xi32, #tpu.memory_space<vmem>> -> memref<80xi32, #tpu.memory_space<vmem>>
      %dma_start3A_1630 = tpu.memref_slice %arg2[%mul3A_1625] : memref<640000xi32, #tpu.memory_space<hbm>> -> memref<80xi32, #tpu.memory_space<hbm>>
      %dma_start3A_1631 = arith.constant 0 : i32
      %dma_start3A_1632 = tpu.memref_slice %arg7[%dma_start3A_1626, %dma_start3A_1631] : memref<2x80xi32, #tpu.memory_space<vmem>> -> memref<1x80xi32, #tpu.memory_space<vmem>>
      %dma_start3A_1633 = tpu.memref_squeeze %dma_start3A_1632 : memref<1x80xi32, #tpu.memory_space<vmem>> -> memref<80xi32, #tpu.memory_space<vmem>>
      %dma_start3A_1634 = tpu.memref_slice %arg2[%mul3A_1625] : memref<640000xi32, #tpu.memory_space<hbm>> -> memref<80xi32, #tpu.memory_space<hbm>>
      tpu.enqueue_dma source(%dma_start3A_1634 : memref<80xi32, #tpu.memory_space<hbm>>) target(%dma_start3A_1633 : memref<80xi32, #tpu.memory_space<vmem>>) target_semaphore(%arg20 : memref<!tpu.dma_semaphore, #tpu.memory_space<semaphore_mem>>)
      %add3A_1635 = arith.constant 320000 : i32
      %add3A_1636 = arith.addi %add3A_1635, %mul3A_1625 : i32
      %dma_start3A_1637 = arith.constant 1 : i32
      %dma_start3A_1638 = arith.constant 0 : i32
      %dma_start3A_1639 = tpu.memref_slice %arg7[%dma_start3A_1637, %dma_start3A_1638] : memref<2x80xi32, #tpu.memory_space<vmem>> -> memref<1x80xi32, #tpu.memory_space<vmem>>
      %dma_start3A_1640 = tpu.memref_squeeze %dma_start3A_1639 : memref<1x80xi32, #tpu.memory_space<vmem>> -> memref<80xi32, #tpu.memory_space<vmem>>
      %dma_start3A_1641 = tpu.memref_slice %arg2[%add3A_1636] : memref<640000xi32, #tpu.memory_space<hbm>> -> memref<80xi32, #tpu.memory_space<hbm>>
      %dma_start3A_1642 = arith.constant 0 : i32
      %dma_start3A_1643 = tpu.memref_slice %arg7[%dma_start3A_1637, %dma_start3A_1642] : memref<2x80xi32, #tpu.memory_space<vmem>> -> memref<1x80xi32, #tpu.memory_space<vmem>>
      %dma_start3A_1644 = tpu.memref_squeeze %dma_start3A_1643 : memref<1x80xi32, #tpu.memory_space<vmem>> -> memref<80xi32, #tpu.memory_space<vmem>>
      %dma_start3A_1645 = tpu.memref_slice %arg2[%add3A_1636] : memref<640000xi32, #tpu.memory_space<hbm>> -> memref<80xi32, #tpu.memory_space<hbm>>
      tpu.enqueue_dma source(%dma_start3A_1645 : memref<80xi32, #tpu.memory_space<hbm>>) target(%dma_start3A_1644 : memref<80xi32, #tpu.memory_space<vmem>>) target_semaphore(%arg20 : memref<!tpu.dma_semaphore, #tpu.memory_space<semaphore_mem>>)
      %add3A_1646 = arith.constant 3 : i32
      %add3A_1647 = arith.addi %mul3A_1405, %add3A_1646 : i32
      %dma_wait3A_1648 = arith.constant 0 : i32
      %dma_wait3A_1649 = arith.constant 0 : i32
      %dma_wait3A_1650 = tpu.memref_slice %arg7[%dma_wait3A_1648, %dma_wait3A_1649] : memref<2x80xi32, #tpu.memory_space<vmem>> -> memref<1x80xi32, #tpu.memory_space<vmem>>
      %dma_wait3A_1651 = tpu.memref_squeeze %dma_wait3A_1650 : memref<1x80xi32, #tpu.memory_space<vmem>> -> memref<80xi32, #tpu.memory_space<vmem>>
      %dma_wait3A_1652 = arith.constant 0 : i32
      %dma_wait3A_1653 = arith.constant 0 : i32
      %dma_wait3A_1654 = tpu.memref_slice %arg3[%dma_wait3A_1652, %dma_wait3A_1653] : memref<10240x128xf32, #tpu.memory_space<hbm>> -> memref<10240x128xf32, #tpu.memory_space<hbm>>
      tpu.wait_indirect_dma semaphore(%arg31 : memref<!tpu.dma_semaphore, #tpu.memory_space<semaphore_mem>>) src(%dma_wait3A_1654 : memref<10240x128xf32, #tpu.memory_space<hbm>>) dst(%arg18 : memref<80x128xf32, #tpu.memory_space<vmem>>)
      %dma_start3A_1655 = arith.constant 1 : i32
      %dma_start3A_1656 = arith.constant 0 : i32
      %dma_start3A_1657 = tpu.memref_slice %arg10[%dma_start3A_1655, %dma_start3A_1656] : memref<2x80xi32, #tpu.memory_space<vmem>> -> memref<1x80xi32, #tpu.memory_space<vmem>>
      %dma_start3A_1658 = tpu.memref_squeeze %dma_start3A_1657 : memref<1x80xi32, #tpu.memory_space<vmem>> -> memref<80xi32, #tpu.memory_space<vmem>>
      %dma_start3A_1659 = arith.constant 0 : i32
      %dma_start3A_1660 = arith.constant 0 : i32
      %dma_start3A_1661 = tpu.memref_slice %arg19[%dma_start3A_1659, %dma_start3A_1660] : memref<10240x128xf32, #tpu.memory_space<vmem_shared>> -> memref<10240x128xf32, #tpu.memory_space<vmem_shared>>
      tpu.enqueue_indirect_dma source(%arg18 : memref<80x128xf32, #tpu.memory_space<vmem>>) target(%dma_start3A_1661 : memref<10240x128xf32, #tpu.memory_space<vmem_shared>>) offsets(%dma_start3A_1658 : memref<80xi32, #tpu.memory_space<vmem>>) semaphore(%arg35 : memref<!tpu.dma_semaphore, #tpu.memory_space<semaphore_mem>>) {add = true}
      %dma_wait3A_1662 = arith.constant 1 : i32
      %dma_wait3A_1663 = arith.constant 0 : i32
      %dma_wait3A_1664 = tpu.memref_slice %arg12[%dma_wait3A_1662, %dma_wait3A_1663] : memref<2x80xi32, #tpu.memory_space<vmem>> -> memref<1x80xi32, #tpu.memory_space<vmem>>
      %dma_wait3A_1665 = tpu.memref_squeeze %dma_wait3A_1664 : memref<1x80xi32, #tpu.memory_space<vmem>> -> memref<80xi32, #tpu.memory_space<vmem>>
      %dma_wait3A_1666 = arith.constant 0 : i32
      %dma_wait3A_1667 = arith.constant 0 : i32
      %dma_wait3A_1668 = tpu.memref_slice %arg19[%dma_wait3A_1666, %dma_wait3A_1667] : memref<10240x128xf32, #tpu.memory_space<vmem_shared>> -> memref<10240x128xf32, #tpu.memory_space<vmem_shared>>
      tpu.wait_indirect_dma semaphore(%arg33 : memref<!tpu.dma_semaphore, #tpu.memory_space<semaphore_mem>>) src(%arg16 : memref<80x128xf32, #tpu.memory_space<vmem>>) dst(%dma_wait3A_1668 : memref<10240x128xf32, #tpu.memory_space<vmem_shared>>)
      %dma_wait3A_1669 = arith.constant 0 : i32
      %dma_wait3A_1670 = arith.constant 0 : i32
      %dma_wait3A_1671 = tpu.memref_slice %arg12[%dma_wait3A_1669, %dma_wait3A_1670] : memref<2x80xi32, #tpu.memory_space<vmem>> -> memref<1x80xi32, #tpu.memory_space<vmem>>
      %dma_wait3A_1672 = tpu.memref_squeeze %dma_wait3A_1671 : memref<1x80xi32, #tpu.memory_space<vmem>> -> memref<80xi32, #tpu.memory_space<vmem>>
      %dma_wait3A_1673 = arith.constant 0 : i32
      %dma_wait3A_1674 = tpu.memref_slice %arg2[%dma_wait3A_1673] : memref<640000xi32, #tpu.memory_space<hbm>> -> memref<80xi32, #tpu.memory_space<hbm>>
      %dma_wait3A_1675 = arith.constant 0 : i32
      %dma_wait3A_1676 = tpu.memref_slice %arg12[%dma_wait3A_1669, %dma_wait3A_1675] : memref<2x80xi32, #tpu.memory_space<vmem>> -> memref<1x80xi32, #tpu.memory_space<vmem>>
      %dma_wait3A_1677 = tpu.memref_squeeze %dma_wait3A_1676 : memref<1x80xi32, #tpu.memory_space<vmem>> -> memref<80xi32, #tpu.memory_space<vmem>>
      %dma_wait3A_1678 = arith.constant 0 : i32
      %dma_wait3A_1679 = tpu.memref_slice %arg2[%dma_wait3A_1678] : memref<640000xi32, #tpu.memory_space<hbm>> -> memref<80xi32, #tpu.memory_space<hbm>>
      tpu.wait_dma2 semaphore(%arg25 : memref<!tpu.dma_semaphore, #tpu.memory_space<semaphore_mem>>) src(%dma_wait3A_1679 : memref<80xi32, #tpu.memory_space<hbm>>) dst(%dma_wait3A_1677 : memref<80xi32, #tpu.memory_space<vmem>>)
      %dma_wait3A_1680 = arith.constant 1 : i32
      %dma_wait3A_1681 = arith.constant 0 : i32
      %dma_wait3A_1682 = tpu.memref_slice %arg12[%dma_wait3A_1680, %dma_wait3A_1681] : memref<2x80xi32, #tpu.memory_space<vmem>> -> memref<1x80xi32, #tpu.memory_space<vmem>>
      %dma_wait3A_1683 = tpu.memref_squeeze %dma_wait3A_1682 : memref<1x80xi32, #tpu.memory_space<vmem>> -> memref<80xi32, #tpu.memory_space<vmem>>
      %dma_wait3A_1684 = arith.constant 0 : i32
      %dma_wait3A_1685 = tpu.memref_slice %arg2[%dma_wait3A_1684] : memref<640000xi32, #tpu.memory_space<hbm>> -> memref<80xi32, #tpu.memory_space<hbm>>
      %dma_wait3A_1686 = arith.constant 0 : i32
      %dma_wait3A_1687 = tpu.memref_slice %arg12[%dma_wait3A_1680, %dma_wait3A_1686] : memref<2x80xi32, #tpu.memory_space<vmem>> -> memref<1x80xi32, #tpu.memory_space<vmem>>
      %dma_wait3A_1688 = tpu.memref_squeeze %dma_wait3A_1687 : memref<1x80xi32, #tpu.memory_space<vmem>> -> memref<80xi32, #tpu.memory_space<vmem>>
      %dma_wait3A_1689 = arith.constant 0 : i32
      %dma_wait3A_1690 = tpu.memref_slice %arg2[%dma_wait3A_1689] : memref<640000xi32, #tpu.memory_space<hbm>> -> memref<80xi32, #tpu.memory_space<hbm>>
      tpu.wait_dma2 semaphore(%arg25 : memref<!tpu.dma_semaphore, #tpu.memory_space<semaphore_mem>>) src(%dma_wait3A_1690 : memref<80xi32, #tpu.memory_space<hbm>>) dst(%dma_wait3A_1688 : memref<80xi32, #tpu.memory_space<vmem>>)
      %eq3A_1691 = arith.constant 0 : i32
      %eq3A_1692 = arith.cmpi eq, %arg0, %eq3A_1691 : i32
      %convert_element_type3A_1693 = arith.extui %eq3A_1692 : i1 to i32
      %cond3A_1694 = arith.constant 0 : i32
      %cond3A_1695 = arith.cmpi ne, %convert_element_type3A_1693, %cond3A_1694 : i32
      scf.if %cond3A_1695 {
        %dma_start3A_2047 = arith.constant 0 : i32
        %dma_start3A_2048 = arith.constant 0 : i32
        %dma_start3A_2049 = tpu.memref_slice %arg12[%dma_start3A_2047, %dma_start3A_2048] : memref<2x80xi32, #tpu.memory_space<vmem>> -> memref<1x80xi32, #tpu.memory_space<vmem>>
        %dma_start3A_2050 = tpu.memref_squeeze %dma_start3A_2049 : memref<1x80xi32, #tpu.memory_space<vmem>> -> memref<80xi32, #tpu.memory_space<vmem>>
        %dma_start3A_2051 = arith.constant 0 : i32
        %dma_start3A_2052 = arith.constant 0 : i32
        %dma_start3A_2053 = tpu.memref_slice %arg3[%dma_start3A_2051, %dma_start3A_2052] : memref<10240x128xf32, #tpu.memory_space<hbm>> -> memref<10240x128xf32, #tpu.memory_space<hbm>>
        tpu.enqueue_indirect_dma source(%dma_start3A_2053 : memref<10240x128xf32, #tpu.memory_space<hbm>>) target(%arg16 : memref<80x128xf32, #tpu.memory_space<vmem>>) offsets(%dma_start3A_2050 : memref<80xi32, #tpu.memory_space<vmem>>) semaphore(%arg29 : memref<!tpu.dma_semaphore, #tpu.memory_space<semaphore_mem>>)
      } else {
      }
      %eq3A_1696 = arith.constant 1 : i32
      %eq3A_1697 = arith.cmpi eq, %arg0, %eq3A_1696 : i32
      %convert_element_type3A_1698 = arith.extui %eq3A_1697 : i1 to i32
      %cond3A_1699 = arith.constant 0 : i32
      %cond3A_1700 = arith.cmpi ne, %convert_element_type3A_1698, %cond3A_1699 : i32
      scf.if %cond3A_1700 {
        %dma_start3A_2047 = arith.constant 0 : i32
        %dma_start3A_2048 = arith.constant 0 : i32
        %dma_start3A_2049 = tpu.memref_slice %arg12[%dma_start3A_2047, %dma_start3A_2048] : memref<2x80xi32, #tpu.memory_space<vmem>> -> memref<1x80xi32, #tpu.memory_space<vmem>>
        %dma_start3A_2050 = tpu.memref_squeeze %dma_start3A_2049 : memref<1x80xi32, #tpu.memory_space<vmem>> -> memref<80xi32, #tpu.memory_space<vmem>>
        %dma_start3A_2051 = arith.constant 0 : i32
        %dma_start3A_2052 = arith.constant 0 : i32
        %dma_start3A_2053 = tpu.memref_slice %arg4[%dma_start3A_2051, %dma_start3A_2052] : memref<10240x128xf32, #tpu.memory_space<hbm>> -> memref<10240x128xf32, #tpu.memory_space<hbm>>
        tpu.enqueue_indirect_dma source(%dma_start3A_2053 : memref<10240x128xf32, #tpu.memory_space<hbm>>) target(%arg16 : memref<80x128xf32, #tpu.memory_space<vmem>>) offsets(%dma_start3A_2050 : memref<80xi32, #tpu.memory_space<vmem>>) semaphore(%arg29 : memref<!tpu.dma_semaphore, #tpu.memory_space<semaphore_mem>>)
      } else {
      }
      %add3A_1701 = arith.constant 6 : i32
      %add3A_1702 = arith.addi %add3A_1647, %add3A_1701 : i32
      %add3A_1703 = arith.addi %mul3A_0, %add3A_1702 : i32
      %mul3A_1704 = arith.constant 80 : i32
      %mul3A_1705 = arith.muli %add3A_1703, %mul3A_1704 : i32
      %dma_start3A_1706 = arith.constant 0 : i32
      %dma_start3A_1707 = arith.constant 0 : i32
      %dma_start3A_1708 = tpu.memref_slice %arg8[%dma_start3A_1706, %dma_start3A_1707] : memref<2x80xi32, #tpu.memory_space<vmem>> -> memref<1x80xi32, #tpu.memory_space<vmem>>
      %dma_start3A_1709 = tpu.memref_squeeze %dma_start3A_1708 : memref<1x80xi32, #tpu.memory_space<vmem>> -> memref<80xi32, #tpu.memory_space<vmem>>
      %dma_start3A_1710 = tpu.memref_slice %arg2[%mul3A_1705] : memref<640000xi32, #tpu.memory_space<hbm>> -> memref<80xi32, #tpu.memory_space<hbm>>
      %dma_start3A_1711 = arith.constant 0 : i32
      %dma_start3A_1712 = tpu.memref_slice %arg8[%dma_start3A_1706, %dma_start3A_1711] : memref<2x80xi32, #tpu.memory_space<vmem>> -> memref<1x80xi32, #tpu.memory_space<vmem>>
      %dma_start3A_1713 = tpu.memref_squeeze %dma_start3A_1712 : memref<1x80xi32, #tpu.memory_space<vmem>> -> memref<80xi32, #tpu.memory_space<vmem>>
      %dma_start3A_1714 = tpu.memref_slice %arg2[%mul3A_1705] : memref<640000xi32, #tpu.memory_space<hbm>> -> memref<80xi32, #tpu.memory_space<hbm>>
      tpu.enqueue_dma source(%dma_start3A_1714 : memref<80xi32, #tpu.memory_space<hbm>>) target(%dma_start3A_1713 : memref<80xi32, #tpu.memory_space<vmem>>) target_semaphore(%arg21 : memref<!tpu.dma_semaphore, #tpu.memory_space<semaphore_mem>>)
      %add3A_1715 = arith.constant 320000 : i32
      %add3A_1716 = arith.addi %add3A_1715, %mul3A_1705 : i32
      %dma_start3A_1717 = arith.constant 1 : i32
      %dma_start3A_1718 = arith.constant 0 : i32
      %dma_start3A_1719 = tpu.memref_slice %arg8[%dma_start3A_1717, %dma_start3A_1718] : memref<2x80xi32, #tpu.memory_space<vmem>> -> memref<1x80xi32, #tpu.memory_space<vmem>>
      %dma_start3A_1720 = tpu.memref_squeeze %dma_start3A_1719 : memref<1x80xi32, #tpu.memory_space<vmem>> -> memref<80xi32, #tpu.memory_space<vmem>>
      %dma_start3A_1721 = tpu.memref_slice %arg2[%add3A_1716] : memref<640000xi32, #tpu.memory_space<hbm>> -> memref<80xi32, #tpu.memory_space<hbm>>
      %dma_start3A_1722 = arith.constant 0 : i32
      %dma_start3A_1723 = tpu.memref_slice %arg8[%dma_start3A_1717, %dma_start3A_1722] : memref<2x80xi32, #tpu.memory_space<vmem>> -> memref<1x80xi32, #tpu.memory_space<vmem>>
      %dma_start3A_1724 = tpu.memref_squeeze %dma_start3A_1723 : memref<1x80xi32, #tpu.memory_space<vmem>> -> memref<80xi32, #tpu.memory_space<vmem>>
      %dma_start3A_1725 = tpu.memref_slice %arg2[%add3A_1716] : memref<640000xi32, #tpu.memory_space<hbm>> -> memref<80xi32, #tpu.memory_space<hbm>>
      tpu.enqueue_dma source(%dma_start3A_1725 : memref<80xi32, #tpu.memory_space<hbm>>) target(%dma_start3A_1724 : memref<80xi32, #tpu.memory_space<vmem>>) target_semaphore(%arg21 : memref<!tpu.dma_semaphore, #tpu.memory_space<semaphore_mem>>)
      %add3A_1726 = arith.constant 4 : i32
      %add3A_1727 = arith.addi %mul3A_1405, %add3A_1726 : i32
      %dma_wait3A_1728 = arith.constant 0 : i32
      %dma_wait3A_1729 = arith.constant 0 : i32
      %dma_wait3A_1730 = tpu.memref_slice %arg7[%dma_wait3A_1728, %dma_wait3A_1729] : memref<2x80xi32, #tpu.memory_space<vmem>> -> memref<1x80xi32, #tpu.memory_space<vmem>>
      %dma_wait3A_1731 = tpu.memref_squeeze %dma_wait3A_1730 : memref<1x80xi32, #tpu.memory_space<vmem>> -> memref<80xi32, #tpu.memory_space<vmem>>
      %dma_wait3A_1732 = arith.constant 0 : i32
      %dma_wait3A_1733 = arith.constant 0 : i32
      %dma_wait3A_1734 = tpu.memref_slice %arg3[%dma_wait3A_1732, %dma_wait3A_1733] : memref<10240x128xf32, #tpu.memory_space<hbm>> -> memref<10240x128xf32, #tpu.memory_space<hbm>>
      tpu.wait_indirect_dma semaphore(%arg28 : memref<!tpu.dma_semaphore, #tpu.memory_space<semaphore_mem>>) src(%dma_wait3A_1734 : memref<10240x128xf32, #tpu.memory_space<hbm>>) dst(%arg15 : memref<80x128xf32, #tpu.memory_space<vmem>>)
      %dma_start3A_1735 = arith.constant 1 : i32
      %dma_start3A_1736 = arith.constant 0 : i32
      %dma_start3A_1737 = tpu.memref_slice %arg11[%dma_start3A_1735, %dma_start3A_1736] : memref<2x80xi32, #tpu.memory_space<vmem>> -> memref<1x80xi32, #tpu.memory_space<vmem>>
      %dma_start3A_1738 = tpu.memref_squeeze %dma_start3A_1737 : memref<1x80xi32, #tpu.memory_space<vmem>> -> memref<80xi32, #tpu.memory_space<vmem>>
      %dma_start3A_1739 = arith.constant 0 : i32
      %dma_start3A_1740 = arith.constant 0 : i32
      %dma_start3A_1741 = tpu.memref_slice %arg19[%dma_start3A_1739, %dma_start3A_1740] : memref<10240x128xf32, #tpu.memory_space<vmem_shared>> -> memref<10240x128xf32, #tpu.memory_space<vmem_shared>>
      tpu.enqueue_indirect_dma source(%arg15 : memref<80x128xf32, #tpu.memory_space<vmem>>) target(%dma_start3A_1741 : memref<10240x128xf32, #tpu.memory_space<vmem_shared>>) offsets(%dma_start3A_1738 : memref<80xi32, #tpu.memory_space<vmem>>) semaphore(%arg32 : memref<!tpu.dma_semaphore, #tpu.memory_space<semaphore_mem>>) {add = true}
      %dma_wait3A_1742 = arith.constant 1 : i32
      %dma_wait3A_1743 = arith.constant 0 : i32
      %dma_wait3A_1744 = tpu.memref_slice %arg13[%dma_wait3A_1742, %dma_wait3A_1743] : memref<2x80xi32, #tpu.memory_space<vmem>> -> memref<1x80xi32, #tpu.memory_space<vmem>>
      %dma_wait3A_1745 = tpu.memref_squeeze %dma_wait3A_1744 : memref<1x80xi32, #tpu.memory_space<vmem>> -> memref<80xi32, #tpu.memory_space<vmem>>
      %dma_wait3A_1746 = arith.constant 0 : i32
      %dma_wait3A_1747 = arith.constant 0 : i32
      %dma_wait3A_1748 = tpu.memref_slice %arg19[%dma_wait3A_1746, %dma_wait3A_1747] : memref<10240x128xf32, #tpu.memory_space<vmem_shared>> -> memref<10240x128xf32, #tpu.memory_space<vmem_shared>>
      tpu.wait_indirect_dma semaphore(%arg34 : memref<!tpu.dma_semaphore, #tpu.memory_space<semaphore_mem>>) src(%arg17 : memref<80x128xf32, #tpu.memory_space<vmem>>) dst(%dma_wait3A_1748 : memref<10240x128xf32, #tpu.memory_space<vmem_shared>>)
      %dma_wait3A_1749 = arith.constant 0 : i32
      %dma_wait3A_1750 = arith.constant 0 : i32
      %dma_wait3A_1751 = tpu.memref_slice %arg13[%dma_wait3A_1749, %dma_wait3A_1750] : memref<2x80xi32, #tpu.memory_space<vmem>> -> memref<1x80xi32, #tpu.memory_space<vmem>>
      %dma_wait3A_1752 = tpu.memref_squeeze %dma_wait3A_1751 : memref<1x80xi32, #tpu.memory_space<vmem>> -> memref<80xi32, #tpu.memory_space<vmem>>
      %dma_wait3A_1753 = arith.constant 0 : i32
      %dma_wait3A_1754 = tpu.memref_slice %arg2[%dma_wait3A_1753] : memref<640000xi32, #tpu.memory_space<hbm>> -> memref<80xi32, #tpu.memory_space<hbm>>
      %dma_wait3A_1755 = arith.constant 0 : i32
      %dma_wait3A_1756 = tpu.memref_slice %arg13[%dma_wait3A_1749, %dma_wait3A_1755] : memref<2x80xi32, #tpu.memory_space<vmem>> -> memref<1x80xi32, #tpu.memory_space<vmem>>
      %dma_wait3A_1757 = tpu.memref_squeeze %dma_wait3A_1756 : memref<1x80xi32, #tpu.memory_space<vmem>> -> memref<80xi32, #tpu.memory_space<vmem>>
      %dma_wait3A_1758 = arith.constant 0 : i32
      %dma_wait3A_1759 = tpu.memref_slice %arg2[%dma_wait3A_1758] : memref<640000xi32, #tpu.memory_space<hbm>> -> memref<80xi32, #tpu.memory_space<hbm>>
      tpu.wait_dma2 semaphore(%arg26 : memref<!tpu.dma_semaphore, #tpu.memory_space<semaphore_mem>>) src(%dma_wait3A_1759 : memref<80xi32, #tpu.memory_space<hbm>>) dst(%dma_wait3A_1757 : memref<80xi32, #tpu.memory_space<vmem>>)
      %dma_wait3A_1760 = arith.constant 1 : i32
      %dma_wait3A_1761 = arith.constant 0 : i32
      %dma_wait3A_1762 = tpu.memref_slice %arg13[%dma_wait3A_1760, %dma_wait3A_1761] : memref<2x80xi32, #tpu.memory_space<vmem>> -> memref<1x80xi32, #tpu.memory_space<vmem>>
      %dma_wait3A_1763 = tpu.memref_squeeze %dma_wait3A_1762 : memref<1x80xi32, #tpu.memory_space<vmem>> -> memref<80xi32, #tpu.memory_space<vmem>>
      %dma_wait3A_1764 = arith.constant 0 : i32
      %dma_wait3A_1765 = tpu.memref_slice %arg2[%dma_wait3A_1764] : memref<640000xi32, #tpu.memory_space<hbm>> -> memref<80xi32, #tpu.memory_space<hbm>>
      %dma_wait3A_1766 = arith.constant 0 : i32
      %dma_wait3A_1767 = tpu.memref_slice %arg13[%dma_wait3A_1760, %dma_wait3A_1766] : memref<2x80xi32, #tpu.memory_space<vmem>> -> memref<1x80xi32, #tpu.memory_space<vmem>>
      %dma_wait3A_1768 = tpu.memref_squeeze %dma_wait3A_1767 : memref<1x80xi32, #tpu.memory_space<vmem>> -> memref<80xi32, #tpu.memory_space<vmem>>
      %dma_wait3A_1769 = arith.constant 0 : i32
      %dma_wait3A_1770 = tpu.memref_slice %arg2[%dma_wait3A_1769] : memref<640000xi32, #tpu.memory_space<hbm>> -> memref<80xi32, #tpu.memory_space<hbm>>
      tpu.wait_dma2 semaphore(%arg26 : memref<!tpu.dma_semaphore, #tpu.memory_space<semaphore_mem>>) src(%dma_wait3A_1770 : memref<80xi32, #tpu.memory_space<hbm>>) dst(%dma_wait3A_1768 : memref<80xi32, #tpu.memory_space<vmem>>)
      %eq3A_1771 = arith.constant 0 : i32
      %eq3A_1772 = arith.cmpi eq, %arg0, %eq3A_1771 : i32
      %convert_element_type3A_1773 = arith.extui %eq3A_1772 : i1 to i32
      %cond3A_1774 = arith.constant 0 : i32
      %cond3A_1775 = arith.cmpi ne, %convert_element_type3A_1773, %cond3A_1774 : i32
      scf.if %cond3A_1775 {
        %dma_start3A_2047 = arith.constant 0 : i32
        %dma_start3A_2048 = arith.constant 0 : i32
        %dma_start3A_2049 = tpu.memref_slice %arg13[%dma_start3A_2047, %dma_start3A_2048] : memref<2x80xi32, #tpu.memory_space<vmem>> -> memref<1x80xi32, #tpu.memory_space<vmem>>
        %dma_start3A_2050 = tpu.memref_squeeze %dma_start3A_2049 : memref<1x80xi32, #tpu.memory_space<vmem>> -> memref<80xi32, #tpu.memory_space<vmem>>
        %dma_start3A_2051 = arith.constant 0 : i32
        %dma_start3A_2052 = arith.constant 0 : i32
        %dma_start3A_2053 = tpu.memref_slice %arg3[%dma_start3A_2051, %dma_start3A_2052] : memref<10240x128xf32, #tpu.memory_space<hbm>> -> memref<10240x128xf32, #tpu.memory_space<hbm>>
        tpu.enqueue_indirect_dma source(%dma_start3A_2053 : memref<10240x128xf32, #tpu.memory_space<hbm>>) target(%arg17 : memref<80x128xf32, #tpu.memory_space<vmem>>) offsets(%dma_start3A_2050 : memref<80xi32, #tpu.memory_space<vmem>>) semaphore(%arg30 : memref<!tpu.dma_semaphore, #tpu.memory_space<semaphore_mem>>)
      } else {
      }
      %eq3A_1776 = arith.constant 1 : i32
      %eq3A_1777 = arith.cmpi eq, %arg0, %eq3A_1776 : i32
      %convert_element_type3A_1778 = arith.extui %eq3A_1777 : i1 to i32
      %cond3A_1779 = arith.constant 0 : i32
      %cond3A_1780 = arith.cmpi ne, %convert_element_type3A_1778, %cond3A_1779 : i32
      scf.if %cond3A_1780 {
        %dma_start3A_2047 = arith.constant 0 : i32
        %dma_start3A_2048 = arith.constant 0 : i32
        %dma_start3A_2049 = tpu.memref_slice %arg13[%dma_start3A_2047, %dma_start3A_2048] : memref<2x80xi32, #tpu.memory_space<vmem>> -> memref<1x80xi32, #tpu.memory_space<vmem>>
        %dma_start3A_2050 = tpu.memref_squeeze %dma_start3A_2049 : memref<1x80xi32, #tpu.memory_space<vmem>> -> memref<80xi32, #tpu.memory_space<vmem>>
        %dma_start3A_2051 = arith.constant 0 : i32
        %dma_start3A_2052 = arith.constant 0 : i32
        %dma_start3A_2053 = tpu.memref_slice %arg4[%dma_start3A_2051, %dma_start3A_2052] : memref<10240x128xf32, #tpu.memory_space<hbm>> -> memref<10240x128xf32, #tpu.memory_space<hbm>>
        tpu.enqueue_indirect_dma source(%dma_start3A_2053 : memref<10240x128xf32, #tpu.memory_space<hbm>>) target(%arg17 : memref<80x128xf32, #tpu.memory_space<vmem>>) offsets(%dma_start3A_2050 : memref<80xi32, #tpu.memory_space<vmem>>) semaphore(%arg30 : memref<!tpu.dma_semaphore, #tpu.memory_space<semaphore_mem>>)
      } else {
      }
      %add3A_1781 = arith.constant 6 : i32
      %add3A_1782 = arith.addi %add3A_1727, %add3A_1781 : i32
      %add3A_1783 = arith.addi %mul3A_0, %add3A_1782 : i32
      %mul3A_1784 = arith.constant 80 : i32
      %mul3A_1785 = arith.muli %add3A_1783, %mul3A_1784 : i32
      %dma_start3A_1786 = arith.constant 0 : i32
      %dma_start3A_1787 = arith.constant 0 : i32
      %dma_start3A_1788 = tpu.memref_slice %arg9[%dma_start3A_1786, %dma_start3A_1787] : memref<2x80xi32, #tpu.memory_space<vmem>> -> memref<1x80xi32, #tpu.memory_space<vmem>>
      %dma_start3A_1789 = tpu.memref_squeeze %dma_start3A_1788 : memref<1x80xi32, #tpu.memory_space<vmem>> -> memref<80xi32, #tpu.memory_space<vmem>>
      %dma_start3A_1790 = tpu.memref_slice %arg2[%mul3A_1785] : memref<640000xi32, #tpu.memory_space<hbm>> -> memref<80xi32, #tpu.memory_space<hbm>>
      %dma_start3A_1791 = arith.constant 0 : i32
      %dma_start3A_1792 = tpu.memref_slice %arg9[%dma_start3A_1786, %dma_start3A_1791] : memref<2x80xi32, #tpu.memory_space<vmem>> -> memref<1x80xi32, #tpu.memory_space<vmem>>
      %dma_start3A_1793 = tpu.memref_squeeze %dma_start3A_1792 : memref<1x80xi32, #tpu.memory_space<vmem>> -> memref<80xi32, #tpu.memory_space<vmem>>
      %dma_start3A_1794 = tpu.memref_slice %arg2[%mul3A_1785] : memref<640000xi32, #tpu.memory_space<hbm>> -> memref<80xi32, #tpu.memory_space<hbm>>
      tpu.enqueue_dma source(%dma_start3A_1794 : memref<80xi32, #tpu.memory_space<hbm>>) target(%dma_start3A_1793 : memref<80xi32, #tpu.memory_space<vmem>>) target_semaphore(%arg22 : memref<!tpu.dma_semaphore, #tpu.memory_space<semaphore_mem>>)
      %add3A_1795 = arith.constant 320000 : i32
      %add3A_1796 = arith.addi %add3A_1795, %mul3A_1785 : i32
      %dma_start3A_1797 = arith.constant 1 : i32
      %dma_start3A_1798 = arith.constant 0 : i32
      %dma_start3A_1799 = tpu.memref_slice %arg9[%dma_start3A_1797, %dma_start3A_1798] : memref<2x80xi32, #tpu.memory_space<vmem>> -> memref<1x80xi32, #tpu.memory_space<vmem>>
      %dma_start3A_1800 = tpu.memref_squeeze %dma_start3A_1799 : memref<1x80xi32, #tpu.memory_space<vmem>> -> memref<80xi32, #tpu.memory_space<vmem>>
      %dma_start3A_1801 = tpu.memref_slice %arg2[%add3A_1796] : memref<640000xi32, #tpu.memory_space<hbm>> -> memref<80xi32, #tpu.memory_space<hbm>>
      %dma_start3A_1802 = arith.constant 0 : i32
      %dma_start3A_1803 = tpu.memref_slice %arg9[%dma_start3A_1797, %dma_start3A_1802] : memref<2x80xi32, #tpu.memory_space<vmem>> -> memref<1x80xi32, #tpu.memory_space<vmem>>
      %dma_start3A_1804 = tpu.memref_squeeze %dma_start3A_1803 : memref<1x80xi32, #tpu.memory_space<vmem>> -> memref<80xi32, #tpu.memory_space<vmem>>
      %dma_start3A_1805 = tpu.memref_slice %arg2[%add3A_1796] : memref<640000xi32, #tpu.memory_space<hbm>> -> memref<80xi32, #tpu.memory_space<hbm>>
      tpu.enqueue_dma source(%dma_start3A_1805 : memref<80xi32, #tpu.memory_space<hbm>>) target(%dma_start3A_1804 : memref<80xi32, #tpu.memory_space<vmem>>) target_semaphore(%arg22 : memref<!tpu.dma_semaphore, #tpu.memory_space<semaphore_mem>>)
      %add3A_1806 = arith.constant 5 : i32
      %add3A_1807 = arith.addi %mul3A_1405, %add3A_1806 : i32
      %dma_wait3A_1808 = arith.constant 0 : i32
      %dma_wait3A_1809 = arith.constant 0 : i32
      %dma_wait3A_1810 = tpu.memref_slice %arg7[%dma_wait3A_1808, %dma_wait3A_1809] : memref<2x80xi32, #tpu.memory_space<vmem>> -> memref<1x80xi32, #tpu.memory_space<vmem>>
      %dma_wait3A_1811 = tpu.memref_squeeze %dma_wait3A_1810 : memref<1x80xi32, #tpu.memory_space<vmem>> -> memref<80xi32, #tpu.memory_space<vmem>>
      %dma_wait3A_1812 = arith.constant 0 : i32
      %dma_wait3A_1813 = arith.constant 0 : i32
      %dma_wait3A_1814 = tpu.memref_slice %arg3[%dma_wait3A_1812, %dma_wait3A_1813] : memref<10240x128xf32, #tpu.memory_space<hbm>> -> memref<10240x128xf32, #tpu.memory_space<hbm>>
      tpu.wait_indirect_dma semaphore(%arg29 : memref<!tpu.dma_semaphore, #tpu.memory_space<semaphore_mem>>) src(%dma_wait3A_1814 : memref<10240x128xf32, #tpu.memory_space<hbm>>) dst(%arg16 : memref<80x128xf32, #tpu.memory_space<vmem>>)
      %dma_start3A_1815 = arith.constant 1 : i32
      %dma_start3A_1816 = arith.constant 0 : i32
      %dma_start3A_1817 = tpu.memref_slice %arg12[%dma_start3A_1815, %dma_start3A_1816] : memref<2x80xi32, #tpu.memory_space<vmem>> -> memref<1x80xi32, #tpu.memory_space<vmem>>
      %dma_start3A_1818 = tpu.memref_squeeze %dma_start3A_1817 : memref<1x80xi32, #tpu.memory_space<vmem>> -> memref<80xi32, #tpu.memory_space<vmem>>
      %dma_start3A_1819 = arith.constant 0 : i32
      %dma_start3A_1820 = arith.constant 0 : i32
      %dma_start3A_1821 = tpu.memref_slice %arg19[%dma_start3A_1819, %dma_start3A_1820] : memref<10240x128xf32, #tpu.memory_space<vmem_shared>> -> memref<10240x128xf32, #tpu.memory_space<vmem_shared>>
      tpu.enqueue_indirect_dma source(%arg16 : memref<80x128xf32, #tpu.memory_space<vmem>>) target(%dma_start3A_1821 : memref<10240x128xf32, #tpu.memory_space<vmem_shared>>) offsets(%dma_start3A_1818 : memref<80xi32, #tpu.memory_space<vmem>>) semaphore(%arg33 : memref<!tpu.dma_semaphore, #tpu.memory_space<semaphore_mem>>) {add = true}
      %dma_wait3A_1822 = arith.constant 1 : i32
      %dma_wait3A_1823 = arith.constant 0 : i32
      %dma_wait3A_1824 = tpu.memref_slice %arg14[%dma_wait3A_1822, %dma_wait3A_1823] : memref<2x80xi32, #tpu.memory_space<vmem>> -> memref<1x80xi32, #tpu.memory_space<vmem>>
      %dma_wait3A_1825 = tpu.memref_squeeze %dma_wait3A_1824 : memref<1x80xi32, #tpu.memory_space<vmem>> -> memref<80xi32, #tpu.memory_space<vmem>>
      %dma_wait3A_1826 = arith.constant 0 : i32
      %dma_wait3A_1827 = arith.constant 0 : i32
      %dma_wait3A_1828 = tpu.memref_slice %arg19[%dma_wait3A_1826, %dma_wait3A_1827] : memref<10240x128xf32, #tpu.memory_space<vmem_shared>> -> memref<10240x128xf32, #tpu.memory_space<vmem_shared>>
      tpu.wait_indirect_dma semaphore(%arg35 : memref<!tpu.dma_semaphore, #tpu.memory_space<semaphore_mem>>) src(%arg18 : memref<80x128xf32, #tpu.memory_space<vmem>>) dst(%dma_wait3A_1828 : memref<10240x128xf32, #tpu.memory_space<vmem_shared>>)
      %dma_wait3A_1829 = arith.constant 0 : i32
      %dma_wait3A_1830 = arith.constant 0 : i32
      %dma_wait3A_1831 = tpu.memref_slice %arg14[%dma_wait3A_1829, %dma_wait3A_1830] : memref<2x80xi32, #tpu.memory_space<vmem>> -> memref<1x80xi32, #tpu.memory_space<vmem>>
      %dma_wait3A_1832 = tpu.memref_squeeze %dma_wait3A_1831 : memref<1x80xi32, #tpu.memory_space<vmem>> -> memref<80xi32, #tpu.memory_space<vmem>>
      %dma_wait3A_1833 = arith.constant 0 : i32
      %dma_wait3A_1834 = tpu.memref_slice %arg2[%dma_wait3A_1833] : memref<640000xi32, #tpu.memory_space<hbm>> -> memref<80xi32, #tpu.memory_space<hbm>>
      %dma_wait3A_1835 = arith.constant 0 : i32
      %dma_wait3A_1836 = tpu.memref_slice %arg14[%dma_wait3A_1829, %dma_wait3A_1835] : memref<2x80xi32, #tpu.memory_space<vmem>> -> memref<1x80xi32, #tpu.memory_space<vmem>>
      %dma_wait3A_1837 = tpu.memref_squeeze %dma_wait3A_1836 : memref<1x80xi32, #tpu.memory_space<vmem>> -> memref<80xi32, #tpu.memory_space<vmem>>
      %dma_wait3A_1838 = arith.constant 0 : i32
      %dma_wait3A_1839 = tpu.memref_slice %arg2[%dma_wait3A_1838] : memref<640000xi32, #tpu.memory_space<hbm>> -> memref<80xi32, #tpu.memory_space<hbm>>
      tpu.wait_dma2 semaphore(%arg27 : memref<!tpu.dma_semaphore, #tpu.memory_space<semaphore_mem>>) src(%dma_wait3A_1839 : memref<80xi32, #tpu.memory_space<hbm>>) dst(%dma_wait3A_1837 : memref<80xi32, #tpu.memory_space<vmem>>)
      %dma_wait3A_1840 = arith.constant 1 : i32
      %dma_wait3A_1841 = arith.constant 0 : i32
      %dma_wait3A_1842 = tpu.memref_slice %arg14[%dma_wait3A_1840, %dma_wait3A_1841] : memref<2x80xi32, #tpu.memory_space<vmem>> -> memref<1x80xi32, #tpu.memory_space<vmem>>
      %dma_wait3A_1843 = tpu.memref_squeeze %dma_wait3A_1842 : memref<1x80xi32, #tpu.memory_space<vmem>> -> memref<80xi32, #tpu.memory_space<vmem>>
      %dma_wait3A_1844 = arith.constant 0 : i32
      %dma_wait3A_1845 = tpu.memref_slice %arg2[%dma_wait3A_1844] : memref<640000xi32, #tpu.memory_space<hbm>> -> memref<80xi32, #tpu.memory_space<hbm>>
      %dma_wait3A_1846 = arith.constant 0 : i32
      %dma_wait3A_1847 = tpu.memref_slice %arg14[%dma_wait3A_1840, %dma_wait3A_1846] : memref<2x80xi32, #tpu.memory_space<vmem>> -> memref<1x80xi32, #tpu.memory_space<vmem>>
      %dma_wait3A_1848 = tpu.memref_squeeze %dma_wait3A_1847 : memref<1x80xi32, #tpu.memory_space<vmem>> -> memref<80xi32, #tpu.memory_space<vmem>>
      %dma_wait3A_1849 = arith.constant 0 : i32
      %dma_wait3A_1850 = tpu.memref_slice %arg2[%dma_wait3A_1849] : memref<640000xi32, #tpu.memory_space<hbm>> -> memref<80xi32, #tpu.memory_space<hbm>>
      tpu.wait_dma2 semaphore(%arg27 : memref<!tpu.dma_semaphore, #tpu.memory_space<semaphore_mem>>) src(%dma_wait3A_1850 : memref<80xi32, #tpu.memory_space<hbm>>) dst(%dma_wait3A_1848 : memref<80xi32, #tpu.memory_space<vmem>>)
      %eq3A_1851 = arith.constant 0 : i32
      %eq3A_1852 = arith.cmpi eq, %arg0, %eq3A_1851 : i32
      %convert_element_type3A_1853 = arith.extui %eq3A_1852 : i1 to i32
      %cond3A_1854 = arith.constant 0 : i32
      %cond3A_1855 = arith.cmpi ne, %convert_element_type3A_1853, %cond3A_1854 : i32
      scf.if %cond3A_1855 {
        %dma_start3A_2047 = arith.constant 0 : i32
        %dma_start3A_2048 = arith.constant 0 : i32
        %dma_start3A_2049 = tpu.memref_slice %arg14[%dma_start3A_2047, %dma_start3A_2048] : memref<2x80xi32, #tpu.memory_space<vmem>> -> memref<1x80xi32, #tpu.memory_space<vmem>>
        %dma_start3A_2050 = tpu.memref_squeeze %dma_start3A_2049 : memref<1x80xi32, #tpu.memory_space<vmem>> -> memref<80xi32, #tpu.memory_space<vmem>>
        %dma_start3A_2051 = arith.constant 0 : i32
        %dma_start3A_2052 = arith.constant 0 : i32
        %dma_start3A_2053 = tpu.memref_slice %arg3[%dma_start3A_2051, %dma_start3A_2052] : memref<10240x128xf32, #tpu.memory_space<hbm>> -> memref<10240x128xf32, #tpu.memory_space<hbm>>
        tpu.enqueue_indirect_dma source(%dma_start3A_2053 : memref<10240x128xf32, #tpu.memory_space<hbm>>) target(%arg18 : memref<80x128xf32, #tpu.memory_space<vmem>>) offsets(%dma_start3A_2050 : memref<80xi32, #tpu.memory_space<vmem>>) semaphore(%arg31 : memref<!tpu.dma_semaphore, #tpu.memory_space<semaphore_mem>>)
      } else {
      }
      %eq3A_1856 = arith.constant 1 : i32
      %eq3A_1857 = arith.cmpi eq, %arg0, %eq3A_1856 : i32
      %convert_element_type3A_1858 = arith.extui %eq3A_1857 : i1 to i32
      %cond3A_1859 = arith.constant 0 : i32
      %cond3A_1860 = arith.cmpi ne, %convert_element_type3A_1858, %cond3A_1859 : i32
      scf.if %cond3A_1860 {
        %dma_start3A_2047 = arith.constant 0 : i32
        %dma_start3A_2048 = arith.constant 0 : i32
        %dma_start3A_2049 = tpu.memref_slice %arg14[%dma_start3A_2047, %dma_start3A_2048] : memref<2x80xi32, #tpu.memory_space<vmem>> -> memref<1x80xi32, #tpu.memory_space<vmem>>
        %dma_start3A_2050 = tpu.memref_squeeze %dma_start3A_2049 : memref<1x80xi32, #tpu.memory_space<vmem>> -> memref<80xi32, #tpu.memory_space<vmem>>
        %dma_start3A_2051 = arith.constant 0 : i32
        %dma_start3A_2052 = arith.constant 0 : i32
        %dma_start3A_2053 = tpu.memref_slice %arg4[%dma_start3A_2051, %dma_start3A_2052] : memref<10240x128xf32, #tpu.memory_space<hbm>> -> memref<10240x128xf32, #tpu.memory_space<hbm>>
        tpu.enqueue_indirect_dma source(%dma_start3A_2053 : memref<10240x128xf32, #tpu.memory_space<hbm>>) target(%arg18 : memref<80x128xf32, #tpu.memory_space<vmem>>) offsets(%dma_start3A_2050 : memref<80xi32, #tpu.memory_space<vmem>>) semaphore(%arg31 : memref<!tpu.dma_semaphore, #tpu.memory_space<semaphore_mem>>)
      } else {
      }
      %add3A_1861 = arith.constant 6 : i32
      %add3A_1862 = arith.addi %add3A_1807, %add3A_1861 : i32
      %add3A_1863 = arith.addi %mul3A_0, %add3A_1862 : i32
      %mul3A_1864 = arith.constant 80 : i32
      %mul3A_1865 = arith.muli %add3A_1863, %mul3A_1864 : i32
      %dma_start3A_1866 = arith.constant 0 : i32
      %dma_start3A_1867 = arith.constant 0 : i32
      %dma_start3A_1868 = tpu.memref_slice %arg10[%dma_start3A_1866, %dma_start3A_1867] : memref<2x80xi32, #tpu.memory_space<vmem>> -> memref<1x80xi32, #tpu.memory_space<vmem>>
      %dma_start3A_1869 = tpu.memref_squeeze %dma_start3A_1868 : memref<1x80xi32, #tpu.memory_space<vmem>> -> memref<80xi32, #tpu.memory_space<vmem>>
      %dma_start3A_1870 = tpu.memref_slice %arg2[%mul3A_1865] : memref<640000xi32, #tpu.memory_space<hbm>> -> memref<80xi32, #tpu.memory_space<hbm>>
      %dma_start3A_1871 = arith.constant 0 : i32
      %dma_start3A_1872 = tpu.memref_slice %arg10[%dma_start3A_1866, %dma_start3A_1871] : memref<2x80xi32, #tpu.memory_space<vmem>> -> memref<1x80xi32, #tpu.memory_space<vmem>>
      %dma_start3A_1873 = tpu.memref_squeeze %dma_start3A_1872 : memref<1x80xi32, #tpu.memory_space<vmem>> -> memref<80xi32, #tpu.memory_space<vmem>>
      %dma_start3A_1874 = tpu.memref_slice %arg2[%mul3A_1865] : memref<640000xi32, #tpu.memory_space<hbm>> -> memref<80xi32, #tpu.memory_space<hbm>>
      tpu.enqueue_dma source(%dma_start3A_1874 : memref<80xi32, #tpu.memory_space<hbm>>) target(%dma_start3A_1873 : memref<80xi32, #tpu.memory_space<vmem>>) target_semaphore(%arg23 : memref<!tpu.dma_semaphore, #tpu.memory_space<semaphore_mem>>)
      %add3A_1875 = arith.constant 320000 : i32
      %add3A_1876 = arith.addi %add3A_1875, %mul3A_1865 : i32
      %dma_start3A_1877 = arith.constant 1 : i32
      %dma_start3A_1878 = arith.constant 0 : i32
      %dma_start3A_1879 = tpu.memref_slice %arg10[%dma_start3A_1877, %dma_start3A_1878] : memref<2x80xi32, #tpu.memory_space<vmem>> -> memref<1x80xi32, #tpu.memory_space<vmem>>
      %dma_start3A_1880 = tpu.memref_squeeze %dma_start3A_1879 : memref<1x80xi32, #tpu.memory_space<vmem>> -> memref<80xi32, #tpu.memory_space<vmem>>
      %dma_start3A_1881 = tpu.memref_slice %arg2[%add3A_1876] : memref<640000xi32, #tpu.memory_space<hbm>> -> memref<80xi32, #tpu.memory_space<hbm>>
      %dma_start3A_1882 = arith.constant 0 : i32
      %dma_start3A_1883 = tpu.memref_slice %arg10[%dma_start3A_1877, %dma_start3A_1882] : memref<2x80xi32, #tpu.memory_space<vmem>> -> memref<1x80xi32, #tpu.memory_space<vmem>>
      %dma_start3A_1884 = tpu.memref_squeeze %dma_start3A_1883 : memref<1x80xi32, #tpu.memory_space<vmem>> -> memref<80xi32, #tpu.memory_space<vmem>>
      %dma_start3A_1885 = tpu.memref_slice %arg2[%add3A_1876] : memref<640000xi32, #tpu.memory_space<hbm>> -> memref<80xi32, #tpu.memory_space<hbm>>
      tpu.enqueue_dma source(%dma_start3A_1885 : memref<80xi32, #tpu.memory_space<hbm>>) target(%dma_start3A_1884 : memref<80xi32, #tpu.memory_space<vmem>>) target_semaphore(%arg23 : memref<!tpu.dma_semaphore, #tpu.memory_space<semaphore_mem>>)
      %add3A_1886 = arith.constant 6 : i32
      %add3A_1887 = arith.addi %mul3A_1405, %add3A_1886 : i32
      %dma_wait3A_1888 = arith.constant 0 : i32
      %dma_wait3A_1889 = arith.constant 0 : i32
      %dma_wait3A_1890 = tpu.memref_slice %arg7[%dma_wait3A_1888, %dma_wait3A_1889] : memref<2x80xi32, #tpu.memory_space<vmem>> -> memref<1x80xi32, #tpu.memory_space<vmem>>
      %dma_wait3A_1891 = tpu.memref_squeeze %dma_wait3A_1890 : memref<1x80xi32, #tpu.memory_space<vmem>> -> memref<80xi32, #tpu.memory_space<vmem>>
      %dma_wait3A_1892 = arith.constant 0 : i32
      %dma_wait3A_1893 = arith.constant 0 : i32
      %dma_wait3A_1894 = tpu.memref_slice %arg3[%dma_wait3A_1892, %dma_wait3A_1893] : memref<10240x128xf32, #tpu.memory_space<hbm>> -> memref<10240x128xf32, #tpu.memory_space<hbm>>
      tpu.wait_indirect_dma semaphore(%arg30 : memref<!tpu.dma_semaphore, #tpu.memory_space<semaphore_mem>>) src(%dma_wait3A_1894 : memref<10240x128xf32, #tpu.memory_space<hbm>>) dst(%arg17 : memref<80x128xf32, #tpu.memory_space<vmem>>)
      %dma_start3A_1895 = arith.constant 1 : i32
      %dma_start3A_1896 = arith.constant 0 : i32
      %dma_start3A_1897 = tpu.memref_slice %arg13[%dma_start3A_1895, %dma_start3A_1896] : memref<2x80xi32, #tpu.memory_space<vmem>> -> memref<1x80xi32, #tpu.memory_space<vmem>>
      %dma_start3A_1898 = tpu.memref_squeeze %dma_start3A_1897 : memref<1x80xi32, #tpu.memory_space<vmem>> -> memref<80xi32, #tpu.memory_space<vmem>>
      %dma_start3A_1899 = arith.constant 0 : i32
      %dma_start3A_1900 = arith.constant 0 : i32
      %dma_start3A_1901 = tpu.memref_slice %arg19[%dma_start3A_1899, %dma_start3A_1900] : memref<10240x128xf32, #tpu.memory_space<vmem_shared>> -> memref<10240x128xf32, #tpu.memory_space<vmem_shared>>
      tpu.enqueue_indirect_dma source(%arg17 : memref<80x128xf32, #tpu.memory_space<vmem>>) target(%dma_start3A_1901 : memref<10240x128xf32, #tpu.memory_space<vmem_shared>>) offsets(%dma_start3A_1898 : memref<80xi32, #tpu.memory_space<vmem>>) semaphore(%arg34 : memref<!tpu.dma_semaphore, #tpu.memory_space<semaphore_mem>>) {add = true}
      %dma_wait3A_1902 = arith.constant 1 : i32
      %dma_wait3A_1903 = arith.constant 0 : i32
      %dma_wait3A_1904 = tpu.memref_slice %arg7[%dma_wait3A_1902, %dma_wait3A_1903] : memref<2x80xi32, #tpu.memory_space<vmem>> -> memref<1x80xi32, #tpu.memory_space<vmem>>
      %dma_wait3A_1905 = tpu.memref_squeeze %dma_wait3A_1904 : memref<1x80xi32, #tpu.memory_space<vmem>> -> memref<80xi32, #tpu.memory_space<vmem>>
      %dma_wait3A_1906 = arith.constant 0 : i32
      %dma_wait3A_1907 = arith.constant 0 : i32
      %dma_wait3A_1908 = tpu.memref_slice %arg19[%dma_wait3A_1906, %dma_wait3A_1907] : memref<10240x128xf32, #tpu.memory_space<vmem_shared>> -> memref<10240x128xf32, #tpu.memory_space<vmem_shared>>
      tpu.wait_indirect_dma semaphore(%arg32 : memref<!tpu.dma_semaphore, #tpu.memory_space<semaphore_mem>>) src(%arg15 : memref<80x128xf32, #tpu.memory_space<vmem>>) dst(%dma_wait3A_1908 : memref<10240x128xf32, #tpu.memory_space<vmem_shared>>)
      %dma_wait3A_1909 = arith.constant 0 : i32
      %dma_wait3A_1910 = arith.constant 0 : i32
      %dma_wait3A_1911 = tpu.memref_slice %arg7[%dma_wait3A_1909, %dma_wait3A_1910] : memref<2x80xi32, #tpu.memory_space<vmem>> -> memref<1x80xi32, #tpu.memory_space<vmem>>
      %dma_wait3A_1912 = tpu.memref_squeeze %dma_wait3A_1911 : memref<1x80xi32, #tpu.memory_space<vmem>> -> memref<80xi32, #tpu.memory_space<vmem>>
      %dma_wait3A_1913 = arith.constant 0 : i32
      %dma_wait3A_1914 = tpu.memref_slice %arg2[%dma_wait3A_1913] : memref<640000xi32, #tpu.memory_space<hbm>> -> memref<80xi32, #tpu.memory_space<hbm>>
      %dma_wait3A_1915 = arith.constant 0 : i32
      %dma_wait3A_1916 = tpu.memref_slice %arg7[%dma_wait3A_1909, %dma_wait3A_1915] : memref<2x80xi32, #tpu.memory_space<vmem>> -> memref<1x80xi32, #tpu.memory_space<vmem>>
      %dma_wait3A_1917 = tpu.memref_squeeze %dma_wait3A_1916 : memref<1x80xi32, #tpu.memory_space<vmem>> -> memref<80xi32, #tpu.memory_space<vmem>>
      %dma_wait3A_1918 = arith.constant 0 : i32
      %dma_wait3A_1919 = tpu.memref_slice %arg2[%dma_wait3A_1918] : memref<640000xi32, #tpu.memory_space<hbm>> -> memref<80xi32, #tpu.memory_space<hbm>>
      tpu.wait_dma2 semaphore(%arg20 : memref<!tpu.dma_semaphore, #tpu.memory_space<semaphore_mem>>) src(%dma_wait3A_1919 : memref<80xi32, #tpu.memory_space<hbm>>) dst(%dma_wait3A_1917 : memref<80xi32, #tpu.memory_space<vmem>>)
      %dma_wait3A_1920 = arith.constant 1 : i32
      %dma_wait3A_1921 = arith.constant 0 : i32
      %dma_wait3A_1922 = tpu.memref_slice %arg7[%dma_wait3A_1920, %dma_wait3A_1921] : memref<2x80xi32, #tpu.memory_space<vmem>> -> memref<1x80xi32, #tpu.memory_space<vmem>>
      %dma_wait3A_1923 = tpu.memref_squeeze %dma_wait3A_1922 : memref<1x80xi32, #tpu.memory_space<vmem>> -> memref<80xi32, #tpu.memory_space<vmem>>
      %dma_wait3A_1924 = arith.constant 0 : i32
      %dma_wait3A_1925 = tpu.memref_slice %arg2[%dma_wait3A_1924] : memref<640000xi32, #tpu.memory_space<hbm>> -> memref<80xi32, #tpu.memory_space<hbm>>
      %dma_wait3A_1926 = arith.constant 0 : i32
      %dma_wait3A_1927 = tpu.memref_slice %arg7[%dma_wait3A_1920, %dma_wait3A_1926] : memref<2x80xi32, #tpu.memory_space<vmem>> -> memref<1x80xi32, #tpu.memory_space<vmem>>
      %dma_wait3A_1928 = tpu.memref_squeeze %dma_wait3A_1927 : memref<1x80xi32, #tpu.memory_space<vmem>> -> memref<80xi32, #tpu.memory_space<vmem>>
      %dma_wait3A_1929 = arith.constant 0 : i32
      %dma_wait3A_1930 = tpu.memref_slice %arg2[%dma_wait3A_1929] : memref<640000xi32, #tpu.memory_space<hbm>> -> memref<80xi32, #tpu.memory_space<hbm>>
      tpu.wait_dma2 semaphore(%arg20 : memref<!tpu.dma_semaphore, #tpu.memory_space<semaphore_mem>>) src(%dma_wait3A_1930 : memref<80xi32, #tpu.memory_space<hbm>>) dst(%dma_wait3A_1928 : memref<80xi32, #tpu.memory_space<vmem>>)
      %eq3A_1931 = arith.constant 0 : i32
      %eq3A_1932 = arith.cmpi eq, %arg0, %eq3A_1931 : i32
      %convert_element_type3A_1933 = arith.extui %eq3A_1932 : i1 to i32
      %cond3A_1934 = arith.constant 0 : i32
      %cond3A_1935 = arith.cmpi ne, %convert_element_type3A_1933, %cond3A_1934 : i32
      scf.if %cond3A_1935 {
        %dma_start3A_2047 = arith.constant 0 : i32
        %dma_start3A_2048 = arith.constant 0 : i32
        %dma_start3A_2049 = tpu.memref_slice %arg7[%dma_start3A_2047, %dma_start3A_2048] : memref<2x80xi32, #tpu.memory_space<vmem>> -> memref<1x80xi32, #tpu.memory_space<vmem>>
        %dma_start3A_2050 = tpu.memref_squeeze %dma_start3A_2049 : memref<1x80xi32, #tpu.memory_space<vmem>> -> memref<80xi32, #tpu.memory_space<vmem>>
        %dma_start3A_2051 = arith.constant 0 : i32
        %dma_start3A_2052 = arith.constant 0 : i32
        %dma_start3A_2053 = tpu.memref_slice %arg3[%dma_start3A_2051, %dma_start3A_2052] : memref<10240x128xf32, #tpu.memory_space<hbm>> -> memref<10240x128xf32, #tpu.memory_space<hbm>>
        tpu.enqueue_indirect_dma source(%dma_start3A_2053 : memref<10240x128xf32, #tpu.memory_space<hbm>>) target(%arg15 : memref<80x128xf32, #tpu.memory_space<vmem>>) offsets(%dma_start3A_2050 : memref<80xi32, #tpu.memory_space<vmem>>) semaphore(%arg28 : memref<!tpu.dma_semaphore, #tpu.memory_space<semaphore_mem>>)
      } else {
      }
      %eq3A_1936 = arith.constant 1 : i32
      %eq3A_1937 = arith.cmpi eq, %arg0, %eq3A_1936 : i32
      %convert_element_type3A_1938 = arith.extui %eq3A_1937 : i1 to i32
      %cond3A_1939 = arith.constant 0 : i32
      %cond3A_1940 = arith.cmpi ne, %convert_element_type3A_1938, %cond3A_1939 : i32
      scf.if %cond3A_1940 {
        %dma_start3A_2047 = arith.constant 0 : i32
        %dma_start3A_2048 = arith.constant 0 : i32
        %dma_start3A_2049 = tpu.memref_slice %arg7[%dma_start3A_2047, %dma_start3A_2048] : memref<2x80xi32, #tpu.memory_space<vmem>> -> memref<1x80xi32, #tpu.memory_space<vmem>>
        %dma_start3A_2050 = tpu.memref_squeeze %dma_start3A_2049 : memref<1x80xi32, #tpu.memory_space<vmem>> -> memref<80xi32, #tpu.memory_space<vmem>>
        %dma_start3A_2051 = arith.constant 0 : i32
        %dma_start3A_2052 = arith.constant 0 : i32
        %dma_start3A_2053 = tpu.memref_slice %arg4[%dma_start3A_2051, %dma_start3A_2052] : memref<10240x128xf32, #tpu.memory_space<hbm>> -> memref<10240x128xf32, #tpu.memory_space<hbm>>
        tpu.enqueue_indirect_dma source(%dma_start3A_2053 : memref<10240x128xf32, #tpu.memory_space<hbm>>) target(%arg15 : memref<80x128xf32, #tpu.memory_space<vmem>>) offsets(%dma_start3A_2050 : memref<80xi32, #tpu.memory_space<vmem>>) semaphore(%arg28 : memref<!tpu.dma_semaphore, #tpu.memory_space<semaphore_mem>>)
      } else {
      }
      %add3A_1941 = arith.constant 6 : i32
      %add3A_1942 = arith.addi %add3A_1887, %add3A_1941 : i32
      %add3A_1943 = arith.addi %mul3A_0, %add3A_1942 : i32
      %mul3A_1944 = arith.constant 80 : i32
      %mul3A_1945 = arith.muli %add3A_1943, %mul3A_1944 : i32
      %dma_start3A_1946 = arith.constant 0 : i32
      %dma_start3A_1947 = arith.constant 0 : i32
      %dma_start3A_1948 = tpu.memref_slice %arg11[%dma_start3A_1946, %dma_start3A_1947] : memref<2x80xi32, #tpu.memory_space<vmem>> -> memref<1x80xi32, #tpu.memory_space<vmem>>
      %dma_start3A_1949 = tpu.memref_squeeze %dma_start3A_1948 : memref<1x80xi32, #tpu.memory_space<vmem>> -> memref<80xi32, #tpu.memory_space<vmem>>
      %dma_start3A_1950 = tpu.memref_slice %arg2[%mul3A_1945] : memref<640000xi32, #tpu.memory_space<hbm>> -> memref<80xi32, #tpu.memory_space<hbm>>
      %dma_start3A_1951 = arith.constant 0 : i32
      %dma_start3A_1952 = tpu.memref_slice %arg11[%dma_start3A_1946, %dma_start3A_1951] : memref<2x80xi32, #tpu.memory_space<vmem>> -> memref<1x80xi32, #tpu.memory_space<vmem>>
      %dma_start3A_1953 = tpu.memref_squeeze %dma_start3A_1952 : memref<1x80xi32, #tpu.memory_space<vmem>> -> memref<80xi32, #tpu.memory_space<vmem>>
      %dma_start3A_1954 = tpu.memref_slice %arg2[%mul3A_1945] : memref<640000xi32, #tpu.memory_space<hbm>> -> memref<80xi32, #tpu.memory_space<hbm>>
      tpu.enqueue_dma source(%dma_start3A_1954 : memref<80xi32, #tpu.memory_space<hbm>>) target(%dma_start3A_1953 : memref<80xi32, #tpu.memory_space<vmem>>) target_semaphore(%arg24 : memref<!tpu.dma_semaphore, #tpu.memory_space<semaphore_mem>>)
      %add3A_1955 = arith.constant 320000 : i32
      %add3A_1956 = arith.addi %add3A_1955, %mul3A_1945 : i32
      %dma_start3A_1957 = arith.constant 1 : i32
      %dma_start3A_1958 = arith.constant 0 : i32
      %dma_start3A_1959 = tpu.memref_slice %arg11[%dma_start3A_1957, %dma_start3A_1958] : memref<2x80xi32, #tpu.memory_space<vmem>> -> memref<1x80xi32, #tpu.memory_space<vmem>>
      %dma_start3A_1960 = tpu.memref_squeeze %dma_start3A_1959 : memref<1x80xi32, #tpu.memory_space<vmem>> -> memref<80xi32, #tpu.memory_space<vmem>>
      %dma_start3A_1961 = tpu.memref_slice %arg2[%add3A_1956] : memref<640000xi32, #tpu.memory_space<hbm>> -> memref<80xi32, #tpu.memory_space<hbm>>
      %dma_start3A_1962 = arith.constant 0 : i32
      %dma_start3A_1963 = tpu.memref_slice %arg11[%dma_start3A_1957, %dma_start3A_1962] : memref<2x80xi32, #tpu.memory_space<vmem>> -> memref<1x80xi32, #tpu.memory_space<vmem>>
      %dma_start3A_1964 = tpu.memref_squeeze %dma_start3A_1963 : memref<1x80xi32, #tpu.memory_space<vmem>> -> memref<80xi32, #tpu.memory_space<vmem>>
      %dma_start3A_1965 = tpu.memref_slice %arg2[%add3A_1956] : memref<640000xi32, #tpu.memory_space<hbm>> -> memref<80xi32, #tpu.memory_space<hbm>>
      tpu.enqueue_dma source(%dma_start3A_1965 : memref<80xi32, #tpu.memory_space<hbm>>) target(%dma_start3A_1964 : memref<80xi32, #tpu.memory_space<vmem>>) target_semaphore(%arg24 : memref<!tpu.dma_semaphore, #tpu.memory_space<semaphore_mem>>)
      %add3A_1966 = arith.constant 7 : i32
      %add3A_1967 = arith.addi %mul3A_1405, %add3A_1966 : i32
      %dma_wait3A_1968 = arith.constant 0 : i32
      %dma_wait3A_1969 = arith.constant 0 : i32
      %dma_wait3A_1970 = tpu.memref_slice %arg7[%dma_wait3A_1968, %dma_wait3A_1969] : memref<2x80xi32, #tpu.memory_space<vmem>> -> memref<1x80xi32, #tpu.memory_space<vmem>>
      %dma_wait3A_1971 = tpu.memref_squeeze %dma_wait3A_1970 : memref<1x80xi32, #tpu.memory_space<vmem>> -> memref<80xi32, #tpu.memory_space<vmem>>
      %dma_wait3A_1972 = arith.constant 0 : i32
      %dma_wait3A_1973 = arith.constant 0 : i32
      %dma_wait3A_1974 = tpu.memref_slice %arg3[%dma_wait3A_1972, %dma_wait3A_1973] : memref<10240x128xf32, #tpu.memory_space<hbm>> -> memref<10240x128xf32, #tpu.memory_space<hbm>>
      tpu.wait_indirect_dma semaphore(%arg31 : memref<!tpu.dma_semaphore, #tpu.memory_space<semaphore_mem>>) src(%dma_wait3A_1974 : memref<10240x128xf32, #tpu.memory_space<hbm>>) dst(%arg18 : memref<80x128xf32, #tpu.memory_space<vmem>>)
      %dma_start3A_1975 = arith.constant 1 : i32
      %dma_start3A_1976 = arith.constant 0 : i32
      %dma_start3A_1977 = tpu.memref_slice %arg14[%dma_start3A_1975, %dma_start3A_1976] : memref<2x80xi32, #tpu.memory_space<vmem>> -> memref<1x80xi32, #tpu.memory_space<vmem>>
      %dma_start3A_1978 = tpu.memref_squeeze %dma_start3A_1977 : memref<1x80xi32, #tpu.memory_space<vmem>> -> memref<80xi32, #tpu.memory_space<vmem>>
      %dma_start3A_1979 = arith.constant 0 : i32
      %dma_start3A_1980 = arith.constant 0 : i32
      %dma_start3A_1981 = tpu.memref_slice %arg19[%dma_start3A_1979, %dma_start3A_1980] : memref<10240x128xf32, #tpu.memory_space<vmem_shared>> -> memref<10240x128xf32, #tpu.memory_space<vmem_shared>>
      tpu.enqueue_indirect_dma source(%arg18 : memref<80x128xf32, #tpu.memory_space<vmem>>) target(%dma_start3A_1981 : memref<10240x128xf32, #tpu.memory_space<vmem_shared>>) offsets(%dma_start3A_1978 : memref<80xi32, #tpu.memory_space<vmem>>) semaphore(%arg35 : memref<!tpu.dma_semaphore, #tpu.memory_space<semaphore_mem>>) {add = true}
      %dma_wait3A_1982 = arith.constant 1 : i32
      %dma_wait3A_1983 = arith.constant 0 : i32
      %dma_wait3A_1984 = tpu.memref_slice %arg8[%dma_wait3A_1982, %dma_wait3A_1983] : memref<2x80xi32, #tpu.memory_space<vmem>> -> memref<1x80xi32, #tpu.memory_space<vmem>>
      %dma_wait3A_1985 = tpu.memref_squeeze %dma_wait3A_1984 : memref<1x80xi32, #tpu.memory_space<vmem>> -> memref<80xi32, #tpu.memory_space<vmem>>
      %dma_wait3A_1986 = arith.constant 0 : i32
      %dma_wait3A_1987 = arith.constant 0 : i32
      %dma_wait3A_1988 = tpu.memref_slice %arg19[%dma_wait3A_1986, %dma_wait3A_1987] : memref<10240x128xf32, #tpu.memory_space<vmem_shared>> -> memref<10240x128xf32, #tpu.memory_space<vmem_shared>>
      tpu.wait_indirect_dma semaphore(%arg33 : memref<!tpu.dma_semaphore, #tpu.memory_space<semaphore_mem>>) src(%arg16 : memref<80x128xf32, #tpu.memory_space<vmem>>) dst(%dma_wait3A_1988 : memref<10240x128xf32, #tpu.memory_space<vmem_shared>>)
      %dma_wait3A_1989 = arith.constant 0 : i32
      %dma_wait3A_1990 = arith.constant 0 : i32
      %dma_wait3A_1991 = tpu.memref_slice %arg8[%dma_wait3A_1989, %dma_wait3A_1990] : memref<2x80xi32, #tpu.memory_space<vmem>> -> memref<1x80xi32, #tpu.memory_space<vmem>>
      %dma_wait3A_1992 = tpu.memref_squeeze %dma_wait3A_1991 : memref<1x80xi32, #tpu.memory_space<vmem>> -> memref<80xi32, #tpu.memory_space<vmem>>
      %dma_wait3A_1993 = arith.constant 0 : i32
      %dma_wait3A_1994 = tpu.memref_slice %arg2[%dma_wait3A_1993] : memref<640000xi32, #tpu.memory_space<hbm>> -> memref<80xi32, #tpu.memory_space<hbm>>
      %dma_wait3A_1995 = arith.constant 0 : i32
      %dma_wait3A_1996 = tpu.memref_slice %arg8[%dma_wait3A_1989, %dma_wait3A_1995] : memref<2x80xi32, #tpu.memory_space<vmem>> -> memref<1x80xi32, #tpu.memory_space<vmem>>
      %dma_wait3A_1997 = tpu.memref_squeeze %dma_wait3A_1996 : memref<1x80xi32, #tpu.memory_space<vmem>> -> memref<80xi32, #tpu.memory_space<vmem>>
      %dma_wait3A_1998 = arith.constant 0 : i32
      %dma_wait3A_1999 = tpu.memref_slice %arg2[%dma_wait3A_1998] : memref<640000xi32, #tpu.memory_space<hbm>> -> memref<80xi32, #tpu.memory_space<hbm>>
      tpu.wait_dma2 semaphore(%arg21 : memref<!tpu.dma_semaphore, #tpu.memory_space<semaphore_mem>>) src(%dma_wait3A_1999 : memref<80xi32, #tpu.memory_space<hbm>>) dst(%dma_wait3A_1997 : memref<80xi32, #tpu.memory_space<vmem>>)
      %dma_wait3A_2000 = arith.constant 1 : i32
      %dma_wait3A_2001 = arith.constant 0 : i32
      %dma_wait3A_2002 = tpu.memref_slice %arg8[%dma_wait3A_2000, %dma_wait3A_2001] : memref<2x80xi32, #tpu.memory_space<vmem>> -> memref<1x80xi32, #tpu.memory_space<vmem>>
      %dma_wait3A_2003 = tpu.memref_squeeze %dma_wait3A_2002 : memref<1x80xi32, #tpu.memory_space<vmem>> -> memref<80xi32, #tpu.memory_space<vmem>>
      %dma_wait3A_2004 = arith.constant 0 : i32
      %dma_wait3A_2005 = tpu.memref_slice %arg2[%dma_wait3A_2004] : memref<640000xi32, #tpu.memory_space<hbm>> -> memref<80xi32, #tpu.memory_space<hbm>>
      %dma_wait3A_2006 = arith.constant 0 : i32
      %dma_wait3A_2007 = tpu.memref_slice %arg8[%dma_wait3A_2000, %dma_wait3A_2006] : memref<2x80xi32, #tpu.memory_space<vmem>> -> memref<1x80xi32, #tpu.memory_space<vmem>>
      %dma_wait3A_2008 = tpu.memref_squeeze %dma_wait3A_2007 : memref<1x80xi32, #tpu.memory_space<vmem>> -> memref<80xi32, #tpu.memory_space<vmem>>
      %dma_wait3A_2009 = arith.constant 0 : i32
      %dma_wait3A_2010 = tpu.memref_slice %arg2[%dma_wait3A_2009] : memref<640000xi32, #tpu.memory_space<hbm>> -> memref<80xi32, #tpu.memory_space<hbm>>
      tpu.wait_dma2 semaphore(%arg21 : memref<!tpu.dma_semaphore, #tpu.memory_space<semaphore_mem>>) src(%dma_wait3A_2010 : memref<80xi32, #tpu.memory_space<hbm>>) dst(%dma_wait3A_2008 : memref<80xi32, #tpu.memory_space<vmem>>)
      %eq3A_2011 = arith.constant 0 : i32
      %eq3A_2012 = arith.cmpi eq, %arg0, %eq3A_2011 : i32
      %convert_element_type3A_2013 = arith.extui %eq3A_2012 : i1 to i32
      %cond3A_2014 = arith.constant 0 : i32
      %cond3A_2015 = arith.cmpi ne, %convert_element_type3A_2013, %cond3A_2014 : i32
      scf.if %cond3A_2015 {
        %dma_start3A_2047 = arith.constant 0 : i32
        %dma_start3A_2048 = arith.constant 0 : i32
        %dma_start3A_2049 = tpu.memref_slice %arg8[%dma_start3A_2047, %dma_start3A_2048] : memref<2x80xi32, #tpu.memory_space<vmem>> -> memref<1x80xi32, #tpu.memory_space<vmem>>
        %dma_start3A_2050 = tpu.memref_squeeze %dma_start3A_2049 : memref<1x80xi32, #tpu.memory_space<vmem>> -> memref<80xi32, #tpu.memory_space<vmem>>
        %dma_start3A_2051 = arith.constant 0 : i32
        %dma_start3A_2052 = arith.constant 0 : i32
        %dma_start3A_2053 = tpu.memref_slice %arg3[%dma_start3A_2051, %dma_start3A_2052] : memref<10240x128xf32, #tpu.memory_space<hbm>> -> memref<10240x128xf32, #tpu.memory_space<hbm>>
        tpu.enqueue_indirect_dma source(%dma_start3A_2053 : memref<10240x128xf32, #tpu.memory_space<hbm>>) target(%arg16 : memref<80x128xf32, #tpu.memory_space<vmem>>) offsets(%dma_start3A_2050 : memref<80xi32, #tpu.memory_space<vmem>>) semaphore(%arg29 : memref<!tpu.dma_semaphore, #tpu.memory_space<semaphore_mem>>)
      } else {
      }
      %eq3A_2016 = arith.constant 1 : i32
      %eq3A_2017 = arith.cmpi eq, %arg0, %eq3A_2016 : i32
      %convert_element_type3A_2018 = arith.extui %eq3A_2017 : i1 to i32
      %cond3A_2019 = arith.constant 0 : i32
      %cond3A_2020 = arith.cmpi ne, %convert_element_type3A_2018, %cond3A_2019 : i32
      scf.if %cond3A_2020 {
        %dma_start3A_2047 = arith.constant 0 : i32
        %dma_start3A_2048 = arith.constant 0 : i32
        %dma_start3A_2049 = tpu.memref_slice %arg8[%dma_start3A_2047, %dma_start3A_2048] : memref<2x80xi32, #tpu.memory_space<vmem>> -> memref<1x80xi32, #tpu.memory_space<vmem>>
        %dma_start3A_2050 = tpu.memref_squeeze %dma_start3A_2049 : memref<1x80xi32, #tpu.memory_space<vmem>> -> memref<80xi32, #tpu.memory_space<vmem>>
        %dma_start3A_2051 = arith.constant 0 : i32
        %dma_start3A_2052 = arith.constant 0 : i32
        %dma_start3A_2053 = tpu.memref_slice %arg4[%dma_start3A_2051, %dma_start3A_2052] : memref<10240x128xf32, #tpu.memory_space<hbm>> -> memref<10240x128xf32, #tpu.memory_space<hbm>>
        tpu.enqueue_indirect_dma source(%dma_start3A_2053 : memref<10240x128xf32, #tpu.memory_space<hbm>>) target(%arg16 : memref<80x128xf32, #tpu.memory_space<vmem>>) offsets(%dma_start3A_2050 : memref<80xi32, #tpu.memory_space<vmem>>) semaphore(%arg29 : memref<!tpu.dma_semaphore, #tpu.memory_space<semaphore_mem>>)
      } else {
      }
      %add3A_2021 = arith.constant 6 : i32
      %add3A_2022 = arith.addi %add3A_1967, %add3A_2021 : i32
      %add3A_2023 = arith.addi %mul3A_0, %add3A_2022 : i32
      %mul3A_2024 = arith.constant 80 : i32
      %mul3A_2025 = arith.muli %add3A_2023, %mul3A_2024 : i32
      %dma_start3A_2026 = arith.constant 0 : i32
      %dma_start3A_2027 = arith.constant 0 : i32
      %dma_start3A_2028 = tpu.memref_slice %arg12[%dma_start3A_2026, %dma_start3A_2027] : memref<2x80xi32, #tpu.memory_space<vmem>> -> memref<1x80xi32, #tpu.memory_space<vmem>>
      %dma_start3A_2029 = tpu.memref_squeeze %dma_start3A_2028 : memref<1x80xi32, #tpu.memory_space<vmem>> -> memref<80xi32, #tpu.memory_space<vmem>>
      %dma_start3A_2030 = tpu.memref_slice %arg2[%mul3A_2025] : memref<640000xi32, #tpu.memory_space<hbm>> -> memref<80xi32, #tpu.memory_space<hbm>>
      %dma_start3A_2031 = arith.constant 0 : i32
      %dma_start3A_2032 = tpu.memref_slice %arg12[%dma_start3A_2026, %dma_start3A_2031] : memref<2x80xi32, #tpu.memory_space<vmem>> -> memref<1x80xi32, #tpu.memory_space<vmem>>
      %dma_start3A_2033 = tpu.memref_squeeze %dma_start3A_2032 : memref<1x80xi32, #tpu.memory_space<vmem>> -> memref<80xi32, #tpu.memory_space<vmem>>
      %dma_start3A_2034 = tpu.memref_slice %arg2[%mul3A_2025] : memref<640000xi32, #tpu.memory_space<hbm>> -> memref<80xi32, #tpu.memory_space<hbm>>
      tpu.enqueue_dma source(%dma_start3A_2034 : memref<80xi32, #tpu.memory_space<hbm>>) target(%dma_start3A_2033 : memref<80xi32, #tpu.memory_space<vmem>>) target_semaphore(%arg25 : memref<!tpu.dma_semaphore, #tpu.memory_space<semaphore_mem>>)
      %add3A_2035 = arith.constant 320000 : i32
      %add3A_2036 = arith.addi %add3A_2035, %mul3A_2025 : i32
      %dma_start3A_2037 = arith.constant 1 : i32
      %dma_start3A_2038 = arith.constant 0 : i32
      %dma_start3A_2039 = tpu.memref_slice %arg12[%dma_start3A_2037, %dma_start3A_2038] : memref<2x80xi32, #tpu.memory_space<vmem>> -> memref<1x80xi32, #tpu.memory_space<vmem>>
      %dma_start3A_2040 = tpu.memref_squeeze %dma_start3A_2039 : memref<1x80xi32, #tpu.memory_space<vmem>> -> memref<80xi32, #tpu.memory_space<vmem>>
      %dma_start3A_2041 = tpu.memref_slice %arg2[%add3A_2036] : memref<640000xi32, #tpu.memory_space<hbm>> -> memref<80xi32, #tpu.memory_space<hbm>>
      %dma_start3A_2042 = arith.constant 0 : i32
      %dma_start3A_2043 = tpu.memref_slice %arg12[%dma_start3A_2037, %dma_start3A_2042] : memref<2x80xi32, #tpu.memory_space<vmem>> -> memref<1x80xi32, #tpu.memory_space<vmem>>
      %dma_start3A_2044 = tpu.memref_squeeze %dma_start3A_2043 : memref<1x80xi32, #tpu.memory_space<vmem>> -> memref<80xi32, #tpu.memory_space<vmem>>
      %dma_start3A_2045 = tpu.memref_slice %arg2[%add3A_2036] : memref<640000xi32, #tpu.memory_space<hbm>> -> memref<80xi32, #tpu.memory_space<hbm>>
      tpu.enqueue_dma source(%dma_start3A_2045 : memref<80xi32, #tpu.memory_space<hbm>>) target(%dma_start3A_2044 : memref<80xi32, #tpu.memory_space<vmem>>) target_semaphore(%arg25 : memref<!tpu.dma_semaphore, #tpu.memory_space<semaphore_mem>>)
      %scan3A_2046 = arith.constant 0 : i32
      scf.yield %scan3A_2046 : i32
    }
    %scan3A_817 = arith.constant 29 : i32
    %dma_wait3A_818 = arith.constant 0 : i32
    %dma_wait3A_819 = arith.constant 0 : i32
    %dma_wait3A_820 = tpu.memref_slice %arg7[%dma_wait3A_818, %dma_wait3A_819] : memref<2x80xi32, #tpu.memory_space<vmem>> -> memref<1x80xi32, #tpu.memory_space<vmem>>
    %dma_wait3A_821 = tpu.memref_squeeze %dma_wait3A_820 : memref<1x80xi32, #tpu.memory_space<vmem>> -> memref<80xi32, #tpu.memory_space<vmem>>
    %dma_wait3A_822 = arith.constant 0 : i32
    %dma_wait3A_823 = arith.constant 0 : i32
    %dma_wait3A_824 = tpu.memref_slice %arg3[%dma_wait3A_822, %dma_wait3A_823] : memref<10240x128xf32, #tpu.memory_space<hbm>> -> memref<10240x128xf32, #tpu.memory_space<hbm>>
    tpu.wait_indirect_dma semaphore(%arg28 : memref<!tpu.dma_semaphore, #tpu.memory_space<semaphore_mem>>) src(%dma_wait3A_824 : memref<10240x128xf32, #tpu.memory_space<hbm>>) dst(%arg15 : memref<80x128xf32, #tpu.memory_space<vmem>>)
    %dma_start3A_825 = arith.constant 1 : i32
    %dma_start3A_826 = arith.constant 0 : i32
    %dma_start3A_827 = tpu.memref_slice %arg7[%dma_start3A_825, %dma_start3A_826] : memref<2x80xi32, #tpu.memory_space<vmem>> -> memref<1x80xi32, #tpu.memory_space<vmem>>
    %dma_start3A_828 = tpu.memref_squeeze %dma_start3A_827 : memref<1x80xi32, #tpu.memory_space<vmem>> -> memref<80xi32, #tpu.memory_space<vmem>>
    %dma_start3A_829 = arith.constant 0 : i32
    %dma_start3A_830 = arith.constant 0 : i32
    %dma_start3A_831 = tpu.memref_slice %arg19[%dma_start3A_829, %dma_start3A_830] : memref<10240x128xf32, #tpu.memory_space<vmem_shared>> -> memref<10240x128xf32, #tpu.memory_space<vmem_shared>>
    tpu.enqueue_indirect_dma source(%arg15 : memref<80x128xf32, #tpu.memory_space<vmem>>) target(%dma_start3A_831 : memref<10240x128xf32, #tpu.memory_space<vmem_shared>>) offsets(%dma_start3A_828 : memref<80xi32, #tpu.memory_space<vmem>>) semaphore(%arg32 : memref<!tpu.dma_semaphore, #tpu.memory_space<semaphore_mem>>) {add = true}
    %dma_wait3A_832 = arith.constant 1 : i32
    %dma_wait3A_833 = arith.constant 0 : i32
    %dma_wait3A_834 = tpu.memref_slice %arg9[%dma_wait3A_832, %dma_wait3A_833] : memref<2x80xi32, #tpu.memory_space<vmem>> -> memref<1x80xi32, #tpu.memory_space<vmem>>
    %dma_wait3A_835 = tpu.memref_squeeze %dma_wait3A_834 : memref<1x80xi32, #tpu.memory_space<vmem>> -> memref<80xi32, #tpu.memory_space<vmem>>
    %dma_wait3A_836 = arith.constant 0 : i32
    %dma_wait3A_837 = arith.constant 0 : i32
    %dma_wait3A_838 = tpu.memref_slice %arg19[%dma_wait3A_836, %dma_wait3A_837] : memref<10240x128xf32, #tpu.memory_space<vmem_shared>> -> memref<10240x128xf32, #tpu.memory_space<vmem_shared>>
    tpu.wait_indirect_dma semaphore(%arg34 : memref<!tpu.dma_semaphore, #tpu.memory_space<semaphore_mem>>) src(%arg17 : memref<80x128xf32, #tpu.memory_space<vmem>>) dst(%dma_wait3A_838 : memref<10240x128xf32, #tpu.memory_space<vmem_shared>>)
    %dma_wait3A_839 = arith.constant 0 : i32
    %dma_wait3A_840 = arith.constant 0 : i32
    %dma_wait3A_841 = tpu.memref_slice %arg9[%dma_wait3A_839, %dma_wait3A_840] : memref<2x80xi32, #tpu.memory_space<vmem>> -> memref<1x80xi32, #tpu.memory_space<vmem>>
    %dma_wait3A_842 = tpu.memref_squeeze %dma_wait3A_841 : memref<1x80xi32, #tpu.memory_space<vmem>> -> memref<80xi32, #tpu.memory_space<vmem>>
    %dma_wait3A_843 = arith.constant 0 : i32
    %dma_wait3A_844 = tpu.memref_slice %arg2[%dma_wait3A_843] : memref<640000xi32, #tpu.memory_space<hbm>> -> memref<80xi32, #tpu.memory_space<hbm>>
    %dma_wait3A_845 = arith.constant 0 : i32
    %dma_wait3A_846 = tpu.memref_slice %arg9[%dma_wait3A_839, %dma_wait3A_845] : memref<2x80xi32, #tpu.memory_space<vmem>> -> memref<1x80xi32, #tpu.memory_space<vmem>>
    %dma_wait3A_847 = tpu.memref_squeeze %dma_wait3A_846 : memref<1x80xi32, #tpu.memory_space<vmem>> -> memref<80xi32, #tpu.memory_space<vmem>>
    %dma_wait3A_848 = arith.constant 0 : i32
    %dma_wait3A_849 = tpu.memref_slice %arg2[%dma_wait3A_848] : memref<640000xi32, #tpu.memory_space<hbm>> -> memref<80xi32, #tpu.memory_space<hbm>>
    tpu.wait_dma2 semaphore(%arg22 : memref<!tpu.dma_semaphore, #tpu.memory_space<semaphore_mem>>) src(%dma_wait3A_849 : memref<80xi32, #tpu.memory_space<hbm>>) dst(%dma_wait3A_847 : memref<80xi32, #tpu.memory_space<vmem>>)
    %dma_wait3A_850 = arith.constant 1 : i32
    %dma_wait3A_851 = arith.constant 0 : i32
    %dma_wait3A_852 = tpu.memref_slice %arg9[%dma_wait3A_850, %dma_wait3A_851] : memref<2x80xi32, #tpu.memory_space<vmem>> -> memref<1x80xi32, #tpu.memory_space<vmem>>
    %dma_wait3A_853 = tpu.memref_squeeze %dma_wait3A_852 : memref<1x80xi32, #tpu.memory_space<vmem>> -> memref<80xi32, #tpu.memory_space<vmem>>
    %dma_wait3A_854 = arith.constant 0 : i32
    %dma_wait3A_855 = tpu.memref_slice %arg2[%dma_wait3A_854] : memref<640000xi32, #tpu.memory_space<hbm>> -> memref<80xi32, #tpu.memory_space<hbm>>
    %dma_wait3A_856 = arith.constant 0 : i32
    %dma_wait3A_857 = tpu.memref_slice %arg9[%dma_wait3A_850, %dma_wait3A_856] : memref<2x80xi32, #tpu.memory_space<vmem>> -> memref<1x80xi32, #tpu.memory_space<vmem>>
    %dma_wait3A_858 = tpu.memref_squeeze %dma_wait3A_857 : memref<1x80xi32, #tpu.memory_space<vmem>> -> memref<80xi32, #tpu.memory_space<vmem>>
    %dma_wait3A_859 = arith.constant 0 : i32
    %dma_wait3A_860 = tpu.memref_slice %arg2[%dma_wait3A_859] : memref<640000xi32, #tpu.memory_space<hbm>> -> memref<80xi32, #tpu.memory_space<hbm>>
    tpu.wait_dma2 semaphore(%arg22 : memref<!tpu.dma_semaphore, #tpu.memory_space<semaphore_mem>>) src(%dma_wait3A_860 : memref<80xi32, #tpu.memory_space<hbm>>) dst(%dma_wait3A_858 : memref<80xi32, #tpu.memory_space<vmem>>)
    %eq3A_861 = arith.constant 0 : i32
    %eq3A_862 = arith.cmpi eq, %arg0, %eq3A_861 : i32
    %convert_element_type3A_863 = arith.extui %eq3A_862 : i1 to i32
    %cond3A_864 = arith.constant 0 : i32
    %cond3A_865 = arith.cmpi ne, %convert_element_type3A_863, %cond3A_864 : i32
    scf.if %cond3A_865 {
      %dma_start3A_1402 = arith.constant 0 : i32
      %dma_start3A_1403 = arith.constant 0 : i32
      %dma_start3A_1404 = tpu.memref_slice %arg9[%dma_start3A_1402, %dma_start3A_1403] : memref<2x80xi32, #tpu.memory_space<vmem>> -> memref<1x80xi32, #tpu.memory_space<vmem>>
      %dma_start3A_1405 = tpu.memref_squeeze %dma_start3A_1404 : memref<1x80xi32, #tpu.memory_space<vmem>> -> memref<80xi32, #tpu.memory_space<vmem>>
      %dma_start3A_1406 = arith.constant 0 : i32
      %dma_start3A_1407 = arith.constant 0 : i32
      %dma_start3A_1408 = tpu.memref_slice %arg3[%dma_start3A_1406, %dma_start3A_1407] : memref<10240x128xf32, #tpu.memory_space<hbm>> -> memref<10240x128xf32, #tpu.memory_space<hbm>>
      tpu.enqueue_indirect_dma source(%dma_start3A_1408 : memref<10240x128xf32, #tpu.memory_space<hbm>>) target(%arg17 : memref<80x128xf32, #tpu.memory_space<vmem>>) offsets(%dma_start3A_1405 : memref<80xi32, #tpu.memory_space<vmem>>) semaphore(%arg30 : memref<!tpu.dma_semaphore, #tpu.memory_space<semaphore_mem>>)
    } else {
    }
    %eq3A_866 = arith.constant 1 : i32
    %eq3A_867 = arith.cmpi eq, %arg0, %eq3A_866 : i32
    %convert_element_type3A_868 = arith.extui %eq3A_867 : i1 to i32
    %cond3A_869 = arith.constant 0 : i32
    %cond3A_870 = arith.cmpi ne, %convert_element_type3A_868, %cond3A_869 : i32
    scf.if %cond3A_870 {
      %dma_start3A_1402 = arith.constant 0 : i32
      %dma_start3A_1403 = arith.constant 0 : i32
      %dma_start3A_1404 = tpu.memref_slice %arg9[%dma_start3A_1402, %dma_start3A_1403] : memref<2x80xi32, #tpu.memory_space<vmem>> -> memref<1x80xi32, #tpu.memory_space<vmem>>
      %dma_start3A_1405 = tpu.memref_squeeze %dma_start3A_1404 : memref<1x80xi32, #tpu.memory_space<vmem>> -> memref<80xi32, #tpu.memory_space<vmem>>
      %dma_start3A_1406 = arith.constant 0 : i32
      %dma_start3A_1407 = arith.constant 0 : i32
      %dma_start3A_1408 = tpu.memref_slice %arg4[%dma_start3A_1406, %dma_start3A_1407] : memref<10240x128xf32, #tpu.memory_space<hbm>> -> memref<10240x128xf32, #tpu.memory_space<hbm>>
      tpu.enqueue_indirect_dma source(%dma_start3A_1408 : memref<10240x128xf32, #tpu.memory_space<hbm>>) target(%arg17 : memref<80x128xf32, #tpu.memory_space<vmem>>) offsets(%dma_start3A_1405 : memref<80xi32, #tpu.memory_space<vmem>>) semaphore(%arg30 : memref<!tpu.dma_semaphore, #tpu.memory_space<semaphore_mem>>)
    } else {
    }
    %add3A_871 = arith.constant 246 : i32
    %add3A_872 = arith.addi %mul3A_0, %add3A_871 : i32
    %mul3A_873 = arith.constant 80 : i32
    %mul3A_874 = arith.muli %add3A_872, %mul3A_873 : i32
    %dma_start3A_875 = arith.constant 0 : i32
    %dma_start3A_876 = arith.constant 0 : i32
    %dma_start3A_877 = tpu.memref_slice %arg13[%dma_start3A_875, %dma_start3A_876] : memref<2x80xi32, #tpu.memory_space<vmem>> -> memref<1x80xi32, #tpu.memory_space<vmem>>
    %dma_start3A_878 = tpu.memref_squeeze %dma_start3A_877 : memref<1x80xi32, #tpu.memory_space<vmem>> -> memref<80xi32, #tpu.memory_space<vmem>>
    %dma_start3A_879 = tpu.memref_slice %arg2[%mul3A_874] : memref<640000xi32, #tpu.memory_space<hbm>> -> memref<80xi32, #tpu.memory_space<hbm>>
    %dma_start3A_880 = arith.constant 0 : i32
    %dma_start3A_881 = tpu.memref_slice %arg13[%dma_start3A_875, %dma_start3A_880] : memref<2x80xi32, #tpu.memory_space<vmem>> -> memref<1x80xi32, #tpu.memory_space<vmem>>
    %dma_start3A_882 = tpu.memref_squeeze %dma_start3A_881 : memref<1x80xi32, #tpu.memory_space<vmem>> -> memref<80xi32, #tpu.memory_space<vmem>>
    %dma_start3A_883 = tpu.memref_slice %arg2[%mul3A_874] : memref<640000xi32, #tpu.memory_space<hbm>> -> memref<80xi32, #tpu.memory_space<hbm>>
    tpu.enqueue_dma source(%dma_start3A_883 : memref<80xi32, #tpu.memory_space<hbm>>) target(%dma_start3A_882 : memref<80xi32, #tpu.memory_space<vmem>>) target_semaphore(%arg26 : memref<!tpu.dma_semaphore, #tpu.memory_space<semaphore_mem>>)
    %add3A_884 = arith.constant 320000 : i32
    %add3A_885 = arith.addi %add3A_884, %mul3A_874 : i32
    %dma_start3A_886 = arith.constant 1 : i32
    %dma_start3A_887 = arith.constant 0 : i32
    %dma_start3A_888 = tpu.memref_slice %arg13[%dma_start3A_886, %dma_start3A_887] : memref<2x80xi32, #tpu.memory_space<vmem>> -> memref<1x80xi32, #tpu.memory_space<vmem>>
    %dma_start3A_889 = tpu.memref_squeeze %dma_start3A_888 : memref<1x80xi32, #tpu.memory_space<vmem>> -> memref<80xi32, #tpu.memory_space<vmem>>
    %dma_start3A_890 = tpu.memref_slice %arg2[%add3A_885] : memref<640000xi32, #tpu.memory_space<hbm>> -> memref<80xi32, #tpu.memory_space<hbm>>
    %dma_start3A_891 = arith.constant 0 : i32
    %dma_start3A_892 = tpu.memref_slice %arg13[%dma_start3A_886, %dma_start3A_891] : memref<2x80xi32, #tpu.memory_space<vmem>> -> memref<1x80xi32, #tpu.memory_space<vmem>>
    %dma_start3A_893 = tpu.memref_squeeze %dma_start3A_892 : memref<1x80xi32, #tpu.memory_space<vmem>> -> memref<80xi32, #tpu.memory_space<vmem>>
    %dma_start3A_894 = tpu.memref_slice %arg2[%add3A_885] : memref<640000xi32, #tpu.memory_space<hbm>> -> memref<80xi32, #tpu.memory_space<hbm>>
    tpu.enqueue_dma source(%dma_start3A_894 : memref<80xi32, #tpu.memory_space<hbm>>) target(%dma_start3A_893 : memref<80xi32, #tpu.memory_space<vmem>>) target_semaphore(%arg26 : memref<!tpu.dma_semaphore, #tpu.memory_space<semaphore_mem>>)
    %dma_wait3A_895 = arith.constant 0 : i32
    %dma_wait3A_896 = arith.constant 0 : i32
    %dma_wait3A_897 = tpu.memref_slice %arg7[%dma_wait3A_895, %dma_wait3A_896] : memref<2x80xi32, #tpu.memory_space<vmem>> -> memref<1x80xi32, #tpu.memory_space<vmem>>
    %dma_wait3A_898 = tpu.memref_squeeze %dma_wait3A_897 : memref<1x80xi32, #tpu.memory_space<vmem>> -> memref<80xi32, #tpu.memory_space<vmem>>
    %dma_wait3A_899 = arith.constant 0 : i32
    %dma_wait3A_900 = arith.constant 0 : i32
    %dma_wait3A_901 = tpu.memref_slice %arg3[%dma_wait3A_899, %dma_wait3A_900] : memref<10240x128xf32, #tpu.memory_space<hbm>> -> memref<10240x128xf32, #tpu.memory_space<hbm>>
    tpu.wait_indirect_dma semaphore(%arg29 : memref<!tpu.dma_semaphore, #tpu.memory_space<semaphore_mem>>) src(%dma_wait3A_901 : memref<10240x128xf32, #tpu.memory_space<hbm>>) dst(%arg16 : memref<80x128xf32, #tpu.memory_space<vmem>>)
    %dma_start3A_902 = arith.constant 1 : i32
    %dma_start3A_903 = arith.constant 0 : i32
    %dma_start3A_904 = tpu.memref_slice %arg8[%dma_start3A_902, %dma_start3A_903] : memref<2x80xi32, #tpu.memory_space<vmem>> -> memref<1x80xi32, #tpu.memory_space<vmem>>
    %dma_start3A_905 = tpu.memref_squeeze %dma_start3A_904 : memref<1x80xi32, #tpu.memory_space<vmem>> -> memref<80xi32, #tpu.memory_space<vmem>>
    %dma_start3A_906 = arith.constant 0 : i32
    %dma_start3A_907 = arith.constant 0 : i32
    %dma_start3A_908 = tpu.memref_slice %arg19[%dma_start3A_906, %dma_start3A_907] : memref<10240x128xf32, #tpu.memory_space<vmem_shared>> -> memref<10240x128xf32, #tpu.memory_space<vmem_shared>>
    tpu.enqueue_indirect_dma source(%arg16 : memref<80x128xf32, #tpu.memory_space<vmem>>) target(%dma_start3A_908 : memref<10240x128xf32, #tpu.memory_space<vmem_shared>>) offsets(%dma_start3A_905 : memref<80xi32, #tpu.memory_space<vmem>>) semaphore(%arg33 : memref<!tpu.dma_semaphore, #tpu.memory_space<semaphore_mem>>) {add = true}
    %dma_wait3A_909 = arith.constant 1 : i32
    %dma_wait3A_910 = arith.constant 0 : i32
    %dma_wait3A_911 = tpu.memref_slice %arg10[%dma_wait3A_909, %dma_wait3A_910] : memref<2x80xi32, #tpu.memory_space<vmem>> -> memref<1x80xi32, #tpu.memory_space<vmem>>
    %dma_wait3A_912 = tpu.memref_squeeze %dma_wait3A_911 : memref<1x80xi32, #tpu.memory_space<vmem>> -> memref<80xi32, #tpu.memory_space<vmem>>
    %dma_wait3A_913 = arith.constant 0 : i32
    %dma_wait3A_914 = arith.constant 0 : i32
    %dma_wait3A_915 = tpu.memref_slice %arg19[%dma_wait3A_913, %dma_wait3A_914] : memref<10240x128xf32, #tpu.memory_space<vmem_shared>> -> memref<10240x128xf32, #tpu.memory_space<vmem_shared>>
    tpu.wait_indirect_dma semaphore(%arg35 : memref<!tpu.dma_semaphore, #tpu.memory_space<semaphore_mem>>) src(%arg18 : memref<80x128xf32, #tpu.memory_space<vmem>>) dst(%dma_wait3A_915 : memref<10240x128xf32, #tpu.memory_space<vmem_shared>>)
    %dma_wait3A_916 = arith.constant 0 : i32
    %dma_wait3A_917 = arith.constant 0 : i32
    %dma_wait3A_918 = tpu.memref_slice %arg10[%dma_wait3A_916, %dma_wait3A_917] : memref<2x80xi32, #tpu.memory_space<vmem>> -> memref<1x80xi32, #tpu.memory_space<vmem>>
    %dma_wait3A_919 = tpu.memref_squeeze %dma_wait3A_918 : memref<1x80xi32, #tpu.memory_space<vmem>> -> memref<80xi32, #tpu.memory_space<vmem>>
    %dma_wait3A_920 = arith.constant 0 : i32
    %dma_wait3A_921 = tpu.memref_slice %arg2[%dma_wait3A_920] : memref<640000xi32, #tpu.memory_space<hbm>> -> memref<80xi32, #tpu.memory_space<hbm>>
    %dma_wait3A_922 = arith.constant 0 : i32
    %dma_wait3A_923 = tpu.memref_slice %arg10[%dma_wait3A_916, %dma_wait3A_922] : memref<2x80xi32, #tpu.memory_space<vmem>> -> memref<1x80xi32, #tpu.memory_space<vmem>>
    %dma_wait3A_924 = tpu.memref_squeeze %dma_wait3A_923 : memref<1x80xi32, #tpu.memory_space<vmem>> -> memref<80xi32, #tpu.memory_space<vmem>>
    %dma_wait3A_925 = arith.constant 0 : i32
    %dma_wait3A_926 = tpu.memref_slice %arg2[%dma_wait3A_925] : memref<640000xi32, #tpu.memory_space<hbm>> -> memref<80xi32, #tpu.memory_space<hbm>>
    tpu.wait_dma2 semaphore(%arg23 : memref<!tpu.dma_semaphore, #tpu.memory_space<semaphore_mem>>) src(%dma_wait3A_926 : memref<80xi32, #tpu.memory_space<hbm>>) dst(%dma_wait3A_924 : memref<80xi32, #tpu.memory_space<vmem>>)
    %dma_wait3A_927 = arith.constant 1 : i32
    %dma_wait3A_928 = arith.constant 0 : i32
    %dma_wait3A_929 = tpu.memref_slice %arg10[%dma_wait3A_927, %dma_wait3A_928] : memref<2x80xi32, #tpu.memory_space<vmem>> -> memref<1x80xi32, #tpu.memory_space<vmem>>
    %dma_wait3A_930 = tpu.memref_squeeze %dma_wait3A_929 : memref<1x80xi32, #tpu.memory_space<vmem>> -> memref<80xi32, #tpu.memory_space<vmem>>
    %dma_wait3A_931 = arith.constant 0 : i32
    %dma_wait3A_932 = tpu.memref_slice %arg2[%dma_wait3A_931] : memref<640000xi32, #tpu.memory_space<hbm>> -> memref<80xi32, #tpu.memory_space<hbm>>
    %dma_wait3A_933 = arith.constant 0 : i32
    %dma_wait3A_934 = tpu.memref_slice %arg10[%dma_wait3A_927, %dma_wait3A_933] : memref<2x80xi32, #tpu.memory_space<vmem>> -> memref<1x80xi32, #tpu.memory_space<vmem>>
    %dma_wait3A_935 = tpu.memref_squeeze %dma_wait3A_934 : memref<1x80xi32, #tpu.memory_space<vmem>> -> memref<80xi32, #tpu.memory_space<vmem>>
    %dma_wait3A_936 = arith.constant 0 : i32
    %dma_wait3A_937 = tpu.memref_slice %arg2[%dma_wait3A_936] : memref<640000xi32, #tpu.memory_space<hbm>> -> memref<80xi32, #tpu.memory_space<hbm>>
    tpu.wait_dma2 semaphore(%arg23 : memref<!tpu.dma_semaphore, #tpu.memory_space<semaphore_mem>>) src(%dma_wait3A_937 : memref<80xi32, #tpu.memory_space<hbm>>) dst(%dma_wait3A_935 : memref<80xi32, #tpu.memory_space<vmem>>)
    %eq3A_938 = arith.constant 0 : i32
    %eq3A_939 = arith.cmpi eq, %arg0, %eq3A_938 : i32
    %convert_element_type3A_940 = arith.extui %eq3A_939 : i1 to i32
    %cond3A_941 = arith.constant 0 : i32
    %cond3A_942 = arith.cmpi ne, %convert_element_type3A_940, %cond3A_941 : i32
    scf.if %cond3A_942 {
      %dma_start3A_1402 = arith.constant 0 : i32
      %dma_start3A_1403 = arith.constant 0 : i32
      %dma_start3A_1404 = tpu.memref_slice %arg10[%dma_start3A_1402, %dma_start3A_1403] : memref<2x80xi32, #tpu.memory_space<vmem>> -> memref<1x80xi32, #tpu.memory_space<vmem>>
      %dma_start3A_1405 = tpu.memref_squeeze %dma_start3A_1404 : memref<1x80xi32, #tpu.memory_space<vmem>> -> memref<80xi32, #tpu.memory_space<vmem>>
      %dma_start3A_1406 = arith.constant 0 : i32
      %dma_start3A_1407 = arith.constant 0 : i32
      %dma_start3A_1408 = tpu.memref_slice %arg3[%dma_start3A_1406, %dma_start3A_1407] : memref<10240x128xf32, #tpu.memory_space<hbm>> -> memref<10240x128xf32, #tpu.memory_space<hbm>>
      tpu.enqueue_indirect_dma source(%dma_start3A_1408 : memref<10240x128xf32, #tpu.memory_space<hbm>>) target(%arg18 : memref<80x128xf32, #tpu.memory_space<vmem>>) offsets(%dma_start3A_1405 : memref<80xi32, #tpu.memory_space<vmem>>) semaphore(%arg31 : memref<!tpu.dma_semaphore, #tpu.memory_space<semaphore_mem>>)
    } else {
    }
    %eq3A_943 = arith.constant 1 : i32
    %eq3A_944 = arith.cmpi eq, %arg0, %eq3A_943 : i32
    %convert_element_type3A_945 = arith.extui %eq3A_944 : i1 to i32
    %cond3A_946 = arith.constant 0 : i32
    %cond3A_947 = arith.cmpi ne, %convert_element_type3A_945, %cond3A_946 : i32
    scf.if %cond3A_947 {
      %dma_start3A_1402 = arith.constant 0 : i32
      %dma_start3A_1403 = arith.constant 0 : i32
      %dma_start3A_1404 = tpu.memref_slice %arg10[%dma_start3A_1402, %dma_start3A_1403] : memref<2x80xi32, #tpu.memory_space<vmem>> -> memref<1x80xi32, #tpu.memory_space<vmem>>
      %dma_start3A_1405 = tpu.memref_squeeze %dma_start3A_1404 : memref<1x80xi32, #tpu.memory_space<vmem>> -> memref<80xi32, #tpu.memory_space<vmem>>
      %dma_start3A_1406 = arith.constant 0 : i32
      %dma_start3A_1407 = arith.constant 0 : i32
      %dma_start3A_1408 = tpu.memref_slice %arg4[%dma_start3A_1406, %dma_start3A_1407] : memref<10240x128xf32, #tpu.memory_space<hbm>> -> memref<10240x128xf32, #tpu.memory_space<hbm>>
      tpu.enqueue_indirect_dma source(%dma_start3A_1408 : memref<10240x128xf32, #tpu.memory_space<hbm>>) target(%arg18 : memref<80x128xf32, #tpu.memory_space<vmem>>) offsets(%dma_start3A_1405 : memref<80xi32, #tpu.memory_space<vmem>>) semaphore(%arg31 : memref<!tpu.dma_semaphore, #tpu.memory_space<semaphore_mem>>)
    } else {
    }
    %add3A_948 = arith.constant 247 : i32
    %add3A_949 = arith.addi %mul3A_0, %add3A_948 : i32
    %mul3A_950 = arith.constant 80 : i32
    %mul3A_951 = arith.muli %add3A_949, %mul3A_950 : i32
    %dma_start3A_952 = arith.constant 0 : i32
    %dma_start3A_953 = arith.constant 0 : i32
    %dma_start3A_954 = tpu.memref_slice %arg14[%dma_start3A_952, %dma_start3A_953] : memref<2x80xi32, #tpu.memory_space<vmem>> -> memref<1x80xi32, #tpu.memory_space<vmem>>
    %dma_start3A_955 = tpu.memref_squeeze %dma_start3A_954 : memref<1x80xi32, #tpu.memory_space<vmem>> -> memref<80xi32, #tpu.memory_space<vmem>>
    %dma_start3A_956 = tpu.memref_slice %arg2[%mul3A_951] : memref<640000xi32, #tpu.memory_space<hbm>> -> memref<80xi32, #tpu.memory_space<hbm>>
    %dma_start3A_957 = arith.constant 0 : i32
    %dma_start3A_958 = tpu.memref_slice %arg14[%dma_start3A_952, %dma_start3A_957] : memref<2x80xi32, #tpu.memory_space<vmem>> -> memref<1x80xi32, #tpu.memory_space<vmem>>
    %dma_start3A_959 = tpu.memref_squeeze %dma_start3A_958 : memref<1x80xi32, #tpu.memory_space<vmem>> -> memref<80xi32, #tpu.memory_space<vmem>>
    %dma_start3A_960 = tpu.memref_slice %arg2[%mul3A_951] : memref<640000xi32, #tpu.memory_space<hbm>> -> memref<80xi32, #tpu.memory_space<hbm>>
    tpu.enqueue_dma source(%dma_start3A_960 : memref<80xi32, #tpu.memory_space<hbm>>) target(%dma_start3A_959 : memref<80xi32, #tpu.memory_space<vmem>>) target_semaphore(%arg27 : memref<!tpu.dma_semaphore, #tpu.memory_space<semaphore_mem>>)
    %add3A_961 = arith.constant 320000 : i32
    %add3A_962 = arith.addi %add3A_961, %mul3A_951 : i32
    %dma_start3A_963 = arith.constant 1 : i32
    %dma_start3A_964 = arith.constant 0 : i32
    %dma_start3A_965 = tpu.memref_slice %arg14[%dma_start3A_963, %dma_start3A_964] : memref<2x80xi32, #tpu.memory_space<vmem>> -> memref<1x80xi32, #tpu.memory_space<vmem>>
    %dma_start3A_966 = tpu.memref_squeeze %dma_start3A_965 : memref<1x80xi32, #tpu.memory_space<vmem>> -> memref<80xi32, #tpu.memory_space<vmem>>
    %dma_start3A_967 = tpu.memref_slice %arg2[%add3A_962] : memref<640000xi32, #tpu.memory_space<hbm>> -> memref<80xi32, #tpu.memory_space<hbm>>
    %dma_start3A_968 = arith.constant 0 : i32
    %dma_start3A_969 = tpu.memref_slice %arg14[%dma_start3A_963, %dma_start3A_968] : memref<2x80xi32, #tpu.memory_space<vmem>> -> memref<1x80xi32, #tpu.memory_space<vmem>>
    %dma_start3A_970 = tpu.memref_squeeze %dma_start3A_969 : memref<1x80xi32, #tpu.memory_space<vmem>> -> memref<80xi32, #tpu.memory_space<vmem>>
    %dma_start3A_971 = tpu.memref_slice %arg2[%add3A_962] : memref<640000xi32, #tpu.memory_space<hbm>> -> memref<80xi32, #tpu.memory_space<hbm>>
    tpu.enqueue_dma source(%dma_start3A_971 : memref<80xi32, #tpu.memory_space<hbm>>) target(%dma_start3A_970 : memref<80xi32, #tpu.memory_space<vmem>>) target_semaphore(%arg27 : memref<!tpu.dma_semaphore, #tpu.memory_space<semaphore_mem>>)
    %dma_wait3A_972 = arith.constant 0 : i32
    %dma_wait3A_973 = arith.constant 0 : i32
    %dma_wait3A_974 = tpu.memref_slice %arg7[%dma_wait3A_972, %dma_wait3A_973] : memref<2x80xi32, #tpu.memory_space<vmem>> -> memref<1x80xi32, #tpu.memory_space<vmem>>
    %dma_wait3A_975 = tpu.memref_squeeze %dma_wait3A_974 : memref<1x80xi32, #tpu.memory_space<vmem>> -> memref<80xi32, #tpu.memory_space<vmem>>
    %dma_wait3A_976 = arith.constant 0 : i32
    %dma_wait3A_977 = arith.constant 0 : i32
    %dma_wait3A_978 = tpu.memref_slice %arg3[%dma_wait3A_976, %dma_wait3A_977] : memref<10240x128xf32, #tpu.memory_space<hbm>> -> memref<10240x128xf32, #tpu.memory_space<hbm>>
    tpu.wait_indirect_dma semaphore(%arg30 : memref<!tpu.dma_semaphore, #tpu.memory_space<semaphore_mem>>) src(%dma_wait3A_978 : memref<10240x128xf32, #tpu.memory_space<hbm>>) dst(%arg17 : memref<80x128xf32, #tpu.memory_space<vmem>>)
    %dma_start3A_979 = arith.constant 1 : i32
    %dma_start3A_980 = arith.constant 0 : i32
    %dma_start3A_981 = tpu.memref_slice %arg9[%dma_start3A_979, %dma_start3A_980] : memref<2x80xi32, #tpu.memory_space<vmem>> -> memref<1x80xi32, #tpu.memory_space<vmem>>
    %dma_start3A_982 = tpu.memref_squeeze %dma_start3A_981 : memref<1x80xi32, #tpu.memory_space<vmem>> -> memref<80xi32, #tpu.memory_space<vmem>>
    %dma_start3A_983 = arith.constant 0 : i32
    %dma_start3A_984 = arith.constant 0 : i32
    %dma_start3A_985 = tpu.memref_slice %arg19[%dma_start3A_983, %dma_start3A_984] : memref<10240x128xf32, #tpu.memory_space<vmem_shared>> -> memref<10240x128xf32, #tpu.memory_space<vmem_shared>>
    tpu.enqueue_indirect_dma source(%arg17 : memref<80x128xf32, #tpu.memory_space<vmem>>) target(%dma_start3A_985 : memref<10240x128xf32, #tpu.memory_space<vmem_shared>>) offsets(%dma_start3A_982 : memref<80xi32, #tpu.memory_space<vmem>>) semaphore(%arg34 : memref<!tpu.dma_semaphore, #tpu.memory_space<semaphore_mem>>) {add = true}
    %dma_wait3A_986 = arith.constant 1 : i32
    %dma_wait3A_987 = arith.constant 0 : i32
    %dma_wait3A_988 = tpu.memref_slice %arg11[%dma_wait3A_986, %dma_wait3A_987] : memref<2x80xi32, #tpu.memory_space<vmem>> -> memref<1x80xi32, #tpu.memory_space<vmem>>
    %dma_wait3A_989 = tpu.memref_squeeze %dma_wait3A_988 : memref<1x80xi32, #tpu.memory_space<vmem>> -> memref<80xi32, #tpu.memory_space<vmem>>
    %dma_wait3A_990 = arith.constant 0 : i32
    %dma_wait3A_991 = arith.constant 0 : i32
    %dma_wait3A_992 = tpu.memref_slice %arg19[%dma_wait3A_990, %dma_wait3A_991] : memref<10240x128xf32, #tpu.memory_space<vmem_shared>> -> memref<10240x128xf32, #tpu.memory_space<vmem_shared>>
    tpu.wait_indirect_dma semaphore(%arg32 : memref<!tpu.dma_semaphore, #tpu.memory_space<semaphore_mem>>) src(%arg15 : memref<80x128xf32, #tpu.memory_space<vmem>>) dst(%dma_wait3A_992 : memref<10240x128xf32, #tpu.memory_space<vmem_shared>>)
    %dma_wait3A_993 = arith.constant 0 : i32
    %dma_wait3A_994 = arith.constant 0 : i32
    %dma_wait3A_995 = tpu.memref_slice %arg11[%dma_wait3A_993, %dma_wait3A_994] : memref<2x80xi32, #tpu.memory_space<vmem>> -> memref<1x80xi32, #tpu.memory_space<vmem>>
    %dma_wait3A_996 = tpu.memref_squeeze %dma_wait3A_995 : memref<1x80xi32, #tpu.memory_space<vmem>> -> memref<80xi32, #tpu.memory_space<vmem>>
    %dma_wait3A_997 = arith.constant 0 : i32
    %dma_wait3A_998 = tpu.memref_slice %arg2[%dma_wait3A_997] : memref<640000xi32, #tpu.memory_space<hbm>> -> memref<80xi32, #tpu.memory_space<hbm>>
    %dma_wait3A_999 = arith.constant 0 : i32
    %dma_wait3A_1000 = tpu.memref_slice %arg11[%dma_wait3A_993, %dma_wait3A_999] : memref<2x80xi32, #tpu.memory_space<vmem>> -> memref<1x80xi32, #tpu.memory_space<vmem>>
    %dma_wait3A_1001 = tpu.memref_squeeze %dma_wait3A_1000 : memref<1x80xi32, #tpu.memory_space<vmem>> -> memref<80xi32, #tpu.memory_space<vmem>>
    %dma_wait3A_1002 = arith.constant 0 : i32
    %dma_wait3A_1003 = tpu.memref_slice %arg2[%dma_wait3A_1002] : memref<640000xi32, #tpu.memory_space<hbm>> -> memref<80xi32, #tpu.memory_space<hbm>>
    tpu.wait_dma2 semaphore(%arg24 : memref<!tpu.dma_semaphore, #tpu.memory_space<semaphore_mem>>) src(%dma_wait3A_1003 : memref<80xi32, #tpu.memory_space<hbm>>) dst(%dma_wait3A_1001 : memref<80xi32, #tpu.memory_space<vmem>>)
    %dma_wait3A_1004 = arith.constant 1 : i32
    %dma_wait3A_1005 = arith.constant 0 : i32
    %dma_wait3A_1006 = tpu.memref_slice %arg11[%dma_wait3A_1004, %dma_wait3A_1005] : memref<2x80xi32, #tpu.memory_space<vmem>> -> memref<1x80xi32, #tpu.memory_space<vmem>>
    %dma_wait3A_1007 = tpu.memref_squeeze %dma_wait3A_1006 : memref<1x80xi32, #tpu.memory_space<vmem>> -> memref<80xi32, #tpu.memory_space<vmem>>
    %dma_wait3A_1008 = arith.constant 0 : i32
    %dma_wait3A_1009 = tpu.memref_slice %arg2[%dma_wait3A_1008] : memref<640000xi32, #tpu.memory_space<hbm>> -> memref<80xi32, #tpu.memory_space<hbm>>
    %dma_wait3A_1010 = arith.constant 0 : i32
    %dma_wait3A_1011 = tpu.memref_slice %arg11[%dma_wait3A_1004, %dma_wait3A_1010] : memref<2x80xi32, #tpu.memory_space<vmem>> -> memref<1x80xi32, #tpu.memory_space<vmem>>
    %dma_wait3A_1012 = tpu.memref_squeeze %dma_wait3A_1011 : memref<1x80xi32, #tpu.memory_space<vmem>> -> memref<80xi32, #tpu.memory_space<vmem>>
    %dma_wait3A_1013 = arith.constant 0 : i32
    %dma_wait3A_1014 = tpu.memref_slice %arg2[%dma_wait3A_1013] : memref<640000xi32, #tpu.memory_space<hbm>> -> memref<80xi32, #tpu.memory_space<hbm>>
    tpu.wait_dma2 semaphore(%arg24 : memref<!tpu.dma_semaphore, #tpu.memory_space<semaphore_mem>>) src(%dma_wait3A_1014 : memref<80xi32, #tpu.memory_space<hbm>>) dst(%dma_wait3A_1012 : memref<80xi32, #tpu.memory_space<vmem>>)
    %eq3A_1015 = arith.constant 0 : i32
    %eq3A_1016 = arith.cmpi eq, %arg0, %eq3A_1015 : i32
    %convert_element_type3A_1017 = arith.extui %eq3A_1016 : i1 to i32
    %cond3A_1018 = arith.constant 0 : i32
    %cond3A_1019 = arith.cmpi ne, %convert_element_type3A_1017, %cond3A_1018 : i32
    scf.if %cond3A_1019 {
      %dma_start3A_1402 = arith.constant 0 : i32
      %dma_start3A_1403 = arith.constant 0 : i32
      %dma_start3A_1404 = tpu.memref_slice %arg11[%dma_start3A_1402, %dma_start3A_1403] : memref<2x80xi32, #tpu.memory_space<vmem>> -> memref<1x80xi32, #tpu.memory_space<vmem>>
      %dma_start3A_1405 = tpu.memref_squeeze %dma_start3A_1404 : memref<1x80xi32, #tpu.memory_space<vmem>> -> memref<80xi32, #tpu.memory_space<vmem>>
      %dma_start3A_1406 = arith.constant 0 : i32
      %dma_start3A_1407 = arith.constant 0 : i32
      %dma_start3A_1408 = tpu.memref_slice %arg3[%dma_start3A_1406, %dma_start3A_1407] : memref<10240x128xf32, #tpu.memory_space<hbm>> -> memref<10240x128xf32, #tpu.memory_space<hbm>>
      tpu.enqueue_indirect_dma source(%dma_start3A_1408 : memref<10240x128xf32, #tpu.memory_space<hbm>>) target(%arg15 : memref<80x128xf32, #tpu.memory_space<vmem>>) offsets(%dma_start3A_1405 : memref<80xi32, #tpu.memory_space<vmem>>) semaphore(%arg28 : memref<!tpu.dma_semaphore, #tpu.memory_space<semaphore_mem>>)
    } else {
    }
    %eq3A_1020 = arith.constant 1 : i32
    %eq3A_1021 = arith.cmpi eq, %arg0, %eq3A_1020 : i32
    %convert_element_type3A_1022 = arith.extui %eq3A_1021 : i1 to i32
    %cond3A_1023 = arith.constant 0 : i32
    %cond3A_1024 = arith.cmpi ne, %convert_element_type3A_1022, %cond3A_1023 : i32
    scf.if %cond3A_1024 {
      %dma_start3A_1402 = arith.constant 0 : i32
      %dma_start3A_1403 = arith.constant 0 : i32
      %dma_start3A_1404 = tpu.memref_slice %arg11[%dma_start3A_1402, %dma_start3A_1403] : memref<2x80xi32, #tpu.memory_space<vmem>> -> memref<1x80xi32, #tpu.memory_space<vmem>>
      %dma_start3A_1405 = tpu.memref_squeeze %dma_start3A_1404 : memref<1x80xi32, #tpu.memory_space<vmem>> -> memref<80xi32, #tpu.memory_space<vmem>>
      %dma_start3A_1406 = arith.constant 0 : i32
      %dma_start3A_1407 = arith.constant 0 : i32
      %dma_start3A_1408 = tpu.memref_slice %arg4[%dma_start3A_1406, %dma_start3A_1407] : memref<10240x128xf32, #tpu.memory_space<hbm>> -> memref<10240x128xf32, #tpu.memory_space<hbm>>
      tpu.enqueue_indirect_dma source(%dma_start3A_1408 : memref<10240x128xf32, #tpu.memory_space<hbm>>) target(%arg15 : memref<80x128xf32, #tpu.memory_space<vmem>>) offsets(%dma_start3A_1405 : memref<80xi32, #tpu.memory_space<vmem>>) semaphore(%arg28 : memref<!tpu.dma_semaphore, #tpu.memory_space<semaphore_mem>>)
    } else {
    }
    %add3A_1025 = arith.constant 248 : i32
    %add3A_1026 = arith.addi %mul3A_0, %add3A_1025 : i32
    %mul3A_1027 = arith.constant 80 : i32
    %mul3A_1028 = arith.muli %add3A_1026, %mul3A_1027 : i32
    %dma_start3A_1029 = arith.constant 0 : i32
    %dma_start3A_1030 = arith.constant 0 : i32
    %dma_start3A_1031 = tpu.memref_slice %arg7[%dma_start3A_1029, %dma_start3A_1030] : memref<2x80xi32, #tpu.memory_space<vmem>> -> memref<1x80xi32, #tpu.memory_space<vmem>>
    %dma_start3A_1032 = tpu.memref_squeeze %dma_start3A_1031 : memref<1x80xi32, #tpu.memory_space<vmem>> -> memref<80xi32, #tpu.memory_space<vmem>>
    %dma_start3A_1033 = tpu.memref_slice %arg2[%mul3A_1028] : memref<640000xi32, #tpu.memory_space<hbm>> -> memref<80xi32, #tpu.memory_space<hbm>>
    %dma_start3A_1034 = arith.constant 0 : i32
    %dma_start3A_1035 = tpu.memref_slice %arg7[%dma_start3A_1029, %dma_start3A_1034] : memref<2x80xi32, #tpu.memory_space<vmem>> -> memref<1x80xi32, #tpu.memory_space<vmem>>
    %dma_start3A_1036 = tpu.memref_squeeze %dma_start3A_1035 : memref<1x80xi32, #tpu.memory_space<vmem>> -> memref<80xi32, #tpu.memory_space<vmem>>
    %dma_start3A_1037 = tpu.memref_slice %arg2[%mul3A_1028] : memref<640000xi32, #tpu.memory_space<hbm>> -> memref<80xi32, #tpu.memory_space<hbm>>
    tpu.enqueue_dma source(%dma_start3A_1037 : memref<80xi32, #tpu.memory_space<hbm>>) target(%dma_start3A_1036 : memref<80xi32, #tpu.memory_space<vmem>>) target_semaphore(%arg20 : memref<!tpu.dma_semaphore, #tpu.memory_space<semaphore_mem>>)
    %add3A_1038 = arith.constant 320000 : i32
    %add3A_1039 = arith.addi %add3A_1038, %mul3A_1028 : i32
    %dma_start3A_1040 = arith.constant 1 : i32
    %dma_start3A_1041 = arith.constant 0 : i32
    %dma_start3A_1042 = tpu.memref_slice %arg7[%dma_start3A_1040, %dma_start3A_1041] : memref<2x80xi32, #tpu.memory_space<vmem>> -> memref<1x80xi32, #tpu.memory_space<vmem>>
    %dma_start3A_1043 = tpu.memref_squeeze %dma_start3A_1042 : memref<1x80xi32, #tpu.memory_space<vmem>> -> memref<80xi32, #tpu.memory_space<vmem>>
    %dma_start3A_1044 = tpu.memref_slice %arg2[%add3A_1039] : memref<640000xi32, #tpu.memory_space<hbm>> -> memref<80xi32, #tpu.memory_space<hbm>>
    %dma_start3A_1045 = arith.constant 0 : i32
    %dma_start3A_1046 = tpu.memref_slice %arg7[%dma_start3A_1040, %dma_start3A_1045] : memref<2x80xi32, #tpu.memory_space<vmem>> -> memref<1x80xi32, #tpu.memory_space<vmem>>
    %dma_start3A_1047 = tpu.memref_squeeze %dma_start3A_1046 : memref<1x80xi32, #tpu.memory_space<vmem>> -> memref<80xi32, #tpu.memory_space<vmem>>
    %dma_start3A_1048 = tpu.memref_slice %arg2[%add3A_1039] : memref<640000xi32, #tpu.memory_space<hbm>> -> memref<80xi32, #tpu.memory_space<hbm>>
    tpu.enqueue_dma source(%dma_start3A_1048 : memref<80xi32, #tpu.memory_space<hbm>>) target(%dma_start3A_1047 : memref<80xi32, #tpu.memory_space<vmem>>) target_semaphore(%arg20 : memref<!tpu.dma_semaphore, #tpu.memory_space<semaphore_mem>>)
    %dma_wait3A_1049 = arith.constant 0 : i32
    %dma_wait3A_1050 = arith.constant 0 : i32
    %dma_wait3A_1051 = tpu.memref_slice %arg7[%dma_wait3A_1049, %dma_wait3A_1050] : memref<2x80xi32, #tpu.memory_space<vmem>> -> memref<1x80xi32, #tpu.memory_space<vmem>>
    %dma_wait3A_1052 = tpu.memref_squeeze %dma_wait3A_1051 : memref<1x80xi32, #tpu.memory_space<vmem>> -> memref<80xi32, #tpu.memory_space<vmem>>
    %dma_wait3A_1053 = arith.constant 0 : i32
    %dma_wait3A_1054 = arith.constant 0 : i32
    %dma_wait3A_1055 = tpu.memref_slice %arg3[%dma_wait3A_1053, %dma_wait3A_1054] : memref<10240x128xf32, #tpu.memory_space<hbm>> -> memref<10240x128xf32, #tpu.memory_space<hbm>>
    tpu.wait_indirect_dma semaphore(%arg31 : memref<!tpu.dma_semaphore, #tpu.memory_space<semaphore_mem>>) src(%dma_wait3A_1055 : memref<10240x128xf32, #tpu.memory_space<hbm>>) dst(%arg18 : memref<80x128xf32, #tpu.memory_space<vmem>>)
    %dma_start3A_1056 = arith.constant 1 : i32
    %dma_start3A_1057 = arith.constant 0 : i32
    %dma_start3A_1058 = tpu.memref_slice %arg10[%dma_start3A_1056, %dma_start3A_1057] : memref<2x80xi32, #tpu.memory_space<vmem>> -> memref<1x80xi32, #tpu.memory_space<vmem>>
    %dma_start3A_1059 = tpu.memref_squeeze %dma_start3A_1058 : memref<1x80xi32, #tpu.memory_space<vmem>> -> memref<80xi32, #tpu.memory_space<vmem>>
    %dma_start3A_1060 = arith.constant 0 : i32
    %dma_start3A_1061 = arith.constant 0 : i32
    %dma_start3A_1062 = tpu.memref_slice %arg19[%dma_start3A_1060, %dma_start3A_1061] : memref<10240x128xf32, #tpu.memory_space<vmem_shared>> -> memref<10240x128xf32, #tpu.memory_space<vmem_shared>>
    tpu.enqueue_indirect_dma source(%arg18 : memref<80x128xf32, #tpu.memory_space<vmem>>) target(%dma_start3A_1062 : memref<10240x128xf32, #tpu.memory_space<vmem_shared>>) offsets(%dma_start3A_1059 : memref<80xi32, #tpu.memory_space<vmem>>) semaphore(%arg35 : memref<!tpu.dma_semaphore, #tpu.memory_space<semaphore_mem>>) {add = true}
    %dma_wait3A_1063 = arith.constant 1 : i32
    %dma_wait3A_1064 = arith.constant 0 : i32
    %dma_wait3A_1065 = tpu.memref_slice %arg12[%dma_wait3A_1063, %dma_wait3A_1064] : memref<2x80xi32, #tpu.memory_space<vmem>> -> memref<1x80xi32, #tpu.memory_space<vmem>>
    %dma_wait3A_1066 = tpu.memref_squeeze %dma_wait3A_1065 : memref<1x80xi32, #tpu.memory_space<vmem>> -> memref<80xi32, #tpu.memory_space<vmem>>
    %dma_wait3A_1067 = arith.constant 0 : i32
    %dma_wait3A_1068 = arith.constant 0 : i32
    %dma_wait3A_1069 = tpu.memref_slice %arg19[%dma_wait3A_1067, %dma_wait3A_1068] : memref<10240x128xf32, #tpu.memory_space<vmem_shared>> -> memref<10240x128xf32, #tpu.memory_space<vmem_shared>>
    tpu.wait_indirect_dma semaphore(%arg33 : memref<!tpu.dma_semaphore, #tpu.memory_space<semaphore_mem>>) src(%arg16 : memref<80x128xf32, #tpu.memory_space<vmem>>) dst(%dma_wait3A_1069 : memref<10240x128xf32, #tpu.memory_space<vmem_shared>>)
    %dma_wait3A_1070 = arith.constant 0 : i32
    %dma_wait3A_1071 = arith.constant 0 : i32
    %dma_wait3A_1072 = tpu.memref_slice %arg12[%dma_wait3A_1070, %dma_wait3A_1071] : memref<2x80xi32, #tpu.memory_space<vmem>> -> memref<1x80xi32, #tpu.memory_space<vmem>>
    %dma_wait3A_1073 = tpu.memref_squeeze %dma_wait3A_1072 : memref<1x80xi32, #tpu.memory_space<vmem>> -> memref<80xi32, #tpu.memory_space<vmem>>
    %dma_wait3A_1074 = arith.constant 0 : i32
    %dma_wait3A_1075 = tpu.memref_slice %arg2[%dma_wait3A_1074] : memref<640000xi32, #tpu.memory_space<hbm>> -> memref<80xi32, #tpu.memory_space<hbm>>
    %dma_wait3A_1076 = arith.constant 0 : i32
    %dma_wait3A_1077 = tpu.memref_slice %arg12[%dma_wait3A_1070, %dma_wait3A_1076] : memref<2x80xi32, #tpu.memory_space<vmem>> -> memref<1x80xi32, #tpu.memory_space<vmem>>
    %dma_wait3A_1078 = tpu.memref_squeeze %dma_wait3A_1077 : memref<1x80xi32, #tpu.memory_space<vmem>> -> memref<80xi32, #tpu.memory_space<vmem>>
    %dma_wait3A_1079 = arith.constant 0 : i32
    %dma_wait3A_1080 = tpu.memref_slice %arg2[%dma_wait3A_1079] : memref<640000xi32, #tpu.memory_space<hbm>> -> memref<80xi32, #tpu.memory_space<hbm>>
    tpu.wait_dma2 semaphore(%arg25 : memref<!tpu.dma_semaphore, #tpu.memory_space<semaphore_mem>>) src(%dma_wait3A_1080 : memref<80xi32, #tpu.memory_space<hbm>>) dst(%dma_wait3A_1078 : memref<80xi32, #tpu.memory_space<vmem>>)
    %dma_wait3A_1081 = arith.constant 1 : i32
    %dma_wait3A_1082 = arith.constant 0 : i32
    %dma_wait3A_1083 = tpu.memref_slice %arg12[%dma_wait3A_1081, %dma_wait3A_1082] : memref<2x80xi32, #tpu.memory_space<vmem>> -> memref<1x80xi32, #tpu.memory_space<vmem>>
    %dma_wait3A_1084 = tpu.memref_squeeze %dma_wait3A_1083 : memref<1x80xi32, #tpu.memory_space<vmem>> -> memref<80xi32, #tpu.memory_space<vmem>>
    %dma_wait3A_1085 = arith.constant 0 : i32
    %dma_wait3A_1086 = tpu.memref_slice %arg2[%dma_wait3A_1085] : memref<640000xi32, #tpu.memory_space<hbm>> -> memref<80xi32, #tpu.memory_space<hbm>>
    %dma_wait3A_1087 = arith.constant 0 : i32
    %dma_wait3A_1088 = tpu.memref_slice %arg12[%dma_wait3A_1081, %dma_wait3A_1087] : memref<2x80xi32, #tpu.memory_space<vmem>> -> memref<1x80xi32, #tpu.memory_space<vmem>>
    %dma_wait3A_1089 = tpu.memref_squeeze %dma_wait3A_1088 : memref<1x80xi32, #tpu.memory_space<vmem>> -> memref<80xi32, #tpu.memory_space<vmem>>
    %dma_wait3A_1090 = arith.constant 0 : i32
    %dma_wait3A_1091 = tpu.memref_slice %arg2[%dma_wait3A_1090] : memref<640000xi32, #tpu.memory_space<hbm>> -> memref<80xi32, #tpu.memory_space<hbm>>
    tpu.wait_dma2 semaphore(%arg25 : memref<!tpu.dma_semaphore, #tpu.memory_space<semaphore_mem>>) src(%dma_wait3A_1091 : memref<80xi32, #tpu.memory_space<hbm>>) dst(%dma_wait3A_1089 : memref<80xi32, #tpu.memory_space<vmem>>)
    %eq3A_1092 = arith.constant 0 : i32
    %eq3A_1093 = arith.cmpi eq, %arg0, %eq3A_1092 : i32
    %convert_element_type3A_1094 = arith.extui %eq3A_1093 : i1 to i32
    %cond3A_1095 = arith.constant 0 : i32
    %cond3A_1096 = arith.cmpi ne, %convert_element_type3A_1094, %cond3A_1095 : i32
    scf.if %cond3A_1096 {
      %dma_start3A_1402 = arith.constant 0 : i32
      %dma_start3A_1403 = arith.constant 0 : i32
      %dma_start3A_1404 = tpu.memref_slice %arg12[%dma_start3A_1402, %dma_start3A_1403] : memref<2x80xi32, #tpu.memory_space<vmem>> -> memref<1x80xi32, #tpu.memory_space<vmem>>
      %dma_start3A_1405 = tpu.memref_squeeze %dma_start3A_1404 : memref<1x80xi32, #tpu.memory_space<vmem>> -> memref<80xi32, #tpu.memory_space<vmem>>
      %dma_start3A_1406 = arith.constant 0 : i32
      %dma_start3A_1407 = arith.constant 0 : i32
      %dma_start3A_1408 = tpu.memref_slice %arg3[%dma_start3A_1406, %dma_start3A_1407] : memref<10240x128xf32, #tpu.memory_space<hbm>> -> memref<10240x128xf32, #tpu.memory_space<hbm>>
      tpu.enqueue_indirect_dma source(%dma_start3A_1408 : memref<10240x128xf32, #tpu.memory_space<hbm>>) target(%arg16 : memref<80x128xf32, #tpu.memory_space<vmem>>) offsets(%dma_start3A_1405 : memref<80xi32, #tpu.memory_space<vmem>>) semaphore(%arg29 : memref<!tpu.dma_semaphore, #tpu.memory_space<semaphore_mem>>)
    } else {
    }
    %eq3A_1097 = arith.constant 1 : i32
    %eq3A_1098 = arith.cmpi eq, %arg0, %eq3A_1097 : i32
    %convert_element_type3A_1099 = arith.extui %eq3A_1098 : i1 to i32
    %cond3A_1100 = arith.constant 0 : i32
    %cond3A_1101 = arith.cmpi ne, %convert_element_type3A_1099, %cond3A_1100 : i32
    scf.if %cond3A_1101 {
      %dma_start3A_1402 = arith.constant 0 : i32
      %dma_start3A_1403 = arith.constant 0 : i32
      %dma_start3A_1404 = tpu.memref_slice %arg12[%dma_start3A_1402, %dma_start3A_1403] : memref<2x80xi32, #tpu.memory_space<vmem>> -> memref<1x80xi32, #tpu.memory_space<vmem>>
      %dma_start3A_1405 = tpu.memref_squeeze %dma_start3A_1404 : memref<1x80xi32, #tpu.memory_space<vmem>> -> memref<80xi32, #tpu.memory_space<vmem>>
      %dma_start3A_1406 = arith.constant 0 : i32
      %dma_start3A_1407 = arith.constant 0 : i32
      %dma_start3A_1408 = tpu.memref_slice %arg4[%dma_start3A_1406, %dma_start3A_1407] : memref<10240x128xf32, #tpu.memory_space<hbm>> -> memref<10240x128xf32, #tpu.memory_space<hbm>>
      tpu.enqueue_indirect_dma source(%dma_start3A_1408 : memref<10240x128xf32, #tpu.memory_space<hbm>>) target(%arg16 : memref<80x128xf32, #tpu.memory_space<vmem>>) offsets(%dma_start3A_1405 : memref<80xi32, #tpu.memory_space<vmem>>) semaphore(%arg29 : memref<!tpu.dma_semaphore, #tpu.memory_space<semaphore_mem>>)
    } else {
    }
    %add3A_1102 = arith.constant 249 : i32
    %add3A_1103 = arith.addi %mul3A_0, %add3A_1102 : i32
    %mul3A_1104 = arith.constant 80 : i32
    %mul3A_1105 = arith.muli %add3A_1103, %mul3A_1104 : i32
    %dma_start3A_1106 = arith.constant 0 : i32
    %dma_start3A_1107 = arith.constant 0 : i32
    %dma_start3A_1108 = tpu.memref_slice %arg8[%dma_start3A_1106, %dma_start3A_1107] : memref<2x80xi32, #tpu.memory_space<vmem>> -> memref<1x80xi32, #tpu.memory_space<vmem>>
    %dma_start3A_1109 = tpu.memref_squeeze %dma_start3A_1108 : memref<1x80xi32, #tpu.memory_space<vmem>> -> memref<80xi32, #tpu.memory_space<vmem>>
    %dma_start3A_1110 = tpu.memref_slice %arg2[%mul3A_1105] : memref<640000xi32, #tpu.memory_space<hbm>> -> memref<80xi32, #tpu.memory_space<hbm>>
    %dma_start3A_1111 = arith.constant 0 : i32
    %dma_start3A_1112 = tpu.memref_slice %arg8[%dma_start3A_1106, %dma_start3A_1111] : memref<2x80xi32, #tpu.memory_space<vmem>> -> memref<1x80xi32, #tpu.memory_space<vmem>>
    %dma_start3A_1113 = tpu.memref_squeeze %dma_start3A_1112 : memref<1x80xi32, #tpu.memory_space<vmem>> -> memref<80xi32, #tpu.memory_space<vmem>>
    %dma_start3A_1114 = tpu.memref_slice %arg2[%mul3A_1105] : memref<640000xi32, #tpu.memory_space<hbm>> -> memref<80xi32, #tpu.memory_space<hbm>>
    tpu.enqueue_dma source(%dma_start3A_1114 : memref<80xi32, #tpu.memory_space<hbm>>) target(%dma_start3A_1113 : memref<80xi32, #tpu.memory_space<vmem>>) target_semaphore(%arg21 : memref<!tpu.dma_semaphore, #tpu.memory_space<semaphore_mem>>)
    %add3A_1115 = arith.constant 320000 : i32
    %add3A_1116 = arith.addi %add3A_1115, %mul3A_1105 : i32
    %dma_start3A_1117 = arith.constant 1 : i32
    %dma_start3A_1118 = arith.constant 0 : i32
    %dma_start3A_1119 = tpu.memref_slice %arg8[%dma_start3A_1117, %dma_start3A_1118] : memref<2x80xi32, #tpu.memory_space<vmem>> -> memref<1x80xi32, #tpu.memory_space<vmem>>
    %dma_start3A_1120 = tpu.memref_squeeze %dma_start3A_1119 : memref<1x80xi32, #tpu.memory_space<vmem>> -> memref<80xi32, #tpu.memory_space<vmem>>
    %dma_start3A_1121 = tpu.memref_slice %arg2[%add3A_1116] : memref<640000xi32, #tpu.memory_space<hbm>> -> memref<80xi32, #tpu.memory_space<hbm>>
    %dma_start3A_1122 = arith.constant 0 : i32
    %dma_start3A_1123 = tpu.memref_slice %arg8[%dma_start3A_1117, %dma_start3A_1122] : memref<2x80xi32, #tpu.memory_space<vmem>> -> memref<1x80xi32, #tpu.memory_space<vmem>>
    %dma_start3A_1124 = tpu.memref_squeeze %dma_start3A_1123 : memref<1x80xi32, #tpu.memory_space<vmem>> -> memref<80xi32, #tpu.memory_space<vmem>>
    %dma_start3A_1125 = tpu.memref_slice %arg2[%add3A_1116] : memref<640000xi32, #tpu.memory_space<hbm>> -> memref<80xi32, #tpu.memory_space<hbm>>
    tpu.enqueue_dma source(%dma_start3A_1125 : memref<80xi32, #tpu.memory_space<hbm>>) target(%dma_start3A_1124 : memref<80xi32, #tpu.memory_space<vmem>>) target_semaphore(%arg21 : memref<!tpu.dma_semaphore, #tpu.memory_space<semaphore_mem>>)
    %dma_wait3A_1126 = arith.constant 0 : i32
    %dma_wait3A_1127 = arith.constant 0 : i32
    %dma_wait3A_1128 = tpu.memref_slice %arg7[%dma_wait3A_1126, %dma_wait3A_1127] : memref<2x80xi32, #tpu.memory_space<vmem>> -> memref<1x80xi32, #tpu.memory_space<vmem>>
    %dma_wait3A_1129 = tpu.memref_squeeze %dma_wait3A_1128 : memref<1x80xi32, #tpu.memory_space<vmem>> -> memref<80xi32, #tpu.memory_space<vmem>>
    %dma_wait3A_1130 = arith.constant 0 : i32
    %dma_wait3A_1131 = arith.constant 0 : i32
    %dma_wait3A_1132 = tpu.memref_slice %arg3[%dma_wait3A_1130, %dma_wait3A_1131] : memref<10240x128xf32, #tpu.memory_space<hbm>> -> memref<10240x128xf32, #tpu.memory_space<hbm>>
    tpu.wait_indirect_dma semaphore(%arg28 : memref<!tpu.dma_semaphore, #tpu.memory_space<semaphore_mem>>) src(%dma_wait3A_1132 : memref<10240x128xf32, #tpu.memory_space<hbm>>) dst(%arg15 : memref<80x128xf32, #tpu.memory_space<vmem>>)
    %dma_start3A_1133 = arith.constant 1 : i32
    %dma_start3A_1134 = arith.constant 0 : i32
    %dma_start3A_1135 = tpu.memref_slice %arg11[%dma_start3A_1133, %dma_start3A_1134] : memref<2x80xi32, #tpu.memory_space<vmem>> -> memref<1x80xi32, #tpu.memory_space<vmem>>
    %dma_start3A_1136 = tpu.memref_squeeze %dma_start3A_1135 : memref<1x80xi32, #tpu.memory_space<vmem>> -> memref<80xi32, #tpu.memory_space<vmem>>
    %dma_start3A_1137 = arith.constant 0 : i32
    %dma_start3A_1138 = arith.constant 0 : i32
    %dma_start3A_1139 = tpu.memref_slice %arg19[%dma_start3A_1137, %dma_start3A_1138] : memref<10240x128xf32, #tpu.memory_space<vmem_shared>> -> memref<10240x128xf32, #tpu.memory_space<vmem_shared>>
    tpu.enqueue_indirect_dma source(%arg15 : memref<80x128xf32, #tpu.memory_space<vmem>>) target(%dma_start3A_1139 : memref<10240x128xf32, #tpu.memory_space<vmem_shared>>) offsets(%dma_start3A_1136 : memref<80xi32, #tpu.memory_space<vmem>>) semaphore(%arg32 : memref<!tpu.dma_semaphore, #tpu.memory_space<semaphore_mem>>) {add = true}
    %dma_wait3A_1140 = arith.constant 1 : i32
    %dma_wait3A_1141 = arith.constant 0 : i32
    %dma_wait3A_1142 = tpu.memref_slice %arg13[%dma_wait3A_1140, %dma_wait3A_1141] : memref<2x80xi32, #tpu.memory_space<vmem>> -> memref<1x80xi32, #tpu.memory_space<vmem>>
    %dma_wait3A_1143 = tpu.memref_squeeze %dma_wait3A_1142 : memref<1x80xi32, #tpu.memory_space<vmem>> -> memref<80xi32, #tpu.memory_space<vmem>>
    %dma_wait3A_1144 = arith.constant 0 : i32
    %dma_wait3A_1145 = arith.constant 0 : i32
    %dma_wait3A_1146 = tpu.memref_slice %arg19[%dma_wait3A_1144, %dma_wait3A_1145] : memref<10240x128xf32, #tpu.memory_space<vmem_shared>> -> memref<10240x128xf32, #tpu.memory_space<vmem_shared>>
    tpu.wait_indirect_dma semaphore(%arg34 : memref<!tpu.dma_semaphore, #tpu.memory_space<semaphore_mem>>) src(%arg17 : memref<80x128xf32, #tpu.memory_space<vmem>>) dst(%dma_wait3A_1146 : memref<10240x128xf32, #tpu.memory_space<vmem_shared>>)
    %dma_wait3A_1147 = arith.constant 0 : i32
    %dma_wait3A_1148 = arith.constant 0 : i32
    %dma_wait3A_1149 = tpu.memref_slice %arg13[%dma_wait3A_1147, %dma_wait3A_1148] : memref<2x80xi32, #tpu.memory_space<vmem>> -> memref<1x80xi32, #tpu.memory_space<vmem>>
    %dma_wait3A_1150 = tpu.memref_squeeze %dma_wait3A_1149 : memref<1x80xi32, #tpu.memory_space<vmem>> -> memref<80xi32, #tpu.memory_space<vmem>>
    %dma_wait3A_1151 = arith.constant 0 : i32
    %dma_wait3A_1152 = tpu.memref_slice %arg2[%dma_wait3A_1151] : memref<640000xi32, #tpu.memory_space<hbm>> -> memref<80xi32, #tpu.memory_space<hbm>>
    %dma_wait3A_1153 = arith.constant 0 : i32
    %dma_wait3A_1154 = tpu.memref_slice %arg13[%dma_wait3A_1147, %dma_wait3A_1153] : memref<2x80xi32, #tpu.memory_space<vmem>> -> memref<1x80xi32, #tpu.memory_space<vmem>>
    %dma_wait3A_1155 = tpu.memref_squeeze %dma_wait3A_1154 : memref<1x80xi32, #tpu.memory_space<vmem>> -> memref<80xi32, #tpu.memory_space<vmem>>
    %dma_wait3A_1156 = arith.constant 0 : i32
    %dma_wait3A_1157 = tpu.memref_slice %arg2[%dma_wait3A_1156] : memref<640000xi32, #tpu.memory_space<hbm>> -> memref<80xi32, #tpu.memory_space<hbm>>
    tpu.wait_dma2 semaphore(%arg26 : memref<!tpu.dma_semaphore, #tpu.memory_space<semaphore_mem>>) src(%dma_wait3A_1157 : memref<80xi32, #tpu.memory_space<hbm>>) dst(%dma_wait3A_1155 : memref<80xi32, #tpu.memory_space<vmem>>)
    %dma_wait3A_1158 = arith.constant 1 : i32
    %dma_wait3A_1159 = arith.constant 0 : i32
    %dma_wait3A_1160 = tpu.memref_slice %arg13[%dma_wait3A_1158, %dma_wait3A_1159] : memref<2x80xi32, #tpu.memory_space<vmem>> -> memref<1x80xi32, #tpu.memory_space<vmem>>
    %dma_wait3A_1161 = tpu.memref_squeeze %dma_wait3A_1160 : memref<1x80xi32, #tpu.memory_space<vmem>> -> memref<80xi32, #tpu.memory_space<vmem>>
    %dma_wait3A_1162 = arith.constant 0 : i32
    %dma_wait3A_1163 = tpu.memref_slice %arg2[%dma_wait3A_1162] : memref<640000xi32, #tpu.memory_space<hbm>> -> memref<80xi32, #tpu.memory_space<hbm>>
    %dma_wait3A_1164 = arith.constant 0 : i32
    %dma_wait3A_1165 = tpu.memref_slice %arg13[%dma_wait3A_1158, %dma_wait3A_1164] : memref<2x80xi32, #tpu.memory_space<vmem>> -> memref<1x80xi32, #tpu.memory_space<vmem>>
    %dma_wait3A_1166 = tpu.memref_squeeze %dma_wait3A_1165 : memref<1x80xi32, #tpu.memory_space<vmem>> -> memref<80xi32, #tpu.memory_space<vmem>>
    %dma_wait3A_1167 = arith.constant 0 : i32
    %dma_wait3A_1168 = tpu.memref_slice %arg2[%dma_wait3A_1167] : memref<640000xi32, #tpu.memory_space<hbm>> -> memref<80xi32, #tpu.memory_space<hbm>>
    tpu.wait_dma2 semaphore(%arg26 : memref<!tpu.dma_semaphore, #tpu.memory_space<semaphore_mem>>) src(%dma_wait3A_1168 : memref<80xi32, #tpu.memory_space<hbm>>) dst(%dma_wait3A_1166 : memref<80xi32, #tpu.memory_space<vmem>>)
    %eq3A_1169 = arith.constant 0 : i32
    %eq3A_1170 = arith.cmpi eq, %arg0, %eq3A_1169 : i32
    %convert_element_type3A_1171 = arith.extui %eq3A_1170 : i1 to i32
    %cond3A_1172 = arith.constant 0 : i32
    %cond3A_1173 = arith.cmpi ne, %convert_element_type3A_1171, %cond3A_1172 : i32
    scf.if %cond3A_1173 {
      %dma_start3A_1402 = arith.constant 0 : i32
      %dma_start3A_1403 = arith.constant 0 : i32
      %dma_start3A_1404 = tpu.memref_slice %arg13[%dma_start3A_1402, %dma_start3A_1403] : memref<2x80xi32, #tpu.memory_space<vmem>> -> memref<1x80xi32, #tpu.memory_space<vmem>>
      %dma_start3A_1405 = tpu.memref_squeeze %dma_start3A_1404 : memref<1x80xi32, #tpu.memory_space<vmem>> -> memref<80xi32, #tpu.memory_space<vmem>>
      %dma_start3A_1406 = arith.constant 0 : i32
      %dma_start3A_1407 = arith.constant 0 : i32
      %dma_start3A_1408 = tpu.memref_slice %arg3[%dma_start3A_1406, %dma_start3A_1407] : memref<10240x128xf32, #tpu.memory_space<hbm>> -> memref<10240x128xf32, #tpu.memory_space<hbm>>
      tpu.enqueue_indirect_dma source(%dma_start3A_1408 : memref<10240x128xf32, #tpu.memory_space<hbm>>) target(%arg17 : memref<80x128xf32, #tpu.memory_space<vmem>>) offsets(%dma_start3A_1405 : memref<80xi32, #tpu.memory_space<vmem>>) semaphore(%arg30 : memref<!tpu.dma_semaphore, #tpu.memory_space<semaphore_mem>>)
    } else {
    }
    %eq3A_1174 = arith.constant 1 : i32
    %eq3A_1175 = arith.cmpi eq, %arg0, %eq3A_1174 : i32
    %convert_element_type3A_1176 = arith.extui %eq3A_1175 : i1 to i32
    %cond3A_1177 = arith.constant 0 : i32
    %cond3A_1178 = arith.cmpi ne, %convert_element_type3A_1176, %cond3A_1177 : i32
    scf.if %cond3A_1178 {
      %dma_start3A_1402 = arith.constant 0 : i32
      %dma_start3A_1403 = arith.constant 0 : i32
      %dma_start3A_1404 = tpu.memref_slice %arg13[%dma_start3A_1402, %dma_start3A_1403] : memref<2x80xi32, #tpu.memory_space<vmem>> -> memref<1x80xi32, #tpu.memory_space<vmem>>
      %dma_start3A_1405 = tpu.memref_squeeze %dma_start3A_1404 : memref<1x80xi32, #tpu.memory_space<vmem>> -> memref<80xi32, #tpu.memory_space<vmem>>
      %dma_start3A_1406 = arith.constant 0 : i32
      %dma_start3A_1407 = arith.constant 0 : i32
      %dma_start3A_1408 = tpu.memref_slice %arg4[%dma_start3A_1406, %dma_start3A_1407] : memref<10240x128xf32, #tpu.memory_space<hbm>> -> memref<10240x128xf32, #tpu.memory_space<hbm>>
      tpu.enqueue_indirect_dma source(%dma_start3A_1408 : memref<10240x128xf32, #tpu.memory_space<hbm>>) target(%arg17 : memref<80x128xf32, #tpu.memory_space<vmem>>) offsets(%dma_start3A_1405 : memref<80xi32, #tpu.memory_space<vmem>>) semaphore(%arg30 : memref<!tpu.dma_semaphore, #tpu.memory_space<semaphore_mem>>)
    } else {
    }
    %dma_wait3A_1179 = arith.constant 0 : i32
    %dma_wait3A_1180 = arith.constant 0 : i32
    %dma_wait3A_1181 = tpu.memref_slice %arg7[%dma_wait3A_1179, %dma_wait3A_1180] : memref<2x80xi32, #tpu.memory_space<vmem>> -> memref<1x80xi32, #tpu.memory_space<vmem>>
    %dma_wait3A_1182 = tpu.memref_squeeze %dma_wait3A_1181 : memref<1x80xi32, #tpu.memory_space<vmem>> -> memref<80xi32, #tpu.memory_space<vmem>>
    %dma_wait3A_1183 = arith.constant 0 : i32
    %dma_wait3A_1184 = arith.constant 0 : i32
    %dma_wait3A_1185 = tpu.memref_slice %arg3[%dma_wait3A_1183, %dma_wait3A_1184] : memref<10240x128xf32, #tpu.memory_space<hbm>> -> memref<10240x128xf32, #tpu.memory_space<hbm>>
    tpu.wait_indirect_dma semaphore(%arg29 : memref<!tpu.dma_semaphore, #tpu.memory_space<semaphore_mem>>) src(%dma_wait3A_1185 : memref<10240x128xf32, #tpu.memory_space<hbm>>) dst(%arg16 : memref<80x128xf32, #tpu.memory_space<vmem>>)
    %dma_start3A_1186 = arith.constant 1 : i32
    %dma_start3A_1187 = arith.constant 0 : i32
    %dma_start3A_1188 = tpu.memref_slice %arg12[%dma_start3A_1186, %dma_start3A_1187] : memref<2x80xi32, #tpu.memory_space<vmem>> -> memref<1x80xi32, #tpu.memory_space<vmem>>
    %dma_start3A_1189 = tpu.memref_squeeze %dma_start3A_1188 : memref<1x80xi32, #tpu.memory_space<vmem>> -> memref<80xi32, #tpu.memory_space<vmem>>
    %dma_start3A_1190 = arith.constant 0 : i32
    %dma_start3A_1191 = arith.constant 0 : i32
    %dma_start3A_1192 = tpu.memref_slice %arg19[%dma_start3A_1190, %dma_start3A_1191] : memref<10240x128xf32, #tpu.memory_space<vmem_shared>> -> memref<10240x128xf32, #tpu.memory_space<vmem_shared>>
    tpu.enqueue_indirect_dma source(%arg16 : memref<80x128xf32, #tpu.memory_space<vmem>>) target(%dma_start3A_1192 : memref<10240x128xf32, #tpu.memory_space<vmem_shared>>) offsets(%dma_start3A_1189 : memref<80xi32, #tpu.memory_space<vmem>>) semaphore(%arg33 : memref<!tpu.dma_semaphore, #tpu.memory_space<semaphore_mem>>) {add = true}
    %dma_wait3A_1193 = arith.constant 1 : i32
    %dma_wait3A_1194 = arith.constant 0 : i32
    %dma_wait3A_1195 = tpu.memref_slice %arg14[%dma_wait3A_1193, %dma_wait3A_1194] : memref<2x80xi32, #tpu.memory_space<vmem>> -> memref<1x80xi32, #tpu.memory_space<vmem>>
    %dma_wait3A_1196 = tpu.memref_squeeze %dma_wait3A_1195 : memref<1x80xi32, #tpu.memory_space<vmem>> -> memref<80xi32, #tpu.memory_space<vmem>>
    %dma_wait3A_1197 = arith.constant 0 : i32
    %dma_wait3A_1198 = arith.constant 0 : i32
    %dma_wait3A_1199 = tpu.memref_slice %arg19[%dma_wait3A_1197, %dma_wait3A_1198] : memref<10240x128xf32, #tpu.memory_space<vmem_shared>> -> memref<10240x128xf32, #tpu.memory_space<vmem_shared>>
    tpu.wait_indirect_dma semaphore(%arg35 : memref<!tpu.dma_semaphore, #tpu.memory_space<semaphore_mem>>) src(%arg18 : memref<80x128xf32, #tpu.memory_space<vmem>>) dst(%dma_wait3A_1199 : memref<10240x128xf32, #tpu.memory_space<vmem_shared>>)
    %dma_wait3A_1200 = arith.constant 0 : i32
    %dma_wait3A_1201 = arith.constant 0 : i32
    %dma_wait3A_1202 = tpu.memref_slice %arg14[%dma_wait3A_1200, %dma_wait3A_1201] : memref<2x80xi32, #tpu.memory_space<vmem>> -> memref<1x80xi32, #tpu.memory_space<vmem>>
    %dma_wait3A_1203 = tpu.memref_squeeze %dma_wait3A_1202 : memref<1x80xi32, #tpu.memory_space<vmem>> -> memref<80xi32, #tpu.memory_space<vmem>>
    %dma_wait3A_1204 = arith.constant 0 : i32
    %dma_wait3A_1205 = tpu.memref_slice %arg2[%dma_wait3A_1204] : memref<640000xi32, #tpu.memory_space<hbm>> -> memref<80xi32, #tpu.memory_space<hbm>>
    %dma_wait3A_1206 = arith.constant 0 : i32
    %dma_wait3A_1207 = tpu.memref_slice %arg14[%dma_wait3A_1200, %dma_wait3A_1206] : memref<2x80xi32, #tpu.memory_space<vmem>> -> memref<1x80xi32, #tpu.memory_space<vmem>>
    %dma_wait3A_1208 = tpu.memref_squeeze %dma_wait3A_1207 : memref<1x80xi32, #tpu.memory_space<vmem>> -> memref<80xi32, #tpu.memory_space<vmem>>
    %dma_wait3A_1209 = arith.constant 0 : i32
    %dma_wait3A_1210 = tpu.memref_slice %arg2[%dma_wait3A_1209] : memref<640000xi32, #tpu.memory_space<hbm>> -> memref<80xi32, #tpu.memory_space<hbm>>
    tpu.wait_dma2 semaphore(%arg27 : memref<!tpu.dma_semaphore, #tpu.memory_space<semaphore_mem>>) src(%dma_wait3A_1210 : memref<80xi32, #tpu.memory_space<hbm>>) dst(%dma_wait3A_1208 : memref<80xi32, #tpu.memory_space<vmem>>)
    %dma_wait3A_1211 = arith.constant 1 : i32
    %dma_wait3A_1212 = arith.constant 0 : i32
    %dma_wait3A_1213 = tpu.memref_slice %arg14[%dma_wait3A_1211, %dma_wait3A_1212] : memref<2x80xi32, #tpu.memory_space<vmem>> -> memref<1x80xi32, #tpu.memory_space<vmem>>
    %dma_wait3A_1214 = tpu.memref_squeeze %dma_wait3A_1213 : memref<1x80xi32, #tpu.memory_space<vmem>> -> memref<80xi32, #tpu.memory_space<vmem>>
    %dma_wait3A_1215 = arith.constant 0 : i32
    %dma_wait3A_1216 = tpu.memref_slice %arg2[%dma_wait3A_1215] : memref<640000xi32, #tpu.memory_space<hbm>> -> memref<80xi32, #tpu.memory_space<hbm>>
    %dma_wait3A_1217 = arith.constant 0 : i32
    %dma_wait3A_1218 = tpu.memref_slice %arg14[%dma_wait3A_1211, %dma_wait3A_1217] : memref<2x80xi32, #tpu.memory_space<vmem>> -> memref<1x80xi32, #tpu.memory_space<vmem>>
    %dma_wait3A_1219 = tpu.memref_squeeze %dma_wait3A_1218 : memref<1x80xi32, #tpu.memory_space<vmem>> -> memref<80xi32, #tpu.memory_space<vmem>>
    %dma_wait3A_1220 = arith.constant 0 : i32
    %dma_wait3A_1221 = tpu.memref_slice %arg2[%dma_wait3A_1220] : memref<640000xi32, #tpu.memory_space<hbm>> -> memref<80xi32, #tpu.memory_space<hbm>>
    tpu.wait_dma2 semaphore(%arg27 : memref<!tpu.dma_semaphore, #tpu.memory_space<semaphore_mem>>) src(%dma_wait3A_1221 : memref<80xi32, #tpu.memory_space<hbm>>) dst(%dma_wait3A_1219 : memref<80xi32, #tpu.memory_space<vmem>>)
    %eq3A_1222 = arith.constant 0 : i32
    %eq3A_1223 = arith.cmpi eq, %arg0, %eq3A_1222 : i32
    %convert_element_type3A_1224 = arith.extui %eq3A_1223 : i1 to i32
    %cond3A_1225 = arith.constant 0 : i32
    %cond3A_1226 = arith.cmpi ne, %convert_element_type3A_1224, %cond3A_1225 : i32
    scf.if %cond3A_1226 {
      %dma_start3A_1402 = arith.constant 0 : i32
      %dma_start3A_1403 = arith.constant 0 : i32
      %dma_start3A_1404 = tpu.memref_slice %arg14[%dma_start3A_1402, %dma_start3A_1403] : memref<2x80xi32, #tpu.memory_space<vmem>> -> memref<1x80xi32, #tpu.memory_space<vmem>>
      %dma_start3A_1405 = tpu.memref_squeeze %dma_start3A_1404 : memref<1x80xi32, #tpu.memory_space<vmem>> -> memref<80xi32, #tpu.memory_space<vmem>>
      %dma_start3A_1406 = arith.constant 0 : i32
      %dma_start3A_1407 = arith.constant 0 : i32
      %dma_start3A_1408 = tpu.memref_slice %arg3[%dma_start3A_1406, %dma_start3A_1407] : memref<10240x128xf32, #tpu.memory_space<hbm>> -> memref<10240x128xf32, #tpu.memory_space<hbm>>
      tpu.enqueue_indirect_dma source(%dma_start3A_1408 : memref<10240x128xf32, #tpu.memory_space<hbm>>) target(%arg18 : memref<80x128xf32, #tpu.memory_space<vmem>>) offsets(%dma_start3A_1405 : memref<80xi32, #tpu.memory_space<vmem>>) semaphore(%arg31 : memref<!tpu.dma_semaphore, #tpu.memory_space<semaphore_mem>>)
    } else {
    }
    %eq3A_1227 = arith.constant 1 : i32
    %eq3A_1228 = arith.cmpi eq, %arg0, %eq3A_1227 : i32
    %convert_element_type3A_1229 = arith.extui %eq3A_1228 : i1 to i32
    %cond3A_1230 = arith.constant 0 : i32
    %cond3A_1231 = arith.cmpi ne, %convert_element_type3A_1229, %cond3A_1230 : i32
    scf.if %cond3A_1231 {
      %dma_start3A_1402 = arith.constant 0 : i32
      %dma_start3A_1403 = arith.constant 0 : i32
      %dma_start3A_1404 = tpu.memref_slice %arg14[%dma_start3A_1402, %dma_start3A_1403] : memref<2x80xi32, #tpu.memory_space<vmem>> -> memref<1x80xi32, #tpu.memory_space<vmem>>
      %dma_start3A_1405 = tpu.memref_squeeze %dma_start3A_1404 : memref<1x80xi32, #tpu.memory_space<vmem>> -> memref<80xi32, #tpu.memory_space<vmem>>
      %dma_start3A_1406 = arith.constant 0 : i32
      %dma_start3A_1407 = arith.constant 0 : i32
      %dma_start3A_1408 = tpu.memref_slice %arg4[%dma_start3A_1406, %dma_start3A_1407] : memref<10240x128xf32, #tpu.memory_space<hbm>> -> memref<10240x128xf32, #tpu.memory_space<hbm>>
      tpu.enqueue_indirect_dma source(%dma_start3A_1408 : memref<10240x128xf32, #tpu.memory_space<hbm>>) target(%arg18 : memref<80x128xf32, #tpu.memory_space<vmem>>) offsets(%dma_start3A_1405 : memref<80xi32, #tpu.memory_space<vmem>>) semaphore(%arg31 : memref<!tpu.dma_semaphore, #tpu.memory_space<semaphore_mem>>)
    } else {
    }
    %dma_wait3A_1232 = arith.constant 0 : i32
    %dma_wait3A_1233 = arith.constant 0 : i32
    %dma_wait3A_1234 = tpu.memref_slice %arg7[%dma_wait3A_1232, %dma_wait3A_1233] : memref<2x80xi32, #tpu.memory_space<vmem>> -> memref<1x80xi32, #tpu.memory_space<vmem>>
    %dma_wait3A_1235 = tpu.memref_squeeze %dma_wait3A_1234 : memref<1x80xi32, #tpu.memory_space<vmem>> -> memref<80xi32, #tpu.memory_space<vmem>>
    %dma_wait3A_1236 = arith.constant 0 : i32
    %dma_wait3A_1237 = arith.constant 0 : i32
    %dma_wait3A_1238 = tpu.memref_slice %arg3[%dma_wait3A_1236, %dma_wait3A_1237] : memref<10240x128xf32, #tpu.memory_space<hbm>> -> memref<10240x128xf32, #tpu.memory_space<hbm>>
    tpu.wait_indirect_dma semaphore(%arg30 : memref<!tpu.dma_semaphore, #tpu.memory_space<semaphore_mem>>) src(%dma_wait3A_1238 : memref<10240x128xf32, #tpu.memory_space<hbm>>) dst(%arg17 : memref<80x128xf32, #tpu.memory_space<vmem>>)
    %dma_start3A_1239 = arith.constant 1 : i32
    %dma_start3A_1240 = arith.constant 0 : i32
    %dma_start3A_1241 = tpu.memref_slice %arg13[%dma_start3A_1239, %dma_start3A_1240] : memref<2x80xi32, #tpu.memory_space<vmem>> -> memref<1x80xi32, #tpu.memory_space<vmem>>
    %dma_start3A_1242 = tpu.memref_squeeze %dma_start3A_1241 : memref<1x80xi32, #tpu.memory_space<vmem>> -> memref<80xi32, #tpu.memory_space<vmem>>
    %dma_start3A_1243 = arith.constant 0 : i32
    %dma_start3A_1244 = arith.constant 0 : i32
    %dma_start3A_1245 = tpu.memref_slice %arg19[%dma_start3A_1243, %dma_start3A_1244] : memref<10240x128xf32, #tpu.memory_space<vmem_shared>> -> memref<10240x128xf32, #tpu.memory_space<vmem_shared>>
    tpu.enqueue_indirect_dma source(%arg17 : memref<80x128xf32, #tpu.memory_space<vmem>>) target(%dma_start3A_1245 : memref<10240x128xf32, #tpu.memory_space<vmem_shared>>) offsets(%dma_start3A_1242 : memref<80xi32, #tpu.memory_space<vmem>>) semaphore(%arg34 : memref<!tpu.dma_semaphore, #tpu.memory_space<semaphore_mem>>) {add = true}
    %dma_wait3A_1246 = arith.constant 1 : i32
    %dma_wait3A_1247 = arith.constant 0 : i32
    %dma_wait3A_1248 = tpu.memref_slice %arg7[%dma_wait3A_1246, %dma_wait3A_1247] : memref<2x80xi32, #tpu.memory_space<vmem>> -> memref<1x80xi32, #tpu.memory_space<vmem>>
    %dma_wait3A_1249 = tpu.memref_squeeze %dma_wait3A_1248 : memref<1x80xi32, #tpu.memory_space<vmem>> -> memref<80xi32, #tpu.memory_space<vmem>>
    %dma_wait3A_1250 = arith.constant 0 : i32
    %dma_wait3A_1251 = arith.constant 0 : i32
    %dma_wait3A_1252 = tpu.memref_slice %arg19[%dma_wait3A_1250, %dma_wait3A_1251] : memref<10240x128xf32, #tpu.memory_space<vmem_shared>> -> memref<10240x128xf32, #tpu.memory_space<vmem_shared>>
    tpu.wait_indirect_dma semaphore(%arg32 : memref<!tpu.dma_semaphore, #tpu.memory_space<semaphore_mem>>) src(%arg15 : memref<80x128xf32, #tpu.memory_space<vmem>>) dst(%dma_wait3A_1252 : memref<10240x128xf32, #tpu.memory_space<vmem_shared>>)
    %dma_wait3A_1253 = arith.constant 0 : i32
    %dma_wait3A_1254 = arith.constant 0 : i32
    %dma_wait3A_1255 = tpu.memref_slice %arg7[%dma_wait3A_1253, %dma_wait3A_1254] : memref<2x80xi32, #tpu.memory_space<vmem>> -> memref<1x80xi32, #tpu.memory_space<vmem>>
    %dma_wait3A_1256 = tpu.memref_squeeze %dma_wait3A_1255 : memref<1x80xi32, #tpu.memory_space<vmem>> -> memref<80xi32, #tpu.memory_space<vmem>>
    %dma_wait3A_1257 = arith.constant 0 : i32
    %dma_wait3A_1258 = tpu.memref_slice %arg2[%dma_wait3A_1257] : memref<640000xi32, #tpu.memory_space<hbm>> -> memref<80xi32, #tpu.memory_space<hbm>>
    %dma_wait3A_1259 = arith.constant 0 : i32
    %dma_wait3A_1260 = tpu.memref_slice %arg7[%dma_wait3A_1253, %dma_wait3A_1259] : memref<2x80xi32, #tpu.memory_space<vmem>> -> memref<1x80xi32, #tpu.memory_space<vmem>>
    %dma_wait3A_1261 = tpu.memref_squeeze %dma_wait3A_1260 : memref<1x80xi32, #tpu.memory_space<vmem>> -> memref<80xi32, #tpu.memory_space<vmem>>
    %dma_wait3A_1262 = arith.constant 0 : i32
    %dma_wait3A_1263 = tpu.memref_slice %arg2[%dma_wait3A_1262] : memref<640000xi32, #tpu.memory_space<hbm>> -> memref<80xi32, #tpu.memory_space<hbm>>
    tpu.wait_dma2 semaphore(%arg20 : memref<!tpu.dma_semaphore, #tpu.memory_space<semaphore_mem>>) src(%dma_wait3A_1263 : memref<80xi32, #tpu.memory_space<hbm>>) dst(%dma_wait3A_1261 : memref<80xi32, #tpu.memory_space<vmem>>)
    %dma_wait3A_1264 = arith.constant 1 : i32
    %dma_wait3A_1265 = arith.constant 0 : i32
    %dma_wait3A_1266 = tpu.memref_slice %arg7[%dma_wait3A_1264, %dma_wait3A_1265] : memref<2x80xi32, #tpu.memory_space<vmem>> -> memref<1x80xi32, #tpu.memory_space<vmem>>
    %dma_wait3A_1267 = tpu.memref_squeeze %dma_wait3A_1266 : memref<1x80xi32, #tpu.memory_space<vmem>> -> memref<80xi32, #tpu.memory_space<vmem>>
    %dma_wait3A_1268 = arith.constant 0 : i32
    %dma_wait3A_1269 = tpu.memref_slice %arg2[%dma_wait3A_1268] : memref<640000xi32, #tpu.memory_space<hbm>> -> memref<80xi32, #tpu.memory_space<hbm>>
    %dma_wait3A_1270 = arith.constant 0 : i32
    %dma_wait3A_1271 = tpu.memref_slice %arg7[%dma_wait3A_1264, %dma_wait3A_1270] : memref<2x80xi32, #tpu.memory_space<vmem>> -> memref<1x80xi32, #tpu.memory_space<vmem>>
    %dma_wait3A_1272 = tpu.memref_squeeze %dma_wait3A_1271 : memref<1x80xi32, #tpu.memory_space<vmem>> -> memref<80xi32, #tpu.memory_space<vmem>>
    %dma_wait3A_1273 = arith.constant 0 : i32
    %dma_wait3A_1274 = tpu.memref_slice %arg2[%dma_wait3A_1273] : memref<640000xi32, #tpu.memory_space<hbm>> -> memref<80xi32, #tpu.memory_space<hbm>>
    tpu.wait_dma2 semaphore(%arg20 : memref<!tpu.dma_semaphore, #tpu.memory_space<semaphore_mem>>) src(%dma_wait3A_1274 : memref<80xi32, #tpu.memory_space<hbm>>) dst(%dma_wait3A_1272 : memref<80xi32, #tpu.memory_space<vmem>>)
    %eq3A_1275 = arith.constant 0 : i32
    %eq3A_1276 = arith.cmpi eq, %arg0, %eq3A_1275 : i32
    %convert_element_type3A_1277 = arith.extui %eq3A_1276 : i1 to i32
    %cond3A_1278 = arith.constant 0 : i32
    %cond3A_1279 = arith.cmpi ne, %convert_element_type3A_1277, %cond3A_1278 : i32
    scf.if %cond3A_1279 {
      %dma_start3A_1402 = arith.constant 0 : i32
      %dma_start3A_1403 = arith.constant 0 : i32
      %dma_start3A_1404 = tpu.memref_slice %arg7[%dma_start3A_1402, %dma_start3A_1403] : memref<2x80xi32, #tpu.memory_space<vmem>> -> memref<1x80xi32, #tpu.memory_space<vmem>>
      %dma_start3A_1405 = tpu.memref_squeeze %dma_start3A_1404 : memref<1x80xi32, #tpu.memory_space<vmem>> -> memref<80xi32, #tpu.memory_space<vmem>>
      %dma_start3A_1406 = arith.constant 0 : i32
      %dma_start3A_1407 = arith.constant 0 : i32
      %dma_start3A_1408 = tpu.memref_slice %arg3[%dma_start3A_1406, %dma_start3A_1407] : memref<10240x128xf32, #tpu.memory_space<hbm>> -> memref<10240x128xf32, #tpu.memory_space<hbm>>
      tpu.enqueue_indirect_dma source(%dma_start3A_1408 : memref<10240x128xf32, #tpu.memory_space<hbm>>) target(%arg15 : memref<80x128xf32, #tpu.memory_space<vmem>>) offsets(%dma_start3A_1405 : memref<80xi32, #tpu.memory_space<vmem>>) semaphore(%arg28 : memref<!tpu.dma_semaphore, #tpu.memory_space<semaphore_mem>>)
    } else {
    }
    %eq3A_1280 = arith.constant 1 : i32
    %eq3A_1281 = arith.cmpi eq, %arg0, %eq3A_1280 : i32
    %convert_element_type3A_1282 = arith.extui %eq3A_1281 : i1 to i32
    %cond3A_1283 = arith.constant 0 : i32
    %cond3A_1284 = arith.cmpi ne, %convert_element_type3A_1282, %cond3A_1283 : i32
    scf.if %cond3A_1284 {
      %dma_start3A_1402 = arith.constant 0 : i32
      %dma_start3A_1403 = arith.constant 0 : i32
      %dma_start3A_1404 = tpu.memref_slice %arg7[%dma_start3A_1402, %dma_start3A_1403] : memref<2x80xi32, #tpu.memory_space<vmem>> -> memref<1x80xi32, #tpu.memory_space<vmem>>
      %dma_start3A_1405 = tpu.memref_squeeze %dma_start3A_1404 : memref<1x80xi32, #tpu.memory_space<vmem>> -> memref<80xi32, #tpu.memory_space<vmem>>
      %dma_start3A_1406 = arith.constant 0 : i32
      %dma_start3A_1407 = arith.constant 0 : i32
      %dma_start3A_1408 = tpu.memref_slice %arg4[%dma_start3A_1406, %dma_start3A_1407] : memref<10240x128xf32, #tpu.memory_space<hbm>> -> memref<10240x128xf32, #tpu.memory_space<hbm>>
      tpu.enqueue_indirect_dma source(%dma_start3A_1408 : memref<10240x128xf32, #tpu.memory_space<hbm>>) target(%arg15 : memref<80x128xf32, #tpu.memory_space<vmem>>) offsets(%dma_start3A_1405 : memref<80xi32, #tpu.memory_space<vmem>>) semaphore(%arg28 : memref<!tpu.dma_semaphore, #tpu.memory_space<semaphore_mem>>)
    } else {
    }
    %dma_wait3A_1285 = arith.constant 0 : i32
    %dma_wait3A_1286 = arith.constant 0 : i32
    %dma_wait3A_1287 = tpu.memref_slice %arg7[%dma_wait3A_1285, %dma_wait3A_1286] : memref<2x80xi32, #tpu.memory_space<vmem>> -> memref<1x80xi32, #tpu.memory_space<vmem>>
    %dma_wait3A_1288 = tpu.memref_squeeze %dma_wait3A_1287 : memref<1x80xi32, #tpu.memory_space<vmem>> -> memref<80xi32, #tpu.memory_space<vmem>>
    %dma_wait3A_1289 = arith.constant 0 : i32
    %dma_wait3A_1290 = arith.constant 0 : i32
    %dma_wait3A_1291 = tpu.memref_slice %arg3[%dma_wait3A_1289, %dma_wait3A_1290] : memref<10240x128xf32, #tpu.memory_space<hbm>> -> memref<10240x128xf32, #tpu.memory_space<hbm>>
    tpu.wait_indirect_dma semaphore(%arg31 : memref<!tpu.dma_semaphore, #tpu.memory_space<semaphore_mem>>) src(%dma_wait3A_1291 : memref<10240x128xf32, #tpu.memory_space<hbm>>) dst(%arg18 : memref<80x128xf32, #tpu.memory_space<vmem>>)
    %dma_start3A_1292 = arith.constant 1 : i32
    %dma_start3A_1293 = arith.constant 0 : i32
    %dma_start3A_1294 = tpu.memref_slice %arg14[%dma_start3A_1292, %dma_start3A_1293] : memref<2x80xi32, #tpu.memory_space<vmem>> -> memref<1x80xi32, #tpu.memory_space<vmem>>
    %dma_start3A_1295 = tpu.memref_squeeze %dma_start3A_1294 : memref<1x80xi32, #tpu.memory_space<vmem>> -> memref<80xi32, #tpu.memory_space<vmem>>
    %dma_start3A_1296 = arith.constant 0 : i32
    %dma_start3A_1297 = arith.constant 0 : i32
    %dma_start3A_1298 = tpu.memref_slice %arg19[%dma_start3A_1296, %dma_start3A_1297] : memref<10240x128xf32, #tpu.memory_space<vmem_shared>> -> memref<10240x128xf32, #tpu.memory_space<vmem_shared>>
    tpu.enqueue_indirect_dma source(%arg18 : memref<80x128xf32, #tpu.memory_space<vmem>>) target(%dma_start3A_1298 : memref<10240x128xf32, #tpu.memory_space<vmem_shared>>) offsets(%dma_start3A_1295 : memref<80xi32, #tpu.memory_space<vmem>>) semaphore(%arg35 : memref<!tpu.dma_semaphore, #tpu.memory_space<semaphore_mem>>) {add = true}
    %dma_wait3A_1299 = arith.constant 1 : i32
    %dma_wait3A_1300 = arith.constant 0 : i32
    %dma_wait3A_1301 = tpu.memref_slice %arg8[%dma_wait3A_1299, %dma_wait3A_1300] : memref<2x80xi32, #tpu.memory_space<vmem>> -> memref<1x80xi32, #tpu.memory_space<vmem>>
    %dma_wait3A_1302 = tpu.memref_squeeze %dma_wait3A_1301 : memref<1x80xi32, #tpu.memory_space<vmem>> -> memref<80xi32, #tpu.memory_space<vmem>>
    %dma_wait3A_1303 = arith.constant 0 : i32
    %dma_wait3A_1304 = arith.constant 0 : i32
    %dma_wait3A_1305 = tpu.memref_slice %arg19[%dma_wait3A_1303, %dma_wait3A_1304] : memref<10240x128xf32, #tpu.memory_space<vmem_shared>> -> memref<10240x128xf32, #tpu.memory_space<vmem_shared>>
    tpu.wait_indirect_dma semaphore(%arg33 : memref<!tpu.dma_semaphore, #tpu.memory_space<semaphore_mem>>) src(%arg16 : memref<80x128xf32, #tpu.memory_space<vmem>>) dst(%dma_wait3A_1305 : memref<10240x128xf32, #tpu.memory_space<vmem_shared>>)
    %dma_wait3A_1306 = arith.constant 0 : i32
    %dma_wait3A_1307 = arith.constant 0 : i32
    %dma_wait3A_1308 = tpu.memref_slice %arg8[%dma_wait3A_1306, %dma_wait3A_1307] : memref<2x80xi32, #tpu.memory_space<vmem>> -> memref<1x80xi32, #tpu.memory_space<vmem>>
    %dma_wait3A_1309 = tpu.memref_squeeze %dma_wait3A_1308 : memref<1x80xi32, #tpu.memory_space<vmem>> -> memref<80xi32, #tpu.memory_space<vmem>>
    %dma_wait3A_1310 = arith.constant 0 : i32
    %dma_wait3A_1311 = tpu.memref_slice %arg2[%dma_wait3A_1310] : memref<640000xi32, #tpu.memory_space<hbm>> -> memref<80xi32, #tpu.memory_space<hbm>>
    %dma_wait3A_1312 = arith.constant 0 : i32
    %dma_wait3A_1313 = tpu.memref_slice %arg8[%dma_wait3A_1306, %dma_wait3A_1312] : memref<2x80xi32, #tpu.memory_space<vmem>> -> memref<1x80xi32, #tpu.memory_space<vmem>>
    %dma_wait3A_1314 = tpu.memref_squeeze %dma_wait3A_1313 : memref<1x80xi32, #tpu.memory_space<vmem>> -> memref<80xi32, #tpu.memory_space<vmem>>
    %dma_wait3A_1315 = arith.constant 0 : i32
    %dma_wait3A_1316 = tpu.memref_slice %arg2[%dma_wait3A_1315] : memref<640000xi32, #tpu.memory_space<hbm>> -> memref<80xi32, #tpu.memory_space<hbm>>
    tpu.wait_dma2 semaphore(%arg21 : memref<!tpu.dma_semaphore, #tpu.memory_space<semaphore_mem>>) src(%dma_wait3A_1316 : memref<80xi32, #tpu.memory_space<hbm>>) dst(%dma_wait3A_1314 : memref<80xi32, #tpu.memory_space<vmem>>)
    %dma_wait3A_1317 = arith.constant 1 : i32
    %dma_wait3A_1318 = arith.constant 0 : i32
    %dma_wait3A_1319 = tpu.memref_slice %arg8[%dma_wait3A_1317, %dma_wait3A_1318] : memref<2x80xi32, #tpu.memory_space<vmem>> -> memref<1x80xi32, #tpu.memory_space<vmem>>
    %dma_wait3A_1320 = tpu.memref_squeeze %dma_wait3A_1319 : memref<1x80xi32, #tpu.memory_space<vmem>> -> memref<80xi32, #tpu.memory_space<vmem>>
    %dma_wait3A_1321 = arith.constant 0 : i32
    %dma_wait3A_1322 = tpu.memref_slice %arg2[%dma_wait3A_1321] : memref<640000xi32, #tpu.memory_space<hbm>> -> memref<80xi32, #tpu.memory_space<hbm>>
    %dma_wait3A_1323 = arith.constant 0 : i32
    %dma_wait3A_1324 = tpu.memref_slice %arg8[%dma_wait3A_1317, %dma_wait3A_1323] : memref<2x80xi32, #tpu.memory_space<vmem>> -> memref<1x80xi32, #tpu.memory_space<vmem>>
    %dma_wait3A_1325 = tpu.memref_squeeze %dma_wait3A_1324 : memref<1x80xi32, #tpu.memory_space<vmem>> -> memref<80xi32, #tpu.memory_space<vmem>>
    %dma_wait3A_1326 = arith.constant 0 : i32
    %dma_wait3A_1327 = tpu.memref_slice %arg2[%dma_wait3A_1326] : memref<640000xi32, #tpu.memory_space<hbm>> -> memref<80xi32, #tpu.memory_space<hbm>>
    tpu.wait_dma2 semaphore(%arg21 : memref<!tpu.dma_semaphore, #tpu.memory_space<semaphore_mem>>) src(%dma_wait3A_1327 : memref<80xi32, #tpu.memory_space<hbm>>) dst(%dma_wait3A_1325 : memref<80xi32, #tpu.memory_space<vmem>>)
    %eq3A_1328 = arith.constant 0 : i32
    %eq3A_1329 = arith.cmpi eq, %arg0, %eq3A_1328 : i32
    %convert_element_type3A_1330 = arith.extui %eq3A_1329 : i1 to i32
    %cond3A_1331 = arith.constant 0 : i32
    %cond3A_1332 = arith.cmpi ne, %convert_element_type3A_1330, %cond3A_1331 : i32
    scf.if %cond3A_1332 {
      %dma_start3A_1402 = arith.constant 0 : i32
      %dma_start3A_1403 = arith.constant 0 : i32
      %dma_start3A_1404 = tpu.memref_slice %arg8[%dma_start3A_1402, %dma_start3A_1403] : memref<2x80xi32, #tpu.memory_space<vmem>> -> memref<1x80xi32, #tpu.memory_space<vmem>>
      %dma_start3A_1405 = tpu.memref_squeeze %dma_start3A_1404 : memref<1x80xi32, #tpu.memory_space<vmem>> -> memref<80xi32, #tpu.memory_space<vmem>>
      %dma_start3A_1406 = arith.constant 0 : i32
      %dma_start3A_1407 = arith.constant 0 : i32
      %dma_start3A_1408 = tpu.memref_slice %arg3[%dma_start3A_1406, %dma_start3A_1407] : memref<10240x128xf32, #tpu.memory_space<hbm>> -> memref<10240x128xf32, #tpu.memory_space<hbm>>
      tpu.enqueue_indirect_dma source(%dma_start3A_1408 : memref<10240x128xf32, #tpu.memory_space<hbm>>) target(%arg16 : memref<80x128xf32, #tpu.memory_space<vmem>>) offsets(%dma_start3A_1405 : memref<80xi32, #tpu.memory_space<vmem>>) semaphore(%arg29 : memref<!tpu.dma_semaphore, #tpu.memory_space<semaphore_mem>>)
    } else {
    }
    %eq3A_1333 = arith.constant 1 : i32
    %eq3A_1334 = arith.cmpi eq, %arg0, %eq3A_1333 : i32
    %convert_element_type3A_1335 = arith.extui %eq3A_1334 : i1 to i32
    %cond3A_1336 = arith.constant 0 : i32
    %cond3A_1337 = arith.cmpi ne, %convert_element_type3A_1335, %cond3A_1336 : i32
    scf.if %cond3A_1337 {
      %dma_start3A_1402 = arith.constant 0 : i32
      %dma_start3A_1403 = arith.constant 0 : i32
      %dma_start3A_1404 = tpu.memref_slice %arg8[%dma_start3A_1402, %dma_start3A_1403] : memref<2x80xi32, #tpu.memory_space<vmem>> -> memref<1x80xi32, #tpu.memory_space<vmem>>
      %dma_start3A_1405 = tpu.memref_squeeze %dma_start3A_1404 : memref<1x80xi32, #tpu.memory_space<vmem>> -> memref<80xi32, #tpu.memory_space<vmem>>
      %dma_start3A_1406 = arith.constant 0 : i32
      %dma_start3A_1407 = arith.constant 0 : i32
      %dma_start3A_1408 = tpu.memref_slice %arg4[%dma_start3A_1406, %dma_start3A_1407] : memref<10240x128xf32, #tpu.memory_space<hbm>> -> memref<10240x128xf32, #tpu.memory_space<hbm>>
      tpu.enqueue_indirect_dma source(%dma_start3A_1408 : memref<10240x128xf32, #tpu.memory_space<hbm>>) target(%arg16 : memref<80x128xf32, #tpu.memory_space<vmem>>) offsets(%dma_start3A_1405 : memref<80xi32, #tpu.memory_space<vmem>>) semaphore(%arg29 : memref<!tpu.dma_semaphore, #tpu.memory_space<semaphore_mem>>)
    } else {
    }
    %dma_wait3A_1338 = arith.constant 0 : i32
    %dma_wait3A_1339 = arith.constant 0 : i32
    %dma_wait3A_1340 = tpu.memref_slice %arg7[%dma_wait3A_1338, %dma_wait3A_1339] : memref<2x80xi32, #tpu.memory_space<vmem>> -> memref<1x80xi32, #tpu.memory_space<vmem>>
    %dma_wait3A_1341 = tpu.memref_squeeze %dma_wait3A_1340 : memref<1x80xi32, #tpu.memory_space<vmem>> -> memref<80xi32, #tpu.memory_space<vmem>>
    %dma_wait3A_1342 = arith.constant 0 : i32
    %dma_wait3A_1343 = arith.constant 0 : i32
    %dma_wait3A_1344 = tpu.memref_slice %arg3[%dma_wait3A_1342, %dma_wait3A_1343] : memref<10240x128xf32, #tpu.memory_space<hbm>> -> memref<10240x128xf32, #tpu.memory_space<hbm>>
    tpu.wait_indirect_dma semaphore(%arg28 : memref<!tpu.dma_semaphore, #tpu.memory_space<semaphore_mem>>) src(%dma_wait3A_1344 : memref<10240x128xf32, #tpu.memory_space<hbm>>) dst(%arg15 : memref<80x128xf32, #tpu.memory_space<vmem>>)
    %dma_start3A_1345 = arith.constant 1 : i32
    %dma_start3A_1346 = arith.constant 0 : i32
    %dma_start3A_1347 = tpu.memref_slice %arg7[%dma_start3A_1345, %dma_start3A_1346] : memref<2x80xi32, #tpu.memory_space<vmem>> -> memref<1x80xi32, #tpu.memory_space<vmem>>
    %dma_start3A_1348 = tpu.memref_squeeze %dma_start3A_1347 : memref<1x80xi32, #tpu.memory_space<vmem>> -> memref<80xi32, #tpu.memory_space<vmem>>
    %dma_start3A_1349 = arith.constant 0 : i32
    %dma_start3A_1350 = arith.constant 0 : i32
    %dma_start3A_1351 = tpu.memref_slice %arg19[%dma_start3A_1349, %dma_start3A_1350] : memref<10240x128xf32, #tpu.memory_space<vmem_shared>> -> memref<10240x128xf32, #tpu.memory_space<vmem_shared>>
    tpu.enqueue_indirect_dma source(%arg15 : memref<80x128xf32, #tpu.memory_space<vmem>>) target(%dma_start3A_1351 : memref<10240x128xf32, #tpu.memory_space<vmem_shared>>) offsets(%dma_start3A_1348 : memref<80xi32, #tpu.memory_space<vmem>>) semaphore(%arg32 : memref<!tpu.dma_semaphore, #tpu.memory_space<semaphore_mem>>) {add = true}
    %dma_wait3A_1352 = arith.constant 1 : i32
    %dma_wait3A_1353 = arith.constant 0 : i32
    %dma_wait3A_1354 = tpu.memref_slice %arg9[%dma_wait3A_1352, %dma_wait3A_1353] : memref<2x80xi32, #tpu.memory_space<vmem>> -> memref<1x80xi32, #tpu.memory_space<vmem>>
    %dma_wait3A_1355 = tpu.memref_squeeze %dma_wait3A_1354 : memref<1x80xi32, #tpu.memory_space<vmem>> -> memref<80xi32, #tpu.memory_space<vmem>>
    %dma_wait3A_1356 = arith.constant 0 : i32
    %dma_wait3A_1357 = arith.constant 0 : i32
    %dma_wait3A_1358 = tpu.memref_slice %arg19[%dma_wait3A_1356, %dma_wait3A_1357] : memref<10240x128xf32, #tpu.memory_space<vmem_shared>> -> memref<10240x128xf32, #tpu.memory_space<vmem_shared>>
    tpu.wait_indirect_dma semaphore(%arg34 : memref<!tpu.dma_semaphore, #tpu.memory_space<semaphore_mem>>) src(%arg17 : memref<80x128xf32, #tpu.memory_space<vmem>>) dst(%dma_wait3A_1358 : memref<10240x128xf32, #tpu.memory_space<vmem_shared>>)
    %dma_wait3A_1359 = arith.constant 0 : i32
    %dma_wait3A_1360 = arith.constant 0 : i32
    %dma_wait3A_1361 = tpu.memref_slice %arg7[%dma_wait3A_1359, %dma_wait3A_1360] : memref<2x80xi32, #tpu.memory_space<vmem>> -> memref<1x80xi32, #tpu.memory_space<vmem>>
    %dma_wait3A_1362 = tpu.memref_squeeze %dma_wait3A_1361 : memref<1x80xi32, #tpu.memory_space<vmem>> -> memref<80xi32, #tpu.memory_space<vmem>>
    %dma_wait3A_1363 = arith.constant 0 : i32
    %dma_wait3A_1364 = arith.constant 0 : i32
    %dma_wait3A_1365 = tpu.memref_slice %arg3[%dma_wait3A_1363, %dma_wait3A_1364] : memref<10240x128xf32, #tpu.memory_space<hbm>> -> memref<10240x128xf32, #tpu.memory_space<hbm>>
    tpu.wait_indirect_dma semaphore(%arg29 : memref<!tpu.dma_semaphore, #tpu.memory_space<semaphore_mem>>) src(%dma_wait3A_1365 : memref<10240x128xf32, #tpu.memory_space<hbm>>) dst(%arg16 : memref<80x128xf32, #tpu.memory_space<vmem>>)
    %dma_start3A_1366 = arith.constant 1 : i32
    %dma_start3A_1367 = arith.constant 0 : i32
    %dma_start3A_1368 = tpu.memref_slice %arg8[%dma_start3A_1366, %dma_start3A_1367] : memref<2x80xi32, #tpu.memory_space<vmem>> -> memref<1x80xi32, #tpu.memory_space<vmem>>
    %dma_start3A_1369 = tpu.memref_squeeze %dma_start3A_1368 : memref<1x80xi32, #tpu.memory_space<vmem>> -> memref<80xi32, #tpu.memory_space<vmem>>
    %dma_start3A_1370 = arith.constant 0 : i32
    %dma_start3A_1371 = arith.constant 0 : i32
    %dma_start3A_1372 = tpu.memref_slice %arg19[%dma_start3A_1370, %dma_start3A_1371] : memref<10240x128xf32, #tpu.memory_space<vmem_shared>> -> memref<10240x128xf32, #tpu.memory_space<vmem_shared>>
    tpu.enqueue_indirect_dma source(%arg16 : memref<80x128xf32, #tpu.memory_space<vmem>>) target(%dma_start3A_1372 : memref<10240x128xf32, #tpu.memory_space<vmem_shared>>) offsets(%dma_start3A_1369 : memref<80xi32, #tpu.memory_space<vmem>>) semaphore(%arg33 : memref<!tpu.dma_semaphore, #tpu.memory_space<semaphore_mem>>) {add = true}
    %dma_wait3A_1373 = arith.constant 1 : i32
    %dma_wait3A_1374 = arith.constant 0 : i32
    %dma_wait3A_1375 = tpu.memref_slice %arg10[%dma_wait3A_1373, %dma_wait3A_1374] : memref<2x80xi32, #tpu.memory_space<vmem>> -> memref<1x80xi32, #tpu.memory_space<vmem>>
    %dma_wait3A_1376 = tpu.memref_squeeze %dma_wait3A_1375 : memref<1x80xi32, #tpu.memory_space<vmem>> -> memref<80xi32, #tpu.memory_space<vmem>>
    %dma_wait3A_1377 = arith.constant 0 : i32
    %dma_wait3A_1378 = arith.constant 0 : i32
    %dma_wait3A_1379 = tpu.memref_slice %arg19[%dma_wait3A_1377, %dma_wait3A_1378] : memref<10240x128xf32, #tpu.memory_space<vmem_shared>> -> memref<10240x128xf32, #tpu.memory_space<vmem_shared>>
    tpu.wait_indirect_dma semaphore(%arg35 : memref<!tpu.dma_semaphore, #tpu.memory_space<semaphore_mem>>) src(%arg18 : memref<80x128xf32, #tpu.memory_space<vmem>>) dst(%dma_wait3A_1379 : memref<10240x128xf32, #tpu.memory_space<vmem_shared>>)
    %dma_wait3A_1380 = arith.constant 1 : i32
    %dma_wait3A_1381 = arith.constant 0 : i32
    %dma_wait3A_1382 = tpu.memref_slice %arg7[%dma_wait3A_1380, %dma_wait3A_1381] : memref<2x80xi32, #tpu.memory_space<vmem>> -> memref<1x80xi32, #tpu.memory_space<vmem>>
    %dma_wait3A_1383 = tpu.memref_squeeze %dma_wait3A_1382 : memref<1x80xi32, #tpu.memory_space<vmem>> -> memref<80xi32, #tpu.memory_space<vmem>>
    %dma_wait3A_1384 = arith.constant 0 : i32
    %dma_wait3A_1385 = arith.constant 0 : i32
    %dma_wait3A_1386 = tpu.memref_slice %arg19[%dma_wait3A_1384, %dma_wait3A_1385] : memref<10240x128xf32, #tpu.memory_space<vmem_shared>> -> memref<10240x128xf32, #tpu.memory_space<vmem_shared>>
    tpu.wait_indirect_dma semaphore(%arg32 : memref<!tpu.dma_semaphore, #tpu.memory_space<semaphore_mem>>) src(%arg15 : memref<80x128xf32, #tpu.memory_space<vmem>>) dst(%dma_wait3A_1386 : memref<10240x128xf32, #tpu.memory_space<vmem_shared>>)
    %dma_wait3A_1387 = arith.constant 1 : i32
    %dma_wait3A_1388 = arith.constant 0 : i32
    %dma_wait3A_1389 = tpu.memref_slice %arg8[%dma_wait3A_1387, %dma_wait3A_1388] : memref<2x80xi32, #tpu.memory_space<vmem>> -> memref<1x80xi32, #tpu.memory_space<vmem>>
    %dma_wait3A_1390 = tpu.memref_squeeze %dma_wait3A_1389 : memref<1x80xi32, #tpu.memory_space<vmem>> -> memref<80xi32, #tpu.memory_space<vmem>>
    %dma_wait3A_1391 = arith.constant 0 : i32
    %dma_wait3A_1392 = arith.constant 0 : i32
    %dma_wait3A_1393 = tpu.memref_slice %arg19[%dma_wait3A_1391, %dma_wait3A_1392] : memref<10240x128xf32, #tpu.memory_space<vmem_shared>> -> memref<10240x128xf32, #tpu.memory_space<vmem_shared>>
    tpu.wait_indirect_dma semaphore(%arg33 : memref<!tpu.dma_semaphore, #tpu.memory_space<semaphore_mem>>) src(%arg16 : memref<80x128xf32, #tpu.memory_space<vmem>>) dst(%dma_wait3A_1393 : memref<10240x128xf32, #tpu.memory_space<vmem_shared>>)
    %barrier3A_1394 = arith.constant 0 : index
    tpu.barrier barrier_id(%barrier3A_1394)
    %scan3A_1395 = arith.constant 0 : i32
    %scan3A_1396 = arith.constant 0 : i32
    %scan3A_1397 = arith.constant 5 : i32
    %scan3A_1398 = arith.addi %scan3A_1396, %scan3A_1397 : i32
    %scan3A_1399 = arith.constant 1 : i32
    %scan3A_1400 = scf.for %scan3A_1402 = %scan3A_1396 to %scan3A_1398 step %scan3A_1399 iter_args(%scan3A_1403 = %scan3A_1395) -> (i32)  : i32 {
      %mul3A_1404 = arith.constant 640 : i32
      %mul3A_1405 = arith.muli %arg1, %mul3A_1404 : i32
      %mul3A_1406 = arith.constant 128 : i32
      %mul3A_1407 = arith.muli %scan3A_1402, %mul3A_1406 : i32
      %add3A_1408 = arith.addi %mul3A_1405, %mul3A_1407 : i32
      %eq3A_1409 = arith.constant 0 : i32
      %eq3A_1410 = arith.cmpi eq, %arg0, %eq3A_1409 : i32
      %convert_element_type3A_1411 = arith.extui %eq3A_1410 : i1 to i32
      %cond3A_1412 = arith.constant 0 : i32
      %cond3A_1413 = arith.cmpi ne, %convert_element_type3A_1411, %cond3A_1412 : i32
      scf.if %cond3A_1413 {
        "tpu.region"() ({
          %run_scoped3A = tpu.sem_alloc : memref<!tpu.dma_semaphore, #tpu.memory_space<semaphore_mem>>
          %dma_start3A_1420 = arith.constant 0 : i32
          %dma_start3A_1421 = tpu.memref_slice %arg5[%add3A_1408, %dma_start3A_1420] : memref<10240x128xf32, #tpu.memory_space<hbm>> -> memref<128x128xf32, #tpu.memory_space<hbm>>
          %dma_start3A_1422 = arith.constant 0 : i32
          %dma_start3A_1423 = tpu.memref_slice %arg19[%add3A_1408, %dma_start3A_1422] : memref<10240x128xf32, #tpu.memory_space<vmem_shared>> -> memref<128x128xf32, #tpu.memory_space<vmem_shared>>
          tpu.enqueue_dma source(%dma_start3A_1423 : memref<128x128xf32, #tpu.memory_space<vmem_shared>>) target(%dma_start3A_1421 : memref<128x128xf32, #tpu.memory_space<hbm>>) target_semaphore(%run_scoped3A : memref<!tpu.dma_semaphore, #tpu.memory_space<semaphore_mem>>)
          %dma_wait3A_1424 = arith.constant 0 : i32
          %dma_wait3A_1425 = tpu.memref_slice %arg5[%add3A_1408, %dma_wait3A_1424] : memref<10240x128xf32, #tpu.memory_space<hbm>> -> memref<128x128xf32, #tpu.memory_space<hbm>>
          %dma_wait3A_1426 = arith.constant 0 : i32
          %dma_wait3A_1427 = tpu.memref_slice %arg19[%add3A_1408, %dma_wait3A_1426] : memref<10240x128xf32, #tpu.memory_space<vmem_shared>> -> memref<128x128xf32, #tpu.memory_space<vmem_shared>>
          tpu.wait_dma2 semaphore(%run_scoped3A : memref<!tpu.dma_semaphore, #tpu.memory_space<semaphore_mem>>) src(%dma_wait3A_1427 : memref<128x128xf32, #tpu.memory_space<vmem_shared>>) dst(%dma_wait3A_1425 : memref<128x128xf32, #tpu.memory_space<hbm>>)
          tpu.yield
        }) : () -> ()
      } else {
      }
      %eq3A_1414 = arith.constant 1 : i32
      %eq3A_1415 = arith.cmpi eq, %arg0, %eq3A_1414 : i32
      %convert_element_type3A_1416 = arith.extui %eq3A_1415 : i1 to i32
      %cond3A_1417 = arith.constant 0 : i32
      %cond3A_1418 = arith.cmpi ne, %convert_element_type3A_1416, %cond3A_1417 : i32
      scf.if %cond3A_1418 {
        "tpu.region"() ({
          %run_scoped3A = tpu.sem_alloc : memref<!tpu.dma_semaphore, #tpu.memory_space<semaphore_mem>>
          %dma_start3A_1420 = arith.constant 0 : i32
          %dma_start3A_1421 = tpu.memref_slice %arg6[%add3A_1408, %dma_start3A_1420] : memref<10240x128xf32, #tpu.memory_space<hbm>> -> memref<128x128xf32, #tpu.memory_space<hbm>>
          %dma_start3A_1422 = arith.constant 0 : i32
          %dma_start3A_1423 = tpu.memref_slice %arg19[%add3A_1408, %dma_start3A_1422] : memref<10240x128xf32, #tpu.memory_space<vmem_shared>> -> memref<128x128xf32, #tpu.memory_space<vmem_shared>>
          tpu.enqueue_dma source(%dma_start3A_1423 : memref<128x128xf32, #tpu.memory_space<vmem_shared>>) target(%dma_start3A_1421 : memref<128x128xf32, #tpu.memory_space<hbm>>) target_semaphore(%run_scoped3A : memref<!tpu.dma_semaphore, #tpu.memory_space<semaphore_mem>>)
          %dma_wait3A_1424 = arith.constant 0 : i32
          %dma_wait3A_1425 = tpu.memref_slice %arg6[%add3A_1408, %dma_wait3A_1424] : memref<10240x128xf32, #tpu.memory_space<hbm>> -> memref<128x128xf32, #tpu.memory_space<hbm>>
          %dma_wait3A_1426 = arith.constant 0 : i32
          %dma_wait3A_1427 = tpu.memref_slice %arg19[%add3A_1408, %dma_wait3A_1426] : memref<10240x128xf32, #tpu.memory_space<vmem_shared>> -> memref<128x128xf32, #tpu.memory_space<vmem_shared>>
          tpu.wait_dma2 semaphore(%run_scoped3A : memref<!tpu.dma_semaphore, #tpu.memory_space<semaphore_mem>>) src(%dma_wait3A_1427 : memref<128x128xf32, #tpu.memory_space<vmem_shared>>) dst(%dma_wait3A_1425 : memref<128x128xf32, #tpu.memory_space<hbm>>)
          tpu.yield
        }) : () -> ()
      } else {
      }
      %scan3A_1419 = arith.constant 0 : i32
      scf.yield %scan3A_1419 : i32
    }
    %scan3A_1401 = arith.constant 5 : i32
    return
  }
}

module attributes {stable_mosaic.version = 14 : i64} {
  func.func @_mma_body(%arg0: i32, %arg1: memref<1000x128xf32, #tpu.memory_space<vmem>>, %arg2: memref<128x256xf32, #tpu.memory_space<vmem>>, %arg3: memref<1000x256xf32, #tpu.memory_space<vmem>>) attributes {dimension_semantics = [#tpu.dimension_semantics<arbitrary>], iteration_bounds = array<i64: 10>, scalar_prefetch = 0 : i64, scratch_operands = 0 : i64, tpu.core_type = #tpu.core_type<tc>, window_params = [{transform_indices = @transform_0, window_bounds = array<i64: 1000, 128>}, {pipeline_mode = #tpu.pipeline_mode<synchronous>, transform_indices = @transform_1, window_bounds = array<i64: 128, 256>}, {transform_indices = @transform_2, window_bounds = array<i64: 1000, 256>}]} {
    %get3A = arith.constant 0 : index
    %get3A_0 = arith.constant 0 : index
    %get3A_1 = vector.load %arg1[%get3A, %get3A_0] : memref<1000x128xf32, #tpu.memory_space<vmem>>, vector<1000x128xf32>
    %get3A_2 = arith.constant 0 : index
    %get3A_3 = arith.constant 0 : index
    %get3A_4 = vector.load %arg2[%get3A_2, %get3A_3] : memref<128x256xf32, #tpu.memory_space<vmem>>, vector<128x256xf32>
    %dot_general3A = arith.constant dense<0.000000e+00> : vector<1000x256xf32>
    %dot_general3A_5 = tpu.matmul %get3A_1, %get3A_4, %dot_general3A {dimension_numbers = #tpu.dot_dimension_numbers<[1], [0], [0], [1], [0, 0, 1, 1], [], []>, transpose_lhs_hint = false} : vector<1000x128xf32>, vector<128x256xf32>, vector<1000x256xf32> -> vector<1000x256xf32>
    %swap3A = arith.constant 0 : index
    %swap3A_6 = arith.constant 0 : index
    %swap3A_7 = vector.load %arg3[%swap3A, %swap3A_6] : memref<1000x256xf32, #tpu.memory_space<vmem>>, vector<1000x256xf32>
    tpu.vector_store %arg3[%swap3A, %swap3A_6], %dot_general3A_5 {strides = array<i32>} : memref<1000x256xf32, #tpu.memory_space<vmem>>, vector<1000x256xf32>,
    return
  }
  func.func @transform_0(%arg0: i32) -> (i32, i32) {
    %c0_i32 = arith.constant 0 : i32
    %c0_i32_0 = arith.constant 0 : i32
    return %arg0, %c0_i32 : i32, i32
  }
  func.func @transform_1(%arg0: i32) -> (i32, i32) {
    %c0_i32 = arith.constant 0 : i32
    %c0_i32_0 = arith.constant 0 : i32
    %c0_i32_1 = arith.constant 0 : i32
    return %c0_i32, %c0_i32_0 : i32, i32
  }
  func.func @transform_2(%arg0: i32) -> (i32, i32) {
    %c0_i32 = arith.constant 0 : i32
    %c0_i32_0 = arith.constant 0 : i32
    return %arg0, %c0_i32 : i32, i32
  }
}

module attributes {stable_mosaic.version = 14 : i64} {
  func.func @_mmb_body(%arg0: i32, %arg1: memref<1000x256xf32, #tpu.memory_space<vmem>>, %arg2: memref<1000x2xf32, #tpu.memory_space<vmem>>, %arg3: memref<1000x128xf32, #tpu.memory_space<vmem>>, %arg4: memref<1000x128xf32, #tpu.memory_space<vmem>>, %arg5: memref<1000x1xf32, #tpu.memory_space<vmem>>) attributes {dimension_semantics = [#tpu.dimension_semantics<arbitrary>], iteration_bounds = array<i64: 10>, scalar_prefetch = 0 : i64, scratch_operands = 0 : i64, tpu.core_type = #tpu.core_type<tc>, window_params = [{transform_indices = @transform_0, window_bounds = array<i64: 1000, 256>}, {transform_indices = @transform_1, window_bounds = array<i64: 1000, 2>}, {transform_indices = @transform_2, window_bounds = array<i64: 1000, 128>}, {transform_indices = @transform_3, window_bounds = array<i64: 1000, 128>}, {transform_indices = @transform_4, window_bounds = array<i64: 1000, 1>}]} {
    %get3A = arith.constant 0 : index
    %get3A_0 = arith.constant 0 : index
    %get3A_1 = vector.load %arg2[%get3A, %get3A_0] : memref<1000x2xf32, #tpu.memory_space<vmem>>, vector<1000x2xf32>
    %reduce_sum3A = arith.constant dense<0.000000e+00> : vector<1000xf32>
    %reduce_sum3A_2 = vector.multi_reduction <add>, %get3A_1, %reduce_sum3A [1] : vector<1000x2xf32> to vector<1000xf32>
    %add3A = arith.constant 1.000000e+00 : f32
    %add3A_3 = vector.broadcast %add3A : f32 to vector<1000xf32>
    %add3A_4 = arith.addf %reduce_sum3A_2, %add3A_3 : vector<1000xf32>
    %rsqrt3A = math.rsqrt %add3A_4 : vector<1000xf32>
    %get3A_5 = arith.constant 0 : index
    %get3A_6 = arith.constant 0 : index
    %get3A_7 = vector.load %arg1[%get3A_5, %get3A_6] : memref<1000x256xf32, #tpu.memory_space<vmem>>, vector<1000x256xf32>
    %broadcast_in_dim3A = vector.shape_cast %rsqrt3A : vector<1000xf32> to vector<1000x1xf32>
    %mul3A = vector.broadcast %broadcast_in_dim3A : vector<1000x1xf32> to vector<1000x256xf32>
    %mul3A_8 = arith.mulf %get3A_7, %mul3A : vector<1000x256xf32>
    %slice3A = vector.extract_strided_slice %mul3A_8 {offsets = [0, 0], sizes = [1000, 128], strides = [1, 1]} : vector<1000x256xf32> to vector<1000x128xf32>
    %swap3A = arith.constant 0 : index
    %swap3A_9 = arith.constant 0 : index
    %swap3A_10 = vector.load %arg3[%swap3A, %swap3A_9] : memref<1000x128xf32, #tpu.memory_space<vmem>>, vector<1000x128xf32>
    tpu.vector_store %arg3[%swap3A, %swap3A_9], %slice3A {strides = array<i32>} : memref<1000x128xf32, #tpu.memory_space<vmem>>, vector<1000x128xf32>,
    %slice3A_11 = vector.extract_strided_slice %mul3A_8 {offsets = [0, 128], sizes = [1000, 128], strides = [1, 1]} : vector<1000x256xf32> to vector<1000x128xf32>
    %swap3A_12 = arith.constant 0 : index
    %swap3A_13 = arith.constant 0 : index
    %swap3A_14 = vector.load %arg4[%swap3A_12, %swap3A_13] : memref<1000x128xf32, #tpu.memory_space<vmem>>, vector<1000x128xf32>
    tpu.vector_store %arg4[%swap3A_12, %swap3A_13], %slice3A_11 {strides = array<i32>} : memref<1000x128xf32, #tpu.memory_space<vmem>>, vector<1000x128xf32>,
    %broadcast_in_dim3A_15 = vector.shape_cast %rsqrt3A : vector<1000xf32> to vector<1000x1xf32>
    %swap3A_16 = arith.constant 0 : index
    %swap3A_17 = arith.constant 0 : index
    %swap3A_18 = vector.load %arg5[%swap3A_16, %swap3A_17] : memref<1000x1xf32, #tpu.memory_space<vmem>>, vector<1000x1xf32>
    tpu.vector_store %arg5[%swap3A_16, %swap3A_17], %broadcast_in_dim3A_15 {strides = array<i32>} : memref<1000x1xf32, #tpu.memory_space<vmem>>, vector<1000x1xf32>,
    return
  }
  func.func @transform_0(%arg0: i32) -> (i32, i32) {
    %c0_i32 = arith.constant 0 : i32
    %c0_i32_0 = arith.constant 0 : i32
    return %arg0, %c0_i32 : i32, i32
  }
  func.func @transform_1(%arg0: i32) -> (i32, i32) {
    %c0_i32 = arith.constant 0 : i32
    %c0_i32_0 = arith.constant 0 : i32
    return %arg0, %c0_i32 : i32, i32
  }
  func.func @transform_2(%arg0: i32) -> (i32, i32) {
    %c0_i32 = arith.constant 0 : i32
    %c0_i32_0 = arith.constant 0 : i32
    return %arg0, %c0_i32 : i32, i32
  }
  func.func @transform_3(%arg0: i32) -> (i32, i32) {
    %c0_i32 = arith.constant 0 : i32
    %c0_i32_0 = arith.constant 0 : i32
    return %arg0, %c0_i32 : i32, i32
  }
  func.func @transform_4(%arg0: i32) -> (i32, i32) {
    %c0_i32 = arith.constant 0 : i32
    %c0_i32_0 = arith.constant 0 : i32
    return %arg0, %c0_i32 : i32, i32
  }
}

module attributes {stable_mosaic.version = 14 : i64} {
  func.func @_ep_body(%arg0: i32, %arg1: memref<1000x128xf32, #tpu.memory_space<vmem>>, %arg2: memref<1000x128xf32, #tpu.memory_space<vmem>>, %arg3: memref<1000x1xf32, #tpu.memory_space<vmem>>, %arg4: memref<1x256xf32, #tpu.memory_space<vmem>>, %arg5: memref<1x1000x256xf32, #tpu.memory_space<vmem>>, %arg6: memref<1x1000x256xf32, #tpu.memory_space<vmem>>) attributes {dimension_semantics = [#tpu.dimension_semantics<arbitrary>], iteration_bounds = array<i64: 10>, scalar_prefetch = 0 : i64, scratch_operands = 0 : i64, tpu.core_type = #tpu.core_type<tc>, window_params = [{transform_indices = @transform_0, window_bounds = array<i64: 1000, 128>}, {transform_indices = @transform_1, window_bounds = array<i64: 1000, 128>}, {transform_indices = @transform_2, window_bounds = array<i64: 1000, 1>}, {pipeline_mode = #tpu.pipeline_mode<synchronous>, transform_indices = @transform_3, window_bounds = array<i64: 1, 256>}, {transform_indices = @transform_4, window_bounds = array<i64: 1, 1000, 256>}, {transform_indices = @transform_5, window_bounds = array<i64: 1, 1000, 256>}]} {
    %get3A = arith.constant 0 : index
    %get3A_0 = arith.constant 0 : index
    %get3A_1 = vector.load %arg1[%get3A, %get3A_0] : memref<1000x128xf32, #tpu.memory_space<vmem>>, vector<1000x128xf32>
    %get3A_2 = arith.constant 0 : index
    %get3A_3 = arith.constant 0 : index
    %get3A_4 = vector.load %arg2[%get3A_2, %get3A_3] : memref<1000x128xf32, #tpu.memory_space<vmem>>, vector<1000x128xf32>
    %concatenate3A = tpu.concatenate %get3A_1, %get3A_4 in 1 : vector<1000x128xf32>, vector<1000x128xf32> -> vector<1000x256xf32>
    %get3A_5 = arith.constant 0 : index
    %get3A_6 = arith.constant 0 : index
    %get3A_7 = vector.load %arg3[%get3A_5, %get3A_6] : memref<1000x1xf32, #tpu.memory_space<vmem>>, vector<1000x1xf32>
    %mul3A = vector.broadcast %get3A_7 : vector<1000x1xf32> to vector<1000x256xf32>
    %mul3A_8 = arith.mulf %concatenate3A, %mul3A : vector<1000x256xf32>
    %get3A_9 = arith.constant 0 : index
    %get3A_10 = arith.constant 0 : index
    %get3A_11 = vector.load %arg4[%get3A_9, %get3A_10] : memref<1x256xf32, #tpu.memory_space<vmem>>, vector<1x256xf32>
    %add3A = vector.broadcast %get3A_11 : vector<1x256xf32> to vector<1000x256xf32>
    %add3A_12 = arith.addf %mul3A_8, %add3A : vector<1000x256xf32>
    %broadcast_in_dim3A = vector.shape_cast %add3A_12 : vector<1000x256xf32> to vector<1x1000x256xf32>
    %swap3A = arith.constant 0 : index
    %swap3A_13 = arith.constant 0 : index
    %swap3A_14 = arith.constant 0 : index
    %swap3A_15 = vector.load %arg5[%swap3A, %swap3A_13, %swap3A_14] : memref<1x1000x256xf32, #tpu.memory_space<vmem>>, vector<1x1000x256xf32>
    tpu.vector_store %arg5[%swap3A, %swap3A_13, %swap3A_14], %broadcast_in_dim3A {strides = array<i32>} : memref<1x1000x256xf32, #tpu.memory_space<vmem>>, vector<1x1000x256xf32>,
    %swap3A_16 = arith.constant 0 : index
    %swap3A_17 = arith.constant 0 : index
    %swap3A_18 = arith.constant 0 : index
    %swap3A_19 = vector.load %arg6[%swap3A_16, %swap3A_17, %swap3A_18] : memref<1x1000x256xf32, #tpu.memory_space<vmem>>, vector<1x1000x256xf32>
    tpu.vector_store %arg6[%swap3A_16, %swap3A_17, %swap3A_18], %broadcast_in_dim3A {strides = array<i32>} : memref<1x1000x256xf32, #tpu.memory_space<vmem>>, vector<1x1000x256xf32>,
    return
  }
  func.func @transform_0(%arg0: i32) -> (i32, i32) {
    %c0_i32 = arith.constant 0 : i32
    %c0_i32_0 = arith.constant 0 : i32
    return %arg0, %c0_i32 : i32, i32
  }
  func.func @transform_1(%arg0: i32) -> (i32, i32) {
    %c0_i32 = arith.constant 0 : i32
    %c0_i32_0 = arith.constant 0 : i32
    return %arg0, %c0_i32 : i32, i32
  }
  func.func @transform_2(%arg0: i32) -> (i32, i32) {
    %c0_i32 = arith.constant 0 : i32
    %c0_i32_0 = arith.constant 0 : i32
    return %arg0, %c0_i32 : i32, i32
  }
  func.func @transform_3(%arg0: i32) -> (i32, i32) {
    %c0_i32 = arith.constant 0 : i32
    %c0_i32_0 = arith.constant 0 : i32
    %c0_i32_1 = arith.constant 0 : i32
    return %c0_i32, %c0_i32_0 : i32, i32
  }
  func.func @transform_4(%arg0: i32) -> (i32, i32, i32) {
    %c0_i32 = arith.constant 0 : i32
    %c0_i32_0 = arith.constant 0 : i32
    %c0_i32_1 = arith.constant 0 : i32
    return %c0_i32, %arg0, %c0_i32_0 : i32, i32, i32
  }
  func.func @transform_5(%arg0: i32) -> (i32, i32, i32) {
    %c0_i32 = arith.constant 0 : i32
    %c0_i32_0 = arith.constant 0 : i32
    %c0_i32_1 = arith.constant 0 : i32
    return %c0_i32, %arg0, %c0_i32_0 : i32, i32, i32
  }
}

</mosaic_0001>

<sc_bundles>
// kernel: kernel.10.cloned.1.call-start
scs
__scs_entry_jumppad:
0x0: {  	(pc) =	sbr.rel $0x88, $3  }
0x1: {  	(tag) =	ssettag $0x0;
	lr =	simm.s32 $0x1  }
0x2: {  	[smem:$0x3F9D] =	sst lr;
	_ =	strace $0xD0000000  }
0x3: {  	_ = 	snop  }
0x4: {  	_ = 	snop  }
0x5: {  	_ = 	snop  }
0x6: {  	_ = 	snop  }
0x7: {  	_ = 	snop  }
__scs_overlays_trampoline_lowered:
0x8: {  	[smem:$0x3FAC] =	sst s0  }
0x9: {  	[smem:$0x3FAD] =	sst s1  }
0xa: {  	[smem:$0x3FAE] =	sst s2  }
0xb: {  	[smem:$0x3FAF] =	sst s3  }
0xc: {  	[smem:$0x3FB0] =	sst s4  }
0xd: {  	[smem:$0x3FB1] =	sst s5  }
0xe: {  	[smem:$0x3FB2] =	sst s6  }
0xf: {  	[smem:$0x3FB3] =	sst s7  }
0x10: {  	[smem:$0x3FB4] =	sst s8  }
0x11: {  	[smem:$0x3FB5] =	sst s9;
	s0 =	simm.s32 @!p0 $0x0  }
0x12: {  	s1 =	sld [smem:$0x3F9B];
	s0 =	simm.s32 @p0 $0x1  }
0x13: {  	[smem:$0x3FB6] =	sst s0;
	s0 =	simm.s32 @!p1 $0x0  }
0x14: {  	s2 =	sld [smem:$0x3F9A];
	s0 =	simm.s32 @p1 $0x1  }
0x15: {  	[smem:$0x3FB7] =	sst s0;
	s0 =	simm.s32 @!p2 $0x0  }
0x16: {  	s3 =	sld [smem:$0x3FDB];
	s0 =	simm.s32 @p2 $0x1  }
0x17: {  	s4 =	simm.s32 $0x1BF5;
	[smem:$0x3FB9] =	sst s0  }
0x18: {  	s0 =	sld [smem:$0x3F9C];
	_ =	swait.ge [sflag:s4], $0x0  }
0x19: {  	s7 =	sld [smem:$0x3F9D]  }
0x1a: {  	s8 =	sadd.s32 $0xFFFFE003, lr  }
0x1b: {  	s9 =	sadd.s32 $0xFFFFFEF7, lr;
	s5 =	simm.s32 $0xFFFFFFFF;
	p2 =	slt.u32 s8, $0xFFFFF086  }
0x1c: {  	p1 =	slt.u32 s9, $0xF7A;
	s5 =	simm.s32 @!p2 $0x0  }
0x1d: {  	s5 =	simm.s32 @p1 $0x1;
	p0 =	seq.s32 s7, s2  }
0x1e: {  	s7 =	smul.u32 @!p0 $0xF7A, s2;
	p2 =	seq.s32 @!p0 s5, $0x0  }
0x1f: {  	s9 =	smul.u32 $0xF7A, s1;
	s8 =	simm.s32 @!p0 $0x1BF5;
	p2 =	por !p2, p0  }
0x20: {  	[sflag:s8] =	ssyncset.s32 @!p0 $0xFFFFF086;
	s6 =	sadd.s32 @!p0 s3, s7;
	s7 =	simm.s32 @!p0 $0x108  }
0x21: {  	s3 =	sadd.s32 s3, s9;
	s6 =	sadd.s32 @!p0 $0x88, s6;
	s7 =	simm.s32 @p2 $0x1082  }
0x22: {  	[simem:s7], [sflag:s8] =	dma.local @!p0 [hbm:s6], $0xF7A  }
0x23: {  	s9 =	sor.u32 $0xD0000000, s2;
	s6 =	simm.s32 $0x108;
	_ =	swait.ge @!p0 [sflag:s8], $0x0  }
0x24: {  	s3 =	sadd.s32 $0x88, s3;
	s6 =	simm.s32 @!p1 $0x1082;
	[sflag:s4] =	ssyncset.s32 $0xFFFFF086  }
0x25: {  	[simem:s6], [sflag:s4] =	dma.local [hbm:s3], $0xF7A  }
0x26: {  	[smem:$0x3F9D] =	sst s1;
	(tag) =	ssettag s2;
	_ =	strace s9  }
0x27: {  	s1 =	sld [smem:$0x3FAD]  }
0x28: {  	s2 =	sld [smem:$0x3FAE]  }
0x29: {  	s4 =	sld [smem:$0x3FB0]  }
0x2a: {  	p0 =	seq.s32 s5, $0x0;
	s5 =	sld [smem:$0x3FB1]  }
0x2b: {  	s6 =	sld [smem:$0x3FB2]  }
0x2c: {  	s7 =	sld [smem:$0x3FB3]  }
0x2d: {  	s3 =	simm.s32 $0x108;
	s8 =	sld [smem:$0x3FB4]  }
0x2e: {  	s3 =	simm.s32 @!p0 $0x1082;
	s9 =	sld [smem:$0x3FB5]  }
0x2f: {  	lr =	sadd.s32 s0, s3;
	s0 =	sld [smem:$0x3FAC]  }
0x30: {  	s3 =	sld [smem:$0x3FAF]  }
0x31: {  	[smem:$0x3FB8] =	sst s10  }
0x32: {  	s10 =	sld [smem:$0x3FB6];
	_ =	sdelay $0x3  }
0x33: {  	p0 =	seq.s32 s10, $0x1;
	s10 =	sld [smem:$0x3FB8];
	_ =	sdelay $0x3  }
0x34: {  	[smem:$0x3FB8] =	sst s10  }
0x35: {  	s10 =	sld [smem:$0x3FB7];
	_ =	sdelay $0x3  }
0x36: {  	p1 =	seq.s32 s10, $0x1;
	s10 =	sld [smem:$0x3FB8];
	_ =	sdelay $0x3  }
0x37: {  	[smem:$0x3FB8] =	sst s10  }
0x38: {  	s10 =	sld [smem:$0x3FB9]  }
0x39: {  	_ = 	snop;
	(pc) =	sbr.ind lr, $3  }
0x3a: {  	_ = 	snop  }
0x3b: {  	_ = 	snop  }
0x3c: {  	p2 =	seq.s32 s10, $0x1;
	s10 =	sld [smem:$0x3FB8]  }
0x3d: {  	_ =	shalt  }
0x3e: {  	_ =	shalt  }
0x3f: {  	_ =	shalt  }
0x40: {  	_ =	shalt  }
0x41: {  	_ =	shalt  }
0x42: {  	_ =	shalt  }
0x43: {  	_ =	shalt  }
0x44: {  	_ =	shalt  }
0x45: {  	_ =	shalt  }
0x46: {  	_ =	shalt  }
0x47: {  	_ =	shalt  }
0x48: {  	_ =	shalt  }
0x49: {  	_ =	shalt  }
0x4a: {  	_ =	shalt  }
0x4b: {  	_ =	shalt  }
0x4c: {  	_ =	shalt  }
0x4d: {  	_ =	shalt  }
0x4e: {  	_ =	shalt  }
0x4f: {  	_ =	shalt  }
0x50: {  	_ =	shalt  }
0x51: {  	_ =	shalt  }
0x52: {  	_ =	shalt  }
0x53: {  	_ =	shalt  }
0x54: {  	_ =	shalt  }
0x55: {  	_ =	shalt  }
0x56: {  	_ =	shalt  }
0x57: {  	_ =	shalt  }
0x58: {  	_ =	shalt  }
0x59: {  	_ =	shalt  }
0x5a: {  	_ =	shalt  }
0x5b: {  	_ =	shalt  }
0x5c: {  	_ =	shalt  }
0x5d: {  	_ =	shalt  }
0x5e: {  	_ =	shalt  }
0x5f: {  	_ =	shalt  }
0x60: {  	_ =	shalt  }
0x61: {  	_ =	shalt  }
0x62: {  	_ =	shalt  }
0x63: {  	_ =	shalt  }
0x64: {  	_ =	shalt  }
0x65: {  	_ =	shalt  }
0x66: {  	_ =	shalt  }
0x67: {  	_ =	shalt  }
0x68: {  	_ =	shalt  }
0x69: {  	_ =	shalt  }
0x6a: {  	_ =	shalt  }
0x6b: {  	_ =	shalt  }
0x6c: {  	_ =	shalt  }
0x6d: {  	_ =	shalt  }
0x6e: {  	_ =	shalt  }
0x6f: {  	_ =	shalt  }
0x70: {  	_ =	shalt  }
0x71: {  	_ =	shalt  }
0x72: {  	_ =	shalt  }
0x73: {  	_ =	shalt  }
0x74: {  	_ =	shalt  }
0x75: {  	_ =	shalt  }
0x76: {  	_ =	shalt  }
0x77: {  	_ =	shalt  }
0x78: {  	_ =	shalt  }
0x79: {  	_ =	shalt  }
0x7a: {  	_ =	shalt  }
0x7b: {  	_ =	shalt  }
0x7c: {  	_ =	shalt  }
0x7d: {  	_ =	shalt  }
0x7e: {  	_ =	shalt  }
0x7f: {  	_ =	shalt  }
0x80: {  	_ =	shalt  }
0x81: {  	_ =	shalt  }
0x82: {  	_ =	shalt  }
0x83: {  	_ =	shalt  }
0x84: {  	_ =	shalt  }
0x85: {  	_ =	shalt  }
0x86: {  	_ =	shalt  }
0x87: {  	_ =	shalt  }
.Lfunc_end0:
.L_simem_size_0:
called_computation.1_lowered:
.L_overlay_start_0:
0x88: {  	s2 =	sld [smem:$0x3FD9]  }
0x89: {  	s3 =	sld [smem:$0x3FFE];
	_ =	sdelay $0x1  }
0x8a: {  	s1 =	srdreg.scid  }
0x8b: {  	s0 =	sand.u32 $0x1, s1  }
0x8c: {  	s14 =	sshll.u32 s0, $0xA;
	s2 =	sadd.s32 s3, s2  }
0x8d: {  	s2 =	sadd.s32 s2, s14  }
0x8e: {  	[smem:$0x3FC4] =	sst s2  }
0x8f: {  	_ = 	snop  }
0x90: {  	s2 =	sld [smem:$0x3FD0];
	_ =	sdelay $0x2  }
0x91: {  	s15 =	simm.s32 $0xA;
	s4 =	simm.s32 $0x10  }
0x92: {  	[smem:s4], [sflag:s15] =	dma.local [hbm:s2], $0x1  }
0x93: {  	_ =	swait.eq [sflag:s15], $0x1  }
0x94: {  	[sflag:s15] =	ssyncset.done $0x0  }
0x95: {  	s16 =	sld [smem:$0x10];
	[sflag:s15] =	ssyncadd.s32 $0xFFFFFFFF  }
0x96: {  	s17 =	sld [smem:$0x11];
	(tm) =	ssettm $0x1  }
0x97: {  	s18 =	sld [smem:$0x3FFB];
	_ =	sdelay $0x3  }
0x98: {  	_ =	strace s18  }
0x99: {  	s4 =	sld [smem:$0x3FFC];
	_ =	sdelay $0x3  }
0x9a: {  	_ =	strace s4  }
0x9b: {  	s4 =	sld [smem:$0x3FFD];
	_ =	sdelay $0x3  }
0x9c: {  	_ =	strace s4  }
0x9d: {  	_ =	strace $0x8FFFFFFF  }
0x9e: {  	s19 =	sld [smem:$0x3FDB];
	_ =	sdelay $0x1  }
0x9f: {  	s5 =	simm.s32 $_scs_section_size  }
0xa0: {  	s6 =	simm.s32 $_size__tile_overlayer_lowered;
	s7 =	simm.s32 $_tile_overlayer_lowered  }
0xa1: {  	s22 =	simm.s32 $0x1BFF;
	s21 =	sshll.u32 s7, $0x1;
	s4 =	sadd.s32 s5, s19  }
0xa2: {  	s8 =	simm.s32 $0x0;
	s20 =	sshll.u32 s6, $0x1;
	s6 =	sadd.s32 s21, s4  }
0xa3: {  	[timem:s8], [sflag:s22] =	dma.local [hbm:s6], s20  }
0xa4: {  	_ =	swait.ge [sflag:s22], s20  }
0xa5: {  	s5 =	ssub.s32 $0x0, s20;
	[sflag:s22] =	ssyncset.done $0x0  }
0xa6: {  	[sflag:s22] =	ssyncadd.s32 s5;
	_ =	sdelay $0x1  }
0xa7: {  	s23 =	simm.s32 $0x1B8B  }
0xa8: {  	_ =	swait.ge [sflag:s23], $0x1  }
0xa9: {  	[sflag:s23] =	ssyncset.done $0x0  }
0xaa: {  	s25 =	simm.s32 $0x1B8E;
	s24 =	sld [smem:$0x3FFE];
	[sflag:s23] =	ssyncadd.s32 $0xFFFFFFFF  }
0xab: {  	s26 =	simm.s32 $execute0_lowered;
	[smem:$0x3FD2] =	sst s25  }
0xac: {  	s6 =	sshll.u32 s26, $0x1;
	_ =	strace $0x80000049;
	[dreg:$0x1] =	wrdreg $0xFFFFFFFF  }
0xad: {  	s28 =	simm.s32 $_size_execute0_lowered;
	s4 =	sadd.s32 s4, s6;
	[dreg:$0x0] =	wrdreg $0x0  }
0xae: {  	s6 =	sshll.u32 s28, $0x1;
	[dreg:$0x2] =	wrdreg s4  }
0xaf: {  	[dreg:$0x3] =	wrdreg s6  }
0xb0: {  	[dreg:$0x4] =	wrdreg $0xC0  }
0xb1: {  	_ =	task [dreg:s8], $0x5FFFF  }
0xb2: {  	[dreg:$0x1] =	wrdreg $0xFFFFFFFF  }
0xb3: {  	[dreg:$0x0] =	wrdreg $0x60  }
0xb4: {  	[dreg:$0x2] =	wrdreg s24  }
0xb5: {  	[dreg:$0x3] =	wrdreg s17  }
0xb6: {  	[dreg:$0x4] =	wrdreg s16  }
0xb7: {  	[dreg:$0x5] =	wrdreg $0xA8000  }
0xb8: {  	[dreg:$0x6] =	wrdreg $0x9  }
0xb9: {  	_ =	task.clear_ibuf [dreg:s8], $0x7FFFF;
	_ =	strace $0x90000049  }
0xba: {  	s29 =	simm.s32 $0x9;
	_ =	strace $0x8000004B  }
0xbb: {  	_ =	swait.ge [sflag:s29], $0x1  }
0xbc: {  	[sflag:s29] =	ssyncadd.s32 $0xFFFFFFFF  }
0xbd: {  	_ =	strace $0x9000004B  }
0xbe: {  	_ =	sfence  }
0xbf: {  	s30 =	sld [smem:$0x0];
	_ =	sdelay $0x2  }
0xc0: {  	s31 =	sshll.u32 s1, $0xD;
	s1 =	sshrl.u32 s1, $0x2  }
0xc1: {  	s3 =	sand.u32 $0x4000, s31;
	s1 =	sadd.s32 s1, s30  }
0xc2: {  	s0 =	sor.u32 s3, s0;
	s1 =	sshll.u32 s1, $0x11  }
0xc3: {  	s0 =	sor.u32 s1, s0  }
0xc4: {  	s0 =	sadd.s32 $0x8F2B, s0  }
0xc5: {  	[sflag:s0] =	ssyncadd.remote.s32 $0x1  }
0xc6: {  	_ =	sfence.sel $0xFFFF  }
0xc7: {  	[dreg:$0x0] =	wrdreg $0xFFFFFFFF;
	(pc) =	sbr.abs _section_cstart, $3  }
0xc8: {  	[dreg:$0x1] =	wrdreg $0xFFFFFFFF  }
0xc9: {  	_ =	task.clear_ibuf [dreg:s8], $0x2FFFF;
	_ =	strace $0x9FFFFFFF  }
0xca: {  	(tm) =	ssettm $0x7FFFFFFF  }
0xcb: {  	_ =	shalt  }
tec
execute0_lowered:
.L_overlay_start_1:
0x0: {  	(tag) =	ssettag $0x1  }
0x1: {  	s0 =	rddreg [dreg:$0x0]  }
0x2: {  	s4 =	rddreg [dreg:$0x1]  }
0x3: {  	s2 =	rddreg [dreg:$0x2]  }
0x4: {  	s1 =	rddreg [dreg:$0x3]  }
0x5: {  	s3 =	simm.s32 $0x0;
	s6 =	srdreg.scid;
	s11 =	stileid.u32  }
0x6: {  	[smem:$0x7FF] =	sst s3;
	s5 =	sadd.s32 $0x2400, s0;
	s12 =	sadd.s32 $0x15E00, s0  }
0x7: {  	s6 =	sand.u32 $0x1, s6;
	s7 =	smul.u32 $0x4E20, s11;
	s13 =	sadd.s32 $0x3DE00, s0  }
0x8: {  	s10 =	smul.u32 $0x50000, s11;
	_ =	strace $0x8000004A;
	[dreg:$0x8] =	wrdreg s13  }
0x9: {  	s8 =	smul.u32 $0x280, s11;
	s3 =	ssub.s32 $0x2, s6;
	[dreg:$0x7] =	wrdreg s12  }
0xa: {  	s9 =	sshrl.u32 s3, $0x1;
	s7 =	sshrl.u32 s7, $0x3;
	s10 =	sshrl.u32 s10, $0x2  }
0xb: {  	s15 =	sadd.s32 $0x80, s8;
	s21 =	sadd.s32 $0x100, s8;
	s16 =	sadd.s32 s10, s1  }
0xc: {  	s22 =	sadd.s32 $0x180, s8;
	s19 =	sshll.u32 s15, $0x4;
	[dreg:$0xb] =	wrdreg s16  }
0xd: {  	s17 =	sshll.u32 s15, $0x7;
	s15 =	sshll.u32 s21, $0x4;
	[dreg:$0xe] =	wrdreg s19  }
0xe: {  	s28 =	sadd.s32 $0x200, s8;
	s26 =	sshll.u32 s22, $0x4;
	[dreg:$0x10] =	wrdreg s15  }
0xf: {  	s0 =	ssub.s32 s3, s9;
	s3 =	sshll.u32 s28, $0x4;
	[dreg:$0x14] =	wrdreg s26  }
0x10: {  	s14 =	sadd.s32 s5, s7;
	[dreg:$0x16] =	wrdreg s3  }
0x11: {  	s0 =	smax.u32 s0, $0x1;
	[dreg:$0x9] =	wrdreg s14  }
0x12: {  	s23 =	sshll.u32 s21, $0x7;
	s20 =	sadd.s32 s2, s19;
	[dreg:$0xa] =	wrdreg s0  }
0x13: {  	s9 =	sadd.s32 s23, s1;
	[dreg:$0xf] =	wrdreg s20  }
0x14: {  	s29 =	smul.u32 $0x9C4, s11;
	s25 =	sadd.s32 s2, s15;
	[dreg:$0x11] =	wrdreg s9  }
0x15: {  	s31 =	sshll.u32 s28, $0x7;
	s30 =	sadd.s32 s2, s26;
	[dreg:$0x12] =	wrdreg s25  }
0x16: {  	s8 =	sadd.s32 s31, s1;
	[dreg:$0x15] =	wrdreg s30  }
0x17: {  	s16 =	sadd.s32 s29, s5;
	[dreg:$0x17] =	wrdreg s8  }
0x18: {  	s19 =	sadd.s32 s4, s19;
	[dreg:$0x5] =	wrdreg s16  }
0x19: {  	s21 =	sadd.s32 s4, s26;
	[dreg:$0x1a] =	wrdreg s19  }
0x1a: {  	s24 =	sshll.u32 s22, $0x7;
	s22 =	sadd.s32 s4, s3;
	[dreg:$0x1c] =	wrdreg s21  }
0x1b: {  	s26 =	sadd.s32 $0xA, s14;
	[dreg:$0x1d] =	wrdreg s22  }
0x1c: {  	s28 =	sadd.s32 $0x9C4A, s14;
	[smem:$0x7DC] =	sst s26  }
0x1d: {  	s29 =	sadd.s32 $0x14, s14;
	[smem:$0x7DD] =	sst s28  }
0x1e: {  	s31 =	sadd.s32 $0x1E, s14;
	[smem:$0x7DE] =	sst s29  }
0x1f: {  	s5 =	sadd.s32 $0x9C72, s14;
	[smem:$0x7E0] =	sst s31  }
0x20: {  	p0 =	seq.s32 s6, $0x0;
	s6 =	sadd.s32 $0x3C, s14;
	[smem:$0x7E5] =	sst s5  }
0x21: {  	s7 =	smul.u32 $0x2800, s11;
	s10 =	sadd.s32 $0x50, s14;
	[smem:$0x7E6] =	sst s6  }
0x22: {  	s11 =	sadd.s32 $0x9C90, s14;
	[smem:$0x7EA] =	sst s10  }
0x23: {  	s18 =	sadd.s32 s2, s7;
	[smem:$0x7EB] =	sst s11  }
0x24: {  	s0 =	sadd.s32 s17, s1;
	[dreg:$0xc] =	wrdreg s18  }
0x25: {  	s17 =	sadd.s32 s2, s3;
	[dreg:$0xd] =	wrdreg s0  }
0x26: {  	s2 =	smov.u32 @p0 s4;
	[dreg:$0x18] =	wrdreg s17  }
0x27: {  	s20 =	sadd.s32 s4, s15;
	[dreg:$0x6] =	wrdreg s2  }
0x28: {  	s23 =	sadd.s32 s13, s7;
	[dreg:$0x1b] =	wrdreg s20  }
0x29: {  	s25 =	sadd.s32 $0x9C40, s14;
	[dreg:$0x1e] =	wrdreg s23  }
0x2a: {  	s30 =	sadd.s32 $0x9C54, s14;
	[smem:$0x7DB] =	sst s25  }
0x2b: {  	s3 =	sadd.s32 $0x9C68, s14;
	[smem:$0x7DF] =	sst s30  }
0x2c: {  	s8 =	sadd.s32 $0x46, s14;
	[smem:$0x7E3] =	sst s3  }
0x2d: {  	s9 =	sadd.s32 $0x9C86, s14;
	[smem:$0x7E8] =	sst s8  }
0x2e: {  	s13 =	sadd.s32 $0x9C9A, s14;
	[smem:$0x7E9] =	sst s9  }
0x2f: {  	s15 =	sadd.s32 $0x64, s14;
	[smem:$0x7ED] =	sst s13  }
0x30: {  	s16 =	sadd.s32 $0x9CA4, s14;
	[smem:$0x7EE] =	sst s15  }
0x31: {  	s19 =	sadd.s32 $0x78, s14;
	[smem:$0x7EF] =	sst s16  }
0x32: {  	s21 =	sadd.s32 $0x82, s14;
	[smem:$0x7F2] =	sst s19  }
0x33: {  	s22 =	sadd.s32 $0x9CC2, s14;
	[smem:$0x7F4] =	sst s21  }
0x34: {  	s26 =	sadd.s32 $0xA5E6, s14;
	[smem:$0x7F5] =	sst s22  }
0x35: {  	s28 =	sadd.s32 $0x9B0, s14;
	[smem:$0x7F9] =	sst s26  }
0x36: {  	s29 =	sadd.s32 $0xA5F0, s14;
	[smem:$0x7FA] =	sst s28  }
0x37: {  	s31 =	sadd.s32 $0xA5FA, s14;
	[smem:$0x7FB] =	sst s29  }
0x38: {  	s0 =	sadd.s32 s24, s1;
	[smem:$0x7FD] =	sst s31  }
0x39: {  	s18 =	sadd.s32 s4, s7;
	[dreg:$0x13] =	wrdreg s0  }
0x3a: {  	s24 =	sadd.s32 s12, s7;
	[dreg:$0x19] =	wrdreg s18  }
0x3b: {  	s1 =	sadd.s32 $0x9C5E, s14;
	[dreg:$0x1f] =	wrdreg s24  }
0x3c: {  	s2 =	sadd.s32 $0x28, s14;
	[smem:$0x7E1] =	sst s1  }
0x3d: {  	s4 =	sadd.s32 $0x32, s14;
	[smem:$0x7E2] =	sst s2  }
0x3e: {  	s7 =	sadd.s32 $0x9C7C, s14;
	[smem:$0x7E4] =	sst s4  }
0x3f: {  	s12 =	sadd.s32 $0x5A, s14;
	[smem:$0x7E7] =	sst s7  }
0x40: {  	s17 =	sadd.s32 $0x6E, s14;
	[smem:$0x7EC] =	sst s12  }
0x41: {  	s20 =	sadd.s32 $0x9CB8, s14;
	[smem:$0x7F0] =	sst s17  }
0x42: {  	s23 =	sadd.s32 $0x99C, s14;
	[smem:$0x7F3] =	sst s20  }
0x43: {  	s25 =	sadd.s32 $0x9A6, s14;
	[smem:$0x7F6] =	sst s23  }
0x44: {  	s30 =	sadd.s32 $0x9BA, s14;
	[smem:$0x7F8] =	sst s25  }
0x45: {  	s18 =	sadd.s32 $0x9CAE, s14;
	[smem:$0x7FC] =	sst s30  }
0x46: {  	s24 =	sadd.s32 $0xA5DC, s14;
	[smem:$0x7F1] =	sst s18  }
0x47: {  	s6 =	simm.s32 $0x50;
	s0 =	simm.s32 $0x0;
	[smem:$0x7F7] =	sst s24  }
.LBB2_1:
0x48: {  	s17 =	rddreg [dreg:$0x9]  }
0x49: {  	s3 =	simm.s32 $0x0;
	s5 =	sld [smem:$0x7DB]  }
0x4a: {  	[tilespmem:s3], [sflag:$0x1] =	stream.linear.gather [hbm4b:s17+s3], $0x50, $0x38;
	[tilespmem:$0x1E800] =	vst v63  }
0x4b: {  	s7 =	simm.s32 $0x80;
	s8 =	sld [smem:$0x7DC]  }
0x4c: {  	[tilespmem:s7], [sflag:$0x1] =	stream.linear.gather [hbm4b:s5+s3], $0x50, $0x38;
	[tilespmem:$0x1E800] =	vst v63  }
0x4d: {  	s9 =	simm.s32 $0x100;
	s10 =	sld [smem:$0x7DD]  }
0x4e: {  	[tilespmem:s9], [sflag:$0x2] =	stream.linear.gather [hbm4b:s8+s3], $0x50, $0x38;
	[tilespmem:$0x1E800] =	vst v63  }
0x4f: {  	s11 =	simm.s32 $0x180;
	s12 =	sld [smem:$0x7DE]  }
0x50: {  	[tilespmem:s11], [sflag:$0x2] =	stream.linear.gather [hbm4b:s10+s3], $0x50, $0x38;
	[tilespmem:$0x1E800] =	vst v63  }
0x51: {  	s13 =	simm.s32 $0x200;
	s14 =	sld [smem:$0x7DF]  }
0x52: {  	[tilespmem:s13], [sflag:$0x3] =	stream.linear.gather [hbm4b:s12+s3], $0x50, $0x38;
	[tilespmem:$0x1E800] =	vst v63  }
0x53: {  	s15 =	simm.s32 $0x280;
	s16 =	sld [smem:$0x7E0]  }
0x54: {  	[tilespmem:s15], [sflag:$0x3] =	stream.linear.gather [hbm4b:s14+s3], $0x50, $0x38;
	[tilespmem:$0x1E800] =	vst v63  }
0x55: {  	s18 =	simm.s32 $0x300;
	s19 =	sld [smem:$0x7E1]  }
0x56: {  	[tilespmem:s18], [sflag:$0x4] =	stream.linear.gather [hbm4b:s16+s3], $0x50, $0x38;
	[tilespmem:$0x1E800] =	vst v63  }
0x57: {  	s20 =	simm.s32 $0x380;
	s21 =	sld [smem:$0x7E2]  }
0x58: {  	[tilespmem:s20], [sflag:$0x4] =	stream.linear.gather [hbm4b:s19+s3], $0x50, $0x38;
	[tilespmem:$0x1E800] =	vst v63  }
0x59: {  	s22 =	simm.s32 $0x400;
	s23 =	sld [smem:$0x7E3]  }
0x5a: {  	[tilespmem:s22], [sflag:$0x5] =	stream.linear.gather [hbm4b:s21+s3], $0x50, $0x38;
	[tilespmem:$0x1E800] =	vst v63  }
0x5b: {  	s24 =	simm.s32 $0x480;
	s25 =	sld [smem:$0x7E4]  }
0x5c: {  	[tilespmem:s24], [sflag:$0x5] =	stream.linear.gather [hbm4b:s23+s3], $0x50, $0x38;
	[tilespmem:$0x1E800] =	vst v63  }
0x5d: {  	s26 =	simm.s32 $0x500;
	s30 =	sld [smem:$0x7E5]  }
0x5e: {  	[tilespmem:s26], [sflag:$0x6] =	stream.linear.gather [hbm4b:s25+s3], $0x50, $0x38;
	[tilespmem:$0x1E800] =	vst v63  }
0x5f: {  	[smem:$0x7CE] =	sst s0;
	s31 =	simm.s32 $0x580;
	s17 =	stileid.u32  }
0x60: {  	[tilespmem:s31], [sflag:$0x6] =	stream.linear.gather [hbm4b:s30+s3], $0x50, $0x38;
	[tilespmem:$0x1E800] =	vst v63  }
0x61: {  	s28 =	sshll.u32 @p0 s17, $0x6;
	s30 =	rddreg [dreg:$0xb]  }
0x62: {  	s0 =	sor.u32 @p0 $0x1C12, s28;
	s28 =	rddreg [dreg:$0x19];
	s1 =	sshrl.u32 @p0 s30, $0x3  }
0x63: {  	[smem:$0x7CF] =	sst s1  }
0x64: {  	[spmem:s1], [sflag:s0] =	dma.local @p0 [hbm:s28], $0x800  }
0x65: {  	s28 =	simm.s32 @p0 $0x12  }
0x66: {  	_ =	swait.ge @p0 [sflag:s28], $0x800  }
0x67: {  	s2 =	rddreg [dreg:$0xd]  }
0x68: {  	[sflag:s28] =	ssyncset.done @p0 $0x0;
	s29 =	rddreg [dreg:$0x1a];
	s1 =	sshrl.u32 @p0 s2, $0x3  }
0x69: {  	[sflag:s28] =	ssyncadd.s32 @p0 $0xFFFFF800;
	[smem:$0x7D0] =	sst s1  }
0x6a: {  	[spmem:s1], [sflag:s0] =	dma.local @p0 [hbm:s29], $0x800  }
0x6b: {  	_ =	swait.ge @p0 [sflag:s28], $0x800  }
0x6c: {  	s4 =	rddreg [dreg:$0x11]  }
0x6d: {  	[sflag:s28] =	ssyncset.done @p0 $0x0;
	s29 =	rddreg [dreg:$0x1b];
	s1 =	sshrl.u32 @p0 s4, $0x3  }
0x6e: {  	[sflag:s28] =	ssyncadd.s32 @p0 $0xFFFFF800;
	[smem:$0x7D1] =	sst s1  }
0x6f: {  	[spmem:s1], [sflag:s0] =	dma.local @p0 [hbm:s29], $0x800  }
0x70: {  	_ =	swait.ge @p0 [sflag:s28], $0x800  }
0x71: {  	s5 =	rddreg [dreg:$0x13]  }
0x72: {  	[sflag:s28] =	ssyncset.done @p0 $0x0;
	s29 =	rddreg [dreg:$0x1c];
	s1 =	sshrl.u32 @p0 s5, $0x3  }
0x73: {  	[sflag:s28] =	ssyncadd.s32 @p0 $0xFFFFF800;
	[smem:$0x7D2] =	sst s1  }
0x74: {  	[spmem:s1], [sflag:s0] =	dma.local @p0 [hbm:s29], $0x800  }
0x75: {  	_ =	swait.ge @p0 [sflag:s28], $0x800  }
0x76: {  	s9 =	rddreg [dreg:$0x17]  }
0x77: {  	s29 =	rddreg [dreg:$0x1d]  }
0x78: {  	[sflag:s28] =	ssyncset.done @p0 $0x0;
	[smem:$0x7D3] =	sst s0;
	s1 =	sshrl.u32 @p0 s9, $0x3  }
0x79: {  	[sflag:s28] =	ssyncadd.s32 @p0 $0xFFFFF800;
	[smem:$0x7D4] =	sst s1  }
0x7a: {  	[spmem:s1], [sflag:s0] =	dma.local @p0 [hbm:s29], $0x800  }
0x7b: {  	s29 =	sshll.u32 @!p0 s17, $0x6;
	s1 =	sshrl.u32 @!p0 s30, $0x3;
	_ =	swait.ge @p0 [sflag:s28], $0x800  }
0x7c: {  	s0 =	sor.u32 @!p0 $0x1C11, s29;
	[sflag:s28] =	ssyncset.done @p0 $0x0;
	s17 =	rddreg [dreg:$0xc]  }
0x7d: {  	[smem:$0x7D5] =	sst s1;
	[sflag:s28] =	ssyncadd.s32 @p0 $0xFFFFF800;
	s28 =	simm.s32 @!p0 $0x11  }
0x7e: {  	[spmem:s1], [sflag:s0] =	dma.local @!p0 [hbm:s17], $0x800  }
0x7f: {  	_ =	swait.ge @!p0 [sflag:s28], $0x800  }
0x80: {  	s1 =	sshrl.u32 @!p0 s2, $0x3;
	[sflag:s28] =	ssyncset.done @!p0 $0x0;
	s17 =	rddreg [dreg:$0xf]  }
0x81: {  	[smem:$0x7D6] =	sst s1;
	[sflag:s28] =	ssyncadd.s32 @!p0 $0xFFFFF800  }
0x82: {  	[spmem:s1], [sflag:s0] =	dma.local @!p0 [hbm:s17], $0x800  }
0x83: {  	_ =	swait.ge @!p0 [sflag:s28], $0x800  }
0x84: {  	s1 =	sshrl.u32 @!p0 s4, $0x3;
	[sflag:s28] =	ssyncset.done @!p0 $0x0;
	s17 =	rddreg [dreg:$0x12]  }
0x85: {  	[smem:$0x7D7] =	sst s1;
	[sflag:s28] =	ssyncadd.s32 @!p0 $0xFFFFF800  }
0x86: {  	[spmem:s1], [sflag:s0] =	dma.local @!p0 [hbm:s17], $0x800  }
0x87: {  	_ =	swait.ge @!p0 [sflag:s28], $0x800  }
0x88: {  	s1 =	sshrl.u32 @!p0 s5, $0x3;
	[sflag:s28] =	ssyncset.done @!p0 $0x0;
	s17 =	rddreg [dreg:$0x15]  }
0x89: {  	[smem:$0x7D8] =	sst s1;
	[sflag:s28] =	ssyncadd.s32 @!p0 $0xFFFFF800  }
0x8a: {  	[spmem:s1], [sflag:s0] =	dma.local @!p0 [hbm:s17], $0x800  }
0x8b: {  	_ =	swait.ge @!p0 [sflag:s28], $0x800  }
0x8c: {  	s17 =	rddreg [dreg:$0x18]  }
0x8d: {  	s1 =	sshrl.u32 @!p0 s9, $0x3;
	[sflag:s28] =	ssyncset.done @!p0 $0x0;
	[smem:$0x7D9] =	sst s0  }
0x8e: {  	[smem:$0x7DA] =	sst s1;
	[sflag:s28] =	ssyncadd.s32 @!p0 $0xFFFFF800  }
0x8f: {  	[spmem:s1], [sflag:s0] =	dma.local @!p0 [hbm:s17], $0x800  }
0x90: {  	_ =	swait.ge @!p0 [sflag:s28], $0x800  }
0x91: {  	[sflag:s28] =	ssyncset.done @!p0 $0x0  }
0x92: {  	[sflag:s28] =	ssyncadd.s32 @!p0 $0xFFFFF800  }
0x93: {  	s9 =	simm.s32 $0x1;
	[bflag:$0x0] =	sbarrier.arrive $0xFFFF  }
0x94: {  	_ =	swait.ge [sflag:s9], $0x50  }
0x95: {  	[sflag:s9] =	ssyncset.done $0x0  }
0x96: {  	[sflag:s9] =	ssyncadd.s32 $0xFFFFFFB0  }
0x97: {  	_ =	swait.ge [sflag:s9], $0x50  }
0x98: {  	s11 =	simm.s32 $0x2;
	[sflag:s9] =	ssyncset.done $0x0  }
0x99: {  	s30 =	simm.s32 $0x800;
	s2 =	rddreg [dreg:$0x6];
	[sflag:s9] =	ssyncadd.s32 $0xFFFFFFB0  }
0x9a: {  	[tilespmem:s30], [sflag:$0x9] =	stream.indirect.gather [hbm4b:s2+s6], $0x80, s3, s6, $0xb8;
	[tilespmem:$0x1E800] =	vst v63  }
0x9b: {  	_ =	swait.ge [sflag:s11], $0x50  }
0x9c: {  	[sflag:s11] =	ssyncset.done $0x0  }
0x9d: {  	[sflag:s11] =	ssyncadd.s32 $0xFFFFFFB0  }
0x9e: {  	_ =	swait.ge [sflag:s11], $0x50  }
0x9f: {  	s12 =	simm.s32 $0x9;
	[sflag:s11] =	ssyncset.done $0x0  }
0xa0: {  	s20 =	simm.s32 $0x3000;
	s0 =	simm.s32 $0x100;
	[sflag:s11] =	ssyncadd.s32 $0xFFFFFFB0  }
0xa1: {  	[tilespmem:s20], [sflag:$0xA] =	stream.indirect.gather [hbm4b:s2+s6], $0x80, s0, s6, $0xb8;
	[tilespmem:$0x1E800] =	vst v63  }
0xa2: {  	_ =	swait.ge [sflag:s12], $0x2800  }
0xa3: {  	[sflag:s12] =	ssyncset.done $0x0  }
0xa4: {  	[sflag:s12] =	ssyncadd.s32 $0xFFFFD800  }
0xa5: {  	s29 =	simm.s32 $0x3;
	s5 =	simm.s32 $0x80;
	s4 =	rddreg [dreg:$0x3]  }
0xa6: {  	[spmem:s4] =	stream.indirect.scatter.add.f32 [tilespmem:s30], [sflag:$0xD], $0x80, s5, s6, $0xb8;
	[tilespmem:$0x1E800] =	vst v63  }
0xa7: {  	_ =	swait.ge [sflag:s29], $0x50  }
0xa8: {  	[sflag:s29] =	ssyncset.done $0x0  }
0xa9: {  	[sflag:s29] =	ssyncadd.s32 $0xFFFFFFB0  }
0xaa: {  	_ =	swait.ge [sflag:s29], $0x50  }
0xab: {  	s7 =	simm.s32 $0x200;
	[sflag:s29] =	ssyncset.done $0x0  }
0xac: {  	s18 =	simm.s32 $0x5800;
	s1 =	sld [smem:$0x7E6];
	[sflag:s29] =	ssyncadd.s32 $0xFFFFFFB0  }
0xad: {  	[tilespmem:s18], [sflag:$0xB] =	stream.indirect.gather [hbm4b:s2+s6], $0x80, s7, s6, $0xb8;
	[tilespmem:$0x1E800] =	vst v63  }
0xae: {  	s13 =	sld [smem:$0x7E7];
	s7 =	simm.s32 $0x600  }
0xaf: {  	[tilespmem:s7], [sflag:$0x7] =	stream.linear.gather [hbm4b:s1+s3], $0x50, $0x38;
	[tilespmem:$0x1E800] =	vst v63  }
0xb0: {  	s14 =	simm.s32 $0x680;
	s7 =	simm.s32 $0xA  }
0xb1: {  	[tilespmem:s14], [sflag:$0x7] =	stream.linear.gather [hbm4b:s13+s3], $0x50, $0x38;
	[tilespmem:$0x1E800] =	vst v63  }
0xb2: {  	_ =	swait.ge [sflag:s7], $0x2800  }
0xb3: {  	[sflag:s7] =	ssyncset.done $0x0  }
0xb4: {  	s1 =	simm.s32 $0x180;
	s13 =	simm.s32 $0x4;
	[sflag:s7] =	ssyncadd.s32 $0xFFFFD800  }
0xb5: {  	[spmem:s4] =	stream.indirect.scatter.add.f32 [tilespmem:s20], [sflag:$0xE], $0x80, s1, s6, $0xb8;
	[tilespmem:$0x1E800] =	vst v63  }
0xb6: {  	_ =	swait.ge [sflag:s13], $0x50  }
0xb7: {  	[sflag:s13] =	ssyncset.done $0x0  }
0xb8: {  	[sflag:s13] =	ssyncadd.s32 $0xFFFFFFB0  }
0xb9: {  	_ =	swait.ge [sflag:s13], $0x50  }
0xba: {  	s8 =	simm.s32 $0x300;
	[sflag:s13] =	ssyncset.done $0x0  }
0xbb: {  	s19 =	simm.s32 $0x8000;
	s15 =	sld [smem:$0x7E8];
	[sflag:s13] =	ssyncadd.s32 $0xFFFFFFB0  }
0xbc: {  	[tilespmem:s19], [sflag:$0xC] =	stream.indirect.gather [hbm4b:s2+s6], $0x80, s8, s6, $0xb8;
	[tilespmem:$0x1E800] =	vst v63  }
0xbd: {  	s22 =	simm.s32 $0x700;
	s23 =	sld [smem:$0x7E9]  }
0xbe: {  	[tilespmem:s22], [sflag:$0x8] =	stream.linear.gather [hbm4b:s15+s3], $0x50, $0x38;
	[tilespmem:$0x1E800] =	vst v63  }
0xbf: {  	s24 =	simm.s32 $0x780;
	s8 =	simm.s32 $0xB  }
0xc0: {  	[tilespmem:s24], [sflag:$0x8] =	stream.linear.gather [hbm4b:s23+s3], $0x50, $0x38;
	[tilespmem:$0x1E800] =	vst v63  }
0xc1: {  	_ =	swait.ge [sflag:s8], $0x2800  }
0xc2: {  	[sflag:s8] =	ssyncset.done $0x0  }
0xc3: {  	s22 =	simm.s32 $0x280;
	s23 =	simm.s32 $0xD;
	[sflag:s8] =	ssyncadd.s32 $0xFFFFD800  }
0xc4: {  	[spmem:s4] =	stream.indirect.scatter.add.f32 [tilespmem:s18], [sflag:$0xF], $0x80, s22, s6, $0xb8;
	[tilespmem:$0x1E800] =	vst v63  }
0xc5: {  	_ =	swait.ge [sflag:s23], $0x2800  }
0xc6: {  	[sflag:s23] =	ssyncset.done $0x0  }
0xc7: {  	s24 =	simm.s32 $0x5;
	[sflag:s23] =	ssyncadd.s32 $0xFFFFD800  }
0xc8: {  	_ =	swait.ge [sflag:s24], $0x50  }
0xc9: {  	[sflag:s24] =	ssyncset.done $0x0  }
0xca: {  	[sflag:s24] =	ssyncadd.s32 $0xFFFFFFB0  }
0xcb: {  	_ =	swait.ge [sflag:s24], $0x50  }
0xcc: {  	[sflag:s24] =	ssyncset.done $0x0  }
0xcd: {  	s10 =	simm.s32 $0x400;
	s25 =	sld [smem:$0x7EA];
	[sflag:s24] =	ssyncadd.s32 $0xFFFFFFB0  }
0xce: {  	[tilespmem:s30], [sflag:$0x9] =	stream.indirect.gather [hbm4b:s2+s6], $0x80, s10, s6, $0xb8;
	[tilespmem:$0x1E800] =	vst v63  }
0xcf: {  	s26 =	sld [smem:$0x7EB]  }
0xd0: {  	[tilespmem:s3], [sflag:$0x1] =	stream.linear.gather [hbm4b:s25+s3], $0x50, $0x38;
	[tilespmem:$0x1E800] =	vst v63  }
0xd1: {  	s10 =	simm.s32 $0xC  }
0xd2: {  	[tilespmem:s5], [sflag:$0x1] =	stream.linear.gather [hbm4b:s26+s3], $0x50, $0x38;
	[tilespmem:$0x1E800] =	vst v63  }
0xd3: {  	_ =	swait.ge [sflag:s10], $0x2800  }
0xd4: {  	[sflag:s10] =	ssyncset.done $0x0  }
0xd5: {  	s15 =	simm.s32 $0x380;
	s25 =	simm.s32 $0xE;
	[sflag:s10] =	ssyncadd.s32 $0xFFFFD800  }
0xd6: {  	[spmem:s4] =	stream.indirect.scatter.add.f32 [tilespmem:s19], [sflag:$0x10], $0x80, s15, s6, $0xb8;
	[tilespmem:$0x1E800] =	vst v63  }
0xd7: {  	_ =	swait.ge [sflag:s25], $0x2800  }
0xd8: {  	[sflag:s25] =	ssyncset.done $0x0  }
0xd9: {  	s26 =	simm.s32 $0x6;
	[sflag:s25] =	ssyncadd.s32 $0xFFFFD800  }
0xda: {  	_ =	swait.ge [sflag:s26], $0x50  }
0xdb: {  	[sflag:s26] =	ssyncset.done $0x0  }
0xdc: {  	[sflag:s26] =	ssyncadd.s32 $0xFFFFFFB0  }
0xdd: {  	_ =	swait.ge [sflag:s26], $0x50  }
0xde: {  	[sflag:s26] =	ssyncset.done $0x0  }
0xdf: {  	s28 =	simm.s32 $0x500;
	s5 =	sld [smem:$0x7EC];
	[sflag:s26] =	ssyncadd.s32 $0xFFFFFFB0  }
0xe0: {  	[tilespmem:s20], [sflag:$0xA] =	stream.indirect.gather [hbm4b:s2+s6], $0x80, s28, s6, $0xb8;
	[tilespmem:$0x1E800] =	vst v63  }
0xe1: {  	s14 =	sld [smem:$0x7ED]  }
0xe2: {  	[tilespmem:s0], [sflag:$0x2] =	stream.linear.gather [hbm4b:s5+s3], $0x50, $0x38;
	[tilespmem:$0x1E800] =	vst v63  }
0xe3: {  	_ = 	snop  }
0xe4: {  	[tilespmem:s1], [sflag:$0x2] =	stream.linear.gather [hbm4b:s14+s3], $0x50, $0x38;
	[tilespmem:$0x1E800] =	vst v63  }
0xe5: {  	_ =	swait.ge [sflag:s12], $0x2800  }
0xe6: {  	[sflag:s12] =	ssyncset.done $0x0  }
0xe7: {  	s5 =	simm.s32 $0xF;
	s14 =	simm.s32 $0x480;
	[sflag:s12] =	ssyncadd.s32 $0xFFFFD800  }
0xe8: {  	[spmem:s4] =	stream.indirect.scatter.add.f32 [tilespmem:s30], [sflag:$0xD], $0x80, s14, s6, $0xb8;
	[tilespmem:$0x1E800] =	vst v63  }
0xe9: {  	_ =	swait.ge [sflag:s5], $0x2800  }
0xea: {  	[sflag:s5] =	ssyncset.done $0x0  }
0xeb: {  	s1 =	simm.s32 $0x7;
	[sflag:s5] =	ssyncadd.s32 $0xFFFFD800  }
0xec: {  	_ =	swait.ge [sflag:s1], $0x50  }
0xed: {  	[sflag:s1] =	ssyncset.done $0x0  }
0xee: {  	[sflag:s1] =	ssyncadd.s32 $0xFFFFFFB0  }
0xef: {  	_ =	swait.ge [sflag:s1], $0x50  }
0xf0: {  	[sflag:s1] =	ssyncset.done $0x0  }
0xf1: {  	s16 =	simm.s32 $0x600;
	s0 =	sld [smem:$0x7EE];
	[sflag:s1] =	ssyncadd.s32 $0xFFFFFFB0  }
0xf2: {  	[tilespmem:s18], [sflag:$0xB] =	stream.indirect.gather [hbm4b:s2+s6], $0x80, s16, s6, $0xb8;
	[tilespmem:$0x1E800] =	vst v63  }
0xf3: {  	s21 =	simm.s32 $0x200;
	s16 =	sld [smem:$0x7EF]  }
0xf4: {  	[tilespmem:s21], [sflag:$0x3] =	stream.linear.gather [hbm4b:s0+s3], $0x50, $0x38;
	[tilespmem:$0x1E800] =	vst v63  }
0xf5: {  	_ = 	snop  }
0xf6: {  	[tilespmem:s22], [sflag:$0x3] =	stream.linear.gather [hbm4b:s16+s3], $0x50, $0x38;
	[tilespmem:$0x1E800] =	vst v63  }
0xf7: {  	_ =	swait.ge [sflag:s7], $0x2800  }
0xf8: {  	[sflag:s7] =	ssyncset.done $0x0  }
0xf9: {  	s16 =	simm.s32 $0x580;
	s22 =	simm.s32 $0x10;
	[sflag:s7] =	ssyncadd.s32 $0xFFFFD800  }
0xfa: {  	[spmem:s4] =	stream.indirect.scatter.add.f32 [tilespmem:s20], [sflag:$0xE], $0x80, s16, s6, $0xb8;
	[tilespmem:$0x1E800] =	vst v63  }
0xfb: {  	_ =	swait.ge [sflag:s22], $0x2800  }
0xfc: {  	[sflag:s22] =	ssyncset.done $0x0  }
0xfd: {  	s0 =	simm.s32 $0x8;
	[sflag:s22] =	ssyncadd.s32 $0xFFFFD800  }
0xfe: {  	_ =	swait.ge [sflag:s0], $0x50  }
0xff: {  	[sflag:s0] =	ssyncset.done $0x0  }
0x100: {  	[sflag:s0] =	ssyncadd.s32 $0xFFFFFFB0  }
0x101: {  	_ =	swait.ge [sflag:s0], $0x50  }
0x102: {  	[sflag:s0] =	ssyncset.done $0x0  }
0x103: {  	s31 =	simm.s32 $0x700;
	s21 =	sld [smem:$0x7F0];
	[sflag:s0] =	ssyncadd.s32 $0xFFFFFFB0  }
0x104: {  	[tilespmem:s19], [sflag:$0xC] =	stream.indirect.gather [hbm4b:s2+s6], $0x80, s31, s6, $0xb8;
	[tilespmem:$0x1E800] =	vst v63  }
0x105: {  	s31 =	simm.s32 $0x300  }
0x106: {  	[tilespmem:s31], [sflag:$0x4] =	stream.linear.gather [hbm4b:s21+s3], $0x50, $0x38;
	[tilespmem:$0x1E800] =	vst v63  }
0x107: {  	s31 =	sld [smem:$0x7F1];
	_ =	sdelay $0x2  }
0x108: {  	[tilespmem:s15], [sflag:$0x4] =	stream.linear.gather [hbm4b:s31+s3], $0x50, $0x38;
	[tilespmem:$0x1E800] =	vst v63  }
0x109: {  	_ =	swait.ge [sflag:s8], $0x2800  }
0x10a: {  	[sflag:s8] =	ssyncset.done $0x0  }
0x10b: {  	s15 =	simm.s32 $0x680;
	[sflag:s8] =	ssyncadd.s32 $0xFFFFD800  }
0x10c: {  	[spmem:s4] =	stream.indirect.scatter.add.f32 [tilespmem:s18], [sflag:$0xF], $0x80, s15, s6, $0xb8;
	[tilespmem:$0x1E800] =	vst v63  }
0x10d: {  	_ =	swait.ge [sflag:s23], $0x2800  }
0x10e: {  	[sflag:s23] =	ssyncset.done $0x0  }
0x10f: {  	[sflag:s23] =	ssyncadd.s32 $0xFFFFD800  }
0x110: {  	_ =	swait.ge [sflag:s9], $0x50  }
0x111: {  	[sflag:s9] =	ssyncset.done $0x0  }
0x112: {  	[sflag:s9] =	ssyncadd.s32 $0xFFFFFFB0  }
0x113: {  	_ =	swait.ge [sflag:s9], $0x50  }
0x114: {  	[sflag:s9] =	ssyncset.done $0x0  }
0x115: {  	s21 =	sld [smem:$0x7F2];
	[sflag:s9] =	ssyncadd.s32 $0xFFFFFFB0  }
0x116: {  	[tilespmem:s30], [sflag:$0x9] =	stream.indirect.gather [hbm4b:s2+s6], $0x80, s3, s6, $0xb8;
	[tilespmem:$0x1E800] =	vst v63  }
0x117: {  	s31 =	simm.s32 $0x400  }
0x118: {  	[tilespmem:s31], [sflag:$0x5] =	stream.linear.gather [hbm4b:s21+s3], $0x50, $0x38;
	[tilespmem:$0x1E800] =	vst v63  }
0x119: {  	s21 =	sld [smem:$0x7F3];
	_ =	sdelay $0x2  }
0x11a: {  	[tilespmem:s14], [sflag:$0x5] =	stream.linear.gather [hbm4b:s21+s3], $0x50, $0x38;
	[tilespmem:$0x1E800] =	vst v63  }
0x11b: {  	_ =	swait.ge [sflag:s10], $0x2800  }
0x11c: {  	[sflag:s10] =	ssyncset.done $0x0  }
0x11d: {  	s14 =	simm.s32 $0x780;
	[sflag:s10] =	ssyncadd.s32 $0xFFFFD800  }
0x11e: {  	[spmem:s4] =	stream.indirect.scatter.add.f32 [tilespmem:s19], [sflag:$0x10], $0x80, s14, s6, $0xb8;
	[tilespmem:$0x1E800] =	vst v63  }
0x11f: {  	_ =	swait.ge [sflag:s25], $0x2800  }
0x120: {  	[sflag:s25] =	ssyncset.done $0x0  }
0x121: {  	[sflag:s25] =	ssyncadd.s32 $0xFFFFD800  }
0x122: {  	_ =	swait.ge [sflag:s11], $0x50  }
0x123: {  	[sflag:s11] =	ssyncset.done $0x0  }
0x124: {  	[sflag:s11] =	ssyncadd.s32 $0xFFFFFFB0  }
0x125: {  	_ =	swait.ge [sflag:s11], $0x50  }
0x126: {  	[sflag:s11] =	ssyncset.done $0x0  }
0x127: {  	s31 =	simm.s32 $0x100;
	s21 =	sld [smem:$0x7F4];
	[sflag:s11] =	ssyncadd.s32 $0xFFFFFFB0  }
0x128: {  	[tilespmem:s20], [sflag:$0xA] =	stream.indirect.gather [hbm4b:s2+s6], $0x80, s31, s6, $0xb8;
	[tilespmem:$0x1E800] =	vst v63  }
0x129: {  	s31 =	sld [smem:$0x7F5]  }
0x12a: {  	[tilespmem:s28], [sflag:$0x6] =	stream.linear.gather [hbm4b:s21+s3], $0x50, $0x38;
	[tilespmem:$0x1E800] =	vst v63  }
0x12b: {  	_ = 	snop  }
0x12c: {  	[tilespmem:s16], [sflag:$0x6] =	stream.linear.gather [hbm4b:s31+s3], $0x50, $0x38;
	[tilespmem:$0x1E800] =	vst v63  }
0x12d: {  	_ =	swait.ge [sflag:s12], $0x2800  }
0x12e: {  	[sflag:s12] =	ssyncset.done $0x0  }
0x12f: {  	s17 =	simm.s32 $0x80;
	[sflag:s12] =	ssyncadd.s32 $0xFFFFD800  }
0x130: {  	[spmem:s4] =	stream.indirect.scatter.add.f32 [tilespmem:s30], [sflag:$0xD], $0x80, s17, s6, $0xb8;
	[tilespmem:$0x1E800] =	vst v63  }
0x131: {  	_ =	swait.ge [sflag:s5], $0x2800  }
0x132: {  	[sflag:s5] =	ssyncset.done $0x0  }
0x133: {  	[sflag:s5] =	ssyncadd.s32 $0xFFFFD800  }
0x134: {  	_ =	swait.ge [sflag:s29], $0x50  }
0x135: {  	[sflag:s29] =	ssyncset.done $0x0  }
0x136: {  	[sflag:s29] =	ssyncadd.s32 $0xFFFFFFB0  }
0x137: {  	_ =	swait.ge [sflag:s29], $0x50  }
0x138: {  	[sflag:s29] =	ssyncset.done $0x0;
	s28 =	rddreg [dreg:$0x5]  }
0x139: {  	s31 =	simm.s32 $0x200;
	[sflag:s29] =	ssyncadd.s32 $0xFFFFFFB0;
	s29 =	sadd.s32 $0x0, s28  }
0x13a: {  	[tilespmem:s18], [sflag:$0xB] =	stream.indirect.gather [hbm4b:s2+s6], $0x80, s31, s6, $0xb8;
	[tilespmem:$0x1E800] =	vst v63  }
0x13b: {  	s21 =	simm.s32 $0x600;
	s28 =	sadd.s32 $0x8C, s29  }
0x13c: {  	[tilespmem:s21], [sflag:$0x7] =	stream.linear.gather [hbm4b:s28+s3], $0x50, $0x38;
	[tilespmem:$0x1E800] =	vst v63  }
0x13d: {  	s28 =	sadd.s32 $0x9CCC, s29  }
0x13e: {  	[tilespmem:s15], [sflag:$0x7] =	stream.linear.gather [hbm4b:s28+s3], $0x50, $0x38;
	[tilespmem:$0x1E800] =	vst v63  }
0x13f: {  	_ =	swait.ge [sflag:s7], $0x2800  }
0x140: {  	[sflag:s7] =	ssyncset.done $0x0  }
0x141: {  	s15 =	simm.s32 $0x180;
	[sflag:s7] =	ssyncadd.s32 $0xFFFFD800  }
0x142: {  	[spmem:s4] =	stream.indirect.scatter.add.f32 [tilespmem:s20], [sflag:$0xE], $0x80, s15, s6, $0xb8;
	[tilespmem:$0x1E800] =	vst v63  }
0x143: {  	_ =	swait.ge [sflag:s22], $0x2800  }
0x144: {  	[sflag:s22] =	ssyncset.done $0x0  }
0x145: {  	[sflag:s22] =	ssyncadd.s32 $0xFFFFD800  }
0x146: {  	_ =	swait.ge [sflag:s13], $0x50  }
0x147: {  	[sflag:s13] =	ssyncset.done $0x0  }
0x148: {  	[sflag:s13] =	ssyncadd.s32 $0xFFFFFFB0  }
0x149: {  	_ =	swait.ge [sflag:s13], $0x50  }
0x14a: {  	[sflag:s13] =	ssyncset.done $0x0  }
0x14b: {  	s16 =	simm.s32 $0x300;
	[sflag:s13] =	ssyncadd.s32 $0xFFFFFFB0  }
0x14c: {  	[tilespmem:s19], [sflag:$0xC] =	stream.indirect.gather [hbm4b:s2+s6], $0x80, s16, s6, $0xb8;
	[tilespmem:$0x1E800] =	vst v63  }
0x14d: {  	s21 =	simm.s32 $0x700;
	s28 =	sadd.s32 $0x96, s29  }
0x14e: {  	[tilespmem:s21], [sflag:$0x8] =	stream.linear.gather [hbm4b:s28+s3], $0x50, $0x38;
	[tilespmem:$0x1E800] =	vst v63  }
0x14f: {  	s28 =	sadd.s32 $0x9CD6, s29  }
0x150: {  	[tilespmem:s14], [sflag:$0x8] =	stream.linear.gather [hbm4b:s28+s3], $0x50, $0x38;
	[tilespmem:$0x1E800] =	vst v63  }
0x151: {  	_ =	swait.ge [sflag:s8], $0x2800  }
0x152: {  	[sflag:s8] =	ssyncset.done $0x0  }
0x153: {  	s14 =	simm.s32 $0x280;
	[sflag:s8] =	ssyncadd.s32 $0xFFFFD800  }
0x154: {  	[spmem:s4] =	stream.indirect.scatter.add.f32 [tilespmem:s18], [sflag:$0xF], $0x80, s14, s6, $0xb8;
	[tilespmem:$0x1E800] =	vst v63  }
0x155: {  	_ =	swait.ge [sflag:s23], $0x2800  }
0x156: {  	[sflag:s23] =	ssyncset.done $0x0  }
0x157: {  	[sflag:s23] =	ssyncadd.s32 $0xFFFFD800  }
0x158: {  	_ =	swait.ge [sflag:s24], $0x50  }
0x159: {  	[sflag:s24] =	ssyncset.done $0x0  }
0x15a: {  	[sflag:s24] =	ssyncadd.s32 $0xFFFFFFB0  }
0x15b: {  	_ =	swait.ge [sflag:s24], $0x50  }
0x15c: {  	[sflag:s24] =	ssyncset.done $0x0  }
0x15d: {  	s21 =	simm.s32 $0x400;
	[sflag:s24] =	ssyncadd.s32 $0xFFFFFFB0  }
0x15e: {  	[tilespmem:s30], [sflag:$0x9] =	stream.indirect.gather [hbm4b:s2+s6], $0x80, s21, s6, $0xb8;
	[tilespmem:$0x1E800] =	vst v63  }
0x15f: {  	s28 =	sadd.s32 $0xA0, s29  }
0x160: {  	[tilespmem:s3], [sflag:$0x1] =	stream.linear.gather [hbm4b:s28+s3], $0x50, $0x38;
	[tilespmem:$0x1E800] =	vst v63  }
0x161: {  	s28 =	sadd.s32 $0x9CE0, s29  }
0x162: {  	[tilespmem:s17], [sflag:$0x1] =	stream.linear.gather [hbm4b:s28+s3], $0x50, $0x38;
	[tilespmem:$0x1E800] =	vst v63  }
0x163: {  	_ =	swait.ge [sflag:s10], $0x2800  }
0x164: {  	[sflag:s10] =	ssyncset.done $0x0  }
0x165: {  	s13 =	simm.s32 $0x380;
	[sflag:s10] =	ssyncadd.s32 $0xFFFFD800  }
0x166: {  	[spmem:s4] =	stream.indirect.scatter.add.f32 [tilespmem:s19], [sflag:$0x10], $0x80, s13, s6, $0xb8;
	[tilespmem:$0x1E800] =	vst v63  }
0x167: {  	_ =	swait.ge [sflag:s25], $0x2800  }
0x168: {  	[sflag:s25] =	ssyncset.done $0x0  }
0x169: {  	[sflag:s25] =	ssyncadd.s32 $0xFFFFD800  }
0x16a: {  	_ =	swait.ge [sflag:s26], $0x50  }
0x16b: {  	[sflag:s26] =	ssyncset.done $0x0  }
0x16c: {  	[sflag:s26] =	ssyncadd.s32 $0xFFFFFFB0  }
0x16d: {  	_ =	swait.ge [sflag:s26], $0x50  }
0x16e: {  	[sflag:s26] =	ssyncset.done $0x0  }
0x16f: {  	[sflag:s26] =	ssyncadd.s32 $0xFFFFFFB0;
	s26 =	simm.s32 $0x500  }
0x170: {  	[tilespmem:s20], [sflag:$0xA] =	stream.indirect.gather [hbm4b:s2+s6], $0x80, s26, s6, $0xb8;
	[tilespmem:$0x1E800] =	vst v63  }
0x171: {  	s24 =	simm.s32 $0x100;
	s28 =	sadd.s32 $0xAA, s29  }
0x172: {  	[tilespmem:s24], [sflag:$0x2] =	stream.linear.gather [hbm4b:s28+s3], $0x50, $0x38;
	[tilespmem:$0x1E800] =	vst v63  }
0x173: {  	s28 =	sadd.s32 $0x9CEA, s29  }
0x174: {  	[tilespmem:s15], [sflag:$0x2] =	stream.linear.gather [hbm4b:s28+s3], $0x50, $0x38;
	[tilespmem:$0x1E800] =	vst v63  }
0x175: {  	_ =	swait.ge [sflag:s12], $0x2800  }
0x176: {  	[sflag:s12] =	ssyncset.done $0x0  }
0x177: {  	[sflag:s12] =	ssyncadd.s32 $0xFFFFD800;
	s12 =	simm.s32 $0x480  }
0x178: {  	[spmem:s4] =	stream.indirect.scatter.add.f32 [tilespmem:s30], [sflag:$0xD], $0x80, s12, s6, $0xb8;
	[tilespmem:$0x1E800] =	vst v63  }
0x179: {  	_ =	swait.ge [sflag:s5], $0x2800  }
0x17a: {  	[sflag:s5] =	ssyncset.done $0x0  }
0x17b: {  	[sflag:s5] =	ssyncadd.s32 $0xFFFFD800  }
0x17c: {  	_ =	swait.ge [sflag:s1], $0x50  }
0x17d: {  	[sflag:s1] =	ssyncset.done $0x0  }
0x17e: {  	[sflag:s1] =	ssyncadd.s32 $0xFFFFFFB0  }
0x17f: {  	_ =	swait.ge [sflag:s1], $0x50  }
0x180: {  	[sflag:s1] =	ssyncset.done $0x0  }
0x181: {  	s5 =	simm.s32 $0x600;
	[sflag:s1] =	ssyncadd.s32 $0xFFFFFFB0  }
0x182: {  	[tilespmem:s18], [sflag:$0xB] =	stream.indirect.gather [hbm4b:s2+s6], $0x80, s5, s6, $0xb8;
	[tilespmem:$0x1E800] =	vst v63  }
0x183: {  	s28 =	sadd.s32 $0xB4, s29  }
0x184: {  	[tilespmem:s31], [sflag:$0x3] =	stream.linear.gather [hbm4b:s28+s3], $0x50, $0x38;
	[tilespmem:$0x1E800] =	vst v63  }
0x185: {  	s28 =	sadd.s32 $0x9CF4, s29  }
0x186: {  	[tilespmem:s14], [sflag:$0x3] =	stream.linear.gather [hbm4b:s28+s3], $0x50, $0x38;
	[tilespmem:$0x1E800] =	vst v63  }
0x187: {  	_ =	swait.ge [sflag:s7], $0x2800  }
0x188: {  	[sflag:s7] =	ssyncset.done $0x0  }
0x189: {  	s15 =	simm.s32 $0x580;
	[sflag:s7] =	ssyncadd.s32 $0xFFFFD800  }
0x18a: {  	[spmem:s4] =	stream.indirect.scatter.add.f32 [tilespmem:s20], [sflag:$0xE], $0x80, s15, s6, $0xb8;
	[tilespmem:$0x1E800] =	vst v63  }
0x18b: {  	_ =	swait.ge [sflag:s22], $0x2800  }
0x18c: {  	[sflag:s22] =	ssyncset.done $0x0  }
0x18d: {  	[sflag:s22] =	ssyncadd.s32 $0xFFFFD800  }
0x18e: {  	_ =	swait.ge [sflag:s0], $0x50  }
0x18f: {  	[sflag:s0] =	ssyncset.done $0x0  }
0x190: {  	[sflag:s0] =	ssyncadd.s32 $0xFFFFFFB0  }
0x191: {  	_ =	swait.ge [sflag:s0], $0x50  }
0x192: {  	[sflag:s0] =	ssyncset.done $0x0  }
0x193: {  	s17 =	simm.s32 $0x700;
	[sflag:s0] =	ssyncadd.s32 $0xFFFFFFB0  }
0x194: {  	[tilespmem:s19], [sflag:$0xC] =	stream.indirect.gather [hbm4b:s2+s6], $0x80, s17, s6, $0xb8;
	[tilespmem:$0x1E800] =	vst v63  }
0x195: {  	s28 =	sadd.s32 $0xBE, s29  }
0x196: {  	[tilespmem:s16], [sflag:$0x4] =	stream.linear.gather [hbm4b:s28+s3], $0x50, $0x38;
	[tilespmem:$0x1E800] =	vst v63  }
0x197: {  	s28 =	sadd.s32 $0x9CFE, s29  }
0x198: {  	[tilespmem:s13], [sflag:$0x4] =	stream.linear.gather [hbm4b:s28+s3], $0x50, $0x38;
	[tilespmem:$0x1E800] =	vst v63  }
0x199: {  	_ =	swait.ge [sflag:s8], $0x2800  }
0x19a: {  	[sflag:s8] =	ssyncset.done $0x0  }
0x19b: {  	s22 =	simm.s32 $0x680;
	[sflag:s8] =	ssyncadd.s32 $0xFFFFD800  }
0x19c: {  	[spmem:s4] =	stream.indirect.scatter.add.f32 [tilespmem:s18], [sflag:$0xF], $0x80, s22, s6, $0xb8;
	[tilespmem:$0x1E800] =	vst v63  }
0x19d: {  	_ =	swait.ge [sflag:s23], $0x2800  }
0x19e: {  	[sflag:s23] =	ssyncset.done $0x0  }
0x19f: {  	[sflag:s23] =	ssyncadd.s32 $0xFFFFD800  }
0x1a0: {  	_ =	swait.ge [sflag:s9], $0x50  }
0x1a1: {  	[sflag:s9] =	ssyncset.done $0x0  }
0x1a2: {  	[sflag:s9] =	ssyncadd.s32 $0xFFFFFFB0  }
0x1a3: {  	_ =	swait.ge [sflag:s9], $0x50  }
0x1a4: {  	[sflag:s9] =	ssyncset.done $0x0  }
0x1a5: {  	[sflag:s9] =	ssyncadd.s32 $0xFFFFFFB0  }
0x1a6: {  	[tilespmem:s30], [sflag:$0x9] =	stream.indirect.gather [hbm4b:s2+s6], $0x80, s3, s6, $0xb8;
	[tilespmem:$0x1E800] =	vst v63  }
0x1a7: {  	s28 =	sadd.s32 $0xC8, s29  }
0x1a8: {  	[tilespmem:s21], [sflag:$0x5] =	stream.linear.gather [hbm4b:s28+s3], $0x50, $0x38;
	[tilespmem:$0x1E800] =	vst v63  }
0x1a9: {  	s28 =	sadd.s32 $0x9D08, s29  }
0x1aa: {  	[tilespmem:s12], [sflag:$0x5] =	stream.linear.gather [hbm4b:s28+s3], $0x50, $0x38;
	[tilespmem:$0x1E800] =	vst v63  }
0x1ab: {  	_ =	swait.ge [sflag:s10], $0x2800  }
0x1ac: {  	[sflag:s10] =	ssyncset.done $0x0  }
0x1ad: {  	s31 =	simm.s32 $0x780;
	[sflag:s10] =	ssyncadd.s32 $0xFFFFD800  }
0x1ae: {  	[spmem:s4] =	stream.indirect.scatter.add.f32 [tilespmem:s19], [sflag:$0x10], $0x80, s31, s6, $0xb8;
	[tilespmem:$0x1E800] =	vst v63  }
0x1af: {  	_ =	swait.ge [sflag:s25], $0x2800  }
0x1b0: {  	[sflag:s25] =	ssyncset.done $0x0  }
0x1b1: {  	[sflag:s25] =	ssyncadd.s32 $0xFFFFD800  }
0x1b2: {  	_ =	swait.ge [sflag:s11], $0x50  }
0x1b3: {  	[sflag:s11] =	ssyncset.done $0x0  }
0x1b4: {  	[sflag:s11] =	ssyncadd.s32 $0xFFFFFFB0  }
0x1b5: {  	_ =	swait.ge [sflag:s11], $0x50  }
0x1b6: {  	[sflag:s11] =	ssyncset.done $0x0  }
0x1b7: {  	[sflag:s11] =	ssyncadd.s32 $0xFFFFFFB0  }
0x1b8: {  	[tilespmem:s20], [sflag:$0xA] =	stream.indirect.gather [hbm4b:s2+s6], $0x80, s24, s6, $0xb8;
	[tilespmem:$0x1E800] =	vst v63  }
0x1b9: {  	s28 =	sadd.s32 $0xD2, s29  }
0x1ba: {  	[tilespmem:s26], [sflag:$0x6] =	stream.linear.gather [hbm4b:s28+s3], $0x50, $0x38;
	[tilespmem:$0x1E800] =	vst v63  }
0x1bb: {  	s29 =	sadd.s32 $0x9D12, s29;
	s28 =	simm.s32 $0x50  }
.LBB2_2:
0x1bc: {  	s1 =	simm.s32 $0x580;
	s0 =	simm.s32 $0x0;
	s31 =	simm.s32 $0x9  }
0x1bd: {  	[tilespmem:s1], [sflag:$0x6] =	stream.linear.gather [hbm4b:s29+s0], $0x50, $0x38;
	[tilespmem:$0x1E800] =	vst v63  }
0x1be: {  	_ =	swait.ge [sflag:s31], $0x2800  }
0x1bf: {  	[sflag:s31] =	ssyncset.done $0x0  }
0x1c0: {  	s21 =	simm.s32 $0x80;
	[sflag:s31] =	ssyncadd.s32 $0xFFFFD800  }
0x1c1: {  	s11 =	simm.s32 $0x800;
	s2 =	simm.s32 $0xF;
	s1 =	rddreg [dreg:$0x3]  }
0x1c2: {  	[spmem:s1] =	stream.indirect.scatter.add.f32 [tilespmem:s11], [sflag:$0xD], $0x80, s21, s6, $0xb8;
	[tilespmem:$0x1E800] =	vst v63  }
0x1c3: {  	_ =	swait.ge [sflag:s2], $0x2800  }
0x1c4: {  	[sflag:s2] =	ssyncset.done $0x0  }
0x1c5: {  	s4 =	simm.s32 $0x3;
	[sflag:s2] =	ssyncadd.s32 $0xFFFFD800  }
0x1c6: {  	_ =	swait.ge [sflag:s4], $0x50  }
0x1c7: {  	[sflag:s4] =	ssyncset.done $0x0  }
0x1c8: {  	[sflag:s4] =	ssyncadd.s32 $0xFFFFFFB0  }
0x1c9: {  	s30 =	smov.u32 s28;
	s20 =	simm.s32 $0x200;
	_ =	swait.ge [sflag:s4], $0x50  }
0x1ca: {  	s7 =	simm.s32 $0x5800;
	[sflag:s4] =	ssyncset.done $0x0;
	s29 =	rddreg [dreg:$0x5]  }
0x1cb: {  	s3 =	rddreg [dreg:$0x6];
	[sflag:s4] =	ssyncadd.s32 $0xFFFFFFB0;
	s29 =	sadd.s32 s30, s29  }
0x1cc: {  	[tilespmem:s7], [sflag:$0xB] =	stream.indirect.gather [hbm4b:s3+s6], $0x80, s20, s6, $0xb8;
	[tilespmem:$0x1E800] =	vst v63  }
0x1cd: {  	s5 =	simm.s32 $0x600;
	s30 =	sadd.s32 $0x8C, s29  }
0x1ce: {  	[tilespmem:s5], [sflag:$0x7] =	stream.linear.gather [hbm4b:s30+s0], $0x50, $0x38;
	[tilespmem:$0x1E800] =	vst v63  }
0x1cf: {  	s9 =	simm.s32 $0x680;
	s13 =	simm.s32 $0xA;
	s17 =	sadd.s32 $0x9CCC, s29  }
0x1d0: {  	[tilespmem:s9], [sflag:$0x7] =	stream.linear.gather [hbm4b:s17+s0], $0x50, $0x38;
	[tilespmem:$0x1E800] =	vst v63  }
0x1d1: {  	_ =	swait.ge [sflag:s13], $0x2800  }
0x1d2: {  	s18 =	simm.s32 $0x180;
	[sflag:s13] =	ssyncset.done $0x0  }
0x1d3: {  	s12 =	simm.s32 $0x3000;
	s22 =	simm.s32 $0x10;
	[sflag:s13] =	ssyncadd.s32 $0xFFFFD800  }
0x1d4: {  	[spmem:s1] =	stream.indirect.scatter.add.f32 [tilespmem:s12], [sflag:$0xE], $0x80, s18, s6, $0xb8;
	[tilespmem:$0x1E800] =	vst v63  }
0x1d5: {  	_ =	swait.ge [sflag:s22], $0x2800  }
0x1d6: {  	[sflag:s22] =	ssyncset.done $0x0  }
0x1d7: {  	s23 =	simm.s32 $0x4;
	[sflag:s22] =	ssyncadd.s32 $0xFFFFD800  }
0x1d8: {  	_ =	swait.ge [sflag:s23], $0x50  }
0x1d9: {  	[sflag:s23] =	ssyncset.done $0x0  }
0x1da: {  	[sflag:s23] =	ssyncadd.s32 $0xFFFFFFB0  }
0x1db: {  	_ =	swait.ge [sflag:s23], $0x50  }
0x1dc: {  	[sflag:s23] =	ssyncset.done $0x0  }
0x1dd: {  	s10 =	simm.s32 $0x300;
	s16 =	simm.s32 $0x8000;
	[sflag:s23] =	ssyncadd.s32 $0xFFFFFFB0  }
0x1de: {  	[tilespmem:s16], [sflag:$0xC] =	stream.indirect.gather [hbm4b:s3+s6], $0x80, s10, s6, $0xb8;
	[tilespmem:$0x1E800] =	vst v63  }
0x1df: {  	s19 =	simm.s32 $0x700;
	s24 =	sadd.s32 $0x96, s29  }
0x1e0: {  	[tilespmem:s19], [sflag:$0x8] =	stream.linear.gather [hbm4b:s24+s0], $0x50, $0x38;
	[tilespmem:$0x1E800] =	vst v63  }
0x1e1: {  	s26 =	simm.s32 $0x780;
	s25 =	sadd.s32 $0x9CD6, s29;
	s23 =	simm.s32 $0xB  }
0x1e2: {  	[tilespmem:s26], [sflag:$0x8] =	stream.linear.gather [hbm4b:s25+s0], $0x50, $0x38;
	[tilespmem:$0x1E800] =	vst v63  }
0x1e3: {  	_ =	swait.ge [sflag:s23], $0x2800  }
0x1e4: {  	[sflag:s23] =	ssyncset.done $0x0  }
0x1e5: {  	s8 =	simm.s32 $0x280;
	s24 =	simm.s32 $0xD;
	[sflag:s23] =	ssyncadd.s32 $0xFFFFD800  }
0x1e6: {  	[spmem:s1] =	stream.indirect.scatter.add.f32 [tilespmem:s7], [sflag:$0xF], $0x80, s8, s6, $0xb8;
	[tilespmem:$0x1E800] =	vst v63  }
0x1e7: {  	_ =	swait.ge [sflag:s24], $0x2800  }
0x1e8: {  	[sflag:s24] =	ssyncset.done $0x0  }
0x1e9: {  	s30 =	simm.s32 $0x5;
	[sflag:s24] =	ssyncadd.s32 $0xFFFFD800  }
0x1ea: {  	_ =	swait.ge [sflag:s30], $0x50  }
0x1eb: {  	[sflag:s30] =	ssyncset.done $0x0  }
0x1ec: {  	[sflag:s30] =	ssyncadd.s32 $0xFFFFFFB0  }
0x1ed: {  	_ =	swait.ge [sflag:s30], $0x50  }
0x1ee: {  	[sflag:s30] =	ssyncset.done $0x0  }
0x1ef: {  	s14 =	simm.s32 $0x400;
	[sflag:s30] =	ssyncadd.s32 $0xFFFFFFB0  }
0x1f0: {  	[tilespmem:s11], [sflag:$0x9] =	stream.indirect.gather [hbm4b:s3+s6], $0x80, s14, s6, $0xb8;
	[tilespmem:$0x1E800] =	vst v63  }
0x1f1: {  	s4 =	sadd.s32 $0xA0, s29  }
0x1f2: {  	[tilespmem:s0], [sflag:$0x1] =	stream.linear.gather [hbm4b:s4+s0], $0x50, $0x38;
	[tilespmem:$0x1E800] =	vst v63  }
0x1f3: {  	s15 =	sadd.s32 $0x9CE0, s29;
	s25 =	simm.s32 $0xC  }
0x1f4: {  	[tilespmem:s21], [sflag:$0x1] =	stream.linear.gather [hbm4b:s15+s0], $0x50, $0x38;
	[tilespmem:$0x1E800] =	vst v63  }
0x1f5: {  	_ =	swait.ge [sflag:s25], $0x2800  }
0x1f6: {  	[sflag:s25] =	ssyncset.done $0x0  }
0x1f7: {  	s26 =	simm.s32 $0xE;
	s15 =	simm.s32 $0x380;
	[sflag:s25] =	ssyncadd.s32 $0xFFFFD800  }
0x1f8: {  	[spmem:s1] =	stream.indirect.scatter.add.f32 [tilespmem:s16], [sflag:$0x10], $0x80, s15, s6, $0xb8;
	[tilespmem:$0x1E800] =	vst v63  }
0x1f9: {  	_ =	swait.ge [sflag:s26], $0x2800  }
0x1fa: {  	[sflag:s26] =	ssyncset.done $0x0  }
0x1fb: {  	s21 =	simm.s32 $0x6;
	[sflag:s26] =	ssyncadd.s32 $0xFFFFD800  }
0x1fc: {  	_ =	swait.ge [sflag:s21], $0x50  }
0x1fd: {  	[sflag:s21] =	ssyncset.done $0x0  }
0x1fe: {  	[sflag:s21] =	ssyncadd.s32 $0xFFFFFFB0  }
0x1ff: {  	_ =	swait.ge [sflag:s21], $0x50  }
0x200: {  	[sflag:s21] =	ssyncset.done $0x0  }
0x201: {  	s4 =	simm.s32 $0x500;
	[sflag:s21] =	ssyncadd.s32 $0xFFFFFFB0  }
0x202: {  	[tilespmem:s12], [sflag:$0xA] =	stream.indirect.gather [hbm4b:s3+s6], $0x80, s4, s6, $0xb8;
	[tilespmem:$0x1E800] =	vst v63  }
0x203: {  	s17 =	sadd.s32 $0xAA, s29;
	s21 =	simm.s32 $0x100  }
0x204: {  	[tilespmem:s21], [sflag:$0x2] =	stream.linear.gather [hbm4b:s17+s0], $0x50, $0x38;
	[tilespmem:$0x1E800] =	vst v63  }
0x205: {  	s30 =	sadd.s32 $0x9CEA, s29  }
0x206: {  	[tilespmem:s18], [sflag:$0x2] =	stream.linear.gather [hbm4b:s30+s0], $0x50, $0x38;
	[tilespmem:$0x1E800] =	vst v63  }
0x207: {  	_ =	swait.ge [sflag:s31], $0x2800  }
0x208: {  	[sflag:s31] =	ssyncset.done $0x0  }
0x209: {  	[sflag:s31] =	ssyncadd.s32 $0xFFFFD800;
	s31 =	simm.s32 $0x480  }
0x20a: {  	[spmem:s1] =	stream.indirect.scatter.add.f32 [tilespmem:s11], [sflag:$0xD], $0x80, s31, s6, $0xb8;
	[tilespmem:$0x1E800] =	vst v63  }
0x20b: {  	_ =	swait.ge [sflag:s2], $0x2800  }
0x20c: {  	[sflag:s2] =	ssyncset.done $0x0  }
0x20d: {  	s30 =	simm.s32 $0x7;
	[sflag:s2] =	ssyncadd.s32 $0xFFFFD800  }
0x20e: {  	_ =	swait.ge [sflag:s30], $0x50  }
0x20f: {  	[sflag:s30] =	ssyncset.done $0x0  }
0x210: {  	[sflag:s30] =	ssyncadd.s32 $0xFFFFFFB0  }
0x211: {  	_ =	swait.ge [sflag:s30], $0x50  }
0x212: {  	[sflag:s30] =	ssyncset.done $0x0  }
0x213: {  	[sflag:s30] =	ssyncadd.s32 $0xFFFFFFB0  }
0x214: {  	[tilespmem:s7], [sflag:$0xB] =	stream.indirect.gather [hbm4b:s3+s6], $0x80, s5, s6, $0xb8;
	[tilespmem:$0x1E800] =	vst v63  }
0x215: {  	s17 =	sadd.s32 $0xB4, s29  }
0x216: {  	[tilespmem:s20], [sflag:$0x3] =	stream.linear.gather [hbm4b:s17+s0], $0x50, $0x38;
	[tilespmem:$0x1E800] =	vst v63  }
0x217: {  	s2 =	sadd.s32 $0x9CF4, s29  }
0x218: {  	[tilespmem:s8], [sflag:$0x3] =	stream.linear.gather [hbm4b:s2+s0], $0x50, $0x38;
	[tilespmem:$0x1E800] =	vst v63  }
0x219: {  	_ =	swait.ge [sflag:s13], $0x2800  }
0x21a: {  	[sflag:s13] =	ssyncset.done $0x0  }
0x21b: {  	s5 =	simm.s32 $0x580;
	[sflag:s13] =	ssyncadd.s32 $0xFFFFD800  }
0x21c: {  	[spmem:s1] =	stream.indirect.scatter.add.f32 [tilespmem:s12], [sflag:$0xE], $0x80, s5, s6, $0xb8;
	[tilespmem:$0x1E800] =	vst v63  }
0x21d: {  	_ =	swait.ge [sflag:s22], $0x2800  }
0x21e: {  	[sflag:s22] =	ssyncset.done $0x0  }
0x21f: {  	s8 =	simm.s32 $0x8;
	[sflag:s22] =	ssyncadd.s32 $0xFFFFD800  }
0x220: {  	_ =	swait.ge [sflag:s8], $0x50  }
0x221: {  	[sflag:s8] =	ssyncset.done $0x0  }
0x222: {  	[sflag:s8] =	ssyncadd.s32 $0xFFFFFFB0  }
0x223: {  	_ =	swait.ge [sflag:s8], $0x50  }
0x224: {  	[sflag:s8] =	ssyncset.done $0x0  }
0x225: {  	[sflag:s8] =	ssyncadd.s32 $0xFFFFFFB0  }
0x226: {  	[tilespmem:s16], [sflag:$0xC] =	stream.indirect.gather [hbm4b:s3+s6], $0x80, s19, s6, $0xb8;
	[tilespmem:$0x1E800] =	vst v63  }
0x227: {  	s13 =	sadd.s32 $0xBE, s29  }
0x228: {  	[tilespmem:s10], [sflag:$0x4] =	stream.linear.gather [hbm4b:s13+s0], $0x50, $0x38;
	[tilespmem:$0x1E800] =	vst v63  }
0x229: {  	s19 =	sadd.s32 $0x9CFE, s29  }
0x22a: {  	[tilespmem:s15], [sflag:$0x4] =	stream.linear.gather [hbm4b:s19+s0], $0x50, $0x38;
	[tilespmem:$0x1E800] =	vst v63  }
0x22b: {  	_ =	swait.ge [sflag:s23], $0x2800  }
0x22c: {  	[sflag:s23] =	ssyncset.done $0x0  }
0x22d: {  	[sflag:s23] =	ssyncadd.s32 $0xFFFFD800  }
0x22e: {  	[spmem:s1] =	stream.indirect.scatter.add.f32 [tilespmem:s7], [sflag:$0xF], $0x80, s9, s6, $0xb8;
	[tilespmem:$0x1E800] =	vst v63  }
0x22f: {  	_ =	swait.ge [sflag:s24], $0x2800  }
0x230: {  	[sflag:s24] =	ssyncset.done $0x0  }
0x231: {  	s22 =	simm.s32 $0x1;
	[sflag:s24] =	ssyncadd.s32 $0xFFFFD800  }
0x232: {  	_ =	swait.ge [sflag:s22], $0x50  }
0x233: {  	[sflag:s22] =	ssyncset.done $0x0  }
0x234: {  	[sflag:s22] =	ssyncadd.s32 $0xFFFFFFB0  }
0x235: {  	_ =	swait.ge [sflag:s22], $0x50  }
0x236: {  	[sflag:s22] =	ssyncset.done $0x0  }
0x237: {  	[sflag:s22] =	ssyncadd.s32 $0xFFFFFFB0  }
0x238: {  	[tilespmem:s11], [sflag:$0x9] =	stream.indirect.gather [hbm4b:s3+s6], $0x80, s0, s6, $0xb8;
	[tilespmem:$0x1E800] =	vst v63  }
0x239: {  	s23 =	sadd.s32 $0xC8, s29  }
0x23a: {  	[tilespmem:s14], [sflag:$0x5] =	stream.linear.gather [hbm4b:s23+s0], $0x50, $0x38;
	[tilespmem:$0x1E800] =	vst v63  }
0x23b: {  	s24 =	sadd.s32 $0x9D08, s29  }
0x23c: {  	[tilespmem:s31], [sflag:$0x5] =	stream.linear.gather [hbm4b:s24+s0], $0x50, $0x38;
	[tilespmem:$0x1E800] =	vst v63  }
0x23d: {  	_ =	swait.ge [sflag:s25], $0x2800  }
0x23e: {  	[sflag:s25] =	ssyncset.done $0x0  }
0x23f: {  	[sflag:s25] =	ssyncadd.s32 $0xFFFFD800;
	s25 =	simm.s32 $0x780  }
0x240: {  	[spmem:s1] =	stream.indirect.scatter.add.f32 [tilespmem:s16], [sflag:$0x10], $0x80, s25, s6, $0xb8;
	[tilespmem:$0x1E800] =	vst v63  }
0x241: {  	_ =	swait.ge [sflag:s26], $0x2800  }
0x242: {  	[sflag:s26] =	ssyncset.done $0x0  }
0x243: {  	s30 =	simm.s32 $0x2;
	[sflag:s26] =	ssyncadd.s32 $0xFFFFD800  }
0x244: {  	_ =	swait.ge [sflag:s30], $0x50  }
0x245: {  	p1 =	sne.s32 s28, $0x8C0;
	[sflag:s30] =	ssyncset.done $0x0  }
0x246: {  	s28 =	sadd.s32 $0x50, s28;
	s18 =	simm.s32 $0x200;
	[sflag:s30] =	ssyncadd.s32 $0xFFFFFFB0  }
0x247: {  	s20 =	simm.s32 $0x280;
	s8 =	simm.s32 $0x300;
	_ =	swait.ge [sflag:s30], $0x50  }
.Ltmp0:
0x248: {  	s10 =	simm.s32 $0x380;
	[sflag:s30] =	ssyncset.done $0x0;
	(pc) =	sbr.rel @p1 .LBB2_2-.Ltmp0, $4  }
0x249: {  	s15 =	simm.s32 $0x400;
	s14 =	simm.s32 $0x480;
	[sflag:s30] =	ssyncadd.s32 $0xFFFFFFB0  }
0x24a: {  	[tilespmem:s12], [sflag:$0xA] =	stream.indirect.gather [hbm4b:s3+s6], $0x80, s21, s6, $0xb8;
	[tilespmem:$0x1E800] =	vst v63  }
0x24b: {  	s31 =	sadd.s32 $0xD2, s29;
	s29 =	sadd.s32 $0x9D12, s29;
	s21 =	simm.s32 $0x500  }
0x24c: {  	[tilespmem:s4], [sflag:$0x6] =	stream.linear.gather [hbm4b:s31+s0], $0x50, $0x38;
	[tilespmem:$0x1E800] =	vst v63  }
0x24d: {  	s4 =	simm.s32 $0x580;
	s0 =	simm.s32 $0x0;
	s12 =	simm.s32 $0x9  }
0x24e: {  	[tilespmem:s4], [sflag:$0x6] =	stream.linear.gather [hbm4b:s29+s0], $0x50, $0x38;
	[tilespmem:$0x1E800] =	vst v63  }
0x24f: {  	_ =	swait.ge [sflag:s12], $0x2800  }
0x250: {  	[sflag:s12] =	ssyncset.done $0x0  }
0x251: {  	s28 =	simm.s32 $0x80;
	[sflag:s12] =	ssyncadd.s32 $0xFFFFD800  }
0x252: {  	s9 =	simm.s32 $0x800;
	s2 =	simm.s32 $0xF;
	s1 =	rddreg [dreg:$0x3]  }
0x253: {  	[spmem:s1] =	stream.indirect.scatter.add.f32 [tilespmem:s9], [sflag:$0xD], $0x80, s28, s6, $0xb8;
	[tilespmem:$0x1E800] =	vst v63  }
0x254: {  	_ =	swait.ge [sflag:s2], $0x2800  }
0x255: {  	[sflag:s2] =	ssyncset.done $0x0  }
0x256: {  	s11 =	simm.s32 $0x3;
	[sflag:s2] =	ssyncadd.s32 $0xFFFFD800  }
0x257: {  	_ =	swait.ge [sflag:s11], $0x50  }
0x258: {  	[sflag:s11] =	ssyncset.done $0x0  }
0x259: {  	[sflag:s11] =	ssyncadd.s32 $0xFFFFFFB0  }
0x25a: {  	_ =	swait.ge [sflag:s11], $0x50  }
0x25b: {  	[sflag:s11] =	ssyncset.done $0x0;
	s3 =	rddreg [dreg:$0x6]  }
0x25c: {  	s7 =	simm.s32 $0x5800;
	s17 =	sld [smem:$0x7F6];
	[sflag:s11] =	ssyncadd.s32 $0xFFFFFFB0  }
0x25d: {  	[tilespmem:s7], [sflag:$0xB] =	stream.indirect.gather [hbm4b:s3+s6], $0x80, s18, s6, $0xb8;
	[tilespmem:$0x1E800] =	vst v63  }
0x25e: {  	s5 =	simm.s32 $0x600;
	s24 =	sld [smem:$0x7F7]  }
0x25f: {  	[tilespmem:s5], [sflag:$0x7] =	stream.linear.gather [hbm4b:s17+s0], $0x50, $0x38;
	[tilespmem:$0x1E800] =	vst v63  }
0x260: {  	s23 =	simm.s32 $0x680;
	s13 =	simm.s32 $0xA  }
0x261: {  	[tilespmem:s23], [sflag:$0x7] =	stream.linear.gather [hbm4b:s24+s0], $0x50, $0x38;
	[tilespmem:$0x1E800] =	vst v63  }
0x262: {  	_ =	swait.ge [sflag:s13], $0x2800  }
0x263: {  	s22 =	simm.s32 $0x10;
	[sflag:s13] =	ssyncset.done $0x0  }
0x264: {  	s29 =	simm.s32 $0x180;
	s11 =	simm.s32 $0x3000;
	[sflag:s13] =	ssyncadd.s32 $0xFFFFD800  }
0x265: {  	[spmem:s1] =	stream.indirect.scatter.add.f32 [tilespmem:s11], [sflag:$0xE], $0x80, s29, s6, $0xb8;
	[tilespmem:$0x1E800] =	vst v63  }
0x266: {  	_ =	swait.ge [sflag:s22], $0x2800  }
0x267: {  	[sflag:s22] =	ssyncset.done $0x0  }
0x268: {  	s25 =	simm.s32 $0x4;
	[sflag:s22] =	ssyncadd.s32 $0xFFFFD800  }
0x269: {  	_ =	swait.ge [sflag:s25], $0x50  }
0x26a: {  	[sflag:s25] =	ssyncset.done $0x0  }
0x26b: {  	[sflag:s25] =	ssyncadd.s32 $0xFFFFFFB0  }
0x26c: {  	_ =	swait.ge [sflag:s25], $0x50  }
0x26d: {  	[sflag:s25] =	ssyncset.done $0x0  }
0x26e: {  	s16 =	simm.s32 $0x8000;
	s26 =	sld [smem:$0x7F8];
	[sflag:s25] =	ssyncadd.s32 $0xFFFFFFB0  }
0x26f: {  	[tilespmem:s16], [sflag:$0xC] =	stream.indirect.gather [hbm4b:s3+s6], $0x80, s8, s6, $0xb8;
	[tilespmem:$0x1E800] =	vst v63  }
0x270: {  	s30 =	sld [smem:$0x7F9];
	s8 =	simm.s32 $0x700  }
0x271: {  	[tilespmem:s8], [sflag:$0x8] =	stream.linear.gather [hbm4b:s26+s0], $0x50, $0x38;
	[tilespmem:$0x1E800] =	vst v63  }
0x272: {  	s19 =	simm.s32 $0xB;
	s18 =	simm.s32 $0x780  }
0x273: {  	[tilespmem:s18], [sflag:$0x8] =	stream.linear.gather [hbm4b:s30+s0], $0x50, $0x38;
	[tilespmem:$0x1E800] =	vst v63  }
0x274: {  	_ =	swait.ge [sflag:s19], $0x2800  }
0x275: {  	[sflag:s19] =	ssyncset.done $0x0  }
0x276: {  	[sflag:s19] =	ssyncadd.s32 $0xFFFFD800  }
0x277: {  	[spmem:s1] =	stream.indirect.scatter.add.f32 [tilespmem:s7], [sflag:$0xF], $0x80, s20, s6, $0xb8;
	[tilespmem:$0x1E800] =	vst v63  }
0x278: {  	s20 =	simm.s32 $0xD  }
0x279: {  	_ =	swait.ge [sflag:s20], $0x2800  }
0x27a: {  	[sflag:s20] =	ssyncset.done $0x0  }
0x27b: {  	s31 =	simm.s32 $0x5;
	[sflag:s20] =	ssyncadd.s32 $0xFFFFD800  }
0x27c: {  	_ =	swait.ge [sflag:s31], $0x50  }
0x27d: {  	[sflag:s31] =	ssyncset.done $0x0  }
0x27e: {  	[sflag:s31] =	ssyncadd.s32 $0xFFFFFFB0  }
0x27f: {  	_ =	swait.ge [sflag:s31], $0x50  }
0x280: {  	[sflag:s31] =	ssyncset.done $0x0  }
0x281: {  	[sflag:s31] =	ssyncadd.s32 $0xFFFFFFB0  }
0x282: {  	[tilespmem:s9], [sflag:$0x9] =	stream.indirect.gather [hbm4b:s3+s6], $0x80, s15, s6, $0xb8;
	[tilespmem:$0x1E800] =	vst v63  }
0x283: {  	s15 =	sld [smem:$0x7FA];
	_ =	sdelay $0x1  }
0x284: {  	s24 =	sld [smem:$0x7FB]  }
0x285: {  	[tilespmem:s0], [sflag:$0x1] =	stream.linear.gather [hbm4b:s15+s0], $0x50, $0x38;
	[tilespmem:$0x1E800] =	vst v63  }
0x286: {  	s15 =	simm.s32 $0xC  }
0x287: {  	[tilespmem:s28], [sflag:$0x1] =	stream.linear.gather [hbm4b:s24+s0], $0x50, $0x38;
	[tilespmem:$0x1E800] =	vst v63  }
0x288: {  	_ =	swait.ge [sflag:s15], $0x2800  }
0x289: {  	[sflag:s15] =	ssyncset.done $0x0  }
0x28a: {  	[sflag:s15] =	ssyncadd.s32 $0xFFFFD800  }
0x28b: {  	[spmem:s1] =	stream.indirect.scatter.add.f32 [tilespmem:s16], [sflag:$0x10], $0x80, s10, s6, $0xb8;
	[tilespmem:$0x1E800] =	vst v63  }
0x28c: {  	s10 =	simm.s32 $0xE  }
0x28d: {  	_ =	swait.ge [sflag:s10], $0x2800  }
0x28e: {  	[sflag:s10] =	ssyncset.done $0x0  }
0x28f: {  	s25 =	simm.s32 $0x6;
	[sflag:s10] =	ssyncadd.s32 $0xFFFFD800  }
0x290: {  	_ =	swait.ge [sflag:s25], $0x50  }
0x291: {  	[sflag:s25] =	ssyncset.done $0x0  }
0x292: {  	[sflag:s25] =	ssyncadd.s32 $0xFFFFFFB0  }
0x293: {  	_ =	swait.ge [sflag:s25], $0x50  }
0x294: {  	[sflag:s25] =	ssyncset.done $0x0  }
0x295: {  	s26 =	sld [smem:$0x7FC];
	[sflag:s25] =	ssyncadd.s32 $0xFFFFFFB0  }
0x296: {  	[tilespmem:s11], [sflag:$0xA] =	stream.indirect.gather [hbm4b:s3+s6], $0x80, s21, s6, $0xb8;
	[tilespmem:$0x1E800] =	vst v63  }
0x297: {  	s30 =	simm.s32 $0x100;
	s31 =	sld [smem:$0x7FD]  }
0x298: {  	[tilespmem:s30], [sflag:$0x2] =	stream.linear.gather [hbm4b:s26+s0], $0x50, $0x38;
	[tilespmem:$0x1E800] =	vst v63  }
0x299: {  	_ = 	snop  }
0x29a: {  	[tilespmem:s29], [sflag:$0x2] =	stream.linear.gather [hbm4b:s31+s0], $0x50, $0x38;
	[tilespmem:$0x1E800] =	vst v63  }
0x29b: {  	_ =	swait.ge [sflag:s12], $0x2800  }
0x29c: {  	[sflag:s12] =	ssyncset.done $0x0  }
0x29d: {  	[sflag:s12] =	ssyncadd.s32 $0xFFFFD800  }
0x29e: {  	[spmem:s1] =	stream.indirect.scatter.add.f32 [tilespmem:s9], [sflag:$0xD], $0x80, s14, s6, $0xb8;
	[tilespmem:$0x1E800] =	vst v63  }
0x29f: {  	_ =	swait.ge [sflag:s2], $0x2800  }
0x2a0: {  	[sflag:s2] =	ssyncset.done $0x0  }
0x2a1: {  	s17 =	simm.s32 $0x7;
	[sflag:s2] =	ssyncadd.s32 $0xFFFFD800  }
0x2a2: {  	_ =	swait.ge [sflag:s17], $0x50  }
0x2a3: {  	[sflag:s17] =	ssyncset.done $0x0  }
0x2a4: {  	[sflag:s17] =	ssyncadd.s32 $0xFFFFFFB0  }
0x2a5: {  	_ =	swait.ge [sflag:s17], $0x50  }
0x2a6: {  	[sflag:s17] =	ssyncset.done $0x0  }
0x2a7: {  	[sflag:s17] =	ssyncadd.s32 $0xFFFFFFB0  }
0x2a8: {  	[tilespmem:s7], [sflag:$0xB] =	stream.indirect.gather [hbm4b:s3+s6], $0x80, s5, s6, $0xb8;
	[tilespmem:$0x1E800] =	vst v63  }
0x2a9: {  	_ =	swait.ge [sflag:s13], $0x2800  }
0x2aa: {  	[sflag:s13] =	ssyncset.done $0x0  }
0x2ab: {  	[sflag:s13] =	ssyncadd.s32 $0xFFFFD800  }
0x2ac: {  	[spmem:s1] =	stream.indirect.scatter.add.f32 [tilespmem:s11], [sflag:$0xE], $0x80, s4, s6, $0xb8;
	[tilespmem:$0x1E800] =	vst v63  }
0x2ad: {  	_ =	swait.ge [sflag:s22], $0x2800  }
0x2ae: {  	[sflag:s22] =	ssyncset.done $0x0  }
0x2af: {  	s24 =	simm.s32 $0x8;
	[sflag:s22] =	ssyncadd.s32 $0xFFFFD800  }
0x2b0: {  	_ =	swait.ge [sflag:s24], $0x50  }
0x2b1: {  	[sflag:s24] =	ssyncset.done $0x0  }
0x2b2: {  	[sflag:s24] =	ssyncadd.s32 $0xFFFFFFB0  }
0x2b3: {  	_ =	swait.ge [sflag:s24], $0x50  }
0x2b4: {  	[sflag:s24] =	ssyncset.done $0x0  }
0x2b5: {  	[sflag:s24] =	ssyncadd.s32 $0xFFFFFFB0  }
0x2b6: {  	[tilespmem:s16], [sflag:$0xC] =	stream.indirect.gather [hbm4b:s3+s6], $0x80, s8, s6, $0xb8;
	[tilespmem:$0x1E800] =	vst v63  }
0x2b7: {  	_ =	swait.ge [sflag:s19], $0x2800  }
0x2b8: {  	[sflag:s19] =	ssyncset.done $0x0  }
0x2b9: {  	[sflag:s19] =	ssyncadd.s32 $0xFFFFD800  }
0x2ba: {  	[spmem:s1] =	stream.indirect.scatter.add.f32 [tilespmem:s7], [sflag:$0xF], $0x80, s23, s6, $0xb8;
	[tilespmem:$0x1E800] =	vst v63  }
0x2bb: {  	_ =	swait.ge [sflag:s20], $0x2800  }
0x2bc: {  	[sflag:s20] =	ssyncset.done $0x0  }
0x2bd: {  	s25 =	simm.s32 $0x1;
	[sflag:s20] =	ssyncadd.s32 $0xFFFFD800  }
0x2be: {  	_ =	swait.ge [sflag:s25], $0x50  }
0x2bf: {  	[sflag:s25] =	ssyncset.done $0x0  }
0x2c0: {  	[sflag:s25] =	ssyncadd.s32 $0xFFFFFFB0  }
0x2c1: {  	_ =	swait.ge [sflag:s25], $0x50  }
0x2c2: {  	[sflag:s25] =	ssyncset.done $0x0  }
0x2c3: {  	[sflag:s25] =	ssyncadd.s32 $0xFFFFFFB0  }
0x2c4: {  	[tilespmem:s9], [sflag:$0x9] =	stream.indirect.gather [hbm4b:s3+s6], $0x80, s0, s6, $0xb8;
	[tilespmem:$0x1E800] =	vst v63  }
0x2c5: {  	_ =	swait.ge [sflag:s15], $0x2800  }
0x2c6: {  	[sflag:s15] =	ssyncset.done $0x0  }
0x2c7: {  	[sflag:s15] =	ssyncadd.s32 $0xFFFFD800  }
0x2c8: {  	[spmem:s1] =	stream.indirect.scatter.add.f32 [tilespmem:s16], [sflag:$0x10], $0x80, s18, s6, $0xb8;
	[tilespmem:$0x1E800] =	vst v63  }
0x2c9: {  	_ =	swait.ge [sflag:s10], $0x2800  }
0x2ca: {  	[sflag:s10] =	ssyncset.done $0x0  }
0x2cb: {  	s26 =	simm.s32 $0x2;
	[sflag:s10] =	ssyncadd.s32 $0xFFFFD800  }
0x2cc: {  	_ =	swait.ge [sflag:s26], $0x50  }
0x2cd: {  	[sflag:s26] =	ssyncset.done $0x0  }
0x2ce: {  	[sflag:s26] =	ssyncadd.s32 $0xFFFFFFB0  }
0x2cf: {  	_ =	swait.ge [sflag:s26], $0x50  }
0x2d0: {  	[sflag:s26] =	ssyncset.done $0x0  }
0x2d1: {  	[sflag:s26] =	ssyncadd.s32 $0xFFFFFFB0  }
0x2d2: {  	[tilespmem:s11], [sflag:$0xA] =	stream.indirect.gather [hbm4b:s3+s6], $0x80, s30, s6, $0xb8;
	[tilespmem:$0x1E800] =	vst v63  }
0x2d3: {  	_ =	swait.ge [sflag:s12], $0x2800  }
0x2d4: {  	[sflag:s12] =	ssyncset.done $0x0  }
0x2d5: {  	[sflag:s12] =	ssyncadd.s32 $0xFFFFD800  }
0x2d6: {  	[spmem:s1] =	stream.indirect.scatter.add.f32 [tilespmem:s9], [sflag:$0xD], $0x80, s28, s6, $0xb8;
	[tilespmem:$0x1E800] =	vst v63  }
0x2d7: {  	_ =	swait.ge [sflag:s2], $0x2800  }
0x2d8: {  	[sflag:s2] =	ssyncset.done $0x0  }
0x2d9: {  	[sflag:s2] =	ssyncadd.s32 $0xFFFFD800  }
0x2da: {  	_ =	swait.ge [sflag:s13], $0x2800  }
0x2db: {  	[sflag:s13] =	ssyncset.done $0x0  }
0x2dc: {  	[sflag:s13] =	ssyncadd.s32 $0xFFFFD800  }
0x2dd: {  	[spmem:s1] =	stream.indirect.scatter.add.f32 [tilespmem:s11], [sflag:$0xE], $0x80, s29, s6, $0xb8;
	[tilespmem:$0x1E800] =	vst v63  }
0x2de: {  	_ =	swait.ge [sflag:s22], $0x2800  }
0x2df: {  	[sflag:s22] =	ssyncset.done $0x0  }
0x2e0: {  	[sflag:s22] =	ssyncadd.s32 $0xFFFFD800  }
0x2e1: {  	_ =	swait.ge [sflag:s20], $0x2800  }
0x2e2: {  	[sflag:s20] =	ssyncset.done $0x0  }
0x2e3: {  	[sflag:s20] =	ssyncadd.s32 $0xFFFFD800  }
0x2e4: {  	_ =	swait.ge [sflag:s10], $0x2800  }
0x2e5: {  	[sflag:s10] =	ssyncset.done $0x0  }
0x2e6: {  	[sflag:s10] =	ssyncadd.s32 $0xFFFFD800  }
0x2e7: {  	[bflag:$0x0] =	sbarrier.arrive $0xFFFF  }
0x2e8: {  	s0 =	sld [smem:$0x7D3]  }
0x2e9: {  	s1 =	sld [smem:$0x7CF];
	_ =	sdelay $0x1  }
0x2ea: {  	s17 =	rddreg [dreg:$0x1f]  }
0x2eb: {  	[hbm:s17], [sflag:s0] =	dma.local @p0 [spmem:s1], $0x800  }
0x2ec: {  	s17 =	simm.s32 @p0 $0x12  }
0x2ed: {  	_ =	swait.ge @p0 [sflag:s17], $0x800  }
0x2ee: {  	s29 =	rddreg [dreg:$0x7]  }
0x2ef: {  	s1 =	sld [smem:$0x7D0]  }
0x2f0: {  	[sflag:s17] =	ssyncset.done @p0 $0x0;
	s30 =	rddreg [dreg:$0xe]  }
0x2f1: {  	[sflag:s17] =	ssyncadd.s32 @p0 $0xFFFFF800;
	s28 =	sadd.s32 @p0 s29, s30  }
0x2f2: {  	[hbm:s28], [sflag:s0] =	dma.local @p0 [spmem:s1], $0x800  }
0x2f3: {  	_ =	swait.ge @p0 [sflag:s17], $0x800  }
0x2f4: {  	s1 =	sld [smem:$0x7D1]  }
0x2f5: {  	[sflag:s17] =	ssyncset.done @p0 $0x0;
	s2 =	rddreg [dreg:$0x10]  }
0x2f6: {  	[sflag:s17] =	ssyncadd.s32 @p0 $0xFFFFF800;
	s28 =	sadd.s32 @p0 s29, s2  }
0x2f7: {  	[hbm:s28], [sflag:s0] =	dma.local @p0 [spmem:s1], $0x800  }
0x2f8: {  	_ =	swait.ge @p0 [sflag:s17], $0x800  }
0x2f9: {  	s1 =	sld [smem:$0x7D2]  }
0x2fa: {  	[sflag:s17] =	ssyncset.done @p0 $0x0;
	s3 =	rddreg [dreg:$0x14]  }
0x2fb: {  	[sflag:s17] =	ssyncadd.s32 @p0 $0xFFFFF800;
	s28 =	sadd.s32 @p0 s29, s3  }
0x2fc: {  	[hbm:s28], [sflag:s0] =	dma.local @p0 [spmem:s1], $0x800  }
0x2fd: {  	_ =	swait.ge @p0 [sflag:s17], $0x800  }
0x2fe: {  	s1 =	sld [smem:$0x7D4]  }
0x2ff: {  	[sflag:s17] =	ssyncset.done @p0 $0x0;
	s4 =	rddreg [dreg:$0x16]  }
0x300: {  	[sflag:s17] =	ssyncadd.s32 @p0 $0xFFFFF800;
	s28 =	sadd.s32 @p0 s29, s4  }
0x301: {  	[hbm:s28], [sflag:s0] =	dma.local @p0 [spmem:s1], $0x800  }
0x302: {  	_ =	swait.ge @p0 [sflag:s17], $0x800  }
0x303: {  	s0 =	sld [smem:$0x7D9]  }
0x304: {  	s1 =	sld [smem:$0x7D5]  }
0x305: {  	[sflag:s17] =	ssyncset.done @p0 $0x0  }
0x306: {  	[sflag:s17] =	ssyncadd.s32 @p0 $0xFFFFF800;
	s17 =	rddreg [dreg:$0x1e]  }
0x307: {  	[hbm:s17], [sflag:s0] =	dma.local @!p0 [spmem:s1], $0x800  }
0x308: {  	s17 =	simm.s32 @!p0 $0x11  }
0x309: {  	_ =	swait.ge @!p0 [sflag:s17], $0x800  }
0x30a: {  	s1 =	sld [smem:$0x7D6]  }
0x30b: {  	[sflag:s17] =	ssyncset.done @!p0 $0x0;
	s29 =	rddreg [dreg:$0x8]  }
0x30c: {  	[sflag:s17] =	ssyncadd.s32 @!p0 $0xFFFFF800;
	s28 =	sadd.s32 @!p0 s29, s30  }
0x30d: {  	[hbm:s28], [sflag:s0] =	dma.local @!p0 [spmem:s1], $0x800  }
0x30e: {  	_ =	swait.ge @!p0 [sflag:s17], $0x800  }
0x30f: {  	s1 =	sld [smem:$0x7D7]  }
0x310: {  	[sflag:s17] =	ssyncset.done @!p0 $0x0  }
0x311: {  	s28 =	sadd.s32 @!p0 s29, s2;
	[sflag:s17] =	ssyncadd.s32 @!p0 $0xFFFFF800  }
0x312: {  	[hbm:s28], [sflag:s0] =	dma.local @!p0 [spmem:s1], $0x800  }
0x313: {  	_ =	swait.ge @!p0 [sflag:s17], $0x800  }
0x314: {  	s1 =	sld [smem:$0x7D8]  }
0x315: {  	[sflag:s17] =	ssyncset.done @!p0 $0x0  }
0x316: {  	s28 =	sadd.s32 @!p0 s29, s3;
	[sflag:s17] =	ssyncadd.s32 @!p0 $0xFFFFF800  }
0x317: {  	[hbm:s28], [sflag:s0] =	dma.local @!p0 [spmem:s1], $0x800  }
0x318: {  	_ =	swait.ge @!p0 [sflag:s17], $0x800  }
0x319: {  	s1 =	sld [smem:$0x7DA]  }
0x31a: {  	[sflag:s17] =	ssyncset.done @!p0 $0x0  }
0x31b: {  	s28 =	sadd.s32 @!p0 s29, s4;
	[sflag:s17] =	ssyncadd.s32 @!p0 $0xFFFFF800  }
0x31c: {  	[hbm:s28], [sflag:s0] =	dma.local @!p0 [spmem:s1], $0x800  }
0x31d: {  	_ =	swait.ge @!p0 [sflag:s17], $0x800  }
0x31e: {  	s30 =	sld [smem:$0x7CE];
	_ =	sdelay $0x2  }
0x31f: {  	s31 =	rddreg [dreg:$0xa];
	s0 =	sadd.s32 $0x1, s30  }
0x320: {  	p1 =	sne.s32 s0, s31  }
.Ltmp1:
0x321: {  	_ = 	snop;
	(pc) =	sbr.rel @p1 .LBB2_1-.Ltmp1, $3  }
0x322: {  	_ =	sdelay $0x1  }
0x323: {  	[sflag:s17] =	ssyncset.done @!p0 $0x0  }
0x324: {  	[sflag:s17] =	ssyncadd.s32 @!p0 $0xFFFFF800  }
0x325: {  	_ =	sfence.sel $0x180000  }
0x326: {  	[bflag:$0x0] =	sbarrier.arrive $0xFFFF  }
0x327: {  	_ =	strace $0x9000004A  }
0x328: {  	s0 =	stileid.u32;
	[bflag:$0x2] =	sbarrier.arrive $0xFFFF  }
0x329: {  	p0 =	sne.s32 s0, $0x0;
	s0 =	rddreg [dreg:$0x4]  }
0x32a: {  	s0 =	sadd.s32 @!p0 $0x100000, s0  }
0x32b: {  	[sflag:s0] =	ssyncadd.tile.s32 @!p0 $0x1;
	_ =	shalt  }
.Lfunc_end2:
_tile_overlayer_lowered:
.L_overlay_start_2:
0x32c: {  	(tag) =	ssettag $0x2  }
0x32d: {  	s0 =	rddreg [dreg:$0x0];
	s2 =	stileid.u32  }
0x32e: {  	s1 =	rddreg [dreg:$0x1];
	p0 =	sne.s32 s2, $0x0  }
0x32f: {  	s3 =	rddreg [dreg:$0x2];
	[bflag:$0x3] =	sbarrier.arrive $0xFFFF;
	s2 =	simm.s32 @!p0 $0x1C11  }
0x330: {  	[timem:s3], [sflag:s2] =	dma.local @!p0 [hbm:s0], s1  }
0x331: {  	s0 =	simm.s32 @!p0 $0x11  }
0x332: {  	_ =	swait.ge @!p0 [sflag:s0], s1  }
0x333: {  	s1 =	ssub.s32 @!p0 $0x0, s1;
	[sflag:s0] =	ssyncset.done @!p0 $0x0  }
0x334: {  	[sflag:s0] =	ssyncadd.s32 @!p0 s1  }
0x335: {  	[bflag:$0x3] =	sbarrier.arrive $0xFFFF  }
0x336: {  	_ =	shalt  }

// kernel: kernel.7.cloned.1.call-start
scs
__scs_entry_jumppad:
0x0: {  	(pc) =	sbr.rel $0x88, $3  }
0x1: {  	(tag) =	ssettag $0x0;
	lr =	simm.s32 $0x1  }
0x2: {  	[smem:$0x3F9D] =	sst lr;
	_ =	strace $0xD0000000  }
0x3: {  	_ = 	snop  }
0x4: {  	_ = 	snop  }
0x5: {  	_ = 	snop  }
0x6: {  	_ = 	snop  }
0x7: {  	_ = 	snop  }
__scs_overlays_trampoline_lowered:
0x8: {  	[smem:$0x3FAC] =	sst s0  }
0x9: {  	[smem:$0x3FAD] =	sst s1  }
0xa: {  	[smem:$0x3FAE] =	sst s2  }
0xb: {  	[smem:$0x3FAF] =	sst s3  }
0xc: {  	[smem:$0x3FB0] =	sst s4  }
0xd: {  	[smem:$0x3FB1] =	sst s5  }
0xe: {  	[smem:$0x3FB2] =	sst s6  }
0xf: {  	[smem:$0x3FB3] =	sst s7  }
0x10: {  	[smem:$0x3FB4] =	sst s8  }
0x11: {  	[smem:$0x3FB5] =	sst s9;
	s0 =	simm.s32 @!p0 $0x0  }
0x12: {  	s1 =	sld [smem:$0x3F9B];
	s0 =	simm.s32 @p0 $0x1  }
0x13: {  	[smem:$0x3FB6] =	sst s0;
	s0 =	simm.s32 @!p1 $0x0  }
0x14: {  	s2 =	sld [smem:$0x3F9A];
	s0 =	simm.s32 @p1 $0x1  }
0x15: {  	[smem:$0x3FB7] =	sst s0;
	s0 =	simm.s32 @!p2 $0x0  }
0x16: {  	s3 =	sld [smem:$0x3FDB];
	s0 =	simm.s32 @p2 $0x1  }
0x17: {  	s4 =	simm.s32 $0x1BF5;
	[smem:$0x3FB9] =	sst s0  }
0x18: {  	s0 =	sld [smem:$0x3F9C];
	_ =	swait.ge [sflag:s4], $0x0  }
0x19: {  	s7 =	sld [smem:$0x3F9D]  }
0x1a: {  	s8 =	sadd.s32 $0xFFFFE003, lr  }
0x1b: {  	s9 =	sadd.s32 $0xFFFFFEF7, lr;
	s5 =	simm.s32 $0xFFFFFFFF;
	p2 =	slt.u32 s8, $0xFFFFF086  }
0x1c: {  	p1 =	slt.u32 s9, $0xF7A;
	s5 =	simm.s32 @!p2 $0x0  }
0x1d: {  	s5 =	simm.s32 @p1 $0x1;
	p0 =	seq.s32 s7, s2  }
0x1e: {  	s7 =	smul.u32 @!p0 $0xF7A, s2;
	p2 =	seq.s32 @!p0 s5, $0x0  }
0x1f: {  	s9 =	smul.u32 $0xF7A, s1;
	s8 =	simm.s32 @!p0 $0x1BF5;
	p2 =	por !p2, p0  }
0x20: {  	[sflag:s8] =	ssyncset.s32 @!p0 $0xFFFFF086;
	s6 =	sadd.s32 @!p0 s3, s7;
	s7 =	simm.s32 @!p0 $0x108  }
0x21: {  	s3 =	sadd.s32 s3, s9;
	s6 =	sadd.s32 @!p0 $0x88, s6;
	s7 =	simm.s32 @p2 $0x1082  }
0x22: {  	[simem:s7], [sflag:s8] =	dma.local @!p0 [hbm:s6], $0xF7A  }
0x23: {  	s9 =	sor.u32 $0xD0000000, s2;
	s6 =	simm.s32 $0x108;
	_ =	swait.ge @!p0 [sflag:s8], $0x0  }
0x24: {  	s3 =	sadd.s32 $0x88, s3;
	s6 =	simm.s32 @!p1 $0x1082;
	[sflag:s4] =	ssyncset.s32 $0xFFFFF086  }
0x25: {  	[simem:s6], [sflag:s4] =	dma.local [hbm:s3], $0xF7A  }
0x26: {  	[smem:$0x3F9D] =	sst s1;
	(tag) =	ssettag s2;
	_ =	strace s9  }
0x27: {  	s1 =	sld [smem:$0x3FAD]  }
0x28: {  	s2 =	sld [smem:$0x3FAE]  }
0x29: {  	s4 =	sld [smem:$0x3FB0]  }
0x2a: {  	p0 =	seq.s32 s5, $0x0;
	s5 =	sld [smem:$0x3FB1]  }
0x2b: {  	s6 =	sld [smem:$0x3FB2]  }
0x2c: {  	s7 =	sld [smem:$0x3FB3]  }
0x2d: {  	s3 =	simm.s32 $0x108;
	s8 =	sld [smem:$0x3FB4]  }
0x2e: {  	s3 =	simm.s32 @!p0 $0x1082;
	s9 =	sld [smem:$0x3FB5]  }
0x2f: {  	lr =	sadd.s32 s0, s3;
	s0 =	sld [smem:$0x3FAC]  }
0x30: {  	s3 =	sld [smem:$0x3FAF]  }
0x31: {  	[smem:$0x3FB8] =	sst s10  }
0x32: {  	s10 =	sld [smem:$0x3FB6];
	_ =	sdelay $0x3  }
0x33: {  	p0 =	seq.s32 s10, $0x1;
	s10 =	sld [smem:$0x3FB8];
	_ =	sdelay $0x3  }
0x34: {  	[smem:$0x3FB8] =	sst s10  }
0x35: {  	s10 =	sld [smem:$0x3FB7];
	_ =	sdelay $0x3  }
0x36: {  	p1 =	seq.s32 s10, $0x1;
	s10 =	sld [smem:$0x3FB8];
	_ =	sdelay $0x3  }
0x37: {  	[smem:$0x3FB8] =	sst s10  }
0x38: {  	s10 =	sld [smem:$0x3FB9]  }
0x39: {  	_ = 	snop;
	(pc) =	sbr.ind lr, $3  }
0x3a: {  	_ = 	snop  }
0x3b: {  	_ = 	snop  }
0x3c: {  	p2 =	seq.s32 s10, $0x1;
	s10 =	sld [smem:$0x3FB8]  }
0x3d: {  	_ =	shalt  }
0x3e: {  	_ =	shalt  }
0x3f: {  	_ =	shalt  }
0x40: {  	_ =	shalt  }
0x41: {  	_ =	shalt  }
0x42: {  	_ =	shalt  }
0x43: {  	_ =	shalt  }
0x44: {  	_ =	shalt  }
0x45: {  	_ =	shalt  }
0x46: {  	_ =	shalt  }
0x47: {  	_ =	shalt  }
0x48: {  	_ =	shalt  }
0x49: {  	_ =	shalt  }
0x4a: {  	_ =	shalt  }
0x4b: {  	_ =	shalt  }
0x4c: {  	_ =	shalt  }
0x4d: {  	_ =	shalt  }
0x4e: {  	_ =	shalt  }
0x4f: {  	_ =	shalt  }
0x50: {  	_ =	shalt  }
0x51: {  	_ =	shalt  }
0x52: {  	_ =	shalt  }
0x53: {  	_ =	shalt  }
0x54: {  	_ =	shalt  }
0x55: {  	_ =	shalt  }
0x56: {  	_ =	shalt  }
0x57: {  	_ =	shalt  }
0x58: {  	_ =	shalt  }
0x59: {  	_ =	shalt  }
0x5a: {  	_ =	shalt  }
0x5b: {  	_ =	shalt  }
0x5c: {  	_ =	shalt  }
0x5d: {  	_ =	shalt  }
0x5e: {  	_ =	shalt  }
0x5f: {  	_ =	shalt  }
0x60: {  	_ =	shalt  }
0x61: {  	_ =	shalt  }
0x62: {  	_ =	shalt  }
0x63: {  	_ =	shalt  }
0x64: {  	_ =	shalt  }
0x65: {  	_ =	shalt  }
0x66: {  	_ =	shalt  }
0x67: {  	_ =	shalt  }
0x68: {  	_ =	shalt  }
0x69: {  	_ =	shalt  }
0x6a: {  	_ =	shalt  }
0x6b: {  	_ =	shalt  }
0x6c: {  	_ =	shalt  }
0x6d: {  	_ =	shalt  }
0x6e: {  	_ =	shalt  }
0x6f: {  	_ =	shalt  }
0x70: {  	_ =	shalt  }
0x71: {  	_ =	shalt  }
0x72: {  	_ =	shalt  }
0x73: {  	_ =	shalt  }
0x74: {  	_ =	shalt  }
0x75: {  	_ =	shalt  }
0x76: {  	_ =	shalt  }
0x77: {  	_ =	shalt  }
0x78: {  	_ =	shalt  }
0x79: {  	_ =	shalt  }
0x7a: {  	_ =	shalt  }
0x7b: {  	_ =	shalt  }
0x7c: {  	_ =	shalt  }
0x7d: {  	_ =	shalt  }
0x7e: {  	_ =	shalt  }
0x7f: {  	_ =	shalt  }
0x80: {  	_ =	shalt  }
0x81: {  	_ =	shalt  }
0x82: {  	_ =	shalt  }
0x83: {  	_ =	shalt  }
0x84: {  	_ =	shalt  }
0x85: {  	_ =	shalt  }
0x86: {  	_ =	shalt  }
0x87: {  	_ =	shalt  }
.Lfunc_end0:
.L_simem_size_0:
called_computation_lowered:
.L_overlay_start_0:
0x88: {  	s2 =	sld [smem:$0x3FD9]  }
0x89: {  	s3 =	sld [smem:$0x3FFE];
	_ =	sdelay $0x1  }
0x8a: {  	s1 =	srdreg.scid  }
0x8b: {  	s0 =	sand.u32 $0x1, s1  }
0x8c: {  	s14 =	sshll.u32 s0, $0xA;
	s2 =	sadd.s32 s3, s2  }
0x8d: {  	s2 =	sadd.s32 s2, s14  }
0x8e: {  	[smem:$0x3FC4] =	sst s2  }
0x8f: {  	_ = 	snop  }
0x90: {  	s2 =	sld [smem:$0x3FD0];
	_ =	sdelay $0x2  }
0x91: {  	s15 =	simm.s32 $0xA;
	s4 =	simm.s32 $0x10  }
0x92: {  	[smem:s4], [sflag:s15] =	dma.local [hbm:s2], $0x1  }
0x93: {  	_ =	swait.eq [sflag:s15], $0x1  }
0x94: {  	[sflag:s15] =	ssyncset.done $0x0  }
0x95: {  	[sflag:s15] =	ssyncadd.s32 $0xFFFFFFFF  }
0x96: {  	s16 =	sld [smem:$0x10];
	(tm) =	ssettm $0x1  }
0x97: {  	s17 =	sld [smem:$0x3FFB];
	_ =	sdelay $0x3  }
0x98: {  	_ =	strace s17  }
0x99: {  	s3 =	sld [smem:$0x3FFC];
	_ =	sdelay $0x3  }
0x9a: {  	_ =	strace s3  }
0x9b: {  	s3 =	sld [smem:$0x3FFD];
	_ =	sdelay $0x3  }
0x9c: {  	_ =	strace s3  }
0x9d: {  	_ =	strace $0x8FFFFFFF  }
0x9e: {  	s18 =	sld [smem:$0x3FDB];
	_ =	sdelay $0x1  }
0x9f: {  	s19 =	simm.s32 $_scs_section_size  }
0xa0: {  	s5 =	simm.s32 $_size__tile_overlayer_lowered;
	s6 =	simm.s32 $_tile_overlayer_lowered  }
0xa1: {  	s22 =	simm.s32 $0x1BFF;
	s21 =	sshll.u32 s6, $0x1;
	s3 =	sadd.s32 s19, s18  }
0xa2: {  	s7 =	simm.s32 $0x0;
	s20 =	sshll.u32 s5, $0x1;
	s5 =	sadd.s32 s21, s3  }
0xa3: {  	[timem:s7], [sflag:s22] =	dma.local [hbm:s5], s20  }
0xa4: {  	_ =	swait.ge [sflag:s22], s20  }
0xa5: {  	s4 =	ssub.s32 $0x0, s20;
	[sflag:s22] =	ssyncset.done $0x0  }
0xa6: {  	[sflag:s22] =	ssyncadd.s32 s4;
	_ =	sdelay $0x1  }
0xa7: {  	s23 =	simm.s32 $0x1B8B  }
0xa8: {  	_ =	swait.ge [sflag:s23], $0x1  }
0xa9: {  	[sflag:s23] =	ssyncset.done $0x0  }
0xaa: {  	s25 =	simm.s32 $0x1B8E;
	s24 =	sld [smem:$0x3FFE];
	[sflag:s23] =	ssyncadd.s32 $0xFFFFFFFF  }
0xab: {  	s26 =	simm.s32 $execute0_lowered;
	[smem:$0x3FD2] =	sst s25  }
0xac: {  	s5 =	sshll.u32 s26, $0x1;
	_ =	strace $0x80000046;
	[dreg:$0x1] =	wrdreg $0xFFFFFFFF  }
0xad: {  	s28 =	simm.s32 $_size_execute0_lowered;
	s3 =	sadd.s32 s3, s5;
	[dreg:$0x0] =	wrdreg $0x0  }
0xae: {  	s5 =	sshll.u32 s28, $0x1;
	[dreg:$0x2] =	wrdreg s3  }
0xaf: {  	[dreg:$0x3] =	wrdreg s5  }
0xb0: {  	[dreg:$0x4] =	wrdreg $0xC0  }
0xb1: {  	_ =	task [dreg:s7], $0x5FFFF  }
0xb2: {  	[dreg:$0x1] =	wrdreg $0xFFFFFFFF  }
0xb3: {  	[dreg:$0x0] =	wrdreg $0x60  }
0xb4: {  	[dreg:$0x2] =	wrdreg s24  }
0xb5: {  	[dreg:$0x3] =	wrdreg s16  }
0xb6: {  	[dreg:$0x4] =	wrdreg $0x50000  }
0xb7: {  	[dreg:$0x5] =	wrdreg $0x9  }
0xb8: {  	_ =	task.clear_ibuf [dreg:s7], $0x6FFFF;
	_ =	strace $0x90000046  }
0xb9: {  	s29 =	simm.s32 $0x9;
	_ =	strace $0x80000048  }
0xba: {  	_ =	swait.ge [sflag:s29], $0x1  }
0xbb: {  	[sflag:s29] =	ssyncadd.s32 $0xFFFFFFFF  }
0xbc: {  	_ =	strace $0x90000048  }
0xbd: {  	_ =	sfence  }
0xbe: {  	s30 =	sld [smem:$0x0];
	_ =	sdelay $0x2  }
0xbf: {  	s31 =	sshll.u32 s1, $0xD;
	s1 =	sshrl.u32 s1, $0x2  }
0xc0: {  	s3 =	sand.u32 $0x4000, s31;
	s1 =	sadd.s32 s1, s30  }
0xc1: {  	s0 =	sor.u32 s3, s0;
	s1 =	sshll.u32 s1, $0x11  }
0xc2: {  	s0 =	sor.u32 s1, s0  }
0xc3: {  	s0 =	sadd.s32 $0x8F2B, s0  }
0xc4: {  	[sflag:s0] =	ssyncadd.remote.s32 $0x1  }
0xc5: {  	_ =	sfence.sel $0xFFFF  }
0xc6: {  	[dreg:$0x0] =	wrdreg $0xFFFFFFFF;
	(pc) =	sbr.abs _section_cstart, $3  }
0xc7: {  	[dreg:$0x1] =	wrdreg $0xFFFFFFFF  }
0xc8: {  	_ =	task.clear_ibuf [dreg:s7], $0x2FFFF;
	_ =	strace $0x9FFFFFFF  }
0xc9: {  	(tm) =	ssettm $0x7FFFFFFF  }
tec
execute0_lowered:
.L_overlay_start_1:
0x0: {  	(tag) =	ssettag $0x1  }
0x1: {  	s3 =	rddreg [dreg:$0x0]  }
0x2: {  	s0 =	srdreg.scid;
	s4 =	rddreg [dreg:$0x1]  }
0x3: {  	s10 =	stileid.u32;
	s1 =	rddreg [dreg:$0x2];
	s2 =	simm.s32 $0x0  }
0x4: {  	s12 =	simm.s32 $0x0;
	s5 =	sand.u32 $0x1, s0;
	s0 =	rddreg [dreg:$0x3]  }
0x5: {  	s30 =	sshll.u32 s10, $0x1;
	[smem:$0x7FF] =	sst s2;
	s8 =	sshll.u32 s10, $0xB  }
0x6: {  	p0 =	sne.s32 s10, $0x0;
	p1 =	sgt.u32 s10, $0x4;
	s6 =	sor.u32 s5, s30  }
0x7: {  	s7 =	smul.u32 $0x2800, s5;
	_ =	strace $0x80000047;
	s5 =	ssub.s32 $0x2, s5  }
0x8: {  	s11 =	sadd.s32 s8, s1;
	s10 =	sshll.u32 @!p1 s10, $0x6;
	s6 =	smul.u32 $0x2710, s6  }
0x9: {  	s9 =	sshrl.u32 s5, $0x1;
	s10 =	sor.u32 @!p1 $0x1C01, s10;
	s11 =	sshrl.u32 @!p1 s11, $0x3  }
0xa: {  	s7 =	sadd.s32 s8, s7;
	s5 =	ssub.s32 s5, s9;
	s8 =	simm.s32 $0x50  }
0xb: {  	v0 =	vlaneseq.u32;
	s9 =	simm.s32 $0x4F80;
	s6 =	sshrl.u32 s6, $0x3;
	s31 =	sshrl.u32 s7, $0x3  }
0xc: {  	v1 =	vimm.f32 $0.0e+00;
	v6 =	vimm.f32 $1.000000000e+00;
	v2 =	vor.u32 $0x10, v0;
	s5 =	smax.u32 s5, $0x1;
	s7 =	simm.s32 $0x2780;
	s3 =	sadd.s32 s3, s6  }
0xd: {  	v3 =	vor.u32 $0x20, v0;
	v4 =	vor.u32 $0x30, v0;
	v5 =	vor.u32 $0x40, v0;
	s4 =	sadd.s32 s4, s31;
	s6 =	simm.s32 $0x1;
	s3 =	sadd.s32 $0xC040, s3  }
.LBB2_1:
0xe: {  	s13 =	simm.s32 $0x10;
	s14 =	sand.u32 $0x3FF0, s2  }
.LBB2_2:
0xf: {  	p2 =	sne.s32 s13, $0x27F0;
	[tilespmem:s14+$0x2780] =	vst v1;
	s14 =	smov.u32 s13;
	s13 =	sadd.s32 $0x10, s13  }
.Ltmp0:
0x10: {  	(pc) =	sbr.rel @p2 .LBB2_2-.Ltmp0, $2  }
0x11: {  	_ =	sdelay $0x2  }
0x12: {  	s14 =	sand.u32 $0x3FF0, s14  }
0x13: {  	[tilespmem:s14+$0x2780] =	vst v1  }
0x14: {  	[tilespmem:$0x4F80] =	vst v0  }
0x15: {  	[tilespmem:$0x4F90] =	vst v2  }
0x16: {  	[tilespmem:$0x4FA0] =	vst v3  }
0x17: {  	[tilespmem:$0x4FB0] =	vst v4  }
0x18: {  	s13 =	simm.s32 @!p0 $0x2780;
	[tilespmem:$0x4FC0] =	vst v5  }
0x19: {  	[spmem:s1] =	stream.linear.scatter @!p0 [tilespmem:s13], [sflag:$0x1], $0x2800, $0x38;
	[tilespmem:$0x5280] =	vst v63  }
0x1a: {  	s13 =	simm.s32 @!p0 $0x1  }
0x1b: {  	_ =	swait.ge @!p0 [sflag:s13], $0x2800  }
0x1c: {  	[sflag:s13] =	ssyncset.done @!p0 $0x0  }
0x1d: {  	s31 =	simm.s32 $0x0;
	[sflag:s13] =	ssyncadd.s32 @!p0 $0xFFFFD800  }
0x1e: {  	[tilespmem:s31], [sflag:$0x1] =	stream.linear.gather [hbm4b:s3+s31], $0x2710, $0x38;
	[tilespmem:$0x5280] =	vst v63  }
0x1f: {  	_ =	swait.ge [sflag:s6], $0x2710  }
0x20: {  	[sflag:s6] =	ssyncset.done $0x0  }
0x21: {  	[sflag:s6] =	ssyncadd.s32 $0xFFFFD8F0  }
0x22: {  	s14 =	simm.s32 $0x0;
	s13 =	simm.s32 $0x40;
	[bflag:$0x0] =	sbarrier.arrive $0xFFFF  }
.LBB2_4:
0x23: {  	p2 =	sne.s32 s13, $0x9C00;
	v7 =	vld [tilespmem:s14+$0x0];
	_ =	sdelay $0x3  }
.Ltmp1:
0x24: {  	(pc) =	sbr.rel @p2 .LBB2_4-.Ltmp1, $2  }
0x25: {  	_ =	sdelay $0x2  }
0x26: {  	s14 =	sshra.s32 s13, $0x2;
	s13 =	sadd.s32 $0x40, s13;
	[tilespmem:v7+s7+$0x0] =	vst.idx.add.f32.msk $0xffff, v6  }
0x27: {  	v7 =	vld [tilespmem:s14+$0x0];
	_ =	sdelay $0x7  }
0x28: {  	[tilespmem:v7+s7+$0x0] =	vst.idx.add.f32.msk $0xffff, v6  }
0x29: {  	[spmem:s1] =	stream.indirect.scatter.add.f32 [tilespmem:s7], [sflag:$0x1], $0x80, s9, s8, $0xb8;
	[tilespmem:$0x5280] =	vst v63  }
0x2a: {  	_ =	swait.ge [sflag:s6], $0x2800  }
0x2b: {  	s12 =	sadd.s32 $0x1, s12;
	[sflag:s6] =	ssyncset.done $0x0  }
0x2c: {  	p2 =	sne.s32 s12, s5;
	[sflag:s6] =	ssyncadd.s32 $0xFFFFD800  }
.Ltmp2:
0x2d: {  	s13 =	simm.s32 @!p1 $0x1;
	[bflag:$0x0] =	sbarrier.arrive $0xFFFF;
	(pc) =	sbr.rel @p2 .LBB2_1-.Ltmp2, $4  }
0x2e: {  	[hbm:s4], [sflag:s10] =	dma.local @!p1 [spmem:s11], $0x100  }
0x2f: {  	_ =	swait.ge @!p1 [sflag:s13], $0x100  }
0x30: {  	[sflag:s13] =	ssyncset.done @!p1 $0x0  }
0x31: {  	[sflag:s13] =	ssyncadd.s32 @!p1 $0xFFFFFF00  }
0x32: {  	_ =	sfence.sel $0x180000  }
0x33: {  	[bflag:$0x0] =	sbarrier.arrive $0xFFFF  }
0x34: {  	_ =	strace $0x90000047  }
0x35: {  	s0 =	sadd.s32 @!p0 $0x100000, s0;
	[bflag:$0x2] =	sbarrier.arrive $0xFFFF  }
0x36: {  	[sflag:s0] =	ssyncadd.tile.s32 @!p0 $0x1;
	_ =	shalt  }
.Lfunc_end2:
_tile_overlayer_lowered:
.L_overlay_start_2:
0x37: {  	(tag) =	ssettag $0x2  }
0x38: {  	s0 =	rddreg [dreg:$0x0];
	s2 =	stileid.u32  }
0x39: {  	s1 =	rddreg [dreg:$0x1];
	p0 =	sne.s32 s2, $0x0  }
0x3a: {  	s3 =	rddreg [dreg:$0x2];
	[bflag:$0x3] =	sbarrier.arrive $0xFFFF;
	s2 =	simm.s32 @!p0 $0x1C01  }
0x3b: {  	[timem:s3], [sflag:s2] =	dma.local @!p0 [hbm:s0], s1  }
0x3c: {  	s0 =	simm.s32 @!p0 $0x1  }
0x3d: {  	_ =	swait.ge @!p0 [sflag:s0], s1  }
0x3e: {  	s1 =	ssub.s32 @!p0 $0x0, s1;
	[sflag:s0] =	ssyncset.done @!p0 $0x0  }
0x3f: {  	[sflag:s0] =	ssyncadd.s32 @!p0 s1  }
0x40: {  	[bflag:$0x3] =	sbarrier.arrive $0xFFFF  }
0x41: {  	_ =	shalt  }

</sc_bundles>
